<compile_context>
chip_gen: v7x
topology: tpu7x:2x2x1
jax: 0.10.2.dev20260603
libtpu: 0.0.44.dev20260713+nightly
codegen_flags: <defaults>
</compile_context>

<pallas_src>
import functools

import jax
import jax.numpy as jnp
from jax import lax
from jax.experimental import pallas as pl
from jax.experimental.pallas import tpu as pltpu
from jax.experimental.pallas import tpu_sc as plsc

F32 = jnp.float32
BF16 = jnp.bfloat16
I32 = jnp.int32

NW = 32
LANE = 16
CHUNK = 128


def _sc_mesh():
    return plsc.VectorSubcoreMesh(core_axis_name="c", subcore_axis_name="s")


def _sc_degree(dst_r, w_r, np_, ce):
    rows_per_tile = np_ // 16

    def body(dst_hbm, w_hbm, out_hbm, dstv, wv, zbuf, acc, _sem):
        cid = lax.axis_index("c")
        sid = lax.axis_index("s")
        wid = sid * 2 + cid
        pltpu.sync_copy(dst_hbm.at[wid], dstv)
        pltpu.sync_copy(w_hbm.at[wid], wv)

        @pl.loop(0, CHUNK // LANE)
        def _zero(j):
            zbuf[pl.ds(j * LANE, LANE)] = jnp.zeros((LANE,), F32)

        @pl.loop(0, rows_per_tile // CHUNK)
        def _zacc(j):
            pltpu.sync_copy(zbuf, acc.at[pl.ds(sid * rows_per_tile + j * CHUNK, CHUNK)])

        plsc.subcore_barrier()

        @pl.loop(0, ce)
        def _scatter(c):
            pltpu.sync_copy(wv.at[c], acc.at[dstv.at[c]], add=True)

        plsc.subcore_barrier()
        pltpu.sync_copy(acc.at[pl.ds(sid * rows_per_tile, rows_per_tile)],
                        out_hbm.at[cid, pl.ds(sid * rows_per_tile, rows_per_tile)])

    k = pl.kernel(
        body,
        out_type=jax.ShapeDtypeStruct((2, np_), F32),
        mesh=_sc_mesh(),
        compiler_params=pltpu.CompilerParams(needs_layout_passes=False),
        scratch_types=[
            pltpu.VMEM((ce, CHUNK), I32),
            pltpu.VMEM((ce, CHUNK), F32),
            pltpu.VMEM((CHUNK,), F32),
            pltpu.VMEM_SHARED((np_,), F32),
            pltpu.SemaphoreType.DMA,
        ],
    )
    return k(dst_r, w_r)


def _sc_messages(hb, src_r, dst_r, w_r, np_, d, ce):
    rows_per_tile = np_ // 16
    hb = lax.bitcast_convert_type(hb.reshape(np_, d // 2, 2), F32)

    def body(h_hbm, src_hbm, dst_hbm, w_hbm, out_hbm, srcv,
             rows0, rows1, srows, dstb0, dstb1, wb0, wb1,
             gsem0, gsem1, dsem0, dsem1, acc):
        cid = lax.axis_index("c")
        sid = lax.axis_index("s")
        wid = sid * 2 + cid
        pltpu.sync_copy(src_hbm.at[wid], srcv)

        @pl.loop(0, CHUNK)
        def _zrows(g):
            for j in range(d // LANE):
                srows[g, pl.ds(j * LANE, LANE)] = jnp.zeros((LANE,), F32)

        @pl.loop(0, rows_per_tile // CHUNK)
        def _zacc(j):
            pltpu.sync_copy(srows, acc.at[pl.ds(sid * rows_per_tile + j * CHUNK, CHUNK)])

        plsc.subcore_barrier()

        def issue(c, rows, dstb, wb, gsem, dsem):
            pltpu.async_copy(h_hbm.at[srcv.at[c]], rows, gsem)
            pltpu.async_copy(dst_hbm.at[wid, c], dstb, dsem)
            pltpu.async_copy(w_hbm.at[wid, c], wb, dsem)

        def drain(c, rows, dstb, wb, gsem, dsem):
            pltpu.make_async_copy(h_hbm.at[srcv.at[c]], rows, gsem).wait()
            pltpu.make_async_copy(dst_hbm.at[wid, c], dstb, dsem).wait()
            pltpu.make_async_copy(w_hbm.at[wid, c], wb, dsem).wait()

        def scale(rows, wb):
            @pl.loop(0, CHUNK)
            def _scale(g):
                wbr = plsc.load_gather(wb, [jnp.full((LANE,), g, I32)])
                for j in range(d // (2 * LANE)):
                    ab = plsc.bitcast(rows[g, pl.ds(LANE * j, LANE)], BF16)
                    a, b = plsc.unpack(ab, format=plsc.PackFormat.INTERLEAVED)
                    srows[g, pl.ds(2 * LANE * j, LANE)] = a * wbr
                    srows[g, pl.ds(2 * LANE * j + LANE, LANE)] = b * wbr

        issue(0, rows0, dstb0, wb0, gsem0, dsem0)
        issue(1, rows1, dstb1, wb1, gsem1, dsem1)

        @pl.loop(0, ce // 2)
        def _edge_pair(k):
            c0 = 2 * k
            drain(c0, rows0, dstb0, wb0, gsem0, dsem0)
            scale(rows0, wb0)
            pltpu.sync_copy(srows, acc.at[dstb0], add=True)

            @pl.when(k < ce // 2 - 1)
            def _():
                issue(c0 + 2, rows0, dstb0, wb0, gsem0, dsem0)

            drain(c0 + 1, rows1, dstb1, wb1, gsem1, dsem1)
            scale(rows1, wb1)
            pltpu.sync_copy(srows, acc.at[dstb1], add=True)

            @pl.when(k < ce // 2 - 1)
            def _():
                issue(c0 + 3, rows1, dstb1, wb1, gsem1, dsem1)

        plsc.subcore_barrier()
        pltpu.sync_copy(acc.at[pl.ds(sid * rows_per_tile, rows_per_tile)],
                        out_hbm.at[cid, pl.ds(sid * rows_per_tile, rows_per_tile)])

    k = pl.kernel(
        body,
        out_type=jax.ShapeDtypeStruct((2, np_, d), F32),
        mesh=_sc_mesh(),
        compiler_params=pltpu.CompilerParams(needs_layout_passes=False,
                                             use_tc_tiling_on_sc=False),
        scratch_types=[
            pltpu.VMEM((ce, CHUNK), I32),
            pltpu.VMEM((CHUNK, d // 2), F32),
            pltpu.VMEM((CHUNK, d // 2), F32),
            pltpu.VMEM((CHUNK, d), F32),
            pltpu.VMEM((CHUNK,), I32),
            pltpu.VMEM((CHUNK,), I32),
            pltpu.VMEM((CHUNK,), F32),
            pltpu.VMEM((CHUNK,), F32),
            pltpu.SemaphoreType.DMA,
            pltpu.SemaphoreType.DMA,
            pltpu.SemaphoreType.DMA,
            pltpu.SemaphoreType.DMA,
            pltpu.VMEM_SHARED((np_, d), F32),
        ],
    )
    return k(hb, src_r, dst_r, w_r)


def _tc_image_mean(images_r):
    rows, cols = images_r.shape
    blk = 1024
    steps = cols // blk

    def body(x_ref, out_ref, acc):
        i = pl.program_id(0)

        @pl.when(i == 0)
        def _():
            acc[...] = jnp.zeros_like(acc)

        x = x_ref[...]
        s = jnp.zeros((rows, 128), F32)
        for j in range(blk // 128):
            s = s + x[:, j * 128:(j + 1) * 128]
        acc[...] += s

        @pl.when(i == steps - 1)
        def _():
            out_ref[...] = acc[...]

    return pl.pallas_call(
        body,
        grid=(steps,),
        in_specs=[pl.BlockSpec((rows, blk), lambda i: (0, i))],
        out_specs=pl.BlockSpec((rows, 128), lambda i: (0, 0)),
        out_shape=jax.ShapeDtypeStruct((rows, 128), F32),
        scratch_shapes=[pltpu.VMEM((rows, 128), F32)],
    )(images_r)


def _tc_embed_conv1(xn_f, table_p, degb, w1, w1p, np_, d, blk):
    steps = np_ // blk

    def body(xn_ref, tbl_ref, deg_ref, w_ref, wp_ref, out_ref, outb_ref):
        xn_row = xn_ref[0]
        ioc = lax.broadcasted_iota(I32, (32, blk), 0).astype(F32)
        oht = (ioc == xn_row).astype(F32)
        xg = lax.dot_general(oht, tbl_ref[...],
                             (((0,), (0,)), ((), ())),
                             preferred_element_type=F32)
        dinv = lax.rsqrt(deg_ref[...] + 1.0)
        h = lax.dot_general(xg, w_ref[...], (((1,), (1,)), ((), ())),
                            preferred_element_type=F32)
        out_ref[...] = h * dinv
        hp = lax.dot_general(xg, wp_ref[...], (((1,), (1,)), ((), ())),
                             preferred_element_type=F32)
        outb_ref[...] = (hp * dinv).astype(BF16)

    return pl.pallas_call(
        body,
        grid=(steps,),
        in_specs=[
            pl.BlockSpec((1, 1, blk), lambda i: (i, 0, 0)),
            pl.BlockSpec((32, d), lambda i: (0, 0)),
            pl.BlockSpec((blk, d), lambda i: (i, 0)),
            pl.BlockSpec((d, d), lambda i: (0, 0)),
            pl.BlockSpec((d, d), lambda i: (0, 0)),
        ],
        out_specs=[pl.BlockSpec((blk, d), lambda i: (i, 0)),
                   pl.BlockSpec((blk, d), lambda i: (i, 0))],
        out_shape=[jax.ShapeDtypeStruct((np_, d), F32),
                   jax.ShapeDtypeStruct((np_, d), BF16)],
    )(xn_f, table_p, degb, w1, w1p)


def _tc_conv_next(m, hp, degb, b_prev, w, wp, np_, d, blk):
    steps = np_ // blk

    def body(m_ref, hp_ref, deg_ref, b_ref, w_ref, wp_ref, out_ref, outb_ref):
        dinv = lax.rsqrt(deg_ref[...] + 1.0)
        x = dinv * (m_ref[0] + m_ref[1] + hp_ref[...]) + b_ref[...]
        x = jnp.maximum(x, 0.0)
        h = lax.dot_general(x, w_ref[...], (((1,), (1,)), ((), ())),
                            preferred_element_type=F32)
        out_ref[...] = h * dinv
        hpp = lax.dot_general(x, wp_ref[...], (((1,), (1,)), ((), ())),
                              preferred_element_type=F32)
        outb_ref[...] = (hpp * dinv).astype(BF16)

    return pl.pallas_call(
        body,
        grid=(steps,),
        in_specs=[
            pl.BlockSpec((2, blk, d), lambda i: (0, i, 0)),
            pl.BlockSpec((blk, d), lambda i: (i, 0)),
            pl.BlockSpec((blk, d), lambda i: (i, 0)),
            pl.BlockSpec((1, d), lambda i: (0, 0)),
            pl.BlockSpec((d, d), lambda i: (0, 0)),
            pl.BlockSpec((d, d), lambda i: (0, 0)),
        ],
        out_specs=[pl.BlockSpec((blk, d), lambda i: (i, 0)),
                   pl.BlockSpec((blk, d), lambda i: (i, 0))],
        out_shape=[jax.ShapeDtypeStruct((np_, d), F32),
                   jax.ShapeDtypeStruct((np_, d), BF16)],
    )(m, hp, degb, b_prev, w, wp)


def _tc_epilog(m, hp, degb, b3, batch_f, xmean, wimg_t, w_i, b_i, wc_img,
               wc_g, b_c, b_img, np_, d, blk, inv_hw):
    steps = np_ // blk

    def body(m_ref, hp_ref, deg_ref, b3_ref, bat_ref, xmean_ref, wt_ref,
             wi_ref, bi_ref, wci_ref, wcg_ref, bc_ref, bimg_ref,
             oimg_ref, ograph_ref, sums, cnt):
        i = pl.program_id(0)

        @pl.when(i == 0)
        def _():
            sums[...] = jnp.zeros_like(sums)
            cnt[...] = jnp.zeros_like(cnt)

        dinv = lax.rsqrt(deg_ref[...] + 1.0)
        xg = dinv * (m_ref[0] + m_ref[1] + hp_ref[...]) + b3_ref[...]
        ioc = lax.broadcasted_iota(I32, (32, blk), 0).astype(F32)
        oht = (ioc == bat_ref[0]).astype(F32)
        sums[...] += lax.dot_general(oht, xg, (((1,), (0,)), ((), ())),
                                     preferred_element_type=F32)
        cnt[...] += lax.dot_general(oht, jnp.ones((blk, d), F32),
                                    (((1,), (0,)), ((), ())),
                                    preferred_element_type=F32)

        @pl.when(i == steps - 1)
        def _():
            pooled = sums[...] / jnp.maximum(cnt[...], 1.0)
            meanrow = lax.dot_general(jnp.ones((1, 128), F32), xmean_ref[...],
                                      (((1,), (1,)), ((), ())),
                                      preferred_element_type=F32) * inv_hw
            rowi = lax.broadcasted_iota(I32, (32, 96), 0)
            coli = lax.broadcasted_iota(I32, (32, 96), 1)
            msk = (coli // 3 == rowi).astype(F32)
            g = msk * meanrow
            wie = lax.dot_general(wi_ref[...], wt_ref[...],
                                  (((1,), (0,)), ((), ())),
                                  preferred_element_type=F32)
            wce = lax.dot_general(wci_ref[...], wt_ref[...],
                                  (((1,), (0,)), ((), ())),
                                  preferred_element_type=F32)
            bi_x = lax.dot_general(bimg_ref[...], wi_ref[...],
                                   (((1,), (1,)), ((), ())),
                                   preferred_element_type=F32)
            bc_x = lax.dot_general(bimg_ref[...], wci_ref[...],
                                   (((1,), (1,)), ((), ())),
                                   preferred_element_type=F32)
            oimg = lax.dot_general(g, wie, (((1,), (1,)), ((), ())),
                                   preferred_element_type=F32) + bi_ref[...] + bi_x
            oimg_ref[...] = oimg * lax.rsqrt(
                jnp.sum(oimg * oimg, axis=1, keepdims=True))
            og = (lax.dot_general(g, wce, (((1,), (1,)), ((), ())),
                                  preferred_element_type=F32)
                  + lax.dot_general(pooled, wcg_ref[...],
                                    (((1,), (1,)), ((), ())),
                                    preferred_element_type=F32)
                  + bc_ref[...] + bc_x)
            ograph_ref[...] = og * lax.rsqrt(
                jnp.sum(og * og, axis=1, keepdims=True))

    return pl.pallas_call(
        body,
        grid=(steps,),
        in_specs=[
            pl.BlockSpec((2, blk, d), lambda i: (0, i, 0)),
            pl.BlockSpec((blk, d), lambda i: (i, 0)),
            pl.BlockSpec((blk, d), lambda i: (i, 0)),
            pl.BlockSpec((1, d), lambda i: (0, 0)),
            pl.BlockSpec((1, 1, blk), lambda i: (i, 0, 0)),
            pl.BlockSpec((96, 128), lambda i: (0, 0)),
            pl.BlockSpec((4096, 96), lambda i: (0, 0)),
            pl.BlockSpec((d, 4096), lambda i: (0, 0)),
            pl.BlockSpec((1, d), lambda i: (0, 0)),
            pl.BlockSpec((d, 4096), lambda i: (0, 0)),
            pl.BlockSpec((d, d), lambda i: (0, 0)),
            pl.BlockSpec((1, d), lambda i: (0, 0)),
            pl.BlockSpec((1, 4096), lambda i: (0, 0)),
        ],
        out_specs=[
            pl.BlockSpec((32, d), lambda i: (0, 0)),
            pl.BlockSpec((32, d), lambda i: (0, 0)),
        ],
        out_shape=[
            jax.ShapeDtypeStruct((32, d), F32),
            jax.ShapeDtypeStruct((32, d), F32),
        ],
        scratch_shapes=[pltpu.VMEM((32, d), F32), pltpu.VMEM((32, d), F32)],
    )(m, hp, degb, b3, batch_f, xmean, wimg_t, w_i, b_i, wc_img, wc_g, b_c,
      b_img)


def kernel(images, x_nodes, edge_index, edge_attr, batch, node_table,
           W_img, b_img, W1, b1, W2, b2, W3, b3, W_i, b_i, W_c, b_c):
    n = x_nodes.shape[0]
    e = edge_attr.shape[0]
    d = node_table.shape[1]
    bsz, chans, ih, iw = images.shape
    img_dim = W_img.shape[0]

    np_ = ((n + 2047) // 2048) * 2048
    blk = np_ // 10 if np_ % 10 == 0 else np_ // 8
    ep = ((e + 2 * NW * CHUNK - 1) // (2 * NW * CHUNK)) * (2 * NW * CHUNK)
    ce = ep // (NW * CHUNK)

    src = jnp.pad(edge_index[0].astype(I32), (0, ep - e)).reshape(NW, ce, CHUNK)
    dst = jnp.pad(edge_index[1].astype(I32), (0, ep - e)).reshape(NW, ce, CHUNK)
    w = jnp.pad(edge_attr.astype(F32), (0, ep - e)).reshape(NW, ce, CHUNK)
    xn_f = jnp.pad(x_nodes.astype(F32), (0, np_ - n),
                   constant_values=-1.0).reshape(np_ // blk, 1, blk)
    batch_f = jnp.pad(batch.astype(F32), (0, np_ - n),
                      constant_values=-1.0).reshape(np_ // blk, 1, blk)
    table_p = jnp.pad(node_table.astype(F32),
                      ((0, 32 - node_table.shape[0]), (0, 0)))
    images_r = images.reshape(bsz * chans, ih * iw)
    wimg_t = jnp.concatenate([W_img] * 32, axis=1)
    wc_img = W_c[:, :img_dim]
    wc_g = W_c[:, img_dim:]

    degp = _sc_degree(dst, w, np_, ce)
    degb = jnp.broadcast_to((degp[0] + degp[1])[:, None], (np_, d))

    xmean = _tc_image_mean(images_r)

    perm = jnp.asarray([32 * j + (k // 2 if k % 2 == 0 else 16 + (k - 1) // 2)
                        for j in range(d // 32) for k in range(32)], I32)
    W1p, W2p, W3p = W1[perm], W2[perm], W3[perm]

    h1, hb1 = _tc_embed_conv1(xn_f, table_p, degb, W1, W1p, np_, d, blk)
    m1 = _sc_messages(hb1, src, dst, w, np_, d, ce)
    h2, hb2 = _tc_conv_next(m1, h1, degb, b1.reshape(1, d), W2, W2p, np_, d, blk)
    m2 = _sc_messages(hb2, src, dst, w, np_, d, ce)
    h3, hb3 = _tc_conv_next(m2, h2, degb, b2.reshape(1, d), W3, W3p, np_, d, blk)
    m3 = _sc_messages(hb3, src, dst, w, np_, d, ce)

    out_images, out_graphs = _tc_epilog(
        m3, h3, degb, b3.reshape(1, d), batch_f, xmean, wimg_t, W_i,
        b_i.reshape(1, d), wc_img, wc_g, b_c.reshape(1, d),
        b_img.reshape(1, img_dim), np_, d, blk, 1.0 / (ih * iw))
    return (out_images, out_graphs)

# --- scband reference (transcript-rebuilt; emitter-appended) ---
"""Pipeline reference for scband-visual-graph-embedding-asymetric-53171695124939 (READ-ONLY COPY).

The authoritative reference and input builder live on the scoring server;
editing this copy changes nothing except your own understanding.
"""

import jax, jax.numpy as jnp
import numpy as np

N = 10000
E = 320000
D = 128
B = 32
IMG_DIM = 4096
NUM_NODE_TYPES = 30


def _l2norm(x):
    return x / jnp.linalg.norm(x, axis=1, keepdims=True)


def _gcn_conv(x, src, dst, ew, W, b, n):
    # PyG GCNConv with edge_weight: add self loops (weight 1), symmetric norm
    loop = jnp.arange(n)
    s = jnp.concatenate([src, loop])
    d = jnp.concatenate([dst, loop])
    w = jnp.concatenate([ew, jnp.ones((n,), dtype=x.dtype)])
    deg = jnp.zeros((n,), dtype=x.dtype).at[d].add(w)
    dinv = jnp.where(deg > 0, deg ** -0.5, 0.0)
    norm = dinv[s] * w * dinv[d]
    h = x @ W.T
    out = jnp.zeros_like(h).at[d].add(h[s] * norm[:, None])
    return out + b


def setup_inputs(seed: int = 0) -> dict:
    key = jax.random.key(seed)
    ks = jax.random.split(key, 20)
    inp = {}
    inp["images"] = jax.random.normal(ks[0], (B, 3, 224, 224), dtype=jnp.float32)
    inp["x_nodes"] = jax.random.randint(ks[1], (N,), 0, NUM_NODE_TYPES)
    inp["edge_index"] = jax.random.randint(ks[2], (2, E), 0, N)
    inp["edge_attr"] = jax.random.uniform(ks[3], (E,), dtype=jnp.float32)
    inp["batch"] = jnp.sort(jax.random.randint(ks[4], (N,), 0, B))
    inp["node_table"] = jax.random.normal(ks[5], (NUM_NODE_TYPES, D), dtype=jnp.float32) * 0.1
    # frozen image encoder stand-in: global-avg-pool + linear 3 -> 4096
    inp["W_img"] = jax.random.normal(ks[6], (IMG_DIM, 3), dtype=jnp.float32) * 0.1
    inp["b_img"] = jnp.zeros((IMG_DIM,), dtype=jnp.float32)
    inp["W1"] = jax.random.normal(ks[7], (D, D), dtype=jnp.float32) * 0.05
    inp["b1"] = jnp.zeros((D,), dtype=jnp.float32)
    inp["W2"] = jax.random.normal(ks[8], (D, D), dtype=jnp.float32) * 0.05
    inp["b2"] = jnp.zeros((D,), dtype=jnp.float32)
    inp["W3"] = jax.random.normal(ks[9], (D, D), dtype=jnp.float32) * 0.05
    inp["b3"] = jnp.zeros((D,), dtype=jnp.float32)
    inp["W_i"] = jax.random.normal(ks[10], (D, IMG_DIM), dtype=jnp.float32) * 0.02
    inp["b_i"] = jnp.zeros((D,), dtype=jnp.float32)
    inp["W_c"] = jax.random.normal(ks[11], (D, IMG_DIM + D), dtype=jnp.float32) * 0.02
    inp["b_c"] = jnp.zeros((D,), dtype=jnp.float32)
    return inp


def reference(images, x_nodes, edge_index, edge_attr, batch, node_table, W_img, b_img, W1, b1, W2, b2, W3, b3, W_i, b_i, W_c, b_c):
    # frozen image model (stand-in producing 4096-d features)
    xi = jnp.mean(images, axis=(2, 3)) @ W_img.T + b_img
    # encode_images
    out_images = _l2norm(xi @ W_i.T + b_i)
    # encode_images_with_graphs
    src, dst = edge_index[0], edge_index[1]
    xg = node_table[x_nodes]
    xg = jax.nn.relu(_gcn_conv(xg, src, dst, edge_attr, W1, b1, N))
    xg = jax.nn.relu(_gcn_conv(xg, src, dst, edge_attr, W2, b2, N))
    xg = _gcn_conv(xg, src, dst, edge_attr, W3, b3, N)
    sums = jax.ops.segment_sum(xg, batch, num_segments=B)
    cnt = jax.ops.segment_sum(jnp.ones((N, 1), dtype=xg.dtype), batch, num_segments=B)
    pooled = sums / jnp.maximum(cnt, 1.0)
    combined = jnp.concatenate([xi, pooled], axis=1) @ W_c.T + b_c
    out_with_graphs = _l2norm(combined)
    return (out_images, out_with_graphs)

if __name__ == "__main__":
    import jax
    _d = setup_inputs()
    print(jax.jit(kernel)(*tuple(_d.values())))

</pallas_src>

<mosaic_0001>
#map = affine_map<(d0, d1) -> (0, 0)>
#map1 = affine_map<(d0, d1) -> (0, 0, 0)>
module attributes {stable_mosaic.version = 14 : i64} {
  func.func @body(%arg0: i32, %arg1: i32, %arg2: memref<10240x64xf32, #tpu.memory_space<hbm>>, %arg3: memref<32x80x128xi32, #tpu.memory_space<hbm>>, %arg4: memref<32x80x128xi32, #tpu.memory_space<hbm>>, %arg5: memref<32x80x128xf32, #tpu.memory_space<hbm>>, %arg6: memref<2x10240x128xf32, #tpu.memory_space<hbm>>, %arg7: memref<80x128xi32, #tpu.memory_space<vmem>>, %arg8: memref<128x64xf32, #tpu.memory_space<vmem>>, %arg9: memref<128x64xf32, #tpu.memory_space<vmem>>, %arg10: memref<128x128xf32, #tpu.memory_space<vmem>>, %arg11: memref<128xi32, #tpu.memory_space<vmem>>, %arg12: memref<128xi32, #tpu.memory_space<vmem>>, %arg13: memref<128xf32, #tpu.memory_space<vmem>>, %arg14: memref<128xf32, #tpu.memory_space<vmem>>, %arg15: memref<!tpu.dma_semaphore, #tpu.memory_space<semaphore_mem>>, %arg16: memref<!tpu.dma_semaphore, #tpu.memory_space<semaphore_mem>>, %arg17: memref<!tpu.dma_semaphore, #tpu.memory_space<semaphore_mem>>, %arg18: memref<!tpu.dma_semaphore, #tpu.memory_space<semaphore_mem>>, %arg19: memref<10240x128xf32, #tpu.memory_space<vmem_shared>>) attributes {dimension_semantics = [#tpu.dimension_semantics<core_parallel>, #tpu.dimension_semantics<subcore_parallel>], iteration_bounds = array<i64: 2, 16>, scalar_prefetch = 0 : i64, scratch_operands = 13 : i64, tpu.core_type = #tpu.core_type<sc_vector_subcore>, window_params = [{transform_indices = #map}, {transform_indices = #map1}, {transform_indices = #map1}, {transform_indices = #map1}, {transform_indices = #map1}]} {
    %mul3A = arith.constant 2 : i32
    %mul3A_0 = arith.muli %arg1, %mul3A : i32
    %add3A = arith.addi %mul3A_0, %arg0 : i32
    "tpu.region"() ({
      %run_scoped3A = tpu.sem_alloc : memref<!tpu.dma_semaphore, #tpu.memory_space<semaphore_mem>>
      %dma_start3A_61 = arith.constant 0 : i32
      %dma_start3A_62 = arith.constant 0 : i32
      %dma_start3A_63 = tpu.memref_slice %arg3[%add3A, %dma_start3A_61, %dma_start3A_62] : memref<32x80x128xi32, #tpu.memory_space<hbm>> -> memref<1x80x128xi32, #tpu.memory_space<hbm>>
      %dma_start3A_64 = tpu.memref_squeeze %dma_start3A_63 : memref<1x80x128xi32, #tpu.memory_space<hbm>> -> memref<80x128xi32, #tpu.memory_space<hbm>>
      %dma_start3A_65 = arith.constant 0 : i32
      %dma_start3A_66 = arith.constant 0 : i32
      %dma_start3A_67 = tpu.memref_slice %arg3[%add3A, %dma_start3A_65, %dma_start3A_66] : memref<32x80x128xi32, #tpu.memory_space<hbm>> -> memref<1x80x128xi32, #tpu.memory_space<hbm>>
      %dma_start3A_68 = tpu.memref_squeeze %dma_start3A_67 : memref<1x80x128xi32, #tpu.memory_space<hbm>> -> memref<80x128xi32, #tpu.memory_space<hbm>>
      tpu.enqueue_dma source(%dma_start3A_68 : memref<80x128xi32, #tpu.memory_space<hbm>>) target(%arg7 : memref<80x128xi32, #tpu.memory_space<vmem>>) target_semaphore(%run_scoped3A : memref<!tpu.dma_semaphore, #tpu.memory_space<semaphore_mem>>)
      %dma_wait3A = arith.constant 0 : i32
      %dma_wait3A_69 = arith.constant 0 : i32
      %dma_wait3A_70 = tpu.memref_slice %arg3[%add3A, %dma_wait3A, %dma_wait3A_69] : memref<32x80x128xi32, #tpu.memory_space<hbm>> -> memref<1x80x128xi32, #tpu.memory_space<hbm>>
      %dma_wait3A_71 = tpu.memref_squeeze %dma_wait3A_70 : memref<1x80x128xi32, #tpu.memory_space<hbm>> -> memref<80x128xi32, #tpu.memory_space<hbm>>
      %dma_wait3A_72 = arith.constant 0 : i32
      %dma_wait3A_73 = arith.constant 0 : i32
      %dma_wait3A_74 = tpu.memref_slice %arg3[%add3A, %dma_wait3A_72, %dma_wait3A_73] : memref<32x80x128xi32, #tpu.memory_space<hbm>> -> memref<1x80x128xi32, #tpu.memory_space<hbm>>
      %dma_wait3A_75 = tpu.memref_squeeze %dma_wait3A_74 : memref<1x80x128xi32, #tpu.memory_space<hbm>> -> memref<80x128xi32, #tpu.memory_space<hbm>>
      tpu.wait_dma2 semaphore(%run_scoped3A : memref<!tpu.dma_semaphore, #tpu.memory_space<semaphore_mem>>) src(%dma_wait3A_75 : memref<80x128xi32, #tpu.memory_space<hbm>>) dst(%arg7 : memref<80x128xi32, #tpu.memory_space<vmem>>)
      tpu.yield
    }) : () -> ()
    %scan3A = arith.constant 0 : i32
    %scan3A_1 = arith.constant 128 : i32
    %scan3A_2 = arith.addi %scan3A, %scan3A_1 : i32
    %scan3A_3 = arith.constant 1 : i32
    scf.for %scan3A_61 = %scan3A to %scan3A_2 step %scan3A_3  : i32 {
      %mul3A_62 = arith.constant 1 : i32
      %mul3A_63 = arith.muli %scan3A_61, %mul3A_62 : i32
      %add3A_64 = arith.constant 0 : i32
      %add3A_65 = arith.addi %add3A_64, %mul3A_63 : i32
      %broadcast_in_dim3A = arith.constant 0.000000e+00 : f32
      %broadcast_in_dim3A_66 = vector.broadcast %broadcast_in_dim3A : f32 to vector<16xf32>
      %swap3A = arith.index_cast %add3A_65 : i32 to index
      %swap3A_67 = arith.constant 0 : index
      %swap3A_68 = tpu.vector_load %arg10[%swap3A, %swap3A_67] {strides = array<i32>} : memref<128x128xf32, #tpu.memory_space<vmem>>, vector<16xf32>,
      tpu.vector_store %arg10[%swap3A, %swap3A_67], %broadcast_in_dim3A_66 {strides = array<i32>} : memref<128x128xf32, #tpu.memory_space<vmem>>, vector<16xf32>,
      %broadcast_in_dim3A_69 = arith.constant 0.000000e+00 : f32
      %broadcast_in_dim3A_70 = vector.broadcast %broadcast_in_dim3A_69 : f32 to vector<16xf32>
      %swap3A_71 = arith.index_cast %add3A_65 : i32 to index
      %swap3A_72 = arith.constant 16 : index
      %swap3A_73 = tpu.vector_load %arg10[%swap3A_71, %swap3A_72] {strides = array<i32>} : memref<128x128xf32, #tpu.memory_space<vmem>>, vector<16xf32>,
      tpu.vector_store %arg10[%swap3A_71, %swap3A_72], %broadcast_in_dim3A_70 {strides = array<i32>} : memref<128x128xf32, #tpu.memory_space<vmem>>, vector<16xf32>,
      %broadcast_in_dim3A_74 = arith.constant 0.000000e+00 : f32
      %broadcast_in_dim3A_75 = vector.broadcast %broadcast_in_dim3A_74 : f32 to vector<16xf32>
      %swap3A_76 = arith.index_cast %add3A_65 : i32 to index
      %swap3A_77 = arith.constant 32 : index
      %swap3A_78 = tpu.vector_load %arg10[%swap3A_76, %swap3A_77] {strides = array<i32>} : memref<128x128xf32, #tpu.memory_space<vmem>>, vector<16xf32>,
      tpu.vector_store %arg10[%swap3A_76, %swap3A_77], %broadcast_in_dim3A_75 {strides = array<i32>} : memref<128x128xf32, #tpu.memory_space<vmem>>, vector<16xf32>,
      %broadcast_in_dim3A_79 = arith.constant 0.000000e+00 : f32
      %broadcast_in_dim3A_80 = vector.broadcast %broadcast_in_dim3A_79 : f32 to vector<16xf32>
      %swap3A_81 = arith.index_cast %add3A_65 : i32 to index
      %swap3A_82 = arith.constant 48 : index
      %swap3A_83 = tpu.vector_load %arg10[%swap3A_81, %swap3A_82] {strides = array<i32>} : memref<128x128xf32, #tpu.memory_space<vmem>>, vector<16xf32>,
      tpu.vector_store %arg10[%swap3A_81, %swap3A_82], %broadcast_in_dim3A_80 {strides = array<i32>} : memref<128x128xf32, #tpu.memory_space<vmem>>, vector<16xf32>,
      %broadcast_in_dim3A_84 = arith.constant 0.000000e+00 : f32
      %broadcast_in_dim3A_85 = vector.broadcast %broadcast_in_dim3A_84 : f32 to vector<16xf32>
      %swap3A_86 = arith.index_cast %add3A_65 : i32 to index
      %swap3A_87 = arith.constant 64 : index
      %swap3A_88 = tpu.vector_load %arg10[%swap3A_86, %swap3A_87] {strides = array<i32>} : memref<128x128xf32, #tpu.memory_space<vmem>>, vector<16xf32>,
      tpu.vector_store %arg10[%swap3A_86, %swap3A_87], %broadcast_in_dim3A_85 {strides = array<i32>} : memref<128x128xf32, #tpu.memory_space<vmem>>, vector<16xf32>,
      %broadcast_in_dim3A_89 = arith.constant 0.000000e+00 : f32
      %broadcast_in_dim3A_90 = vector.broadcast %broadcast_in_dim3A_89 : f32 to vector<16xf32>
      %swap3A_91 = arith.index_cast %add3A_65 : i32 to index
      %swap3A_92 = arith.constant 80 : index
      %swap3A_93 = tpu.vector_load %arg10[%swap3A_91, %swap3A_92] {strides = array<i32>} : memref<128x128xf32, #tpu.memory_space<vmem>>, vector<16xf32>,
      tpu.vector_store %arg10[%swap3A_91, %swap3A_92], %broadcast_in_dim3A_90 {strides = array<i32>} : memref<128x128xf32, #tpu.memory_space<vmem>>, vector<16xf32>,
      %broadcast_in_dim3A_94 = arith.constant 0.000000e+00 : f32
      %broadcast_in_dim3A_95 = vector.broadcast %broadcast_in_dim3A_94 : f32 to vector<16xf32>
      %swap3A_96 = arith.index_cast %add3A_65 : i32 to index
      %swap3A_97 = arith.constant 96 : index
      %swap3A_98 = tpu.vector_load %arg10[%swap3A_96, %swap3A_97] {strides = array<i32>} : memref<128x128xf32, #tpu.memory_space<vmem>>, vector<16xf32>,
      tpu.vector_store %arg10[%swap3A_96, %swap3A_97], %broadcast_in_dim3A_95 {strides = array<i32>} : memref<128x128xf32, #tpu.memory_space<vmem>>, vector<16xf32>,
      %broadcast_in_dim3A_99 = arith.constant 0.000000e+00 : f32
      %broadcast_in_dim3A_100 = vector.broadcast %broadcast_in_dim3A_99 : f32 to vector<16xf32>
      %swap3A_101 = arith.index_cast %add3A_65 : i32 to index
      %swap3A_102 = arith.constant 112 : index
      %swap3A_103 = tpu.vector_load %arg10[%swap3A_101, %swap3A_102] {strides = array<i32>} : memref<128x128xf32, #tpu.memory_space<vmem>>, vector<16xf32>,
      tpu.vector_store %arg10[%swap3A_101, %swap3A_102], %broadcast_in_dim3A_100 {strides = array<i32>} : memref<128x128xf32, #tpu.memory_space<vmem>>, vector<16xf32>,
    }
    %scan3A_4 = arith.constant 128 : i32
    %scan3A_5 = arith.constant 0 : i32
    %scan3A_6 = arith.constant 5 : i32
    %scan3A_7 = arith.addi %scan3A_5, %scan3A_6 : i32
    %scan3A_8 = arith.constant 1 : i32
    scf.for %scan3A_61 = %scan3A_5 to %scan3A_7 step %scan3A_8  : i32 {
      %mul3A_62 = arith.constant 1 : i32
      %mul3A_63 = arith.muli %scan3A_61, %mul3A_62 : i32
      %add3A_64 = arith.constant 0 : i32
      %add3A_65 = arith.addi %add3A_64, %mul3A_63 : i32
      %mul3A_66 = arith.constant 640 : i32
      %mul3A_67 = arith.muli %arg1, %mul3A_66 : i32
      %mul3A_68 = arith.constant 128 : i32
      %mul3A_69 = arith.muli %add3A_65, %mul3A_68 : i32
      %add3A_70 = arith.addi %mul3A_67, %mul3A_69 : i32
      "tpu.region"() ({
        %run_scoped3A = tpu.sem_alloc : memref<!tpu.dma_semaphore, #tpu.memory_space<semaphore_mem>>
        %dma_start3A_71 = arith.constant 0 : i32
        %dma_start3A_72 = tpu.memref_slice %arg19[%add3A_70, %dma_start3A_71] : memref<10240x128xf32, #tpu.memory_space<vmem_shared>> -> memref<128x128xf32, #tpu.memory_space<vmem_shared>>
        %dma_start3A_73 = arith.constant 0 : i32
        %dma_start3A_74 = tpu.memref_slice %arg19[%add3A_70, %dma_start3A_73] : memref<10240x128xf32, #tpu.memory_space<vmem_shared>> -> memref<128x128xf32, #tpu.memory_space<vmem_shared>>
        tpu.enqueue_dma source(%arg10 : memref<128x128xf32, #tpu.memory_space<vmem>>) target(%dma_start3A_74 : memref<128x128xf32, #tpu.memory_space<vmem_shared>>) target_semaphore(%run_scoped3A : memref<!tpu.dma_semaphore, #tpu.memory_space<semaphore_mem>>)
        %dma_wait3A = arith.constant 0 : i32
        %dma_wait3A_75 = tpu.memref_slice %arg19[%add3A_70, %dma_wait3A] : memref<10240x128xf32, #tpu.memory_space<vmem_shared>> -> memref<128x128xf32, #tpu.memory_space<vmem_shared>>
        %dma_wait3A_76 = arith.constant 0 : i32
        %dma_wait3A_77 = tpu.memref_slice %arg19[%add3A_70, %dma_wait3A_76] : memref<10240x128xf32, #tpu.memory_space<vmem_shared>> -> memref<128x128xf32, #tpu.memory_space<vmem_shared>>
        tpu.wait_dma2 semaphore(%run_scoped3A : memref<!tpu.dma_semaphore, #tpu.memory_space<semaphore_mem>>) src(%arg10 : memref<128x128xf32, #tpu.memory_space<vmem>>) dst(%dma_wait3A_77 : memref<128x128xf32, #tpu.memory_space<vmem_shared>>)
        tpu.yield
      }) : () -> ()
    }
    %scan3A_9 = arith.constant 5 : i32
    %barrier3A = arith.constant 0 : index
    tpu.barrier barrier_id(%barrier3A)
    %dma_start3A = arith.constant 0 : i32
    %dma_start3A_10 = arith.constant 0 : i32
    %dma_start3A_11 = tpu.memref_slice %arg7[%dma_start3A, %dma_start3A_10] : memref<80x128xi32, #tpu.memory_space<vmem>> -> memref<1x128xi32, #tpu.memory_space<vmem>>
    %dma_start3A_12 = tpu.memref_squeeze %dma_start3A_11 : memref<1x128xi32, #tpu.memory_space<vmem>> -> memref<128xi32, #tpu.memory_space<vmem>>
    %dma_start3A_13 = arith.constant 0 : i32
    %dma_start3A_14 = arith.constant 0 : i32
    %dma_start3A_15 = tpu.memref_slice %arg2[%dma_start3A_13, %dma_start3A_14] : memref<10240x64xf32, #tpu.memory_space<hbm>> -> memref<10240x64xf32, #tpu.memory_space<hbm>>
    tpu.enqueue_indirect_dma source(%dma_start3A_15 : memref<10240x64xf32, #tpu.memory_space<hbm>>) target(%arg8 : memref<128x64xf32, #tpu.memory_space<vmem>>) offsets(%dma_start3A_12 : memref<128xi32, #tpu.memory_space<vmem>>) semaphore(%arg15 : memref<!tpu.dma_semaphore, #tpu.memory_space<semaphore_mem>>)
    %dma_start3A_16 = arith.constant 0 : i32
    %dma_start3A_17 = arith.constant 0 : i32
    %dma_start3A_18 = tpu.memref_slice %arg4[%add3A, %dma_start3A_16, %dma_start3A_17] : memref<32x80x128xi32, #tpu.memory_space<hbm>> -> memref<1x1x128xi32, #tpu.memory_space<hbm>>
    %dma_start3A_19 = tpu.memref_squeeze %dma_start3A_18 : memref<1x1x128xi32, #tpu.memory_space<hbm>> -> memref<128xi32, #tpu.memory_space<hbm>>
    %dma_start3A_20 = arith.constant 0 : i32
    %dma_start3A_21 = tpu.memref_slice %arg4[%add3A, %dma_start3A_16, %dma_start3A_20] : memref<32x80x128xi32, #tpu.memory_space<hbm>> -> memref<1x1x128xi32, #tpu.memory_space<hbm>>
    %dma_start3A_22 = tpu.memref_squeeze %dma_start3A_21 : memref<1x1x128xi32, #tpu.memory_space<hbm>> -> memref<128xi32, #tpu.memory_space<hbm>>
    tpu.enqueue_dma source(%dma_start3A_22 : memref<128xi32, #tpu.memory_space<hbm>>) target(%arg11 : memref<128xi32, #tpu.memory_space<vmem>>) target_semaphore(%arg17 : memref<!tpu.dma_semaphore, #tpu.memory_space<semaphore_mem>>)
    %dma_start3A_23 = arith.constant 0 : i32
    %dma_start3A_24 = arith.constant 0 : i32
    %dma_start3A_25 = tpu.memref_slice %arg5[%add3A, %dma_start3A_23, %dma_start3A_24] : memref<32x80x128xf32, #tpu.memory_space<hbm>> -> memref<1x1x128xf32, #tpu.memory_space<hbm>>
    %dma_start3A_26 = tpu.memref_squeeze %dma_start3A_25 : memref<1x1x128xf32, #tpu.memory_space<hbm>> -> memref<128xf32, #tpu.memory_space<hbm>>
    %dma_start3A_27 = arith.constant 0 : i32
    %dma_start3A_28 = tpu.memref_slice %arg5[%add3A, %dma_start3A_23, %dma_start3A_27] : memref<32x80x128xf32, #tpu.memory_space<hbm>> -> memref<1x1x128xf32, #tpu.memory_space<hbm>>
    %dma_start3A_29 = tpu.memref_squeeze %dma_start3A_28 : memref<1x1x128xf32, #tpu.memory_space<hbm>> -> memref<128xf32, #tpu.memory_space<hbm>>
    tpu.enqueue_dma source(%dma_start3A_29 : memref<128xf32, #tpu.memory_space<hbm>>) target(%arg13 : memref<128xf32, #tpu.memory_space<vmem>>) target_semaphore(%arg17 : memref<!tpu.dma_semaphore, #tpu.memory_space<semaphore_mem>>)
    %dma_start3A_30 = arith.constant 1 : i32
    %dma_start3A_31 = arith.constant 0 : i32
    %dma_start3A_32 = tpu.memref_slice %arg7[%dma_start3A_30, %dma_start3A_31] : memref<80x128xi32, #tpu.memory_space<vmem>> -> memref<1x128xi32, #tpu.memory_space<vmem>>
    %dma_start3A_33 = tpu.memref_squeeze %dma_start3A_32 : memref<1x128xi32, #tpu.memory_space<vmem>> -> memref<128xi32, #tpu.memory_space<vmem>>
    %dma_start3A_34 = arith.constant 0 : i32
    %dma_start3A_35 = arith.constant 0 : i32
    %dma_start3A_36 = tpu.memref_slice %arg2[%dma_start3A_34, %dma_start3A_35] : memref<10240x64xf32, #tpu.memory_space<hbm>> -> memref<10240x64xf32, #tpu.memory_space<hbm>>
    tpu.enqueue_indirect_dma source(%dma_start3A_36 : memref<10240x64xf32, #tpu.memory_space<hbm>>) target(%arg9 : memref<128x64xf32, #tpu.memory_space<vmem>>) offsets(%dma_start3A_33 : memref<128xi32, #tpu.memory_space<vmem>>) semaphore(%arg16 : memref<!tpu.dma_semaphore, #tpu.memory_space<semaphore_mem>>)
    %dma_start3A_37 = arith.constant 1 : i32
    %dma_start3A_38 = arith.constant 0 : i32
    %dma_start3A_39 = tpu.memref_slice %arg4[%add3A, %dma_start3A_37, %dma_start3A_38] : memref<32x80x128xi32, #tpu.memory_space<hbm>> -> memref<1x1x128xi32, #tpu.memory_space<hbm>>
    %dma_start3A_40 = tpu.memref_squeeze %dma_start3A_39 : memref<1x1x128xi32, #tpu.memory_space<hbm>> -> memref<128xi32, #tpu.memory_space<hbm>>
    %dma_start3A_41 = arith.constant 0 : i32
    %dma_start3A_42 = tpu.memref_slice %arg4[%add3A, %dma_start3A_37, %dma_start3A_41] : memref<32x80x128xi32, #tpu.memory_space<hbm>> -> memref<1x1x128xi32, #tpu.memory_space<hbm>>
    %dma_start3A_43 = tpu.memref_squeeze %dma_start3A_42 : memref<1x1x128xi32, #tpu.memory_space<hbm>> -> memref<128xi32, #tpu.memory_space<hbm>>
    tpu.enqueue_dma source(%dma_start3A_43 : memref<128xi32, #tpu.memory_space<hbm>>) target(%arg12 : memref<128xi32, #tpu.memory_space<vmem>>) target_semaphore(%arg18 : memref<!tpu.dma_semaphore, #tpu.memory_space<semaphore_mem>>)
    %dma_start3A_44 = arith.constant 1 : i32
    %dma_start3A_45 = arith.constant 0 : i32
    %dma_start3A_46 = tpu.memref_slice %arg5[%add3A, %dma_start3A_44, %dma_start3A_45] : memref<32x80x128xf32, #tpu.memory_space<hbm>> -> memref<1x1x128xf32, #tpu.memory_space<hbm>>
    %dma_start3A_47 = tpu.memref_squeeze %dma_start3A_46 : memref<1x1x128xf32, #tpu.memory_space<hbm>> -> memref<128xf32, #tpu.memory_space<hbm>>
    %dma_start3A_48 = arith.constant 0 : i32
    %dma_start3A_49 = tpu.memref_slice %arg5[%add3A, %dma_start3A_44, %dma_start3A_48] : memref<32x80x128xf32, #tpu.memory_space<hbm>> -> memref<1x1x128xf32, #tpu.memory_space<hbm>>
    %dma_start3A_50 = tpu.memref_squeeze %dma_start3A_49 : memref<1x1x128xf32, #tpu.memory_space<hbm>> -> memref<128xf32, #tpu.memory_space<hbm>>
    tpu.enqueue_dma source(%dma_start3A_50 : memref<128xf32, #tpu.memory_space<hbm>>) target(%arg14 : memref<128xf32, #tpu.memory_space<vmem>>) target_semaphore(%arg18 : memref<!tpu.dma_semaphore, #tpu.memory_space<semaphore_mem>>)
    %scan3A_51 = arith.constant 0 : i32
    %scan3A_52 = arith.constant 40 : i32
    %scan3A_53 = arith.addi %scan3A_51, %scan3A_52 : i32
    %scan3A_54 = arith.constant 1 : i32
    scf.for %scan3A_61 = %scan3A_51 to %scan3A_53 step %scan3A_54  : i32 {
      %mul3A_62 = arith.constant 1 : i32
      %mul3A_63 = arith.muli %scan3A_61, %mul3A_62 : i32
      %add3A_64 = arith.constant 0 : i32
      %add3A_65 = arith.addi %add3A_64, %mul3A_63 : i32
      %mul3A_66 = arith.constant 2 : i32
      %mul3A_67 = arith.muli %mul3A_66, %add3A_65 : i32
      %dma_wait3A = arith.constant 0 : i32
      %dma_wait3A_68 = tpu.memref_slice %arg7[%mul3A_67, %dma_wait3A] : memref<80x128xi32, #tpu.memory_space<vmem>> -> memref<1x128xi32, #tpu.memory_space<vmem>>
      %dma_wait3A_69 = tpu.memref_squeeze %dma_wait3A_68 : memref<1x128xi32, #tpu.memory_space<vmem>> -> memref<128xi32, #tpu.memory_space<vmem>>
      %dma_wait3A_70 = arith.constant 0 : i32
      %dma_wait3A_71 = arith.constant 0 : i32
      %dma_wait3A_72 = tpu.memref_slice %arg2[%dma_wait3A_70, %dma_wait3A_71] : memref<10240x64xf32, #tpu.memory_space<hbm>> -> memref<10240x64xf32, #tpu.memory_space<hbm>>
      tpu.wait_indirect_dma semaphore(%arg15 : memref<!tpu.dma_semaphore, #tpu.memory_space<semaphore_mem>>) src(%dma_wait3A_72 : memref<10240x64xf32, #tpu.memory_space<hbm>>) dst(%arg8 : memref<128x64xf32, #tpu.memory_space<vmem>>)
      %dma_wait3A_73 = arith.constant 0 : i32
      %dma_wait3A_74 = tpu.memref_slice %arg4[%add3A, %mul3A_67, %dma_wait3A_73] : memref<32x80x128xi32, #tpu.memory_space<hbm>> -> memref<1x1x128xi32, #tpu.memory_space<hbm>>
      %dma_wait3A_75 = tpu.memref_squeeze %dma_wait3A_74 : memref<1x1x128xi32, #tpu.memory_space<hbm>> -> memref<128xi32, #tpu.memory_space<hbm>>
      %dma_wait3A_76 = arith.constant 0 : i32
      %dma_wait3A_77 = tpu.memref_slice %arg4[%add3A, %mul3A_67, %dma_wait3A_76] : memref<32x80x128xi32, #tpu.memory_space<hbm>> -> memref<1x1x128xi32, #tpu.memory_space<hbm>>
      %dma_wait3A_78 = tpu.memref_squeeze %dma_wait3A_77 : memref<1x1x128xi32, #tpu.memory_space<hbm>> -> memref<128xi32, #tpu.memory_space<hbm>>
      tpu.wait_dma2 semaphore(%arg17 : memref<!tpu.dma_semaphore, #tpu.memory_space<semaphore_mem>>) src(%dma_wait3A_78 : memref<128xi32, #tpu.memory_space<hbm>>) dst(%arg11 : memref<128xi32, #tpu.memory_space<vmem>>)
      %dma_wait3A_79 = arith.constant 0 : i32
      %dma_wait3A_80 = tpu.memref_slice %arg5[%add3A, %mul3A_67, %dma_wait3A_79] : memref<32x80x128xf32, #tpu.memory_space<hbm>> -> memref<1x1x128xf32, #tpu.memory_space<hbm>>
      %dma_wait3A_81 = tpu.memref_squeeze %dma_wait3A_80 : memref<1x1x128xf32, #tpu.memory_space<hbm>> -> memref<128xf32, #tpu.memory_space<hbm>>
      %dma_wait3A_82 = arith.constant 0 : i32
      %dma_wait3A_83 = tpu.memref_slice %arg5[%add3A, %mul3A_67, %dma_wait3A_82] : memref<32x80x128xf32, #tpu.memory_space<hbm>> -> memref<1x1x128xf32, #tpu.memory_space<hbm>>
      %dma_wait3A_84 = tpu.memref_squeeze %dma_wait3A_83 : memref<1x1x128xf32, #tpu.memory_space<hbm>> -> memref<128xf32, #tpu.memory_space<hbm>>
      tpu.wait_dma2 semaphore(%arg17 : memref<!tpu.dma_semaphore, #tpu.memory_space<semaphore_mem>>) src(%dma_wait3A_84 : memref<128xf32, #tpu.memory_space<hbm>>) dst(%arg13 : memref<128xf32, #tpu.memory_space<vmem>>)
      %scan3A_85 = arith.constant 0 : i32
      %scan3A_86 = arith.constant 128 : i32
      %scan3A_87 = arith.addi %scan3A_85, %scan3A_86 : i32
      %scan3A_88 = arith.constant 1 : i32
      scf.for %scan3A_122 = %scan3A_85 to %scan3A_87 step %scan3A_88  : i32 {
        %mul3A_123 = arith.constant 1 : i32
        %mul3A_124 = arith.muli %scan3A_122, %mul3A_123 : i32
        %add3A_125 = arith.constant 0 : i32
        %add3A_126 = arith.addi %add3A_125, %mul3A_124 : i32
        %broadcast_in_dim3A = vector.broadcast %add3A_126 : i32 to vector<16xi32>
        %gather3A = tpu.vector_load_idx %arg13[%broadcast_in_dim3A] : memref<128xf32, #tpu.memory_space<vmem>>[vector<16xi32>], vector<16xf32>,
        %get3A = arith.index_cast %add3A_126 : i32 to index
        %get3A_127 = arith.constant 0 : index
        %get3A_128 = tpu.vector_load %arg8[%get3A, %get3A_127] {strides = array<i32>} : memref<128x64xf32, #tpu.memory_space<vmem>>, vector<16xf32>,
        %bitcast3A = vector.bitcast %get3A_128 : vector<16xf32> to vector<32xbf16>
        %unpack3A = tpu.unpack_subelements %bitcast3A, 0 {pack_format = #tpu.pack_format<interleaved>} : vector<32xbf16> -> vector<16xf32>
        %unpack3A_129 = tpu.unpack_subelements %bitcast3A, 1 {pack_format = #tpu.pack_format<interleaved>} : vector<32xbf16> -> vector<16xf32>
        %mul3A_130 = arith.mulf %unpack3A, %gather3A : vector<16xf32>
        %swap3A = arith.index_cast %add3A_126 : i32 to index
        %swap3A_131 = arith.constant 0 : index
        %swap3A_132 = tpu.vector_load %arg10[%swap3A, %swap3A_131] {strides = array<i32>} : memref<128x128xf32, #tpu.memory_space<vmem>>, vector<16xf32>,
        tpu.vector_store %arg10[%swap3A, %swap3A_131], %mul3A_130 {strides = array<i32>} : memref<128x128xf32, #tpu.memory_space<vmem>>, vector<16xf32>,
        %mul3A_133 = arith.mulf %unpack3A_129, %gather3A : vector<16xf32>
        %swap3A_134 = arith.index_cast %add3A_126 : i32 to index
        %swap3A_135 = arith.constant 16 : index
        %swap3A_136 = tpu.vector_load %arg10[%swap3A_134, %swap3A_135] {strides = array<i32>} : memref<128x128xf32, #tpu.memory_space<vmem>>, vector<16xf32>,
        tpu.vector_store %arg10[%swap3A_134, %swap3A_135], %mul3A_133 {strides = array<i32>} : memref<128x128xf32, #tpu.memory_space<vmem>>, vector<16xf32>,
        %get3A_137 = arith.index_cast %add3A_126 : i32 to index
        %get3A_138 = arith.constant 16 : index
        %get3A_139 = tpu.vector_load %arg8[%get3A_137, %get3A_138] {strides = array<i32>} : memref<128x64xf32, #tpu.memory_space<vmem>>, vector<16xf32>,
        %bitcast3A_140 = vector.bitcast %get3A_139 : vector<16xf32> to vector<32xbf16>
        %unpack3A_141 = tpu.unpack_subelements %bitcast3A_140, 0 {pack_format = #tpu.pack_format<interleaved>} : vector<32xbf16> -> vector<16xf32>
        %unpack3A_142 = tpu.unpack_subelements %bitcast3A_140, 1 {pack_format = #tpu.pack_format<interleaved>} : vector<32xbf16> -> vector<16xf32>
        %mul3A_143 = arith.mulf %unpack3A_141, %gather3A : vector<16xf32>
        %swap3A_144 = arith.index_cast %add3A_126 : i32 to index
        %swap3A_145 = arith.constant 32 : index
        %swap3A_146 = tpu.vector_load %arg10[%swap3A_144, %swap3A_145] {strides = array<i32>} : memref<128x128xf32, #tpu.memory_space<vmem>>, vector<16xf32>,
        tpu.vector_store %arg10[%swap3A_144, %swap3A_145], %mul3A_143 {strides = array<i32>} : memref<128x128xf32, #tpu.memory_space<vmem>>, vector<16xf32>,
        %mul3A_147 = arith.mulf %unpack3A_142, %gather3A : vector<16xf32>
        %swap3A_148 = arith.index_cast %add3A_126 : i32 to index
        %swap3A_149 = arith.constant 48 : index
        %swap3A_150 = tpu.vector_load %arg10[%swap3A_148, %swap3A_149] {strides = array<i32>} : memref<128x128xf32, #tpu.memory_space<vmem>>, vector<16xf32>,
        tpu.vector_store %arg10[%swap3A_148, %swap3A_149], %mul3A_147 {strides = array<i32>} : memref<128x128xf32, #tpu.memory_space<vmem>>, vector<16xf32>,
        %get3A_151 = arith.index_cast %add3A_126 : i32 to index
        %get3A_152 = arith.constant 32 : index
        %get3A_153 = tpu.vector_load %arg8[%get3A_151, %get3A_152] {strides = array<i32>} : memref<128x64xf32, #tpu.memory_space<vmem>>, vector<16xf32>,
        %bitcast3A_154 = vector.bitcast %get3A_153 : vector<16xf32> to vector<32xbf16>
        %unpack3A_155 = tpu.unpack_subelements %bitcast3A_154, 0 {pack_format = #tpu.pack_format<interleaved>} : vector<32xbf16> -> vector<16xf32>
        %unpack3A_156 = tpu.unpack_subelements %bitcast3A_154, 1 {pack_format = #tpu.pack_format<interleaved>} : vector<32xbf16> -> vector<16xf32>
        %mul3A_157 = arith.mulf %unpack3A_155, %gather3A : vector<16xf32>
        %swap3A_158 = arith.index_cast %add3A_126 : i32 to index
        %swap3A_159 = arith.constant 64 : index
        %swap3A_160 = tpu.vector_load %arg10[%swap3A_158, %swap3A_159] {strides = array<i32>} : memref<128x128xf32, #tpu.memory_space<vmem>>, vector<16xf32>,
        tpu.vector_store %arg10[%swap3A_158, %swap3A_159], %mul3A_157 {strides = array<i32>} : memref<128x128xf32, #tpu.memory_space<vmem>>, vector<16xf32>,
        %mul3A_161 = arith.mulf %unpack3A_156, %gather3A : vector<16xf32>
        %swap3A_162 = arith.index_cast %add3A_126 : i32 to index
        %swap3A_163 = arith.constant 80 : index
        %swap3A_164 = tpu.vector_load %arg10[%swap3A_162, %swap3A_163] {strides = array<i32>} : memref<128x128xf32, #tpu.memory_space<vmem>>, vector<16xf32>,
        tpu.vector_store %arg10[%swap3A_162, %swap3A_163], %mul3A_161 {strides = array<i32>} : memref<128x128xf32, #tpu.memory_space<vmem>>, vector<16xf32>,
        %get3A_165 = arith.index_cast %add3A_126 : i32 to index
        %get3A_166 = arith.constant 48 : index
        %get3A_167 = tpu.vector_load %arg8[%get3A_165, %get3A_166] {strides = array<i32>} : memref<128x64xf32, #tpu.memory_space<vmem>>, vector<16xf32>,
        %bitcast3A_168 = vector.bitcast %get3A_167 : vector<16xf32> to vector<32xbf16>
        %unpack3A_169 = tpu.unpack_subelements %bitcast3A_168, 0 {pack_format = #tpu.pack_format<interleaved>} : vector<32xbf16> -> vector<16xf32>
        %unpack3A_170 = tpu.unpack_subelements %bitcast3A_168, 1 {pack_format = #tpu.pack_format<interleaved>} : vector<32xbf16> -> vector<16xf32>
        %mul3A_171 = arith.mulf %unpack3A_169, %gather3A : vector<16xf32>
        %swap3A_172 = arith.index_cast %add3A_126 : i32 to index
        %swap3A_173 = arith.constant 96 : index
        %swap3A_174 = tpu.vector_load %arg10[%swap3A_172, %swap3A_173] {strides = array<i32>} : memref<128x128xf32, #tpu.memory_space<vmem>>, vector<16xf32>,
        tpu.vector_store %arg10[%swap3A_172, %swap3A_173], %mul3A_171 {strides = array<i32>} : memref<128x128xf32, #tpu.memory_space<vmem>>, vector<16xf32>,
        %mul3A_175 = arith.mulf %unpack3A_170, %gather3A : vector<16xf32>
        %swap3A_176 = arith.index_cast %add3A_126 : i32 to index
        %swap3A_177 = arith.constant 112 : index
        %swap3A_178 = tpu.vector_load %arg10[%swap3A_176, %swap3A_177] {strides = array<i32>} : memref<128x128xf32, #tpu.memory_space<vmem>>, vector<16xf32>,
        tpu.vector_store %arg10[%swap3A_176, %swap3A_177], %mul3A_175 {strides = array<i32>} : memref<128x128xf32, #tpu.memory_space<vmem>>, vector<16xf32>,
      }
      %scan3A_89 = arith.constant 128 : i32
      "tpu.region"() ({
        %run_scoped3A = tpu.sem_alloc : memref<!tpu.dma_semaphore, #tpu.memory_space<semaphore_mem>>
        %dma_start3A_122 = arith.constant 0 : i32
        %dma_start3A_123 = arith.constant 0 : i32
        %dma_start3A_124 = tpu.memref_slice %arg19[%dma_start3A_122, %dma_start3A_123] : memref<10240x128xf32, #tpu.memory_space<vmem_shared>> -> memref<10240x128xf32, #tpu.memory_space<vmem_shared>>
        tpu.enqueue_indirect_dma source(%arg10 : memref<128x128xf32, #tpu.memory_space<vmem>>) target(%dma_start3A_124 : memref<10240x128xf32, #tpu.memory_space<vmem_shared>>) offsets(%arg11 : memref<128xi32, #tpu.memory_space<vmem>>) semaphore(%run_scoped3A : memref<!tpu.dma_semaphore, #tpu.memory_space<semaphore_mem>>) {add = true}
        %dma_wait3A_125 = arith.constant 0 : i32
        %dma_wait3A_126 = arith.constant 0 : i32
        %dma_wait3A_127 = tpu.memref_slice %arg19[%dma_wait3A_125, %dma_wait3A_126] : memref<10240x128xf32, #tpu.memory_space<vmem_shared>> -> memref<10240x128xf32, #tpu.memory_space<vmem_shared>>
        tpu.wait_indirect_dma semaphore(%run_scoped3A : memref<!tpu.dma_semaphore, #tpu.memory_space<semaphore_mem>>) src(%arg10 : memref<128x128xf32, #tpu.memory_space<vmem>>) dst(%dma_wait3A_127 : memref<10240x128xf32, #tpu.memory_space<vmem_shared>>)
        tpu.yield
      }) : () -> ()
      %lt3A = arith.constant 39 : i32
      %lt3A_90 = arith.cmpi slt, %add3A_65, %lt3A : i32
      %convert_element_type3A = arith.extui %lt3A_90 : i1 to i32
      %cond3A = arith.constant 0 : i32
      %cond3A_91 = arith.cmpi ne, %convert_element_type3A, %cond3A : i32
      scf.if %cond3A_91 {
        %add3A_122 = arith.constant 2 : i32
        %add3A_123 = arith.addi %mul3A_67, %add3A_122 : i32
        %dma_start3A_124 = arith.constant 0 : i32
        %dma_start3A_125 = tpu.memref_slice %arg7[%add3A_123, %dma_start3A_124] : memref<80x128xi32, #tpu.memory_space<vmem>> -> memref<1x128xi32, #tpu.memory_space<vmem>>
        %dma_start3A_126 = tpu.memref_squeeze %dma_start3A_125 : memref<1x128xi32, #tpu.memory_space<vmem>> -> memref<128xi32, #tpu.memory_space<vmem>>
        %dma_start3A_127 = arith.constant 0 : i32
        %dma_start3A_128 = arith.constant 0 : i32
        %dma_start3A_129 = tpu.memref_slice %arg2[%dma_start3A_127, %dma_start3A_128] : memref<10240x64xf32, #tpu.memory_space<hbm>> -> memref<10240x64xf32, #tpu.memory_space<hbm>>
        tpu.enqueue_indirect_dma source(%dma_start3A_129 : memref<10240x64xf32, #tpu.memory_space<hbm>>) target(%arg8 : memref<128x64xf32, #tpu.memory_space<vmem>>) offsets(%dma_start3A_126 : memref<128xi32, #tpu.memory_space<vmem>>) semaphore(%arg15 : memref<!tpu.dma_semaphore, #tpu.memory_space<semaphore_mem>>)
        %dma_start3A_130 = arith.constant 0 : i32
        %dma_start3A_131 = tpu.memref_slice %arg4[%add3A, %add3A_123, %dma_start3A_130] : memref<32x80x128xi32, #tpu.memory_space<hbm>> -> memref<1x1x128xi32, #tpu.memory_space<hbm>>
        %dma_start3A_132 = tpu.memref_squeeze %dma_start3A_131 : memref<1x1x128xi32, #tpu.memory_space<hbm>> -> memref<128xi32, #tpu.memory_space<hbm>>
        %dma_start3A_133 = arith.constant 0 : i32
        %dma_start3A_134 = tpu.memref_slice %arg4[%add3A, %add3A_123, %dma_start3A_133] : memref<32x80x128xi32, #tpu.memory_space<hbm>> -> memref<1x1x128xi32, #tpu.memory_space<hbm>>
        %dma_start3A_135 = tpu.memref_squeeze %dma_start3A_134 : memref<1x1x128xi32, #tpu.memory_space<hbm>> -> memref<128xi32, #tpu.memory_space<hbm>>
        tpu.enqueue_dma source(%dma_start3A_135 : memref<128xi32, #tpu.memory_space<hbm>>) target(%arg11 : memref<128xi32, #tpu.memory_space<vmem>>) target_semaphore(%arg17 : memref<!tpu.dma_semaphore, #tpu.memory_space<semaphore_mem>>)
        %dma_start3A_136 = arith.constant 0 : i32
        %dma_start3A_137 = tpu.memref_slice %arg5[%add3A, %add3A_123, %dma_start3A_136] : memref<32x80x128xf32, #tpu.memory_space<hbm>> -> memref<1x1x128xf32, #tpu.memory_space<hbm>>
        %dma_start3A_138 = tpu.memref_squeeze %dma_start3A_137 : memref<1x1x128xf32, #tpu.memory_space<hbm>> -> memref<128xf32, #tpu.memory_space<hbm>>
        %dma_start3A_139 = arith.constant 0 : i32
        %dma_start3A_140 = tpu.memref_slice %arg5[%add3A, %add3A_123, %dma_start3A_139] : memref<32x80x128xf32, #tpu.memory_space<hbm>> -> memref<1x1x128xf32, #tpu.memory_space<hbm>>
        %dma_start3A_141 = tpu.memref_squeeze %dma_start3A_140 : memref<1x1x128xf32, #tpu.memory_space<hbm>> -> memref<128xf32, #tpu.memory_space<hbm>>
        tpu.enqueue_dma source(%dma_start3A_141 : memref<128xf32, #tpu.memory_space<hbm>>) target(%arg13 : memref<128xf32, #tpu.memory_space<vmem>>) target_semaphore(%arg17 : memref<!tpu.dma_semaphore, #tpu.memory_space<semaphore_mem>>)
      } else {
      }
      %add3A_92 = arith.constant 1 : i32
      %add3A_93 = arith.addi %mul3A_67, %add3A_92 : i32
      %dma_wait3A_94 = arith.constant 0 : i32
      %dma_wait3A_95 = tpu.memref_slice %arg7[%add3A_93, %dma_wait3A_94] : memref<80x128xi32, #tpu.memory_space<vmem>> -> memref<1x128xi32, #tpu.memory_space<vmem>>
      %dma_wait3A_96 = tpu.memref_squeeze %dma_wait3A_95 : memref<1x128xi32, #tpu.memory_space<vmem>> -> memref<128xi32, #tpu.memory_space<vmem>>
      %dma_wait3A_97 = arith.constant 0 : i32
      %dma_wait3A_98 = arith.constant 0 : i32
      %dma_wait3A_99 = tpu.memref_slice %arg2[%dma_wait3A_97, %dma_wait3A_98] : memref<10240x64xf32, #tpu.memory_space<hbm>> -> memref<10240x64xf32, #tpu.memory_space<hbm>>
      tpu.wait_indirect_dma semaphore(%arg16 : memref<!tpu.dma_semaphore, #tpu.memory_space<semaphore_mem>>) src(%dma_wait3A_99 : memref<10240x64xf32, #tpu.memory_space<hbm>>) dst(%arg9 : memref<128x64xf32, #tpu.memory_space<vmem>>)
      %dma_wait3A_100 = arith.constant 0 : i32
      %dma_wait3A_101 = tpu.memref_slice %arg4[%add3A, %add3A_93, %dma_wait3A_100] : memref<32x80x128xi32, #tpu.memory_space<hbm>> -> memref<1x1x128xi32, #tpu.memory_space<hbm>>
      %dma_wait3A_102 = tpu.memref_squeeze %dma_wait3A_101 : memref<1x1x128xi32, #tpu.memory_space<hbm>> -> memref<128xi32, #tpu.memory_space<hbm>>
      %dma_wait3A_103 = arith.constant 0 : i32
      %dma_wait3A_104 = tpu.memref_slice %arg4[%add3A, %add3A_93, %dma_wait3A_103] : memref<32x80x128xi32, #tpu.memory_space<hbm>> -> memref<1x1x128xi32, #tpu.memory_space<hbm>>
      %dma_wait3A_105 = tpu.memref_squeeze %dma_wait3A_104 : memref<1x1x128xi32, #tpu.memory_space<hbm>> -> memref<128xi32, #tpu.memory_space<hbm>>
      tpu.wait_dma2 semaphore(%arg18 : memref<!tpu.dma_semaphore, #tpu.memory_space<semaphore_mem>>) src(%dma_wait3A_105 : memref<128xi32, #tpu.memory_space<hbm>>) dst(%arg12 : memref<128xi32, #tpu.memory_space<vmem>>)
      %dma_wait3A_106 = arith.constant 0 : i32
      %dma_wait3A_107 = tpu.memref_slice %arg5[%add3A, %add3A_93, %dma_wait3A_106] : memref<32x80x128xf32, #tpu.memory_space<hbm>> -> memref<1x1x128xf32, #tpu.memory_space<hbm>>
      %dma_wait3A_108 = tpu.memref_squeeze %dma_wait3A_107 : memref<1x1x128xf32, #tpu.memory_space<hbm>> -> memref<128xf32, #tpu.memory_space<hbm>>
      %dma_wait3A_109 = arith.constant 0 : i32
      %dma_wait3A_110 = tpu.memref_slice %arg5[%add3A, %add3A_93, %dma_wait3A_109] : memref<32x80x128xf32, #tpu.memory_space<hbm>> -> memref<1x1x128xf32, #tpu.memory_space<hbm>>
      %dma_wait3A_111 = tpu.memref_squeeze %dma_wait3A_110 : memref<1x1x128xf32, #tpu.memory_space<hbm>> -> memref<128xf32, #tpu.memory_space<hbm>>
      tpu.wait_dma2 semaphore(%arg18 : memref<!tpu.dma_semaphore, #tpu.memory_space<semaphore_mem>>) src(%dma_wait3A_111 : memref<128xf32, #tpu.memory_space<hbm>>) dst(%arg14 : memref<128xf32, #tpu.memory_space<vmem>>)
      %scan3A_112 = arith.constant 0 : i32
      %scan3A_113 = arith.constant 128 : i32
      %scan3A_114 = arith.addi %scan3A_112, %scan3A_113 : i32
      %scan3A_115 = arith.constant 1 : i32
      scf.for %scan3A_122 = %scan3A_112 to %scan3A_114 step %scan3A_115  : i32 {
        %mul3A_123 = arith.constant 1 : i32
        %mul3A_124 = arith.muli %scan3A_122, %mul3A_123 : i32
        %add3A_125 = arith.constant 0 : i32
        %add3A_126 = arith.addi %add3A_125, %mul3A_124 : i32
        %broadcast_in_dim3A = vector.broadcast %add3A_126 : i32 to vector<16xi32>
        %gather3A = tpu.vector_load_idx %arg14[%broadcast_in_dim3A] : memref<128xf32, #tpu.memory_space<vmem>>[vector<16xi32>], vector<16xf32>,
        %get3A = arith.index_cast %add3A_126 : i32 to index
        %get3A_127 = arith.constant 0 : index
        %get3A_128 = tpu.vector_load %arg9[%get3A, %get3A_127] {strides = array<i32>} : memref<128x64xf32, #tpu.memory_space<vmem>>, vector<16xf32>,
        %bitcast3A = vector.bitcast %get3A_128 : vector<16xf32> to vector<32xbf16>
        %unpack3A = tpu.unpack_subelements %bitcast3A, 0 {pack_format = #tpu.pack_format<interleaved>} : vector<32xbf16> -> vector<16xf32>
        %unpack3A_129 = tpu.unpack_subelements %bitcast3A, 1 {pack_format = #tpu.pack_format<interleaved>} : vector<32xbf16> -> vector<16xf32>
        %mul3A_130 = arith.mulf %unpack3A, %gather3A : vector<16xf32>
        %swap3A = arith.index_cast %add3A_126 : i32 to index
        %swap3A_131 = arith.constant 0 : index
        %swap3A_132 = tpu.vector_load %arg10[%swap3A, %swap3A_131] {strides = array<i32>} : memref<128x128xf32, #tpu.memory_space<vmem>>, vector<16xf32>,
        tpu.vector_store %arg10[%swap3A, %swap3A_131], %mul3A_130 {strides = array<i32>} : memref<128x128xf32, #tpu.memory_space<vmem>>, vector<16xf32>,
        %mul3A_133 = arith.mulf %unpack3A_129, %gather3A : vector<16xf32>
        %swap3A_134 = arith.index_cast %add3A_126 : i32 to index
        %swap3A_135 = arith.constant 16 : index
        %swap3A_136 = tpu.vector_load %arg10[%swap3A_134, %swap3A_135] {strides = array<i32>} : memref<128x128xf32, #tpu.memory_space<vmem>>, vector<16xf32>,
        tpu.vector_store %arg10[%swap3A_134, %swap3A_135], %mul3A_133 {strides = array<i32>} : memref<128x128xf32, #tpu.memory_space<vmem>>, vector<16xf32>,
        %get3A_137 = arith.index_cast %add3A_126 : i32 to index
        %get3A_138 = arith.constant 16 : index
        %get3A_139 = tpu.vector_load %arg9[%get3A_137, %get3A_138] {strides = array<i32>} : memref<128x64xf32, #tpu.memory_space<vmem>>, vector<16xf32>,
        %bitcast3A_140 = vector.bitcast %get3A_139 : vector<16xf32> to vector<32xbf16>
        %unpack3A_141 = tpu.unpack_subelements %bitcast3A_140, 0 {pack_format = #tpu.pack_format<interleaved>} : vector<32xbf16> -> vector<16xf32>
        %unpack3A_142 = tpu.unpack_subelements %bitcast3A_140, 1 {pack_format = #tpu.pack_format<interleaved>} : vector<32xbf16> -> vector<16xf32>
        %mul3A_143 = arith.mulf %unpack3A_141, %gather3A : vector<16xf32>
        %swap3A_144 = arith.index_cast %add3A_126 : i32 to index
        %swap3A_145 = arith.constant 32 : index
        %swap3A_146 = tpu.vector_load %arg10[%swap3A_144, %swap3A_145] {strides = array<i32>} : memref<128x128xf32, #tpu.memory_space<vmem>>, vector<16xf32>,
        tpu.vector_store %arg10[%swap3A_144, %swap3A_145], %mul3A_143 {strides = array<i32>} : memref<128x128xf32, #tpu.memory_space<vmem>>, vector<16xf32>,
        %mul3A_147 = arith.mulf %unpack3A_142, %gather3A : vector<16xf32>
        %swap3A_148 = arith.index_cast %add3A_126 : i32 to index
        %swap3A_149 = arith.constant 48 : index
        %swap3A_150 = tpu.vector_load %arg10[%swap3A_148, %swap3A_149] {strides = array<i32>} : memref<128x128xf32, #tpu.memory_space<vmem>>, vector<16xf32>,
        tpu.vector_store %arg10[%swap3A_148, %swap3A_149], %mul3A_147 {strides = array<i32>} : memref<128x128xf32, #tpu.memory_space<vmem>>, vector<16xf32>,
        %get3A_151 = arith.index_cast %add3A_126 : i32 to index
        %get3A_152 = arith.constant 32 : index
        %get3A_153 = tpu.vector_load %arg9[%get3A_151, %get3A_152] {strides = array<i32>} : memref<128x64xf32, #tpu.memory_space<vmem>>, vector<16xf32>,
        %bitcast3A_154 = vector.bitcast %get3A_153 : vector<16xf32> to vector<32xbf16>
        %unpack3A_155 = tpu.unpack_subelements %bitcast3A_154, 0 {pack_format = #tpu.pack_format<interleaved>} : vector<32xbf16> -> vector<16xf32>
        %unpack3A_156 = tpu.unpack_subelements %bitcast3A_154, 1 {pack_format = #tpu.pack_format<interleaved>} : vector<32xbf16> -> vector<16xf32>
        %mul3A_157 = arith.mulf %unpack3A_155, %gather3A : vector<16xf32>
        %swap3A_158 = arith.index_cast %add3A_126 : i32 to index
        %swap3A_159 = arith.constant 64 : index
        %swap3A_160 = tpu.vector_load %arg10[%swap3A_158, %swap3A_159] {strides = array<i32>} : memref<128x128xf32, #tpu.memory_space<vmem>>, vector<16xf32>,
        tpu.vector_store %arg10[%swap3A_158, %swap3A_159], %mul3A_157 {strides = array<i32>} : memref<128x128xf32, #tpu.memory_space<vmem>>, vector<16xf32>,
        %mul3A_161 = arith.mulf %unpack3A_156, %gather3A : vector<16xf32>
        %swap3A_162 = arith.index_cast %add3A_126 : i32 to index
        %swap3A_163 = arith.constant 80 : index
        %swap3A_164 = tpu.vector_load %arg10[%swap3A_162, %swap3A_163] {strides = array<i32>} : memref<128x128xf32, #tpu.memory_space<vmem>>, vector<16xf32>,
        tpu.vector_store %arg10[%swap3A_162, %swap3A_163], %mul3A_161 {strides = array<i32>} : memref<128x128xf32, #tpu.memory_space<vmem>>, vector<16xf32>,
        %get3A_165 = arith.index_cast %add3A_126 : i32 to index
        %get3A_166 = arith.constant 48 : index
        %get3A_167 = tpu.vector_load %arg9[%get3A_165, %get3A_166] {strides = array<i32>} : memref<128x64xf32, #tpu.memory_space<vmem>>, vector<16xf32>,
        %bitcast3A_168 = vector.bitcast %get3A_167 : vector<16xf32> to vector<32xbf16>
        %unpack3A_169 = tpu.unpack_subelements %bitcast3A_168, 0 {pack_format = #tpu.pack_format<interleaved>} : vector<32xbf16> -> vector<16xf32>
        %unpack3A_170 = tpu.unpack_subelements %bitcast3A_168, 1 {pack_format = #tpu.pack_format<interleaved>} : vector<32xbf16> -> vector<16xf32>
        %mul3A_171 = arith.mulf %unpack3A_169, %gather3A : vector<16xf32>
        %swap3A_172 = arith.index_cast %add3A_126 : i32 to index
        %swap3A_173 = arith.constant 96 : index
        %swap3A_174 = tpu.vector_load %arg10[%swap3A_172, %swap3A_173] {strides = array<i32>} : memref<128x128xf32, #tpu.memory_space<vmem>>, vector<16xf32>,
        tpu.vector_store %arg10[%swap3A_172, %swap3A_173], %mul3A_171 {strides = array<i32>} : memref<128x128xf32, #tpu.memory_space<vmem>>, vector<16xf32>,
        %mul3A_175 = arith.mulf %unpack3A_170, %gather3A : vector<16xf32>
        %swap3A_176 = arith.index_cast %add3A_126 : i32 to index
        %swap3A_177 = arith.constant 112 : index
        %swap3A_178 = tpu.vector_load %arg10[%swap3A_176, %swap3A_177] {strides = array<i32>} : memref<128x128xf32, #tpu.memory_space<vmem>>, vector<16xf32>,
        tpu.vector_store %arg10[%swap3A_176, %swap3A_177], %mul3A_175 {strides = array<i32>} : memref<128x128xf32, #tpu.memory_space<vmem>>, vector<16xf32>,
      }
      %scan3A_116 = arith.constant 128 : i32
      "tpu.region"() ({
        %run_scoped3A = tpu.sem_alloc : memref<!tpu.dma_semaphore, #tpu.memory_space<semaphore_mem>>
        %dma_start3A_122 = arith.constant 0 : i32
        %dma_start3A_123 = arith.constant 0 : i32
        %dma_start3A_124 = tpu.memref_slice %arg19[%dma_start3A_122, %dma_start3A_123] : memref<10240x128xf32, #tpu.memory_space<vmem_shared>> -> memref<10240x128xf32, #tpu.memory_space<vmem_shared>>
        tpu.enqueue_indirect_dma source(%arg10 : memref<128x128xf32, #tpu.memory_space<vmem>>) target(%dma_start3A_124 : memref<10240x128xf32, #tpu.memory_space<vmem_shared>>) offsets(%arg12 : memref<128xi32, #tpu.memory_space<vmem>>) semaphore(%run_scoped3A : memref<!tpu.dma_semaphore, #tpu.memory_space<semaphore_mem>>) {add = true}
        %dma_wait3A_125 = arith.constant 0 : i32
        %dma_wait3A_126 = arith.constant 0 : i32
        %dma_wait3A_127 = tpu.memref_slice %arg19[%dma_wait3A_125, %dma_wait3A_126] : memref<10240x128xf32, #tpu.memory_space<vmem_shared>> -> memref<10240x128xf32, #tpu.memory_space<vmem_shared>>
        tpu.wait_indirect_dma semaphore(%run_scoped3A : memref<!tpu.dma_semaphore, #tpu.memory_space<semaphore_mem>>) src(%arg10 : memref<128x128xf32, #tpu.memory_space<vmem>>) dst(%dma_wait3A_127 : memref<10240x128xf32, #tpu.memory_space<vmem_shared>>)
        tpu.yield
      }) : () -> ()
      %lt3A_117 = arith.constant 39 : i32
      %lt3A_118 = arith.cmpi slt, %add3A_65, %lt3A_117 : i32
      %convert_element_type3A_119 = arith.extui %lt3A_118 : i1 to i32
      %cond3A_120 = arith.constant 0 : i32
      %cond3A_121 = arith.cmpi ne, %convert_element_type3A_119, %cond3A_120 : i32
      scf.if %cond3A_121 {
        %add3A_122 = arith.constant 3 : i32
        %add3A_123 = arith.addi %mul3A_67, %add3A_122 : i32
        %dma_start3A_124 = arith.constant 0 : i32
        %dma_start3A_125 = tpu.memref_slice %arg7[%add3A_123, %dma_start3A_124] : memref<80x128xi32, #tpu.memory_space<vmem>> -> memref<1x128xi32, #tpu.memory_space<vmem>>
        %dma_start3A_126 = tpu.memref_squeeze %dma_start3A_125 : memref<1x128xi32, #tpu.memory_space<vmem>> -> memref<128xi32, #tpu.memory_space<vmem>>
        %dma_start3A_127 = arith.constant 0 : i32
        %dma_start3A_128 = arith.constant 0 : i32
        %dma_start3A_129 = tpu.memref_slice %arg2[%dma_start3A_127, %dma_start3A_128] : memref<10240x64xf32, #tpu.memory_space<hbm>> -> memref<10240x64xf32, #tpu.memory_space<hbm>>
        tpu.enqueue_indirect_dma source(%dma_start3A_129 : memref<10240x64xf32, #tpu.memory_space<hbm>>) target(%arg9 : memref<128x64xf32, #tpu.memory_space<vmem>>) offsets(%dma_start3A_126 : memref<128xi32, #tpu.memory_space<vmem>>) semaphore(%arg16 : memref<!tpu.dma_semaphore, #tpu.memory_space<semaphore_mem>>)
        %dma_start3A_130 = arith.constant 0 : i32
        %dma_start3A_131 = tpu.memref_slice %arg4[%add3A, %add3A_123, %dma_start3A_130] : memref<32x80x128xi32, #tpu.memory_space<hbm>> -> memref<1x1x128xi32, #tpu.memory_space<hbm>>
        %dma_start3A_132 = tpu.memref_squeeze %dma_start3A_131 : memref<1x1x128xi32, #tpu.memory_space<hbm>> -> memref<128xi32, #tpu.memory_space<hbm>>
        %dma_start3A_133 = arith.constant 0 : i32
        %dma_start3A_134 = tpu.memref_slice %arg4[%add3A, %add3A_123, %dma_start3A_133] : memref<32x80x128xi32, #tpu.memory_space<hbm>> -> memref<1x1x128xi32, #tpu.memory_space<hbm>>
        %dma_start3A_135 = tpu.memref_squeeze %dma_start3A_134 : memref<1x1x128xi32, #tpu.memory_space<hbm>> -> memref<128xi32, #tpu.memory_space<hbm>>
        tpu.enqueue_dma source(%dma_start3A_135 : memref<128xi32, #tpu.memory_space<hbm>>) target(%arg12 : memref<128xi32, #tpu.memory_space<vmem>>) target_semaphore(%arg18 : memref<!tpu.dma_semaphore, #tpu.memory_space<semaphore_mem>>)
        %dma_start3A_136 = arith.constant 0 : i32
        %dma_start3A_137 = tpu.memref_slice %arg5[%add3A, %add3A_123, %dma_start3A_136] : memref<32x80x128xf32, #tpu.memory_space<hbm>> -> memref<1x1x128xf32, #tpu.memory_space<hbm>>
        %dma_start3A_138 = tpu.memref_squeeze %dma_start3A_137 : memref<1x1x128xf32, #tpu.memory_space<hbm>> -> memref<128xf32, #tpu.memory_space<hbm>>
        %dma_start3A_139 = arith.constant 0 : i32
        %dma_start3A_140 = tpu.memref_slice %arg5[%add3A, %add3A_123, %dma_start3A_139] : memref<32x80x128xf32, #tpu.memory_space<hbm>> -> memref<1x1x128xf32, #tpu.memory_space<hbm>>
        %dma_start3A_141 = tpu.memref_squeeze %dma_start3A_140 : memref<1x1x128xf32, #tpu.memory_space<hbm>> -> memref<128xf32, #tpu.memory_space<hbm>>
        tpu.enqueue_dma source(%dma_start3A_141 : memref<128xf32, #tpu.memory_space<hbm>>) target(%arg14 : memref<128xf32, #tpu.memory_space<vmem>>) target_semaphore(%arg18 : memref<!tpu.dma_semaphore, #tpu.memory_space<semaphore_mem>>)
      } else {
      }
    }
    %scan3A_55 = arith.constant 40 : i32
    %barrier3A_56 = arith.constant 0 : index
    tpu.barrier barrier_id(%barrier3A_56)
    %mul3A_57 = arith.constant 640 : i32
    %mul3A_58 = arith.muli %arg1, %mul3A_57 : i32
    %mul3A_59 = arith.constant 640 : i32
    %mul3A_60 = arith.muli %arg1, %mul3A_59 : i32
    "tpu.region"() ({
      %run_scoped3A = tpu.sem_alloc : memref<!tpu.dma_semaphore, #tpu.memory_space<semaphore_mem>>
      %dma_start3A_61 = arith.constant 0 : i32
      %dma_start3A_62 = tpu.memref_slice %arg6[%arg0, %mul3A_60, %dma_start3A_61] : memref<2x10240x128xf32, #tpu.memory_space<hbm>> -> memref<1x640x128xf32, #tpu.memory_space<hbm>>
      %dma_start3A_63 = tpu.memref_squeeze %dma_start3A_62 : memref<1x640x128xf32, #tpu.memory_space<hbm>> -> memref<640x128xf32, #tpu.memory_space<hbm>>
      %dma_start3A_64 = arith.constant 0 : i32
      %dma_start3A_65 = tpu.memref_slice %arg19[%mul3A_58, %dma_start3A_64] : memref<10240x128xf32, #tpu.memory_space<vmem_shared>> -> memref<640x128xf32, #tpu.memory_space<vmem_shared>>
      tpu.enqueue_dma source(%dma_start3A_65 : memref<640x128xf32, #tpu.memory_space<vmem_shared>>) target(%dma_start3A_63 : memref<640x128xf32, #tpu.memory_space<hbm>>) target_semaphore(%run_scoped3A : memref<!tpu.dma_semaphore, #tpu.memory_space<semaphore_mem>>)
      %dma_wait3A = arith.constant 0 : i32
      %dma_wait3A_66 = tpu.memref_slice %arg6[%arg0, %mul3A_60, %dma_wait3A] : memref<2x10240x128xf32, #tpu.memory_space<hbm>> -> memref<1x640x128xf32, #tpu.memory_space<hbm>>
      %dma_wait3A_67 = tpu.memref_squeeze %dma_wait3A_66 : memref<1x640x128xf32, #tpu.memory_space<hbm>> -> memref<640x128xf32, #tpu.memory_space<hbm>>
      %dma_wait3A_68 = arith.constant 0 : i32
      %dma_wait3A_69 = tpu.memref_slice %arg19[%mul3A_58, %dma_wait3A_68] : memref<10240x128xf32, #tpu.memory_space<vmem_shared>> -> memref<640x128xf32, #tpu.memory_space<vmem_shared>>
      tpu.wait_dma2 semaphore(%run_scoped3A : memref<!tpu.dma_semaphore, #tpu.memory_space<semaphore_mem>>) src(%dma_wait3A_69 : memref<640x128xf32, #tpu.memory_space<vmem_shared>>) dst(%dma_wait3A_67 : memref<640x128xf32, #tpu.memory_space<hbm>>)
      tpu.yield
    }) : () -> ()
    return
  }
}

#map = affine_map<(d0, d1) -> (0, 0)>
#map1 = affine_map<(d0, d1) -> (0, 0, 0)>
module attributes {stable_mosaic.version = 14 : i64} {
  func.func @body(%arg0: i32, %arg1: i32, %arg2: memref<10240x64xf32, #tpu.memory_space<hbm>>, %arg3: memref<32x80x128xi32, #tpu.memory_space<hbm>>, %arg4: memref<32x80x128xi32, #tpu.memory_space<hbm>>, %arg5: memref<32x80x128xf32, #tpu.memory_space<hbm>>, %arg6: memref<2x10240x128xf32, #tpu.memory_space<hbm>>, %arg7: memref<80x128xi32, #tpu.memory_space<vmem>>, %arg8: memref<128x64xf32, #tpu.memory_space<vmem>>, %arg9: memref<128x64xf32, #tpu.memory_space<vmem>>, %arg10: memref<128x128xf32, #tpu.memory_space<vmem>>, %arg11: memref<128xi32, #tpu.memory_space<vmem>>, %arg12: memref<128xi32, #tpu.memory_space<vmem>>, %arg13: memref<128xf32, #tpu.memory_space<vmem>>, %arg14: memref<128xf32, #tpu.memory_space<vmem>>, %arg15: memref<!tpu.dma_semaphore, #tpu.memory_space<semaphore_mem>>, %arg16: memref<!tpu.dma_semaphore, #tpu.memory_space<semaphore_mem>>, %arg17: memref<!tpu.dma_semaphore, #tpu.memory_space<semaphore_mem>>, %arg18: memref<!tpu.dma_semaphore, #tpu.memory_space<semaphore_mem>>, %arg19: memref<10240x128xf32, #tpu.memory_space<vmem_shared>>) attributes {dimension_semantics = [#tpu.dimension_semantics<core_parallel>, #tpu.dimension_semantics<subcore_parallel>], iteration_bounds = array<i64: 2, 16>, scalar_prefetch = 0 : i64, scratch_operands = 13 : i64, tpu.core_type = #tpu.core_type<sc_vector_subcore>, window_params = [{transform_indices = #map}, {transform_indices = #map1}, {transform_indices = #map1}, {transform_indices = #map1}, {transform_indices = #map1}]} {
    %mul3A = arith.constant 2 : i32
    %mul3A_0 = arith.muli %arg1, %mul3A : i32
    %add3A = arith.addi %mul3A_0, %arg0 : i32
    "tpu.region"() ({
      %run_scoped3A = tpu.sem_alloc : memref<!tpu.dma_semaphore, #tpu.memory_space<semaphore_mem>>
      %dma_start3A_61 = arith.constant 0 : i32
      %dma_start3A_62 = arith.constant 0 : i32
      %dma_start3A_63 = tpu.memref_slice %arg3[%add3A, %dma_start3A_61, %dma_start3A_62] : memref<32x80x128xi32, #tpu.memory_space<hbm>> -> memref<1x80x128xi32, #tpu.memory_space<hbm>>
      %dma_start3A_64 = tpu.memref_squeeze %dma_start3A_63 : memref<1x80x128xi32, #tpu.memory_space<hbm>> -> memref<80x128xi32, #tpu.memory_space<hbm>>
      %dma_start3A_65 = arith.constant 0 : i32
      %dma_start3A_66 = arith.constant 0 : i32
      %dma_start3A_67 = tpu.memref_slice %arg3[%add3A, %dma_start3A_65, %dma_start3A_66] : memref<32x80x128xi32, #tpu.memory_space<hbm>> -> memref<1x80x128xi32, #tpu.memory_space<hbm>>
      %dma_start3A_68 = tpu.memref_squeeze %dma_start3A_67 : memref<1x80x128xi32, #tpu.memory_space<hbm>> -> memref<80x128xi32, #tpu.memory_space<hbm>>
      tpu.enqueue_dma source(%dma_start3A_68 : memref<80x128xi32, #tpu.memory_space<hbm>>) target(%arg7 : memref<80x128xi32, #tpu.memory_space<vmem>>) target_semaphore(%run_scoped3A : memref<!tpu.dma_semaphore, #tpu.memory_space<semaphore_mem>>)
      %dma_wait3A = arith.constant 0 : i32
      %dma_wait3A_69 = arith.constant 0 : i32
      %dma_wait3A_70 = tpu.memref_slice %arg3[%add3A, %dma_wait3A, %dma_wait3A_69] : memref<32x80x128xi32, #tpu.memory_space<hbm>> -> memref<1x80x128xi32, #tpu.memory_space<hbm>>
      %dma_wait3A_71 = tpu.memref_squeeze %dma_wait3A_70 : memref<1x80x128xi32, #tpu.memory_space<hbm>> -> memref<80x128xi32, #tpu.memory_space<hbm>>
      %dma_wait3A_72 = arith.constant 0 : i32
      %dma_wait3A_73 = arith.constant 0 : i32
      %dma_wait3A_74 = tpu.memref_slice %arg3[%add3A, %dma_wait3A_72, %dma_wait3A_73] : memref<32x80x128xi32, #tpu.memory_space<hbm>> -> memref<1x80x128xi32, #tpu.memory_space<hbm>>
      %dma_wait3A_75 = tpu.memref_squeeze %dma_wait3A_74 : memref<1x80x128xi32, #tpu.memory_space<hbm>> -> memref<80x128xi32, #tpu.memory_space<hbm>>
      tpu.wait_dma2 semaphore(%run_scoped3A : memref<!tpu.dma_semaphore, #tpu.memory_space<semaphore_mem>>) src(%dma_wait3A_75 : memref<80x128xi32, #tpu.memory_space<hbm>>) dst(%arg7 : memref<80x128xi32, #tpu.memory_space<vmem>>)
      tpu.yield
    }) : () -> ()
    %scan3A = arith.constant 0 : i32
    %scan3A_1 = arith.constant 128 : i32
    %scan3A_2 = arith.addi %scan3A, %scan3A_1 : i32
    %scan3A_3 = arith.constant 1 : i32
    scf.for %scan3A_61 = %scan3A to %scan3A_2 step %scan3A_3  : i32 {
      %mul3A_62 = arith.constant 1 : i32
      %mul3A_63 = arith.muli %scan3A_61, %mul3A_62 : i32
      %add3A_64 = arith.constant 0 : i32
      %add3A_65 = arith.addi %add3A_64, %mul3A_63 : i32
      %broadcast_in_dim3A = arith.constant 0.000000e+00 : f32
      %broadcast_in_dim3A_66 = vector.broadcast %broadcast_in_dim3A : f32 to vector<16xf32>
      %swap3A = arith.index_cast %add3A_65 : i32 to index
      %swap3A_67 = arith.constant 0 : index
      %swap3A_68 = tpu.vector_load %arg10[%swap3A, %swap3A_67] {strides = array<i32>} : memref<128x128xf32, #tpu.memory_space<vmem>>, vector<16xf32>,
      tpu.vector_store %arg10[%swap3A, %swap3A_67], %broadcast_in_dim3A_66 {strides = array<i32>} : memref<128x128xf32, #tpu.memory_space<vmem>>, vector<16xf32>,
      %broadcast_in_dim3A_69 = arith.constant 0.000000e+00 : f32
      %broadcast_in_dim3A_70 = vector.broadcast %broadcast_in_dim3A_69 : f32 to vector<16xf32>
      %swap3A_71 = arith.index_cast %add3A_65 : i32 to index
      %swap3A_72 = arith.constant 16 : index
      %swap3A_73 = tpu.vector_load %arg10[%swap3A_71, %swap3A_72] {strides = array<i32>} : memref<128x128xf32, #tpu.memory_space<vmem>>, vector<16xf32>,
      tpu.vector_store %arg10[%swap3A_71, %swap3A_72], %broadcast_in_dim3A_70 {strides = array<i32>} : memref<128x128xf32, #tpu.memory_space<vmem>>, vector<16xf32>,
      %broadcast_in_dim3A_74 = arith.constant 0.000000e+00 : f32
      %broadcast_in_dim3A_75 = vector.broadcast %broadcast_in_dim3A_74 : f32 to vector<16xf32>
      %swap3A_76 = arith.index_cast %add3A_65 : i32 to index
      %swap3A_77 = arith.constant 32 : index
      %swap3A_78 = tpu.vector_load %arg10[%swap3A_76, %swap3A_77] {strides = array<i32>} : memref<128x128xf32, #tpu.memory_space<vmem>>, vector<16xf32>,
      tpu.vector_store %arg10[%swap3A_76, %swap3A_77], %broadcast_in_dim3A_75 {strides = array<i32>} : memref<128x128xf32, #tpu.memory_space<vmem>>, vector<16xf32>,
      %broadcast_in_dim3A_79 = arith.constant 0.000000e+00 : f32
      %broadcast_in_dim3A_80 = vector.broadcast %broadcast_in_dim3A_79 : f32 to vector<16xf32>
      %swap3A_81 = arith.index_cast %add3A_65 : i32 to index
      %swap3A_82 = arith.constant 48 : index
      %swap3A_83 = tpu.vector_load %arg10[%swap3A_81, %swap3A_82] {strides = array<i32>} : memref<128x128xf32, #tpu.memory_space<vmem>>, vector<16xf32>,
      tpu.vector_store %arg10[%swap3A_81, %swap3A_82], %broadcast_in_dim3A_80 {strides = array<i32>} : memref<128x128xf32, #tpu.memory_space<vmem>>, vector<16xf32>,
      %broadcast_in_dim3A_84 = arith.constant 0.000000e+00 : f32
      %broadcast_in_dim3A_85 = vector.broadcast %broadcast_in_dim3A_84 : f32 to vector<16xf32>
      %swap3A_86 = arith.index_cast %add3A_65 : i32 to index
      %swap3A_87 = arith.constant 64 : index
      %swap3A_88 = tpu.vector_load %arg10[%swap3A_86, %swap3A_87] {strides = array<i32>} : memref<128x128xf32, #tpu.memory_space<vmem>>, vector<16xf32>,
      tpu.vector_store %arg10[%swap3A_86, %swap3A_87], %broadcast_in_dim3A_85 {strides = array<i32>} : memref<128x128xf32, #tpu.memory_space<vmem>>, vector<16xf32>,
      %broadcast_in_dim3A_89 = arith.constant 0.000000e+00 : f32
      %broadcast_in_dim3A_90 = vector.broadcast %broadcast_in_dim3A_89 : f32 to vector<16xf32>
      %swap3A_91 = arith.index_cast %add3A_65 : i32 to index
      %swap3A_92 = arith.constant 80 : index
      %swap3A_93 = tpu.vector_load %arg10[%swap3A_91, %swap3A_92] {strides = array<i32>} : memref<128x128xf32, #tpu.memory_space<vmem>>, vector<16xf32>,
      tpu.vector_store %arg10[%swap3A_91, %swap3A_92], %broadcast_in_dim3A_90 {strides = array<i32>} : memref<128x128xf32, #tpu.memory_space<vmem>>, vector<16xf32>,
      %broadcast_in_dim3A_94 = arith.constant 0.000000e+00 : f32
      %broadcast_in_dim3A_95 = vector.broadcast %broadcast_in_dim3A_94 : f32 to vector<16xf32>
      %swap3A_96 = arith.index_cast %add3A_65 : i32 to index
      %swap3A_97 = arith.constant 96 : index
      %swap3A_98 = tpu.vector_load %arg10[%swap3A_96, %swap3A_97] {strides = array<i32>} : memref<128x128xf32, #tpu.memory_space<vmem>>, vector<16xf32>,
      tpu.vector_store %arg10[%swap3A_96, %swap3A_97], %broadcast_in_dim3A_95 {strides = array<i32>} : memref<128x128xf32, #tpu.memory_space<vmem>>, vector<16xf32>,
      %broadcast_in_dim3A_99 = arith.constant 0.000000e+00 : f32
      %broadcast_in_dim3A_100 = vector.broadcast %broadcast_in_dim3A_99 : f32 to vector<16xf32>
      %swap3A_101 = arith.index_cast %add3A_65 : i32 to index
      %swap3A_102 = arith.constant 112 : index
      %swap3A_103 = tpu.vector_load %arg10[%swap3A_101, %swap3A_102] {strides = array<i32>} : memref<128x128xf32, #tpu.memory_space<vmem>>, vector<16xf32>,
      tpu.vector_store %arg10[%swap3A_101, %swap3A_102], %broadcast_in_dim3A_100 {strides = array<i32>} : memref<128x128xf32, #tpu.memory_space<vmem>>, vector<16xf32>,
    }
    %scan3A_4 = arith.constant 128 : i32
    %scan3A_5 = arith.constant 0 : i32
    %scan3A_6 = arith.constant 5 : i32
    %scan3A_7 = arith.addi %scan3A_5, %scan3A_6 : i32
    %scan3A_8 = arith.constant 1 : i32
    scf.for %scan3A_61 = %scan3A_5 to %scan3A_7 step %scan3A_8  : i32 {
      %mul3A_62 = arith.constant 1 : i32
      %mul3A_63 = arith.muli %scan3A_61, %mul3A_62 : i32
      %add3A_64 = arith.constant 0 : i32
      %add3A_65 = arith.addi %add3A_64, %mul3A_63 : i32
      %mul3A_66 = arith.constant 640 : i32
      %mul3A_67 = arith.muli %arg1, %mul3A_66 : i32
      %mul3A_68 = arith.constant 128 : i32
      %mul3A_69 = arith.muli %add3A_65, %mul3A_68 : i32
      %add3A_70 = arith.addi %mul3A_67, %mul3A_69 : i32
      "tpu.region"() ({
        %run_scoped3A = tpu.sem_alloc : memref<!tpu.dma_semaphore, #tpu.memory_space<semaphore_mem>>
        %dma_start3A_71 = arith.constant 0 : i32
        %dma_start3A_72 = tpu.memref_slice %arg19[%add3A_70, %dma_start3A_71] : memref<10240x128xf32, #tpu.memory_space<vmem_shared>> -> memref<128x128xf32, #tpu.memory_space<vmem_shared>>
        %dma_start3A_73 = arith.constant 0 : i32
        %dma_start3A_74 = tpu.memref_slice %arg19[%add3A_70, %dma_start3A_73] : memref<10240x128xf32, #tpu.memory_space<vmem_shared>> -> memref<128x128xf32, #tpu.memory_space<vmem_shared>>
        tpu.enqueue_dma source(%arg10 : memref<128x128xf32, #tpu.memory_space<vmem>>) target(%dma_start3A_74 : memref<128x128xf32, #tpu.memory_space<vmem_shared>>) target_semaphore(%run_scoped3A : memref<!tpu.dma_semaphore, #tpu.memory_space<semaphore_mem>>)
        %dma_wait3A = arith.constant 0 : i32
        %dma_wait3A_75 = tpu.memref_slice %arg19[%add3A_70, %dma_wait3A] : memref<10240x128xf32, #tpu.memory_space<vmem_shared>> -> memref<128x128xf32, #tpu.memory_space<vmem_shared>>
        %dma_wait3A_76 = arith.constant 0 : i32
        %dma_wait3A_77 = tpu.memref_slice %arg19[%add3A_70, %dma_wait3A_76] : memref<10240x128xf32, #tpu.memory_space<vmem_shared>> -> memref<128x128xf32, #tpu.memory_space<vmem_shared>>
        tpu.wait_dma2 semaphore(%run_scoped3A : memref<!tpu.dma_semaphore, #tpu.memory_space<semaphore_mem>>) src(%arg10 : memref<128x128xf32, #tpu.memory_space<vmem>>) dst(%dma_wait3A_77 : memref<128x128xf32, #tpu.memory_space<vmem_shared>>)
        tpu.yield
      }) : () -> ()
    }
    %scan3A_9 = arith.constant 5 : i32
    %barrier3A = arith.constant 0 : index
    tpu.barrier barrier_id(%barrier3A)
    %dma_start3A = arith.constant 0 : i32
    %dma_start3A_10 = arith.constant 0 : i32
    %dma_start3A_11 = tpu.memref_slice %arg7[%dma_start3A, %dma_start3A_10] : memref<80x128xi32, #tpu.memory_space<vmem>> -> memref<1x128xi32, #tpu.memory_space<vmem>>
    %dma_start3A_12 = tpu.memref_squeeze %dma_start3A_11 : memref<1x128xi32, #tpu.memory_space<vmem>> -> memref<128xi32, #tpu.memory_space<vmem>>
    %dma_start3A_13 = arith.constant 0 : i32
    %dma_start3A_14 = arith.constant 0 : i32
    %dma_start3A_15 = tpu.memref_slice %arg2[%dma_start3A_13, %dma_start3A_14] : memref<10240x64xf32, #tpu.memory_space<hbm>> -> memref<10240x64xf32, #tpu.memory_space<hbm>>
    tpu.enqueue_indirect_dma source(%dma_start3A_15 : memref<10240x64xf32, #tpu.memory_space<hbm>>) target(%arg8 : memref<128x64xf32, #tpu.memory_space<vmem>>) offsets(%dma_start3A_12 : memref<128xi32, #tpu.memory_space<vmem>>) semaphore(%arg15 : memref<!tpu.dma_semaphore, #tpu.memory_space<semaphore_mem>>)
    %dma_start3A_16 = arith.constant 0 : i32
    %dma_start3A_17 = arith.constant 0 : i32
    %dma_start3A_18 = tpu.memref_slice %arg4[%add3A, %dma_start3A_16, %dma_start3A_17] : memref<32x80x128xi32, #tpu.memory_space<hbm>> -> memref<1x1x128xi32, #tpu.memory_space<hbm>>
    %dma_start3A_19 = tpu.memref_squeeze %dma_start3A_18 : memref<1x1x128xi32, #tpu.memory_space<hbm>> -> memref<128xi32, #tpu.memory_space<hbm>>
    %dma_start3A_20 = arith.constant 0 : i32
    %dma_start3A_21 = tpu.memref_slice %arg4[%add3A, %dma_start3A_16, %dma_start3A_20] : memref<32x80x128xi32, #tpu.memory_space<hbm>> -> memref<1x1x128xi32, #tpu.memory_space<hbm>>
    %dma_start3A_22 = tpu.memref_squeeze %dma_start3A_21 : memref<1x1x128xi32, #tpu.memory_space<hbm>> -> memref<128xi32, #tpu.memory_space<hbm>>
    tpu.enqueue_dma source(%dma_start3A_22 : memref<128xi32, #tpu.memory_space<hbm>>) target(%arg11 : memref<128xi32, #tpu.memory_space<vmem>>) target_semaphore(%arg17 : memref<!tpu.dma_semaphore, #tpu.memory_space<semaphore_mem>>)
    %dma_start3A_23 = arith.constant 0 : i32
    %dma_start3A_24 = arith.constant 0 : i32
    %dma_start3A_25 = tpu.memref_slice %arg5[%add3A, %dma_start3A_23, %dma_start3A_24] : memref<32x80x128xf32, #tpu.memory_space<hbm>> -> memref<1x1x128xf32, #tpu.memory_space<hbm>>
    %dma_start3A_26 = tpu.memref_squeeze %dma_start3A_25 : memref<1x1x128xf32, #tpu.memory_space<hbm>> -> memref<128xf32, #tpu.memory_space<hbm>>
    %dma_start3A_27 = arith.constant 0 : i32
    %dma_start3A_28 = tpu.memref_slice %arg5[%add3A, %dma_start3A_23, %dma_start3A_27] : memref<32x80x128xf32, #tpu.memory_space<hbm>> -> memref<1x1x128xf32, #tpu.memory_space<hbm>>
    %dma_start3A_29 = tpu.memref_squeeze %dma_start3A_28 : memref<1x1x128xf32, #tpu.memory_space<hbm>> -> memref<128xf32, #tpu.memory_space<hbm>>
    tpu.enqueue_dma source(%dma_start3A_29 : memref<128xf32, #tpu.memory_space<hbm>>) target(%arg13 : memref<128xf32, #tpu.memory_space<vmem>>) target_semaphore(%arg17 : memref<!tpu.dma_semaphore, #tpu.memory_space<semaphore_mem>>)
    %dma_start3A_30 = arith.constant 1 : i32
    %dma_start3A_31 = arith.constant 0 : i32
    %dma_start3A_32 = tpu.memref_slice %arg7[%dma_start3A_30, %dma_start3A_31] : memref<80x128xi32, #tpu.memory_space<vmem>> -> memref<1x128xi32, #tpu.memory_space<vmem>>
    %dma_start3A_33 = tpu.memref_squeeze %dma_start3A_32 : memref<1x128xi32, #tpu.memory_space<vmem>> -> memref<128xi32, #tpu.memory_space<vmem>>
    %dma_start3A_34 = arith.constant 0 : i32
    %dma_start3A_35 = arith.constant 0 : i32
    %dma_start3A_36 = tpu.memref_slice %arg2[%dma_start3A_34, %dma_start3A_35] : memref<10240x64xf32, #tpu.memory_space<hbm>> -> memref<10240x64xf32, #tpu.memory_space<hbm>>
    tpu.enqueue_indirect_dma source(%dma_start3A_36 : memref<10240x64xf32, #tpu.memory_space<hbm>>) target(%arg9 : memref<128x64xf32, #tpu.memory_space<vmem>>) offsets(%dma_start3A_33 : memref<128xi32, #tpu.memory_space<vmem>>) semaphore(%arg16 : memref<!tpu.dma_semaphore, #tpu.memory_space<semaphore_mem>>)
    %dma_start3A_37 = arith.constant 1 : i32
    %dma_start3A_38 = arith.constant 0 : i32
    %dma_start3A_39 = tpu.memref_slice %arg4[%add3A, %dma_start3A_37, %dma_start3A_38] : memref<32x80x128xi32, #tpu.memory_space<hbm>> -> memref<1x1x128xi32, #tpu.memory_space<hbm>>
    %dma_start3A_40 = tpu.memref_squeeze %dma_start3A_39 : memref<1x1x128xi32, #tpu.memory_space<hbm>> -> memref<128xi32, #tpu.memory_space<hbm>>
    %dma_start3A_41 = arith.constant 0 : i32
    %dma_start3A_42 = tpu.memref_slice %arg4[%add3A, %dma_start3A_37, %dma_start3A_41] : memref<32x80x128xi32, #tpu.memory_space<hbm>> -> memref<1x1x128xi32, #tpu.memory_space<hbm>>
    %dma_start3A_43 = tpu.memref_squeeze %dma_start3A_42 : memref<1x1x128xi32, #tpu.memory_space<hbm>> -> memref<128xi32, #tpu.memory_space<hbm>>
    tpu.enqueue_dma source(%dma_start3A_43 : memref<128xi32, #tpu.memory_space<hbm>>) target(%arg12 : memref<128xi32, #tpu.memory_space<vmem>>) target_semaphore(%arg18 : memref<!tpu.dma_semaphore, #tpu.memory_space<semaphore_mem>>)
    %dma_start3A_44 = arith.constant 1 : i32
    %dma_start3A_45 = arith.constant 0 : i32
    %dma_start3A_46 = tpu.memref_slice %arg5[%add3A, %dma_start3A_44, %dma_start3A_45] : memref<32x80x128xf32, #tpu.memory_space<hbm>> -> memref<1x1x128xf32, #tpu.memory_space<hbm>>
    %dma_start3A_47 = tpu.memref_squeeze %dma_start3A_46 : memref<1x1x128xf32, #tpu.memory_space<hbm>> -> memref<128xf32, #tpu.memory_space<hbm>>
    %dma_start3A_48 = arith.constant 0 : i32
    %dma_start3A_49 = tpu.memref_slice %arg5[%add3A, %dma_start3A_44, %dma_start3A_48] : memref<32x80x128xf32, #tpu.memory_space<hbm>> -> memref<1x1x128xf32, #tpu.memory_space<hbm>>
    %dma_start3A_50 = tpu.memref_squeeze %dma_start3A_49 : memref<1x1x128xf32, #tpu.memory_space<hbm>> -> memref<128xf32, #tpu.memory_space<hbm>>
    tpu.enqueue_dma source(%dma_start3A_50 : memref<128xf32, #tpu.memory_space<hbm>>) target(%arg14 : memref<128xf32, #tpu.memory_space<vmem>>) target_semaphore(%arg18 : memref<!tpu.dma_semaphore, #tpu.memory_space<semaphore_mem>>)
    %scan3A_51 = arith.constant 0 : i32
    %scan3A_52 = arith.constant 40 : i32
    %scan3A_53 = arith.addi %scan3A_51, %scan3A_52 : i32
    %scan3A_54 = arith.constant 1 : i32
    scf.for %scan3A_61 = %scan3A_51 to %scan3A_53 step %scan3A_54  : i32 {
      %mul3A_62 = arith.constant 1 : i32
      %mul3A_63 = arith.muli %scan3A_61, %mul3A_62 : i32
      %add3A_64 = arith.constant 0 : i32
      %add3A_65 = arith.addi %add3A_64, %mul3A_63 : i32
      %mul3A_66 = arith.constant 2 : i32
      %mul3A_67 = arith.muli %mul3A_66, %add3A_65 : i32
      %dma_wait3A = arith.constant 0 : i32
      %dma_wait3A_68 = tpu.memref_slice %arg7[%mul3A_67, %dma_wait3A] : memref<80x128xi32, #tpu.memory_space<vmem>> -> memref<1x128xi32, #tpu.memory_space<vmem>>
      %dma_wait3A_69 = tpu.memref_squeeze %dma_wait3A_68 : memref<1x128xi32, #tpu.memory_space<vmem>> -> memref<128xi32, #tpu.memory_space<vmem>>
      %dma_wait3A_70 = arith.constant 0 : i32
      %dma_wait3A_71 = arith.constant 0 : i32
      %dma_wait3A_72 = tpu.memref_slice %arg2[%dma_wait3A_70, %dma_wait3A_71] : memref<10240x64xf32, #tpu.memory_space<hbm>> -> memref<10240x64xf32, #tpu.memory_space<hbm>>
      tpu.wait_indirect_dma semaphore(%arg15 : memref<!tpu.dma_semaphore, #tpu.memory_space<semaphore_mem>>) src(%dma_wait3A_72 : memref<10240x64xf32, #tpu.memory_space<hbm>>) dst(%arg8 : memref<128x64xf32, #tpu.memory_space<vmem>>)
      %dma_wait3A_73 = arith.constant 0 : i32
      %dma_wait3A_74 = tpu.memref_slice %arg4[%add3A, %mul3A_67, %dma_wait3A_73] : memref<32x80x128xi32, #tpu.memory_space<hbm>> -> memref<1x1x128xi32, #tpu.memory_space<hbm>>
      %dma_wait3A_75 = tpu.memref_squeeze %dma_wait3A_74 : memref<1x1x128xi32, #tpu.memory_space<hbm>> -> memref<128xi32, #tpu.memory_space<hbm>>
      %dma_wait3A_76 = arith.constant 0 : i32
      %dma_wait3A_77 = tpu.memref_slice %arg4[%add3A, %mul3A_67, %dma_wait3A_76] : memref<32x80x128xi32, #tpu.memory_space<hbm>> -> memref<1x1x128xi32, #tpu.memory_space<hbm>>
      %dma_wait3A_78 = tpu.memref_squeeze %dma_wait3A_77 : memref<1x1x128xi32, #tpu.memory_space<hbm>> -> memref<128xi32, #tpu.memory_space<hbm>>
      tpu.wait_dma2 semaphore(%arg17 : memref<!tpu.dma_semaphore, #tpu.memory_space<semaphore_mem>>) src(%dma_wait3A_78 : memref<128xi32, #tpu.memory_space<hbm>>) dst(%arg11 : memref<128xi32, #tpu.memory_space<vmem>>)
      %dma_wait3A_79 = arith.constant 0 : i32
      %dma_wait3A_80 = tpu.memref_slice %arg5[%add3A, %mul3A_67, %dma_wait3A_79] : memref<32x80x128xf32, #tpu.memory_space<hbm>> -> memref<1x1x128xf32, #tpu.memory_space<hbm>>
      %dma_wait3A_81 = tpu.memref_squeeze %dma_wait3A_80 : memref<1x1x128xf32, #tpu.memory_space<hbm>> -> memref<128xf32, #tpu.memory_space<hbm>>
      %dma_wait3A_82 = arith.constant 0 : i32
      %dma_wait3A_83 = tpu.memref_slice %arg5[%add3A, %mul3A_67, %dma_wait3A_82] : memref<32x80x128xf32, #tpu.memory_space<hbm>> -> memref<1x1x128xf32, #tpu.memory_space<hbm>>
      %dma_wait3A_84 = tpu.memref_squeeze %dma_wait3A_83 : memref<1x1x128xf32, #tpu.memory_space<hbm>> -> memref<128xf32, #tpu.memory_space<hbm>>
      tpu.wait_dma2 semaphore(%arg17 : memref<!tpu.dma_semaphore, #tpu.memory_space<semaphore_mem>>) src(%dma_wait3A_84 : memref<128xf32, #tpu.memory_space<hbm>>) dst(%arg13 : memref<128xf32, #tpu.memory_space<vmem>>)
      %scan3A_85 = arith.constant 0 : i32
      %scan3A_86 = arith.constant 128 : i32
      %scan3A_87 = arith.addi %scan3A_85, %scan3A_86 : i32
      %scan3A_88 = arith.constant 1 : i32
      scf.for %scan3A_122 = %scan3A_85 to %scan3A_87 step %scan3A_88  : i32 {
        %mul3A_123 = arith.constant 1 : i32
        %mul3A_124 = arith.muli %scan3A_122, %mul3A_123 : i32
        %add3A_125 = arith.constant 0 : i32
        %add3A_126 = arith.addi %add3A_125, %mul3A_124 : i32
        %broadcast_in_dim3A = vector.broadcast %add3A_126 : i32 to vector<16xi32>
        %gather3A = tpu.vector_load_idx %arg13[%broadcast_in_dim3A] : memref<128xf32, #tpu.memory_space<vmem>>[vector<16xi32>], vector<16xf32>,
        %get3A = arith.index_cast %add3A_126 : i32 to index
        %get3A_127 = arith.constant 0 : index
        %get3A_128 = tpu.vector_load %arg8[%get3A, %get3A_127] {strides = array<i32>} : memref<128x64xf32, #tpu.memory_space<vmem>>, vector<16xf32>,
        %bitcast3A = vector.bitcast %get3A_128 : vector<16xf32> to vector<32xbf16>
        %unpack3A = tpu.unpack_subelements %bitcast3A, 0 {pack_format = #tpu.pack_format<interleaved>} : vector<32xbf16> -> vector<16xf32>
        %unpack3A_129 = tpu.unpack_subelements %bitcast3A, 1 {pack_format = #tpu.pack_format<interleaved>} : vector<32xbf16> -> vector<16xf32>
        %mul3A_130 = arith.mulf %unpack3A, %gather3A : vector<16xf32>
        %swap3A = arith.index_cast %add3A_126 : i32 to index
        %swap3A_131 = arith.constant 0 : index
        %swap3A_132 = tpu.vector_load %arg10[%swap3A, %swap3A_131] {strides = array<i32>} : memref<128x128xf32, #tpu.memory_space<vmem>>, vector<16xf32>,
        tpu.vector_store %arg10[%swap3A, %swap3A_131], %mul3A_130 {strides = array<i32>} : memref<128x128xf32, #tpu.memory_space<vmem>>, vector<16xf32>,
        %mul3A_133 = arith.mulf %unpack3A_129, %gather3A : vector<16xf32>
        %swap3A_134 = arith.index_cast %add3A_126 : i32 to index
        %swap3A_135 = arith.constant 16 : index
        %swap3A_136 = tpu.vector_load %arg10[%swap3A_134, %swap3A_135] {strides = array<i32>} : memref<128x128xf32, #tpu.memory_space<vmem>>, vector<16xf32>,
        tpu.vector_store %arg10[%swap3A_134, %swap3A_135], %mul3A_133 {strides = array<i32>} : memref<128x128xf32, #tpu.memory_space<vmem>>, vector<16xf32>,
        %get3A_137 = arith.index_cast %add3A_126 : i32 to index
        %get3A_138 = arith.constant 16 : index
        %get3A_139 = tpu.vector_load %arg8[%get3A_137, %get3A_138] {strides = array<i32>} : memref<128x64xf32, #tpu.memory_space<vmem>>, vector<16xf32>,
        %bitcast3A_140 = vector.bitcast %get3A_139 : vector<16xf32> to vector<32xbf16>
        %unpack3A_141 = tpu.unpack_subelements %bitcast3A_140, 0 {pack_format = #tpu.pack_format<interleaved>} : vector<32xbf16> -> vector<16xf32>
        %unpack3A_142 = tpu.unpack_subelements %bitcast3A_140, 1 {pack_format = #tpu.pack_format<interleaved>} : vector<32xbf16> -> vector<16xf32>
        %mul3A_143 = arith.mulf %unpack3A_141, %gather3A : vector<16xf32>
        %swap3A_144 = arith.index_cast %add3A_126 : i32 to index
        %swap3A_145 = arith.constant 32 : index
        %swap3A_146 = tpu.vector_load %arg10[%swap3A_144, %swap3A_145] {strides = array<i32>} : memref<128x128xf32, #tpu.memory_space<vmem>>, vector<16xf32>,
        tpu.vector_store %arg10[%swap3A_144, %swap3A_145], %mul3A_143 {strides = array<i32>} : memref<128x128xf32, #tpu.memory_space<vmem>>, vector<16xf32>,
        %mul3A_147 = arith.mulf %unpack3A_142, %gather3A : vector<16xf32>
        %swap3A_148 = arith.index_cast %add3A_126 : i32 to index
        %swap3A_149 = arith.constant 48 : index
        %swap3A_150 = tpu.vector_load %arg10[%swap3A_148, %swap3A_149] {strides = array<i32>} : memref<128x128xf32, #tpu.memory_space<vmem>>, vector<16xf32>,
        tpu.vector_store %arg10[%swap3A_148, %swap3A_149], %mul3A_147 {strides = array<i32>} : memref<128x128xf32, #tpu.memory_space<vmem>>, vector<16xf32>,
        %get3A_151 = arith.index_cast %add3A_126 : i32 to index
        %get3A_152 = arith.constant 32 : index
        %get3A_153 = tpu.vector_load %arg8[%get3A_151, %get3A_152] {strides = array<i32>} : memref<128x64xf32, #tpu.memory_space<vmem>>, vector<16xf32>,
        %bitcast3A_154 = vector.bitcast %get3A_153 : vector<16xf32> to vector<32xbf16>
        %unpack3A_155 = tpu.unpack_subelements %bitcast3A_154, 0 {pack_format = #tpu.pack_format<interleaved>} : vector<32xbf16> -> vector<16xf32>
        %unpack3A_156 = tpu.unpack_subelements %bitcast3A_154, 1 {pack_format = #tpu.pack_format<interleaved>} : vector<32xbf16> -> vector<16xf32>
        %mul3A_157 = arith.mulf %unpack3A_155, %gather3A : vector<16xf32>
        %swap3A_158 = arith.index_cast %add3A_126 : i32 to index
        %swap3A_159 = arith.constant 64 : index
        %swap3A_160 = tpu.vector_load %arg10[%swap3A_158, %swap3A_159] {strides = array<i32>} : memref<128x128xf32, #tpu.memory_space<vmem>>, vector<16xf32>,
        tpu.vector_store %arg10[%swap3A_158, %swap3A_159], %mul3A_157 {strides = array<i32>} : memref<128x128xf32, #tpu.memory_space<vmem>>, vector<16xf32>,
        %mul3A_161 = arith.mulf %unpack3A_156, %gather3A : vector<16xf32>
        %swap3A_162 = arith.index_cast %add3A_126 : i32 to index
        %swap3A_163 = arith.constant 80 : index
        %swap3A_164 = tpu.vector_load %arg10[%swap3A_162, %swap3A_163] {strides = array<i32>} : memref<128x128xf32, #tpu.memory_space<vmem>>, vector<16xf32>,
        tpu.vector_store %arg10[%swap3A_162, %swap3A_163], %mul3A_161 {strides = array<i32>} : memref<128x128xf32, #tpu.memory_space<vmem>>, vector<16xf32>,
        %get3A_165 = arith.index_cast %add3A_126 : i32 to index
        %get3A_166 = arith.constant 48 : index
        %get3A_167 = tpu.vector_load %arg8[%get3A_165, %get3A_166] {strides = array<i32>} : memref<128x64xf32, #tpu.memory_space<vmem>>, vector<16xf32>,
        %bitcast3A_168 = vector.bitcast %get3A_167 : vector<16xf32> to vector<32xbf16>
        %unpack3A_169 = tpu.unpack_subelements %bitcast3A_168, 0 {pack_format = #tpu.pack_format<interleaved>} : vector<32xbf16> -> vector<16xf32>
        %unpack3A_170 = tpu.unpack_subelements %bitcast3A_168, 1 {pack_format = #tpu.pack_format<interleaved>} : vector<32xbf16> -> vector<16xf32>
        %mul3A_171 = arith.mulf %unpack3A_169, %gather3A : vector<16xf32>
        %swap3A_172 = arith.index_cast %add3A_126 : i32 to index
        %swap3A_173 = arith.constant 96 : index
        %swap3A_174 = tpu.vector_load %arg10[%swap3A_172, %swap3A_173] {strides = array<i32>} : memref<128x128xf32, #tpu.memory_space<vmem>>, vector<16xf32>,
        tpu.vector_store %arg10[%swap3A_172, %swap3A_173], %mul3A_171 {strides = array<i32>} : memref<128x128xf32, #tpu.memory_space<vmem>>, vector<16xf32>,
        %mul3A_175 = arith.mulf %unpack3A_170, %gather3A : vector<16xf32>
        %swap3A_176 = arith.index_cast %add3A_126 : i32 to index
        %swap3A_177 = arith.constant 112 : index
        %swap3A_178 = tpu.vector_load %arg10[%swap3A_176, %swap3A_177] {strides = array<i32>} : memref<128x128xf32, #tpu.memory_space<vmem>>, vector<16xf32>,
        tpu.vector_store %arg10[%swap3A_176, %swap3A_177], %mul3A_175 {strides = array<i32>} : memref<128x128xf32, #tpu.memory_space<vmem>>, vector<16xf32>,
      }
      %scan3A_89 = arith.constant 128 : i32
      "tpu.region"() ({
        %run_scoped3A = tpu.sem_alloc : memref<!tpu.dma_semaphore, #tpu.memory_space<semaphore_mem>>
        %dma_start3A_122 = arith.constant 0 : i32
        %dma_start3A_123 = arith.constant 0 : i32
        %dma_start3A_124 = tpu.memref_slice %arg19[%dma_start3A_122, %dma_start3A_123] : memref<10240x128xf32, #tpu.memory_space<vmem_shared>> -> memref<10240x128xf32, #tpu.memory_space<vmem_shared>>
        tpu.enqueue_indirect_dma source(%arg10 : memref<128x128xf32, #tpu.memory_space<vmem>>) target(%dma_start3A_124 : memref<10240x128xf32, #tpu.memory_space<vmem_shared>>) offsets(%arg11 : memref<128xi32, #tpu.memory_space<vmem>>) semaphore(%run_scoped3A : memref<!tpu.dma_semaphore, #tpu.memory_space<semaphore_mem>>) {add = true}
        %dma_wait3A_125 = arith.constant 0 : i32
        %dma_wait3A_126 = arith.constant 0 : i32
        %dma_wait3A_127 = tpu.memref_slice %arg19[%dma_wait3A_125, %dma_wait3A_126] : memref<10240x128xf32, #tpu.memory_space<vmem_shared>> -> memref<10240x128xf32, #tpu.memory_space<vmem_shared>>
        tpu.wait_indirect_dma semaphore(%run_scoped3A : memref<!tpu.dma_semaphore, #tpu.memory_space<semaphore_mem>>) src(%arg10 : memref<128x128xf32, #tpu.memory_space<vmem>>) dst(%dma_wait3A_127 : memref<10240x128xf32, #tpu.memory_space<vmem_shared>>)
        tpu.yield
      }) : () -> ()
      %lt3A = arith.constant 39 : i32
      %lt3A_90 = arith.cmpi slt, %add3A_65, %lt3A : i32
      %convert_element_type3A = arith.extui %lt3A_90 : i1 to i32
      %cond3A = arith.constant 0 : i32
      %cond3A_91 = arith.cmpi ne, %convert_element_type3A, %cond3A : i32
      scf.if %cond3A_91 {
        %add3A_122 = arith.constant 2 : i32
        %add3A_123 = arith.addi %mul3A_67, %add3A_122 : i32
        %dma_start3A_124 = arith.constant 0 : i32
        %dma_start3A_125 = tpu.memref_slice %arg7[%add3A_123, %dma_start3A_124] : memref<80x128xi32, #tpu.memory_space<vmem>> -> memref<1x128xi32, #tpu.memory_space<vmem>>
        %dma_start3A_126 = tpu.memref_squeeze %dma_start3A_125 : memref<1x128xi32, #tpu.memory_space<vmem>> -> memref<128xi32, #tpu.memory_space<vmem>>
        %dma_start3A_127 = arith.constant 0 : i32
        %dma_start3A_128 = arith.constant 0 : i32
        %dma_start3A_129 = tpu.memref_slice %arg2[%dma_start3A_127, %dma_start3A_128] : memref<10240x64xf32, #tpu.memory_space<hbm>> -> memref<10240x64xf32, #tpu.memory_space<hbm>>
        tpu.enqueue_indirect_dma source(%dma_start3A_129 : memref<10240x64xf32, #tpu.memory_space<hbm>>) target(%arg8 : memref<128x64xf32, #tpu.memory_space<vmem>>) offsets(%dma_start3A_126 : memref<128xi32, #tpu.memory_space<vmem>>) semaphore(%arg15 : memref<!tpu.dma_semaphore, #tpu.memory_space<semaphore_mem>>)
        %dma_start3A_130 = arith.constant 0 : i32
        %dma_start3A_131 = tpu.memref_slice %arg4[%add3A, %add3A_123, %dma_start3A_130] : memref<32x80x128xi32, #tpu.memory_space<hbm>> -> memref<1x1x128xi32, #tpu.memory_space<hbm>>
        %dma_start3A_132 = tpu.memref_squeeze %dma_start3A_131 : memref<1x1x128xi32, #tpu.memory_space<hbm>> -> memref<128xi32, #tpu.memory_space<hbm>>
        %dma_start3A_133 = arith.constant 0 : i32
        %dma_start3A_134 = tpu.memref_slice %arg4[%add3A, %add3A_123, %dma_start3A_133] : memref<32x80x128xi32, #tpu.memory_space<hbm>> -> memref<1x1x128xi32, #tpu.memory_space<hbm>>
        %dma_start3A_135 = tpu.memref_squeeze %dma_start3A_134 : memref<1x1x128xi32, #tpu.memory_space<hbm>> -> memref<128xi32, #tpu.memory_space<hbm>>
        tpu.enqueue_dma source(%dma_start3A_135 : memref<128xi32, #tpu.memory_space<hbm>>) target(%arg11 : memref<128xi32, #tpu.memory_space<vmem>>) target_semaphore(%arg17 : memref<!tpu.dma_semaphore, #tpu.memory_space<semaphore_mem>>)
        %dma_start3A_136 = arith.constant 0 : i32
        %dma_start3A_137 = tpu.memref_slice %arg5[%add3A, %add3A_123, %dma_start3A_136] : memref<32x80x128xf32, #tpu.memory_space<hbm>> -> memref<1x1x128xf32, #tpu.memory_space<hbm>>
        %dma_start3A_138 = tpu.memref_squeeze %dma_start3A_137 : memref<1x1x128xf32, #tpu.memory_space<hbm>> -> memref<128xf32, #tpu.memory_space<hbm>>
        %dma_start3A_139 = arith.constant 0 : i32
        %dma_start3A_140 = tpu.memref_slice %arg5[%add3A, %add3A_123, %dma_start3A_139] : memref<32x80x128xf32, #tpu.memory_space<hbm>> -> memref<1x1x128xf32, #tpu.memory_space<hbm>>
        %dma_start3A_141 = tpu.memref_squeeze %dma_start3A_140 : memref<1x1x128xf32, #tpu.memory_space<hbm>> -> memref<128xf32, #tpu.memory_space<hbm>>
        tpu.enqueue_dma source(%dma_start3A_141 : memref<128xf32, #tpu.memory_space<hbm>>) target(%arg13 : memref<128xf32, #tpu.memory_space<vmem>>) target_semaphore(%arg17 : memref<!tpu.dma_semaphore, #tpu.memory_space<semaphore_mem>>)
      } else {
      }
      %add3A_92 = arith.constant 1 : i32
      %add3A_93 = arith.addi %mul3A_67, %add3A_92 : i32
      %dma_wait3A_94 = arith.constant 0 : i32
      %dma_wait3A_95 = tpu.memref_slice %arg7[%add3A_93, %dma_wait3A_94] : memref<80x128xi32, #tpu.memory_space<vmem>> -> memref<1x128xi32, #tpu.memory_space<vmem>>
      %dma_wait3A_96 = tpu.memref_squeeze %dma_wait3A_95 : memref<1x128xi32, #tpu.memory_space<vmem>> -> memref<128xi32, #tpu.memory_space<vmem>>
      %dma_wait3A_97 = arith.constant 0 : i32
      %dma_wait3A_98 = arith.constant 0 : i32
      %dma_wait3A_99 = tpu.memref_slice %arg2[%dma_wait3A_97, %dma_wait3A_98] : memref<10240x64xf32, #tpu.memory_space<hbm>> -> memref<10240x64xf32, #tpu.memory_space<hbm>>
      tpu.wait_indirect_dma semaphore(%arg16 : memref<!tpu.dma_semaphore, #tpu.memory_space<semaphore_mem>>) src(%dma_wait3A_99 : memref<10240x64xf32, #tpu.memory_space<hbm>>) dst(%arg9 : memref<128x64xf32, #tpu.memory_space<vmem>>)
      %dma_wait3A_100 = arith.constant 0 : i32
      %dma_wait3A_101 = tpu.memref_slice %arg4[%add3A, %add3A_93, %dma_wait3A_100] : memref<32x80x128xi32, #tpu.memory_space<hbm>> -> memref<1x1x128xi32, #tpu.memory_space<hbm>>
      %dma_wait3A_102 = tpu.memref_squeeze %dma_wait3A_101 : memref<1x1x128xi32, #tpu.memory_space<hbm>> -> memref<128xi32, #tpu.memory_space<hbm>>
      %dma_wait3A_103 = arith.constant 0 : i32
      %dma_wait3A_104 = tpu.memref_slice %arg4[%add3A, %add3A_93, %dma_wait3A_103] : memref<32x80x128xi32, #tpu.memory_space<hbm>> -> memref<1x1x128xi32, #tpu.memory_space<hbm>>
      %dma_wait3A_105 = tpu.memref_squeeze %dma_wait3A_104 : memref<1x1x128xi32, #tpu.memory_space<hbm>> -> memref<128xi32, #tpu.memory_space<hbm>>
      tpu.wait_dma2 semaphore(%arg18 : memref<!tpu.dma_semaphore, #tpu.memory_space<semaphore_mem>>) src(%dma_wait3A_105 : memref<128xi32, #tpu.memory_space<hbm>>) dst(%arg12 : memref<128xi32, #tpu.memory_space<vmem>>)
      %dma_wait3A_106 = arith.constant 0 : i32
      %dma_wait3A_107 = tpu.memref_slice %arg5[%add3A, %add3A_93, %dma_wait3A_106] : memref<32x80x128xf32, #tpu.memory_space<hbm>> -> memref<1x1x128xf32, #tpu.memory_space<hbm>>
      %dma_wait3A_108 = tpu.memref_squeeze %dma_wait3A_107 : memref<1x1x128xf32, #tpu.memory_space<hbm>> -> memref<128xf32, #tpu.memory_space<hbm>>
      %dma_wait3A_109 = arith.constant 0 : i32
      %dma_wait3A_110 = tpu.memref_slice %arg5[%add3A, %add3A_93, %dma_wait3A_109] : memref<32x80x128xf32, #tpu.memory_space<hbm>> -> memref<1x1x128xf32, #tpu.memory_space<hbm>>
      %dma_wait3A_111 = tpu.memref_squeeze %dma_wait3A_110 : memref<1x1x128xf32, #tpu.memory_space<hbm>> -> memref<128xf32, #tpu.memory_space<hbm>>
      tpu.wait_dma2 semaphore(%arg18 : memref<!tpu.dma_semaphore, #tpu.memory_space<semaphore_mem>>) src(%dma_wait3A_111 : memref<128xf32, #tpu.memory_space<hbm>>) dst(%arg14 : memref<128xf32, #tpu.memory_space<vmem>>)
      %scan3A_112 = arith.constant 0 : i32
      %scan3A_113 = arith.constant 128 : i32
      %scan3A_114 = arith.addi %scan3A_112, %scan3A_113 : i32
      %scan3A_115 = arith.constant 1 : i32
      scf.for %scan3A_122 = %scan3A_112 to %scan3A_114 step %scan3A_115  : i32 {
        %mul3A_123 = arith.constant 1 : i32
        %mul3A_124 = arith.muli %scan3A_122, %mul3A_123 : i32
        %add3A_125 = arith.constant 0 : i32
        %add3A_126 = arith.addi %add3A_125, %mul3A_124 : i32
        %broadcast_in_dim3A = vector.broadcast %add3A_126 : i32 to vector<16xi32>
        %gather3A = tpu.vector_load_idx %arg14[%broadcast_in_dim3A] : memref<128xf32, #tpu.memory_space<vmem>>[vector<16xi32>], vector<16xf32>,
        %get3A = arith.index_cast %add3A_126 : i32 to index
        %get3A_127 = arith.constant 0 : index
        %get3A_128 = tpu.vector_load %arg9[%get3A, %get3A_127] {strides = array<i32>} : memref<128x64xf32, #tpu.memory_space<vmem>>, vector<16xf32>,
        %bitcast3A = vector.bitcast %get3A_128 : vector<16xf32> to vector<32xbf16>
        %unpack3A = tpu.unpack_subelements %bitcast3A, 0 {pack_format = #tpu.pack_format<interleaved>} : vector<32xbf16> -> vector<16xf32>
        %unpack3A_129 = tpu.unpack_subelements %bitcast3A, 1 {pack_format = #tpu.pack_format<interleaved>} : vector<32xbf16> -> vector<16xf32>
        %mul3A_130 = arith.mulf %unpack3A, %gather3A : vector<16xf32>
        %swap3A = arith.index_cast %add3A_126 : i32 to index
        %swap3A_131 = arith.constant 0 : index
        %swap3A_132 = tpu.vector_load %arg10[%swap3A, %swap3A_131] {strides = array<i32>} : memref<128x128xf32, #tpu.memory_space<vmem>>, vector<16xf32>,
        tpu.vector_store %arg10[%swap3A, %swap3A_131], %mul3A_130 {strides = array<i32>} : memref<128x128xf32, #tpu.memory_space<vmem>>, vector<16xf32>,
        %mul3A_133 = arith.mulf %unpack3A_129, %gather3A : vector<16xf32>
        %swap3A_134 = arith.index_cast %add3A_126 : i32 to index
        %swap3A_135 = arith.constant 16 : index
        %swap3A_136 = tpu.vector_load %arg10[%swap3A_134, %swap3A_135] {strides = array<i32>} : memref<128x128xf32, #tpu.memory_space<vmem>>, vector<16xf32>,
        tpu.vector_store %arg10[%swap3A_134, %swap3A_135], %mul3A_133 {strides = array<i32>} : memref<128x128xf32, #tpu.memory_space<vmem>>, vector<16xf32>,
        %get3A_137 = arith.index_cast %add3A_126 : i32 to index
        %get3A_138 = arith.constant 16 : index
        %get3A_139 = tpu.vector_load %arg9[%get3A_137, %get3A_138] {strides = array<i32>} : memref<128x64xf32, #tpu.memory_space<vmem>>, vector<16xf32>,
        %bitcast3A_140 = vector.bitcast %get3A_139 : vector<16xf32> to vector<32xbf16>
        %unpack3A_141 = tpu.unpack_subelements %bitcast3A_140, 0 {pack_format = #tpu.pack_format<interleaved>} : vector<32xbf16> -> vector<16xf32>
        %unpack3A_142 = tpu.unpack_subelements %bitcast3A_140, 1 {pack_format = #tpu.pack_format<interleaved>} : vector<32xbf16> -> vector<16xf32>
        %mul3A_143 = arith.mulf %unpack3A_141, %gather3A : vector<16xf32>
        %swap3A_144 = arith.index_cast %add3A_126 : i32 to index
        %swap3A_145 = arith.constant 32 : index
        %swap3A_146 = tpu.vector_load %arg10[%swap3A_144, %swap3A_145] {strides = array<i32>} : memref<128x128xf32, #tpu.memory_space<vmem>>, vector<16xf32>,
        tpu.vector_store %arg10[%swap3A_144, %swap3A_145], %mul3A_143 {strides = array<i32>} : memref<128x128xf32, #tpu.memory_space<vmem>>, vector<16xf32>,
        %mul3A_147 = arith.mulf %unpack3A_142, %gather3A : vector<16xf32>
        %swap3A_148 = arith.index_cast %add3A_126 : i32 to index
        %swap3A_149 = arith.constant 48 : index
        %swap3A_150 = tpu.vector_load %arg10[%swap3A_148, %swap3A_149] {strides = array<i32>} : memref<128x128xf32, #tpu.memory_space<vmem>>, vector<16xf32>,
        tpu.vector_store %arg10[%swap3A_148, %swap3A_149], %mul3A_147 {strides = array<i32>} : memref<128x128xf32, #tpu.memory_space<vmem>>, vector<16xf32>,
        %get3A_151 = arith.index_cast %add3A_126 : i32 to index
        %get3A_152 = arith.constant 32 : index
        %get3A_153 = tpu.vector_load %arg9[%get3A_151, %get3A_152] {strides = array<i32>} : memref<128x64xf32, #tpu.memory_space<vmem>>, vector<16xf32>,
        %bitcast3A_154 = vector.bitcast %get3A_153 : vector<16xf32> to vector<32xbf16>
        %unpack3A_155 = tpu.unpack_subelements %bitcast3A_154, 0 {pack_format = #tpu.pack_format<interleaved>} : vector<32xbf16> -> vector<16xf32>
        %unpack3A_156 = tpu.unpack_subelements %bitcast3A_154, 1 {pack_format = #tpu.pack_format<interleaved>} : vector<32xbf16> -> vector<16xf32>
        %mul3A_157 = arith.mulf %unpack3A_155, %gather3A : vector<16xf32>
        %swap3A_158 = arith.index_cast %add3A_126 : i32 to index
        %swap3A_159 = arith.constant 64 : index
        %swap3A_160 = tpu.vector_load %arg10[%swap3A_158, %swap3A_159] {strides = array<i32>} : memref<128x128xf32, #tpu.memory_space<vmem>>, vector<16xf32>,
        tpu.vector_store %arg10[%swap3A_158, %swap3A_159], %mul3A_157 {strides = array<i32>} : memref<128x128xf32, #tpu.memory_space<vmem>>, vector<16xf32>,
        %mul3A_161 = arith.mulf %unpack3A_156, %gather3A : vector<16xf32>
        %swap3A_162 = arith.index_cast %add3A_126 : i32 to index
        %swap3A_163 = arith.constant 80 : index
        %swap3A_164 = tpu.vector_load %arg10[%swap3A_162, %swap3A_163] {strides = array<i32>} : memref<128x128xf32, #tpu.memory_space<vmem>>, vector<16xf32>,
        tpu.vector_store %arg10[%swap3A_162, %swap3A_163], %mul3A_161 {strides = array<i32>} : memref<128x128xf32, #tpu.memory_space<vmem>>, vector<16xf32>,
        %get3A_165 = arith.index_cast %add3A_126 : i32 to index
        %get3A_166 = arith.constant 48 : index
        %get3A_167 = tpu.vector_load %arg9[%get3A_165, %get3A_166] {strides = array<i32>} : memref<128x64xf32, #tpu.memory_space<vmem>>, vector<16xf32>,
        %bitcast3A_168 = vector.bitcast %get3A_167 : vector<16xf32> to vector<32xbf16>
        %unpack3A_169 = tpu.unpack_subelements %bitcast3A_168, 0 {pack_format = #tpu.pack_format<interleaved>} : vector<32xbf16> -> vector<16xf32>
        %unpack3A_170 = tpu.unpack_subelements %bitcast3A_168, 1 {pack_format = #tpu.pack_format<interleaved>} : vector<32xbf16> -> vector<16xf32>
        %mul3A_171 = arith.mulf %unpack3A_169, %gather3A : vector<16xf32>
        %swap3A_172 = arith.index_cast %add3A_126 : i32 to index
        %swap3A_173 = arith.constant 96 : index
        %swap3A_174 = tpu.vector_load %arg10[%swap3A_172, %swap3A_173] {strides = array<i32>} : memref<128x128xf32, #tpu.memory_space<vmem>>, vector<16xf32>,
        tpu.vector_store %arg10[%swap3A_172, %swap3A_173], %mul3A_171 {strides = array<i32>} : memref<128x128xf32, #tpu.memory_space<vmem>>, vector<16xf32>,
        %mul3A_175 = arith.mulf %unpack3A_170, %gather3A : vector<16xf32>
        %swap3A_176 = arith.index_cast %add3A_126 : i32 to index
        %swap3A_177 = arith.constant 112 : index
        %swap3A_178 = tpu.vector_load %arg10[%swap3A_176, %swap3A_177] {strides = array<i32>} : memref<128x128xf32, #tpu.memory_space<vmem>>, vector<16xf32>,
        tpu.vector_store %arg10[%swap3A_176, %swap3A_177], %mul3A_175 {strides = array<i32>} : memref<128x128xf32, #tpu.memory_space<vmem>>, vector<16xf32>,
      }
      %scan3A_116 = arith.constant 128 : i32
      "tpu.region"() ({
        %run_scoped3A = tpu.sem_alloc : memref<!tpu.dma_semaphore, #tpu.memory_space<semaphore_mem>>
        %dma_start3A_122 = arith.constant 0 : i32
        %dma_start3A_123 = arith.constant 0 : i32
        %dma_start3A_124 = tpu.memref_slice %arg19[%dma_start3A_122, %dma_start3A_123] : memref<10240x128xf32, #tpu.memory_space<vmem_shared>> -> memref<10240x128xf32, #tpu.memory_space<vmem_shared>>
        tpu.enqueue_indirect_dma source(%arg10 : memref<128x128xf32, #tpu.memory_space<vmem>>) target(%dma_start3A_124 : memref<10240x128xf32, #tpu.memory_space<vmem_shared>>) offsets(%arg12 : memref<128xi32, #tpu.memory_space<vmem>>) semaphore(%run_scoped3A : memref<!tpu.dma_semaphore, #tpu.memory_space<semaphore_mem>>) {add = true}
        %dma_wait3A_125 = arith.constant 0 : i32
        %dma_wait3A_126 = arith.constant 0 : i32
        %dma_wait3A_127 = tpu.memref_slice %arg19[%dma_wait3A_125, %dma_wait3A_126] : memref<10240x128xf32, #tpu.memory_space<vmem_shared>> -> memref<10240x128xf32, #tpu.memory_space<vmem_shared>>
        tpu.wait_indirect_dma semaphore(%run_scoped3A : memref<!tpu.dma_semaphore, #tpu.memory_space<semaphore_mem>>) src(%arg10 : memref<128x128xf32, #tpu.memory_space<vmem>>) dst(%dma_wait3A_127 : memref<10240x128xf32, #tpu.memory_space<vmem_shared>>)
        tpu.yield
      }) : () -> ()
      %lt3A_117 = arith.constant 39 : i32
      %lt3A_118 = arith.cmpi slt, %add3A_65, %lt3A_117 : i32
      %convert_element_type3A_119 = arith.extui %lt3A_118 : i1 to i32
      %cond3A_120 = arith.constant 0 : i32
      %cond3A_121 = arith.cmpi ne, %convert_element_type3A_119, %cond3A_120 : i32
      scf.if %cond3A_121 {
        %add3A_122 = arith.constant 3 : i32
        %add3A_123 = arith.addi %mul3A_67, %add3A_122 : i32
        %dma_start3A_124 = arith.constant 0 : i32
        %dma_start3A_125 = tpu.memref_slice %arg7[%add3A_123, %dma_start3A_124] : memref<80x128xi32, #tpu.memory_space<vmem>> -> memref<1x128xi32, #tpu.memory_space<vmem>>
        %dma_start3A_126 = tpu.memref_squeeze %dma_start3A_125 : memref<1x128xi32, #tpu.memory_space<vmem>> -> memref<128xi32, #tpu.memory_space<vmem>>
        %dma_start3A_127 = arith.constant 0 : i32
        %dma_start3A_128 = arith.constant 0 : i32
        %dma_start3A_129 = tpu.memref_slice %arg2[%dma_start3A_127, %dma_start3A_128] : memref<10240x64xf32, #tpu.memory_space<hbm>> -> memref<10240x64xf32, #tpu.memory_space<hbm>>
        tpu.enqueue_indirect_dma source(%dma_start3A_129 : memref<10240x64xf32, #tpu.memory_space<hbm>>) target(%arg9 : memref<128x64xf32, #tpu.memory_space<vmem>>) offsets(%dma_start3A_126 : memref<128xi32, #tpu.memory_space<vmem>>) semaphore(%arg16 : memref<!tpu.dma_semaphore, #tpu.memory_space<semaphore_mem>>)
        %dma_start3A_130 = arith.constant 0 : i32
        %dma_start3A_131 = tpu.memref_slice %arg4[%add3A, %add3A_123, %dma_start3A_130] : memref<32x80x128xi32, #tpu.memory_space<hbm>> -> memref<1x1x128xi32, #tpu.memory_space<hbm>>
        %dma_start3A_132 = tpu.memref_squeeze %dma_start3A_131 : memref<1x1x128xi32, #tpu.memory_space<hbm>> -> memref<128xi32, #tpu.memory_space<hbm>>
        %dma_start3A_133 = arith.constant 0 : i32
        %dma_start3A_134 = tpu.memref_slice %arg4[%add3A, %add3A_123, %dma_start3A_133] : memref<32x80x128xi32, #tpu.memory_space<hbm>> -> memref<1x1x128xi32, #tpu.memory_space<hbm>>
        %dma_start3A_135 = tpu.memref_squeeze %dma_start3A_134 : memref<1x1x128xi32, #tpu.memory_space<hbm>> -> memref<128xi32, #tpu.memory_space<hbm>>
        tpu.enqueue_dma source(%dma_start3A_135 : memref<128xi32, #tpu.memory_space<hbm>>) target(%arg12 : memref<128xi32, #tpu.memory_space<vmem>>) target_semaphore(%arg18 : memref<!tpu.dma_semaphore, #tpu.memory_space<semaphore_mem>>)
        %dma_start3A_136 = arith.constant 0 : i32
        %dma_start3A_137 = tpu.memref_slice %arg5[%add3A, %add3A_123, %dma_start3A_136] : memref<32x80x128xf32, #tpu.memory_space<hbm>> -> memref<1x1x128xf32, #tpu.memory_space<hbm>>
        %dma_start3A_138 = tpu.memref_squeeze %dma_start3A_137 : memref<1x1x128xf32, #tpu.memory_space<hbm>> -> memref<128xf32, #tpu.memory_space<hbm>>
        %dma_start3A_139 = arith.constant 0 : i32
        %dma_start3A_140 = tpu.memref_slice %arg5[%add3A, %add3A_123, %dma_start3A_139] : memref<32x80x128xf32, #tpu.memory_space<hbm>> -> memref<1x1x128xf32, #tpu.memory_space<hbm>>
        %dma_start3A_141 = tpu.memref_squeeze %dma_start3A_140 : memref<1x1x128xf32, #tpu.memory_space<hbm>> -> memref<128xf32, #tpu.memory_space<hbm>>
        tpu.enqueue_dma source(%dma_start3A_141 : memref<128xf32, #tpu.memory_space<hbm>>) target(%arg14 : memref<128xf32, #tpu.memory_space<vmem>>) target_semaphore(%arg18 : memref<!tpu.dma_semaphore, #tpu.memory_space<semaphore_mem>>)
      } else {
      }
    }
    %scan3A_55 = arith.constant 40 : i32
    %barrier3A_56 = arith.constant 0 : index
    tpu.barrier barrier_id(%barrier3A_56)
    %mul3A_57 = arith.constant 640 : i32
    %mul3A_58 = arith.muli %arg1, %mul3A_57 : i32
    %mul3A_59 = arith.constant 640 : i32
    %mul3A_60 = arith.muli %arg1, %mul3A_59 : i32
    "tpu.region"() ({
      %run_scoped3A = tpu.sem_alloc : memref<!tpu.dma_semaphore, #tpu.memory_space<semaphore_mem>>
      %dma_start3A_61 = arith.constant 0 : i32
      %dma_start3A_62 = tpu.memref_slice %arg6[%arg0, %mul3A_60, %dma_start3A_61] : memref<2x10240x128xf32, #tpu.memory_space<hbm>> -> memref<1x640x128xf32, #tpu.memory_space<hbm>>
      %dma_start3A_63 = tpu.memref_squeeze %dma_start3A_62 : memref<1x640x128xf32, #tpu.memory_space<hbm>> -> memref<640x128xf32, #tpu.memory_space<hbm>>
      %dma_start3A_64 = arith.constant 0 : i32
      %dma_start3A_65 = tpu.memref_slice %arg19[%mul3A_58, %dma_start3A_64] : memref<10240x128xf32, #tpu.memory_space<vmem_shared>> -> memref<640x128xf32, #tpu.memory_space<vmem_shared>>
      tpu.enqueue_dma source(%dma_start3A_65 : memref<640x128xf32, #tpu.memory_space<vmem_shared>>) target(%dma_start3A_63 : memref<640x128xf32, #tpu.memory_space<hbm>>) target_semaphore(%run_scoped3A : memref<!tpu.dma_semaphore, #tpu.memory_space<semaphore_mem>>)
      %dma_wait3A = arith.constant 0 : i32
      %dma_wait3A_66 = tpu.memref_slice %arg6[%arg0, %mul3A_60, %dma_wait3A] : memref<2x10240x128xf32, #tpu.memory_space<hbm>> -> memref<1x640x128xf32, #tpu.memory_space<hbm>>
      %dma_wait3A_67 = tpu.memref_squeeze %dma_wait3A_66 : memref<1x640x128xf32, #tpu.memory_space<hbm>> -> memref<640x128xf32, #tpu.memory_space<hbm>>
      %dma_wait3A_68 = arith.constant 0 : i32
      %dma_wait3A_69 = tpu.memref_slice %arg19[%mul3A_58, %dma_wait3A_68] : memref<10240x128xf32, #tpu.memory_space<vmem_shared>> -> memref<640x128xf32, #tpu.memory_space<vmem_shared>>
      tpu.wait_dma2 semaphore(%run_scoped3A : memref<!tpu.dma_semaphore, #tpu.memory_space<semaphore_mem>>) src(%dma_wait3A_69 : memref<640x128xf32, #tpu.memory_space<vmem_shared>>) dst(%dma_wait3A_67 : memref<640x128xf32, #tpu.memory_space<hbm>>)
      tpu.yield
    }) : () -> ()
    return
  }
}

#map = affine_map<(d0, d1) -> (0, 0, 0)>
#map1 = affine_map<(d0, d1) -> (0, 0)>
module attributes {stable_mosaic.version = 14 : i64} {
  func.func @body(%arg0: i32, %arg1: i32, %arg2: memref<32x80x128xi32, #tpu.memory_space<hbm>>, %arg3: memref<32x80x128xf32, #tpu.memory_space<hbm>>, %arg4: memref<2x10240xf32, #tpu.memory_space<hbm>>, %arg5: memref<80x128xi32, #tpu.memory_space<vmem>>, %arg6: memref<80x128xf32, #tpu.memory_space<vmem>>, %arg7: memref<128xf32, #tpu.memory_space<vmem>>, %arg8: memref<10240xf32, #tpu.memory_space<vmem_shared>>, %arg9: memref<!tpu.dma_semaphore, #tpu.memory_space<semaphore_mem>>) attributes {dimension_semantics = [#tpu.dimension_semantics<core_parallel>, #tpu.dimension_semantics<subcore_parallel>], iteration_bounds = array<i64: 2, 16>, scalar_prefetch = 0 : i64, scratch_operands = 5 : i64, tpu.core_type = #tpu.core_type<sc_vector_subcore>, window_params = [{transform_indices = #map}, {transform_indices = #map}, {transform_indices = #map1}]} {
    %mul3A = arith.constant 2 : i32
    %mul3A_0 = arith.muli %arg1, %mul3A : i32
    %add3A = arith.addi %mul3A_0, %arg0 : i32
    "tpu.region"() ({
      %run_scoped3A = tpu.sem_alloc : memref<!tpu.dma_semaphore, #tpu.memory_space<semaphore_mem>>
      %dma_start3A = arith.constant 0 : i32
      %dma_start3A_20 = arith.constant 0 : i32
      %dma_start3A_21 = tpu.memref_slice %arg2[%add3A, %dma_start3A, %dma_start3A_20] : memref<32x80x128xi32, #tpu.memory_space<hbm>> -> memref<1x80x128xi32, #tpu.memory_space<hbm>>
      %dma_start3A_22 = tpu.memref_squeeze %dma_start3A_21 : memref<1x80x128xi32, #tpu.memory_space<hbm>> -> memref<80x128xi32, #tpu.memory_space<hbm>>
      %dma_start3A_23 = arith.constant 0 : i32
      %dma_start3A_24 = arith.constant 0 : i32
      %dma_start3A_25 = tpu.memref_slice %arg2[%add3A, %dma_start3A_23, %dma_start3A_24] : memref<32x80x128xi32, #tpu.memory_space<hbm>> -> memref<1x80x128xi32, #tpu.memory_space<hbm>>
      %dma_start3A_26 = tpu.memref_squeeze %dma_start3A_25 : memref<1x80x128xi32, #tpu.memory_space<hbm>> -> memref<80x128xi32, #tpu.memory_space<hbm>>
      tpu.enqueue_dma source(%dma_start3A_26 : memref<80x128xi32, #tpu.memory_space<hbm>>) target(%arg5 : memref<80x128xi32, #tpu.memory_space<vmem>>) target_semaphore(%run_scoped3A : memref<!tpu.dma_semaphore, #tpu.memory_space<semaphore_mem>>)
      %dma_wait3A = arith.constant 0 : i32
      %dma_wait3A_27 = arith.constant 0 : i32
      %dma_wait3A_28 = tpu.memref_slice %arg2[%add3A, %dma_wait3A, %dma_wait3A_27] : memref<32x80x128xi32, #tpu.memory_space<hbm>> -> memref<1x80x128xi32, #tpu.memory_space<hbm>>
      %dma_wait3A_29 = tpu.memref_squeeze %dma_wait3A_28 : memref<1x80x128xi32, #tpu.memory_space<hbm>> -> memref<80x128xi32, #tpu.memory_space<hbm>>
      %dma_wait3A_30 = arith.constant 0 : i32
      %dma_wait3A_31 = arith.constant 0 : i32
      %dma_wait3A_32 = tpu.memref_slice %arg2[%add3A, %dma_wait3A_30, %dma_wait3A_31] : memref<32x80x128xi32, #tpu.memory_space<hbm>> -> memref<1x80x128xi32, #tpu.memory_space<hbm>>
      %dma_wait3A_33 = tpu.memref_squeeze %dma_wait3A_32 : memref<1x80x128xi32, #tpu.memory_space<hbm>> -> memref<80x128xi32, #tpu.memory_space<hbm>>
      tpu.wait_dma2 semaphore(%run_scoped3A : memref<!tpu.dma_semaphore, #tpu.memory_space<semaphore_mem>>) src(%dma_wait3A_33 : memref<80x128xi32, #tpu.memory_space<hbm>>) dst(%arg5 : memref<80x128xi32, #tpu.memory_space<vmem>>)
      tpu.yield
    }) : () -> ()
    "tpu.region"() ({
      %run_scoped3A = tpu.sem_alloc : memref<!tpu.dma_semaphore, #tpu.memory_space<semaphore_mem>>
      %dma_start3A = arith.constant 0 : i32
      %dma_start3A_20 = arith.constant 0 : i32
      %dma_start3A_21 = tpu.memref_slice %arg3[%add3A, %dma_start3A, %dma_start3A_20] : memref<32x80x128xf32, #tpu.memory_space<hbm>> -> memref<1x80x128xf32, #tpu.memory_space<hbm>>
      %dma_start3A_22 = tpu.memref_squeeze %dma_start3A_21 : memref<1x80x128xf32, #tpu.memory_space<hbm>> -> memref<80x128xf32, #tpu.memory_space<hbm>>
      %dma_start3A_23 = arith.constant 0 : i32
      %dma_start3A_24 = arith.constant 0 : i32
      %dma_start3A_25 = tpu.memref_slice %arg3[%add3A, %dma_start3A_23, %dma_start3A_24] : memref<32x80x128xf32, #tpu.memory_space<hbm>> -> memref<1x80x128xf32, #tpu.memory_space<hbm>>
      %dma_start3A_26 = tpu.memref_squeeze %dma_start3A_25 : memref<1x80x128xf32, #tpu.memory_space<hbm>> -> memref<80x128xf32, #tpu.memory_space<hbm>>
      tpu.enqueue_dma source(%dma_start3A_26 : memref<80x128xf32, #tpu.memory_space<hbm>>) target(%arg6 : memref<80x128xf32, #tpu.memory_space<vmem>>) target_semaphore(%run_scoped3A : memref<!tpu.dma_semaphore, #tpu.memory_space<semaphore_mem>>)
      %dma_wait3A = arith.constant 0 : i32
      %dma_wait3A_27 = arith.constant 0 : i32
      %dma_wait3A_28 = tpu.memref_slice %arg3[%add3A, %dma_wait3A, %dma_wait3A_27] : memref<32x80x128xf32, #tpu.memory_space<hbm>> -> memref<1x80x128xf32, #tpu.memory_space<hbm>>
      %dma_wait3A_29 = tpu.memref_squeeze %dma_wait3A_28 : memref<1x80x128xf32, #tpu.memory_space<hbm>> -> memref<80x128xf32, #tpu.memory_space<hbm>>
      %dma_wait3A_30 = arith.constant 0 : i32
      %dma_wait3A_31 = arith.constant 0 : i32
      %dma_wait3A_32 = tpu.memref_slice %arg3[%add3A, %dma_wait3A_30, %dma_wait3A_31] : memref<32x80x128xf32, #tpu.memory_space<hbm>> -> memref<1x80x128xf32, #tpu.memory_space<hbm>>
      %dma_wait3A_33 = tpu.memref_squeeze %dma_wait3A_32 : memref<1x80x128xf32, #tpu.memory_space<hbm>> -> memref<80x128xf32, #tpu.memory_space<hbm>>
      tpu.wait_dma2 semaphore(%run_scoped3A : memref<!tpu.dma_semaphore, #tpu.memory_space<semaphore_mem>>) src(%dma_wait3A_33 : memref<80x128xf32, #tpu.memory_space<hbm>>) dst(%arg6 : memref<80x128xf32, #tpu.memory_space<vmem>>)
      tpu.yield
    }) : () -> ()
    %scan3A = arith.constant 0 : i32
    %scan3A_1 = arith.constant 8 : i32
    %scan3A_2 = arith.addi %scan3A, %scan3A_1 : i32
    %scan3A_3 = arith.constant 1 : i32
    scf.for %scan3A_20 = %scan3A to %scan3A_2 step %scan3A_3  : i32 {
      %mul3A_21 = arith.constant 1 : i32
      %mul3A_22 = arith.muli %scan3A_20, %mul3A_21 : i32
      %add3A_23 = arith.constant 0 : i32
      %add3A_24 = arith.addi %add3A_23, %mul3A_22 : i32
      %broadcast_in_dim3A = arith.constant 0.000000e+00 : f32
      %broadcast_in_dim3A_25 = vector.broadcast %broadcast_in_dim3A : f32 to vector<16xf32>
      %mul3A_26 = arith.constant 16 : i32
      %mul3A_27 = arith.muli %add3A_24, %mul3A_26 : i32
      %swap3A = arith.index_cast %mul3A_27 : i32 to index
      %swap3A_28 = tpu.vector_load %arg7[%swap3A] {strides = array<i32>} : memref<128xf32, #tpu.memory_space<vmem>>, vector<16xf32>,
      tpu.vector_store %arg7[%swap3A], %broadcast_in_dim3A_25 {strides = array<i32>} : memref<128xf32, #tpu.memory_space<vmem>>, vector<16xf32>,
    }
    %scan3A_4 = arith.constant 8 : i32
    %scan3A_5 = arith.constant 0 : i32
    %scan3A_6 = arith.constant 5 : i32
    %scan3A_7 = arith.addi %scan3A_5, %scan3A_6 : i32
    %scan3A_8 = arith.constant 1 : i32
    scf.for %scan3A_20 = %scan3A_5 to %scan3A_7 step %scan3A_8  : i32 {
      %mul3A_21 = arith.constant 1 : i32
      %mul3A_22 = arith.muli %scan3A_20, %mul3A_21 : i32
      %add3A_23 = arith.constant 0 : i32
      %add3A_24 = arith.addi %add3A_23, %mul3A_22 : i32
      %mul3A_25 = arith.constant 640 : i32
      %mul3A_26 = arith.muli %arg1, %mul3A_25 : i32
      %mul3A_27 = arith.constant 128 : i32
      %mul3A_28 = arith.muli %add3A_24, %mul3A_27 : i32
      %add3A_29 = arith.addi %mul3A_26, %mul3A_28 : i32
      "tpu.region"() ({
        %run_scoped3A = tpu.sem_alloc : memref<!tpu.dma_semaphore, #tpu.memory_space<semaphore_mem>>
        %dma_start3A = tpu.memref_slice %arg8[%add3A_29] : memref<10240xf32, #tpu.memory_space<vmem_shared>> -> memref<128xf32, #tpu.memory_space<vmem_shared>>
        %dma_start3A_30 = tpu.memref_slice %arg8[%add3A_29] : memref<10240xf32, #tpu.memory_space<vmem_shared>> -> memref<128xf32, #tpu.memory_space<vmem_shared>>
        tpu.enqueue_dma source(%arg7 : memref<128xf32, #tpu.memory_space<vmem>>) target(%dma_start3A_30 : memref<128xf32, #tpu.memory_space<vmem_shared>>) target_semaphore(%run_scoped3A : memref<!tpu.dma_semaphore, #tpu.memory_space<semaphore_mem>>)
        %dma_wait3A = tpu.memref_slice %arg8[%add3A_29] : memref<10240xf32, #tpu.memory_space<vmem_shared>> -> memref<128xf32, #tpu.memory_space<vmem_shared>>
        %dma_wait3A_31 = tpu.memref_slice %arg8[%add3A_29] : memref<10240xf32, #tpu.memory_space<vmem_shared>> -> memref<128xf32, #tpu.memory_space<vmem_shared>>
        tpu.wait_dma2 semaphore(%run_scoped3A : memref<!tpu.dma_semaphore, #tpu.memory_space<semaphore_mem>>) src(%arg7 : memref<128xf32, #tpu.memory_space<vmem>>) dst(%dma_wait3A_31 : memref<128xf32, #tpu.memory_space<vmem_shared>>)
        tpu.yield
      }) : () -> ()
    }
    %scan3A_9 = arith.constant 5 : i32
    %barrier3A = arith.constant 0 : index
    tpu.barrier barrier_id(%barrier3A)
    %scan3A_10 = arith.constant 0 : i32
    %scan3A_11 = arith.constant 80 : i32
    %scan3A_12 = arith.addi %scan3A_10, %scan3A_11 : i32
    %scan3A_13 = arith.constant 1 : i32
    scf.for %scan3A_20 = %scan3A_10 to %scan3A_12 step %scan3A_13  : i32 {
      %mul3A_21 = arith.constant 1 : i32
      %mul3A_22 = arith.muli %scan3A_20, %mul3A_21 : i32
      %add3A_23 = arith.constant 0 : i32
      %add3A_24 = arith.addi %add3A_23, %mul3A_22 : i32
      "tpu.region"() ({
        %run_scoped3A = tpu.sem_alloc : memref<!tpu.dma_semaphore, #tpu.memory_space<semaphore_mem>>
        %dma_start3A = arith.constant 0 : i32
        %dma_start3A_25 = tpu.memref_slice %arg6[%add3A_24, %dma_start3A] : memref<80x128xf32, #tpu.memory_space<vmem>> -> memref<1x128xf32, #tpu.memory_space<vmem>>
        %dma_start3A_26 = tpu.memref_squeeze %dma_start3A_25 : memref<1x128xf32, #tpu.memory_space<vmem>> -> memref<128xf32, #tpu.memory_space<vmem>>
        %dma_start3A_27 = arith.constant 0 : i32
        %dma_start3A_28 = tpu.memref_slice %arg5[%add3A_24, %dma_start3A_27] : memref<80x128xi32, #tpu.memory_space<vmem>> -> memref<1x128xi32, #tpu.memory_space<vmem>>
        %dma_start3A_29 = tpu.memref_squeeze %dma_start3A_28 : memref<1x128xi32, #tpu.memory_space<vmem>> -> memref<128xi32, #tpu.memory_space<vmem>>
        %dma_start3A_30 = arith.constant 0 : i32
        %dma_start3A_31 = tpu.memref_slice %arg8[%dma_start3A_30] : memref<10240xf32, #tpu.memory_space<vmem_shared>> -> memref<10240xf32, #tpu.memory_space<vmem_shared>>
        tpu.enqueue_indirect_dma source(%dma_start3A_26 : memref<128xf32, #tpu.memory_space<vmem>>) target(%dma_start3A_31 : memref<10240xf32, #tpu.memory_space<vmem_shared>>) offsets(%dma_start3A_29 : memref<128xi32, #tpu.memory_space<vmem>>) semaphore(%run_scoped3A : memref<!tpu.dma_semaphore, #tpu.memory_space<semaphore_mem>>) {add = true}
        %dma_wait3A = arith.constant 0 : i32
        %dma_wait3A_32 = tpu.memref_slice %arg6[%add3A_24, %dma_wait3A] : memref<80x128xf32, #tpu.memory_space<vmem>> -> memref<1x128xf32, #tpu.memory_space<vmem>>
        %dma_wait3A_33 = tpu.memref_squeeze %dma_wait3A_32 : memref<1x128xf32, #tpu.memory_space<vmem>> -> memref<128xf32, #tpu.memory_space<vmem>>
        %dma_wait3A_34 = arith.constant 0 : i32
        %dma_wait3A_35 = tpu.memref_slice %arg5[%add3A_24, %dma_wait3A_34] : memref<80x128xi32, #tpu.memory_space<vmem>> -> memref<1x128xi32, #tpu.memory_space<vmem>>
        %dma_wait3A_36 = tpu.memref_squeeze %dma_wait3A_35 : memref<1x128xi32, #tpu.memory_space<vmem>> -> memref<128xi32, #tpu.memory_space<vmem>>
        %dma_wait3A_37 = arith.constant 0 : i32
        %dma_wait3A_38 = tpu.memref_slice %arg8[%dma_wait3A_37] : memref<10240xf32, #tpu.memory_space<vmem_shared>> -> memref<10240xf32, #tpu.memory_space<vmem_shared>>
        tpu.wait_indirect_dma semaphore(%run_scoped3A : memref<!tpu.dma_semaphore, #tpu.memory_space<semaphore_mem>>) src(%dma_wait3A_33 : memref<128xf32, #tpu.memory_space<vmem>>) dst(%dma_wait3A_38 : memref<10240xf32, #tpu.memory_space<vmem_shared>>)
        tpu.yield
      }) : () -> ()
    }
    %scan3A_14 = arith.constant 80 : i32
    %barrier3A_15 = arith.constant 0 : index
    tpu.barrier barrier_id(%barrier3A_15)
    %mul3A_16 = arith.constant 640 : i32
    %mul3A_17 = arith.muli %arg1, %mul3A_16 : i32
    %mul3A_18 = arith.constant 640 : i32
    %mul3A_19 = arith.muli %arg1, %mul3A_18 : i32
    "tpu.region"() ({
      %run_scoped3A = tpu.sem_alloc : memref<!tpu.dma_semaphore, #tpu.memory_space<semaphore_mem>>
      %dma_start3A = tpu.memref_slice %arg4[%arg0, %mul3A_19] : memref<2x10240xf32, #tpu.memory_space<hbm>> -> memref<1x640xf32, #tpu.memory_space<hbm>>
      %dma_start3A_20 = tpu.memref_squeeze %dma_start3A : memref<1x640xf32, #tpu.memory_space<hbm>> -> memref<640xf32, #tpu.memory_space<hbm>>
      %dma_start3A_21 = tpu.memref_slice %arg8[%mul3A_17] : memref<10240xf32, #tpu.memory_space<vmem_shared>> -> memref<640xf32, #tpu.memory_space<vmem_shared>>
      tpu.enqueue_dma source(%dma_start3A_21 : memref<640xf32, #tpu.memory_space<vmem_shared>>) target(%dma_start3A_20 : memref<640xf32, #tpu.memory_space<hbm>>) target_semaphore(%run_scoped3A : memref<!tpu.dma_semaphore, #tpu.memory_space<semaphore_mem>>)
      %dma_wait3A = tpu.memref_slice %arg4[%arg0, %mul3A_19] : memref<2x10240xf32, #tpu.memory_space<hbm>> -> memref<1x640xf32, #tpu.memory_space<hbm>>
      %dma_wait3A_22 = tpu.memref_squeeze %dma_wait3A : memref<1x640xf32, #tpu.memory_space<hbm>> -> memref<640xf32, #tpu.memory_space<hbm>>
      %dma_wait3A_23 = tpu.memref_slice %arg8[%mul3A_17] : memref<10240xf32, #tpu.memory_space<vmem_shared>> -> memref<640xf32, #tpu.memory_space<vmem_shared>>
      tpu.wait_dma2 semaphore(%run_scoped3A : memref<!tpu.dma_semaphore, #tpu.memory_space<semaphore_mem>>) src(%dma_wait3A_23 : memref<640xf32, #tpu.memory_space<vmem_shared>>) dst(%dma_wait3A_22 : memref<640xf32, #tpu.memory_space<hbm>>)
      tpu.yield
    }) : () -> ()
    return
  }
}

#map = affine_map<(d0, d1) -> (0, 0)>
#map1 = affine_map<(d0, d1) -> (0, 0, 0)>
module attributes {stable_mosaic.version = 14 : i64} {
  func.func @body(%arg0: i32, %arg1: i32, %arg2: memref<10240x64xf32, #tpu.memory_space<hbm>>, %arg3: memref<32x80x128xi32, #tpu.memory_space<hbm>>, %arg4: memref<32x80x128xi32, #tpu.memory_space<hbm>>, %arg5: memref<32x80x128xf32, #tpu.memory_space<hbm>>, %arg6: memref<2x10240x128xf32, #tpu.memory_space<hbm>>, %arg7: memref<80x128xi32, #tpu.memory_space<vmem>>, %arg8: memref<128x64xf32, #tpu.memory_space<vmem>>, %arg9: memref<128x64xf32, #tpu.memory_space<vmem>>, %arg10: memref<128x128xf32, #tpu.memory_space<vmem>>, %arg11: memref<128xi32, #tpu.memory_space<vmem>>, %arg12: memref<128xi32, #tpu.memory_space<vmem>>, %arg13: memref<128xf32, #tpu.memory_space<vmem>>, %arg14: memref<128xf32, #tpu.memory_space<vmem>>, %arg15: memref<!tpu.dma_semaphore, #tpu.memory_space<semaphore_mem>>, %arg16: memref<!tpu.dma_semaphore, #tpu.memory_space<semaphore_mem>>, %arg17: memref<!tpu.dma_semaphore, #tpu.memory_space<semaphore_mem>>, %arg18: memref<!tpu.dma_semaphore, #tpu.memory_space<semaphore_mem>>, %arg19: memref<10240x128xf32, #tpu.memory_space<vmem_shared>>) attributes {dimension_semantics = [#tpu.dimension_semantics<core_parallel>, #tpu.dimension_semantics<subcore_parallel>], iteration_bounds = array<i64: 2, 16>, scalar_prefetch = 0 : i64, scratch_operands = 13 : i64, tpu.core_type = #tpu.core_type<sc_vector_subcore>, window_params = [{transform_indices = #map}, {transform_indices = #map1}, {transform_indices = #map1}, {transform_indices = #map1}, {transform_indices = #map1}]} {
    %mul3A = arith.constant 2 : i32
    %mul3A_0 = arith.muli %arg1, %mul3A : i32
    %add3A = arith.addi %mul3A_0, %arg0 : i32
    "tpu.region"() ({
      %run_scoped3A = tpu.sem_alloc : memref<!tpu.dma_semaphore, #tpu.memory_space<semaphore_mem>>
      %dma_start3A_61 = arith.constant 0 : i32
      %dma_start3A_62 = arith.constant 0 : i32
      %dma_start3A_63 = tpu.memref_slice %arg3[%add3A, %dma_start3A_61, %dma_start3A_62] : memref<32x80x128xi32, #tpu.memory_space<hbm>> -> memref<1x80x128xi32, #tpu.memory_space<hbm>>
      %dma_start3A_64 = tpu.memref_squeeze %dma_start3A_63 : memref<1x80x128xi32, #tpu.memory_space<hbm>> -> memref<80x128xi32, #tpu.memory_space<hbm>>
      %dma_start3A_65 = arith.constant 0 : i32
      %dma_start3A_66 = arith.constant 0 : i32
      %dma_start3A_67 = tpu.memref_slice %arg3[%add3A, %dma_start3A_65, %dma_start3A_66] : memref<32x80x128xi32, #tpu.memory_space<hbm>> -> memref<1x80x128xi32, #tpu.memory_space<hbm>>
      %dma_start3A_68 = tpu.memref_squeeze %dma_start3A_67 : memref<1x80x128xi32, #tpu.memory_space<hbm>> -> memref<80x128xi32, #tpu.memory_space<hbm>>
      tpu.enqueue_dma source(%dma_start3A_68 : memref<80x128xi32, #tpu.memory_space<hbm>>) target(%arg7 : memref<80x128xi32, #tpu.memory_space<vmem>>) target_semaphore(%run_scoped3A : memref<!tpu.dma_semaphore, #tpu.memory_space<semaphore_mem>>)
      %dma_wait3A = arith.constant 0 : i32
      %dma_wait3A_69 = arith.constant 0 : i32
      %dma_wait3A_70 = tpu.memref_slice %arg3[%add3A, %dma_wait3A, %dma_wait3A_69] : memref<32x80x128xi32, #tpu.memory_space<hbm>> -> memref<1x80x128xi32, #tpu.memory_space<hbm>>
      %dma_wait3A_71 = tpu.memref_squeeze %dma_wait3A_70 : memref<1x80x128xi32, #tpu.memory_space<hbm>> -> memref<80x128xi32, #tpu.memory_space<hbm>>
      %dma_wait3A_72 = arith.constant 0 : i32
      %dma_wait3A_73 = arith.constant 0 : i32
      %dma_wait3A_74 = tpu.memref_slice %arg3[%add3A, %dma_wait3A_72, %dma_wait3A_73] : memref<32x80x128xi32, #tpu.memory_space<hbm>> -> memref<1x80x128xi32, #tpu.memory_space<hbm>>
      %dma_wait3A_75 = tpu.memref_squeeze %dma_wait3A_74 : memref<1x80x128xi32, #tpu.memory_space<hbm>> -> memref<80x128xi32, #tpu.memory_space<hbm>>
      tpu.wait_dma2 semaphore(%run_scoped3A : memref<!tpu.dma_semaphore, #tpu.memory_space<semaphore_mem>>) src(%dma_wait3A_75 : memref<80x128xi32, #tpu.memory_space<hbm>>) dst(%arg7 : memref<80x128xi32, #tpu.memory_space<vmem>>)
      tpu.yield
    }) : () -> ()
    %scan3A = arith.constant 0 : i32
    %scan3A_1 = arith.constant 128 : i32
    %scan3A_2 = arith.addi %scan3A, %scan3A_1 : i32
    %scan3A_3 = arith.constant 1 : i32
    scf.for %scan3A_61 = %scan3A to %scan3A_2 step %scan3A_3  : i32 {
      %mul3A_62 = arith.constant 1 : i32
      %mul3A_63 = arith.muli %scan3A_61, %mul3A_62 : i32
      %add3A_64 = arith.constant 0 : i32
      %add3A_65 = arith.addi %add3A_64, %mul3A_63 : i32
      %broadcast_in_dim3A = arith.constant 0.000000e+00 : f32
      %broadcast_in_dim3A_66 = vector.broadcast %broadcast_in_dim3A : f32 to vector<16xf32>
      %swap3A = arith.index_cast %add3A_65 : i32 to index
      %swap3A_67 = arith.constant 0 : index
      %swap3A_68 = tpu.vector_load %arg10[%swap3A, %swap3A_67] {strides = array<i32>} : memref<128x128xf32, #tpu.memory_space<vmem>>, vector<16xf32>,
      tpu.vector_store %arg10[%swap3A, %swap3A_67], %broadcast_in_dim3A_66 {strides = array<i32>} : memref<128x128xf32, #tpu.memory_space<vmem>>, vector<16xf32>,
      %broadcast_in_dim3A_69 = arith.constant 0.000000e+00 : f32
      %broadcast_in_dim3A_70 = vector.broadcast %broadcast_in_dim3A_69 : f32 to vector<16xf32>
      %swap3A_71 = arith.index_cast %add3A_65 : i32 to index
      %swap3A_72 = arith.constant 16 : index
      %swap3A_73 = tpu.vector_load %arg10[%swap3A_71, %swap3A_72] {strides = array<i32>} : memref<128x128xf32, #tpu.memory_space<vmem>>, vector<16xf32>,
      tpu.vector_store %arg10[%swap3A_71, %swap3A_72], %broadcast_in_dim3A_70 {strides = array<i32>} : memref<128x128xf32, #tpu.memory_space<vmem>>, vector<16xf32>,
      %broadcast_in_dim3A_74 = arith.constant 0.000000e+00 : f32
      %broadcast_in_dim3A_75 = vector.broadcast %broadcast_in_dim3A_74 : f32 to vector<16xf32>
      %swap3A_76 = arith.index_cast %add3A_65 : i32 to index
      %swap3A_77 = arith.constant 32 : index
      %swap3A_78 = tpu.vector_load %arg10[%swap3A_76, %swap3A_77] {strides = array<i32>} : memref<128x128xf32, #tpu.memory_space<vmem>>, vector<16xf32>,
      tpu.vector_store %arg10[%swap3A_76, %swap3A_77], %broadcast_in_dim3A_75 {strides = array<i32>} : memref<128x128xf32, #tpu.memory_space<vmem>>, vector<16xf32>,
      %broadcast_in_dim3A_79 = arith.constant 0.000000e+00 : f32
      %broadcast_in_dim3A_80 = vector.broadcast %broadcast_in_dim3A_79 : f32 to vector<16xf32>
      %swap3A_81 = arith.index_cast %add3A_65 : i32 to index
      %swap3A_82 = arith.constant 48 : index
      %swap3A_83 = tpu.vector_load %arg10[%swap3A_81, %swap3A_82] {strides = array<i32>} : memref<128x128xf32, #tpu.memory_space<vmem>>, vector<16xf32>,
      tpu.vector_store %arg10[%swap3A_81, %swap3A_82], %broadcast_in_dim3A_80 {strides = array<i32>} : memref<128x128xf32, #tpu.memory_space<vmem>>, vector<16xf32>,
      %broadcast_in_dim3A_84 = arith.constant 0.000000e+00 : f32
      %broadcast_in_dim3A_85 = vector.broadcast %broadcast_in_dim3A_84 : f32 to vector<16xf32>
      %swap3A_86 = arith.index_cast %add3A_65 : i32 to index
      %swap3A_87 = arith.constant 64 : index
      %swap3A_88 = tpu.vector_load %arg10[%swap3A_86, %swap3A_87] {strides = array<i32>} : memref<128x128xf32, #tpu.memory_space<vmem>>, vector<16xf32>,
      tpu.vector_store %arg10[%swap3A_86, %swap3A_87], %broadcast_in_dim3A_85 {strides = array<i32>} : memref<128x128xf32, #tpu.memory_space<vmem>>, vector<16xf32>,
      %broadcast_in_dim3A_89 = arith.constant 0.000000e+00 : f32
      %broadcast_in_dim3A_90 = vector.broadcast %broadcast_in_dim3A_89 : f32 to vector<16xf32>
      %swap3A_91 = arith.index_cast %add3A_65 : i32 to index
      %swap3A_92 = arith.constant 80 : index
      %swap3A_93 = tpu.vector_load %arg10[%swap3A_91, %swap3A_92] {strides = array<i32>} : memref<128x128xf32, #tpu.memory_space<vmem>>, vector<16xf32>,
      tpu.vector_store %arg10[%swap3A_91, %swap3A_92], %broadcast_in_dim3A_90 {strides = array<i32>} : memref<128x128xf32, #tpu.memory_space<vmem>>, vector<16xf32>,
      %broadcast_in_dim3A_94 = arith.constant 0.000000e+00 : f32
      %broadcast_in_dim3A_95 = vector.broadcast %broadcast_in_dim3A_94 : f32 to vector<16xf32>
      %swap3A_96 = arith.index_cast %add3A_65 : i32 to index
      %swap3A_97 = arith.constant 96 : index
      %swap3A_98 = tpu.vector_load %arg10[%swap3A_96, %swap3A_97] {strides = array<i32>} : memref<128x128xf32, #tpu.memory_space<vmem>>, vector<16xf32>,
      tpu.vector_store %arg10[%swap3A_96, %swap3A_97], %broadcast_in_dim3A_95 {strides = array<i32>} : memref<128x128xf32, #tpu.memory_space<vmem>>, vector<16xf32>,
      %broadcast_in_dim3A_99 = arith.constant 0.000000e+00 : f32
      %broadcast_in_dim3A_100 = vector.broadcast %broadcast_in_dim3A_99 : f32 to vector<16xf32>
      %swap3A_101 = arith.index_cast %add3A_65 : i32 to index
      %swap3A_102 = arith.constant 112 : index
      %swap3A_103 = tpu.vector_load %arg10[%swap3A_101, %swap3A_102] {strides = array<i32>} : memref<128x128xf32, #tpu.memory_space<vmem>>, vector<16xf32>,
      tpu.vector_store %arg10[%swap3A_101, %swap3A_102], %broadcast_in_dim3A_100 {strides = array<i32>} : memref<128x128xf32, #tpu.memory_space<vmem>>, vector<16xf32>,
    }
    %scan3A_4 = arith.constant 128 : i32
    %scan3A_5 = arith.constant 0 : i32
    %scan3A_6 = arith.constant 5 : i32
    %scan3A_7 = arith.addi %scan3A_5, %scan3A_6 : i32
    %scan3A_8 = arith.constant 1 : i32
    scf.for %scan3A_61 = %scan3A_5 to %scan3A_7 step %scan3A_8  : i32 {
      %mul3A_62 = arith.constant 1 : i32
      %mul3A_63 = arith.muli %scan3A_61, %mul3A_62 : i32
      %add3A_64 = arith.constant 0 : i32
      %add3A_65 = arith.addi %add3A_64, %mul3A_63 : i32
      %mul3A_66 = arith.constant 640 : i32
      %mul3A_67 = arith.muli %arg1, %mul3A_66 : i32
      %mul3A_68 = arith.constant 128 : i32
      %mul3A_69 = arith.muli %add3A_65, %mul3A_68 : i32
      %add3A_70 = arith.addi %mul3A_67, %mul3A_69 : i32
      "tpu.region"() ({
        %run_scoped3A = tpu.sem_alloc : memref<!tpu.dma_semaphore, #tpu.memory_space<semaphore_mem>>
        %dma_start3A_71 = arith.constant 0 : i32
        %dma_start3A_72 = tpu.memref_slice %arg19[%add3A_70, %dma_start3A_71] : memref<10240x128xf32, #tpu.memory_space<vmem_shared>> -> memref<128x128xf32, #tpu.memory_space<vmem_shared>>
        %dma_start3A_73 = arith.constant 0 : i32
        %dma_start3A_74 = tpu.memref_slice %arg19[%add3A_70, %dma_start3A_73] : memref<10240x128xf32, #tpu.memory_space<vmem_shared>> -> memref<128x128xf32, #tpu.memory_space<vmem_shared>>
        tpu.enqueue_dma source(%arg10 : memref<128x128xf32, #tpu.memory_space<vmem>>) target(%dma_start3A_74 : memref<128x128xf32, #tpu.memory_space<vmem_shared>>) target_semaphore(%run_scoped3A : memref<!tpu.dma_semaphore, #tpu.memory_space<semaphore_mem>>)
        %dma_wait3A = arith.constant 0 : i32
        %dma_wait3A_75 = tpu.memref_slice %arg19[%add3A_70, %dma_wait3A] : memref<10240x128xf32, #tpu.memory_space<vmem_shared>> -> memref<128x128xf32, #tpu.memory_space<vmem_shared>>
        %dma_wait3A_76 = arith.constant 0 : i32
        %dma_wait3A_77 = tpu.memref_slice %arg19[%add3A_70, %dma_wait3A_76] : memref<10240x128xf32, #tpu.memory_space<vmem_shared>> -> memref<128x128xf32, #tpu.memory_space<vmem_shared>>
        tpu.wait_dma2 semaphore(%run_scoped3A : memref<!tpu.dma_semaphore, #tpu.memory_space<semaphore_mem>>) src(%arg10 : memref<128x128xf32, #tpu.memory_space<vmem>>) dst(%dma_wait3A_77 : memref<128x128xf32, #tpu.memory_space<vmem_shared>>)
        tpu.yield
      }) : () -> ()
    }
    %scan3A_9 = arith.constant 5 : i32
    %barrier3A = arith.constant 0 : index
    tpu.barrier barrier_id(%barrier3A)
    %dma_start3A = arith.constant 0 : i32
    %dma_start3A_10 = arith.constant 0 : i32
    %dma_start3A_11 = tpu.memref_slice %arg7[%dma_start3A, %dma_start3A_10] : memref<80x128xi32, #tpu.memory_space<vmem>> -> memref<1x128xi32, #tpu.memory_space<vmem>>
    %dma_start3A_12 = tpu.memref_squeeze %dma_start3A_11 : memref<1x128xi32, #tpu.memory_space<vmem>> -> memref<128xi32, #tpu.memory_space<vmem>>
    %dma_start3A_13 = arith.constant 0 : i32
    %dma_start3A_14 = arith.constant 0 : i32
    %dma_start3A_15 = tpu.memref_slice %arg2[%dma_start3A_13, %dma_start3A_14] : memref<10240x64xf32, #tpu.memory_space<hbm>> -> memref<10240x64xf32, #tpu.memory_space<hbm>>
    tpu.enqueue_indirect_dma source(%dma_start3A_15 : memref<10240x64xf32, #tpu.memory_space<hbm>>) target(%arg8 : memref<128x64xf32, #tpu.memory_space<vmem>>) offsets(%dma_start3A_12 : memref<128xi32, #tpu.memory_space<vmem>>) semaphore(%arg15 : memref<!tpu.dma_semaphore, #tpu.memory_space<semaphore_mem>>)
    %dma_start3A_16 = arith.constant 0 : i32
    %dma_start3A_17 = arith.constant 0 : i32
    %dma_start3A_18 = tpu.memref_slice %arg4[%add3A, %dma_start3A_16, %dma_start3A_17] : memref<32x80x128xi32, #tpu.memory_space<hbm>> -> memref<1x1x128xi32, #tpu.memory_space<hbm>>
    %dma_start3A_19 = tpu.memref_squeeze %dma_start3A_18 : memref<1x1x128xi32, #tpu.memory_space<hbm>> -> memref<128xi32, #tpu.memory_space<hbm>>
    %dma_start3A_20 = arith.constant 0 : i32
    %dma_start3A_21 = tpu.memref_slice %arg4[%add3A, %dma_start3A_16, %dma_start3A_20] : memref<32x80x128xi32, #tpu.memory_space<hbm>> -> memref<1x1x128xi32, #tpu.memory_space<hbm>>
    %dma_start3A_22 = tpu.memref_squeeze %dma_start3A_21 : memref<1x1x128xi32, #tpu.memory_space<hbm>> -> memref<128xi32, #tpu.memory_space<hbm>>
    tpu.enqueue_dma source(%dma_start3A_22 : memref<128xi32, #tpu.memory_space<hbm>>) target(%arg11 : memref<128xi32, #tpu.memory_space<vmem>>) target_semaphore(%arg17 : memref<!tpu.dma_semaphore, #tpu.memory_space<semaphore_mem>>)
    %dma_start3A_23 = arith.constant 0 : i32
    %dma_start3A_24 = arith.constant 0 : i32
    %dma_start3A_25 = tpu.memref_slice %arg5[%add3A, %dma_start3A_23, %dma_start3A_24] : memref<32x80x128xf32, #tpu.memory_space<hbm>> -> memref<1x1x128xf32, #tpu.memory_space<hbm>>
    %dma_start3A_26 = tpu.memref_squeeze %dma_start3A_25 : memref<1x1x128xf32, #tpu.memory_space<hbm>> -> memref<128xf32, #tpu.memory_space<hbm>>
    %dma_start3A_27 = arith.constant 0 : i32
    %dma_start3A_28 = tpu.memref_slice %arg5[%add3A, %dma_start3A_23, %dma_start3A_27] : memref<32x80x128xf32, #tpu.memory_space<hbm>> -> memref<1x1x128xf32, #tpu.memory_space<hbm>>
    %dma_start3A_29 = tpu.memref_squeeze %dma_start3A_28 : memref<1x1x128xf32, #tpu.memory_space<hbm>> -> memref<128xf32, #tpu.memory_space<hbm>>
    tpu.enqueue_dma source(%dma_start3A_29 : memref<128xf32, #tpu.memory_space<hbm>>) target(%arg13 : memref<128xf32, #tpu.memory_space<vmem>>) target_semaphore(%arg17 : memref<!tpu.dma_semaphore, #tpu.memory_space<semaphore_mem>>)
    %dma_start3A_30 = arith.constant 1 : i32
    %dma_start3A_31 = arith.constant 0 : i32
    %dma_start3A_32 = tpu.memref_slice %arg7[%dma_start3A_30, %dma_start3A_31] : memref<80x128xi32, #tpu.memory_space<vmem>> -> memref<1x128xi32, #tpu.memory_space<vmem>>
    %dma_start3A_33 = tpu.memref_squeeze %dma_start3A_32 : memref<1x128xi32, #tpu.memory_space<vmem>> -> memref<128xi32, #tpu.memory_space<vmem>>
    %dma_start3A_34 = arith.constant 0 : i32
    %dma_start3A_35 = arith.constant 0 : i32
    %dma_start3A_36 = tpu.memref_slice %arg2[%dma_start3A_34, %dma_start3A_35] : memref<10240x64xf32, #tpu.memory_space<hbm>> -> memref<10240x64xf32, #tpu.memory_space<hbm>>
    tpu.enqueue_indirect_dma source(%dma_start3A_36 : memref<10240x64xf32, #tpu.memory_space<hbm>>) target(%arg9 : memref<128x64xf32, #tpu.memory_space<vmem>>) offsets(%dma_start3A_33 : memref<128xi32, #tpu.memory_space<vmem>>) semaphore(%arg16 : memref<!tpu.dma_semaphore, #tpu.memory_space<semaphore_mem>>)
    %dma_start3A_37 = arith.constant 1 : i32
    %dma_start3A_38 = arith.constant 0 : i32
    %dma_start3A_39 = tpu.memref_slice %arg4[%add3A, %dma_start3A_37, %dma_start3A_38] : memref<32x80x128xi32, #tpu.memory_space<hbm>> -> memref<1x1x128xi32, #tpu.memory_space<hbm>>
    %dma_start3A_40 = tpu.memref_squeeze %dma_start3A_39 : memref<1x1x128xi32, #tpu.memory_space<hbm>> -> memref<128xi32, #tpu.memory_space<hbm>>
    %dma_start3A_41 = arith.constant 0 : i32
    %dma_start3A_42 = tpu.memref_slice %arg4[%add3A, %dma_start3A_37, %dma_start3A_41] : memref<32x80x128xi32, #tpu.memory_space<hbm>> -> memref<1x1x128xi32, #tpu.memory_space<hbm>>
    %dma_start3A_43 = tpu.memref_squeeze %dma_start3A_42 : memref<1x1x128xi32, #tpu.memory_space<hbm>> -> memref<128xi32, #tpu.memory_space<hbm>>
    tpu.enqueue_dma source(%dma_start3A_43 : memref<128xi32, #tpu.memory_space<hbm>>) target(%arg12 : memref<128xi32, #tpu.memory_space<vmem>>) target_semaphore(%arg18 : memref<!tpu.dma_semaphore, #tpu.memory_space<semaphore_mem>>)
    %dma_start3A_44 = arith.constant 1 : i32
    %dma_start3A_45 = arith.constant 0 : i32
    %dma_start3A_46 = tpu.memref_slice %arg5[%add3A, %dma_start3A_44, %dma_start3A_45] : memref<32x80x128xf32, #tpu.memory_space<hbm>> -> memref<1x1x128xf32, #tpu.memory_space<hbm>>
    %dma_start3A_47 = tpu.memref_squeeze %dma_start3A_46 : memref<1x1x128xf32, #tpu.memory_space<hbm>> -> memref<128xf32, #tpu.memory_space<hbm>>
    %dma_start3A_48 = arith.constant 0 : i32
    %dma_start3A_49 = tpu.memref_slice %arg5[%add3A, %dma_start3A_44, %dma_start3A_48] : memref<32x80x128xf32, #tpu.memory_space<hbm>> -> memref<1x1x128xf32, #tpu.memory_space<hbm>>
    %dma_start3A_50 = tpu.memref_squeeze %dma_start3A_49 : memref<1x1x128xf32, #tpu.memory_space<hbm>> -> memref<128xf32, #tpu.memory_space<hbm>>
    tpu.enqueue_dma source(%dma_start3A_50 : memref<128xf32, #tpu.memory_space<hbm>>) target(%arg14 : memref<128xf32, #tpu.memory_space<vmem>>) target_semaphore(%arg18 : memref<!tpu.dma_semaphore, #tpu.memory_space<semaphore_mem>>)
    %scan3A_51 = arith.constant 0 : i32
    %scan3A_52 = arith.constant 40 : i32
    %scan3A_53 = arith.addi %scan3A_51, %scan3A_52 : i32
    %scan3A_54 = arith.constant 1 : i32
    scf.for %scan3A_61 = %scan3A_51 to %scan3A_53 step %scan3A_54  : i32 {
      %mul3A_62 = arith.constant 1 : i32
      %mul3A_63 = arith.muli %scan3A_61, %mul3A_62 : i32
      %add3A_64 = arith.constant 0 : i32
      %add3A_65 = arith.addi %add3A_64, %mul3A_63 : i32
      %mul3A_66 = arith.constant 2 : i32
      %mul3A_67 = arith.muli %mul3A_66, %add3A_65 : i32
      %dma_wait3A = arith.constant 0 : i32
      %dma_wait3A_68 = tpu.memref_slice %arg7[%mul3A_67, %dma_wait3A] : memref<80x128xi32, #tpu.memory_space<vmem>> -> memref<1x128xi32, #tpu.memory_space<vmem>>
      %dma_wait3A_69 = tpu.memref_squeeze %dma_wait3A_68 : memref<1x128xi32, #tpu.memory_space<vmem>> -> memref<128xi32, #tpu.memory_space<vmem>>
      %dma_wait3A_70 = arith.constant 0 : i32
      %dma_wait3A_71 = arith.constant 0 : i32
      %dma_wait3A_72 = tpu.memref_slice %arg2[%dma_wait3A_70, %dma_wait3A_71] : memref<10240x64xf32, #tpu.memory_space<hbm>> -> memref<10240x64xf32, #tpu.memory_space<hbm>>
      tpu.wait_indirect_dma semaphore(%arg15 : memref<!tpu.dma_semaphore, #tpu.memory_space<semaphore_mem>>) src(%dma_wait3A_72 : memref<10240x64xf32, #tpu.memory_space<hbm>>) dst(%arg8 : memref<128x64xf32, #tpu.memory_space<vmem>>)
      %dma_wait3A_73 = arith.constant 0 : i32
      %dma_wait3A_74 = tpu.memref_slice %arg4[%add3A, %mul3A_67, %dma_wait3A_73] : memref<32x80x128xi32, #tpu.memory_space<hbm>> -> memref<1x1x128xi32, #tpu.memory_space<hbm>>
      %dma_wait3A_75 = tpu.memref_squeeze %dma_wait3A_74 : memref<1x1x128xi32, #tpu.memory_space<hbm>> -> memref<128xi32, #tpu.memory_space<hbm>>
      %dma_wait3A_76 = arith.constant 0 : i32
      %dma_wait3A_77 = tpu.memref_slice %arg4[%add3A, %mul3A_67, %dma_wait3A_76] : memref<32x80x128xi32, #tpu.memory_space<hbm>> -> memref<1x1x128xi32, #tpu.memory_space<hbm>>
      %dma_wait3A_78 = tpu.memref_squeeze %dma_wait3A_77 : memref<1x1x128xi32, #tpu.memory_space<hbm>> -> memref<128xi32, #tpu.memory_space<hbm>>
      tpu.wait_dma2 semaphore(%arg17 : memref<!tpu.dma_semaphore, #tpu.memory_space<semaphore_mem>>) src(%dma_wait3A_78 : memref<128xi32, #tpu.memory_space<hbm>>) dst(%arg11 : memref<128xi32, #tpu.memory_space<vmem>>)
      %dma_wait3A_79 = arith.constant 0 : i32
      %dma_wait3A_80 = tpu.memref_slice %arg5[%add3A, %mul3A_67, %dma_wait3A_79] : memref<32x80x128xf32, #tpu.memory_space<hbm>> -> memref<1x1x128xf32, #tpu.memory_space<hbm>>
      %dma_wait3A_81 = tpu.memref_squeeze %dma_wait3A_80 : memref<1x1x128xf32, #tpu.memory_space<hbm>> -> memref<128xf32, #tpu.memory_space<hbm>>
      %dma_wait3A_82 = arith.constant 0 : i32
      %dma_wait3A_83 = tpu.memref_slice %arg5[%add3A, %mul3A_67, %dma_wait3A_82] : memref<32x80x128xf32, #tpu.memory_space<hbm>> -> memref<1x1x128xf32, #tpu.memory_space<hbm>>
      %dma_wait3A_84 = tpu.memref_squeeze %dma_wait3A_83 : memref<1x1x128xf32, #tpu.memory_space<hbm>> -> memref<128xf32, #tpu.memory_space<hbm>>
      tpu.wait_dma2 semaphore(%arg17 : memref<!tpu.dma_semaphore, #tpu.memory_space<semaphore_mem>>) src(%dma_wait3A_84 : memref<128xf32, #tpu.memory_space<hbm>>) dst(%arg13 : memref<128xf32, #tpu.memory_space<vmem>>)
      %scan3A_85 = arith.constant 0 : i32
      %scan3A_86 = arith.constant 128 : i32
      %scan3A_87 = arith.addi %scan3A_85, %scan3A_86 : i32
      %scan3A_88 = arith.constant 1 : i32
      scf.for %scan3A_122 = %scan3A_85 to %scan3A_87 step %scan3A_88  : i32 {
        %mul3A_123 = arith.constant 1 : i32
        %mul3A_124 = arith.muli %scan3A_122, %mul3A_123 : i32
        %add3A_125 = arith.constant 0 : i32
        %add3A_126 = arith.addi %add3A_125, %mul3A_124 : i32
        %broadcast_in_dim3A = vector.broadcast %add3A_126 : i32 to vector<16xi32>
        %gather3A = tpu.vector_load_idx %arg13[%broadcast_in_dim3A] : memref<128xf32, #tpu.memory_space<vmem>>[vector<16xi32>], vector<16xf32>,
        %get3A = arith.index_cast %add3A_126 : i32 to index
        %get3A_127 = arith.constant 0 : index
        %get3A_128 = tpu.vector_load %arg8[%get3A, %get3A_127] {strides = array<i32>} : memref<128x64xf32, #tpu.memory_space<vmem>>, vector<16xf32>,
        %bitcast3A = vector.bitcast %get3A_128 : vector<16xf32> to vector<32xbf16>
        %unpack3A = tpu.unpack_subelements %bitcast3A, 0 {pack_format = #tpu.pack_format<interleaved>} : vector<32xbf16> -> vector<16xf32>
        %unpack3A_129 = tpu.unpack_subelements %bitcast3A, 1 {pack_format = #tpu.pack_format<interleaved>} : vector<32xbf16> -> vector<16xf32>
        %mul3A_130 = arith.mulf %unpack3A, %gather3A : vector<16xf32>
        %swap3A = arith.index_cast %add3A_126 : i32 to index
        %swap3A_131 = arith.constant 0 : index
        %swap3A_132 = tpu.vector_load %arg10[%swap3A, %swap3A_131] {strides = array<i32>} : memref<128x128xf32, #tpu.memory_space<vmem>>, vector<16xf32>,
        tpu.vector_store %arg10[%swap3A, %swap3A_131], %mul3A_130 {strides = array<i32>} : memref<128x128xf32, #tpu.memory_space<vmem>>, vector<16xf32>,
        %mul3A_133 = arith.mulf %unpack3A_129, %gather3A : vector<16xf32>
        %swap3A_134 = arith.index_cast %add3A_126 : i32 to index
        %swap3A_135 = arith.constant 16 : index
        %swap3A_136 = tpu.vector_load %arg10[%swap3A_134, %swap3A_135] {strides = array<i32>} : memref<128x128xf32, #tpu.memory_space<vmem>>, vector<16xf32>,
        tpu.vector_store %arg10[%swap3A_134, %swap3A_135], %mul3A_133 {strides = array<i32>} : memref<128x128xf32, #tpu.memory_space<vmem>>, vector<16xf32>,
        %get3A_137 = arith.index_cast %add3A_126 : i32 to index
        %get3A_138 = arith.constant 16 : index
        %get3A_139 = tpu.vector_load %arg8[%get3A_137, %get3A_138] {strides = array<i32>} : memref<128x64xf32, #tpu.memory_space<vmem>>, vector<16xf32>,
        %bitcast3A_140 = vector.bitcast %get3A_139 : vector<16xf32> to vector<32xbf16>
        %unpack3A_141 = tpu.unpack_subelements %bitcast3A_140, 0 {pack_format = #tpu.pack_format<interleaved>} : vector<32xbf16> -> vector<16xf32>
        %unpack3A_142 = tpu.unpack_subelements %bitcast3A_140, 1 {pack_format = #tpu.pack_format<interleaved>} : vector<32xbf16> -> vector<16xf32>
        %mul3A_143 = arith.mulf %unpack3A_141, %gather3A : vector<16xf32>
        %swap3A_144 = arith.index_cast %add3A_126 : i32 to index
        %swap3A_145 = arith.constant 32 : index
        %swap3A_146 = tpu.vector_load %arg10[%swap3A_144, %swap3A_145] {strides = array<i32>} : memref<128x128xf32, #tpu.memory_space<vmem>>, vector<16xf32>,
        tpu.vector_store %arg10[%swap3A_144, %swap3A_145], %mul3A_143 {strides = array<i32>} : memref<128x128xf32, #tpu.memory_space<vmem>>, vector<16xf32>,
        %mul3A_147 = arith.mulf %unpack3A_142, %gather3A : vector<16xf32>
        %swap3A_148 = arith.index_cast %add3A_126 : i32 to index
        %swap3A_149 = arith.constant 48 : index
        %swap3A_150 = tpu.vector_load %arg10[%swap3A_148, %swap3A_149] {strides = array<i32>} : memref<128x128xf32, #tpu.memory_space<vmem>>, vector<16xf32>,
        tpu.vector_store %arg10[%swap3A_148, %swap3A_149], %mul3A_147 {strides = array<i32>} : memref<128x128xf32, #tpu.memory_space<vmem>>, vector<16xf32>,
        %get3A_151 = arith.index_cast %add3A_126 : i32 to index
        %get3A_152 = arith.constant 32 : index
        %get3A_153 = tpu.vector_load %arg8[%get3A_151, %get3A_152] {strides = array<i32>} : memref<128x64xf32, #tpu.memory_space<vmem>>, vector<16xf32>,
        %bitcast3A_154 = vector.bitcast %get3A_153 : vector<16xf32> to vector<32xbf16>
        %unpack3A_155 = tpu.unpack_subelements %bitcast3A_154, 0 {pack_format = #tpu.pack_format<interleaved>} : vector<32xbf16> -> vector<16xf32>
        %unpack3A_156 = tpu.unpack_subelements %bitcast3A_154, 1 {pack_format = #tpu.pack_format<interleaved>} : vector<32xbf16> -> vector<16xf32>
        %mul3A_157 = arith.mulf %unpack3A_155, %gather3A : vector<16xf32>
        %swap3A_158 = arith.index_cast %add3A_126 : i32 to index
        %swap3A_159 = arith.constant 64 : index
        %swap3A_160 = tpu.vector_load %arg10[%swap3A_158, %swap3A_159] {strides = array<i32>} : memref<128x128xf32, #tpu.memory_space<vmem>>, vector<16xf32>,
        tpu.vector_store %arg10[%swap3A_158, %swap3A_159], %mul3A_157 {strides = array<i32>} : memref<128x128xf32, #tpu.memory_space<vmem>>, vector<16xf32>,
        %mul3A_161 = arith.mulf %unpack3A_156, %gather3A : vector<16xf32>
        %swap3A_162 = arith.index_cast %add3A_126 : i32 to index
        %swap3A_163 = arith.constant 80 : index
        %swap3A_164 = tpu.vector_load %arg10[%swap3A_162, %swap3A_163] {strides = array<i32>} : memref<128x128xf32, #tpu.memory_space<vmem>>, vector<16xf32>,
        tpu.vector_store %arg10[%swap3A_162, %swap3A_163], %mul3A_161 {strides = array<i32>} : memref<128x128xf32, #tpu.memory_space<vmem>>, vector<16xf32>,
        %get3A_165 = arith.index_cast %add3A_126 : i32 to index
        %get3A_166 = arith.constant 48 : index
        %get3A_167 = tpu.vector_load %arg8[%get3A_165, %get3A_166] {strides = array<i32>} : memref<128x64xf32, #tpu.memory_space<vmem>>, vector<16xf32>,
        %bitcast3A_168 = vector.bitcast %get3A_167 : vector<16xf32> to vector<32xbf16>
        %unpack3A_169 = tpu.unpack_subelements %bitcast3A_168, 0 {pack_format = #tpu.pack_format<interleaved>} : vector<32xbf16> -> vector<16xf32>
        %unpack3A_170 = tpu.unpack_subelements %bitcast3A_168, 1 {pack_format = #tpu.pack_format<interleaved>} : vector<32xbf16> -> vector<16xf32>
        %mul3A_171 = arith.mulf %unpack3A_169, %gather3A : vector<16xf32>
        %swap3A_172 = arith.index_cast %add3A_126 : i32 to index
        %swap3A_173 = arith.constant 96 : index
        %swap3A_174 = tpu.vector_load %arg10[%swap3A_172, %swap3A_173] {strides = array<i32>} : memref<128x128xf32, #tpu.memory_space<vmem>>, vector<16xf32>,
        tpu.vector_store %arg10[%swap3A_172, %swap3A_173], %mul3A_171 {strides = array<i32>} : memref<128x128xf32, #tpu.memory_space<vmem>>, vector<16xf32>,
        %mul3A_175 = arith.mulf %unpack3A_170, %gather3A : vector<16xf32>
        %swap3A_176 = arith.index_cast %add3A_126 : i32 to index
        %swap3A_177 = arith.constant 112 : index
        %swap3A_178 = tpu.vector_load %arg10[%swap3A_176, %swap3A_177] {strides = array<i32>} : memref<128x128xf32, #tpu.memory_space<vmem>>, vector<16xf32>,
        tpu.vector_store %arg10[%swap3A_176, %swap3A_177], %mul3A_175 {strides = array<i32>} : memref<128x128xf32, #tpu.memory_space<vmem>>, vector<16xf32>,
      }
      %scan3A_89 = arith.constant 128 : i32
      "tpu.region"() ({
        %run_scoped3A = tpu.sem_alloc : memref<!tpu.dma_semaphore, #tpu.memory_space<semaphore_mem>>
        %dma_start3A_122 = arith.constant 0 : i32
        %dma_start3A_123 = arith.constant 0 : i32
        %dma_start3A_124 = tpu.memref_slice %arg19[%dma_start3A_122, %dma_start3A_123] : memref<10240x128xf32, #tpu.memory_space<vmem_shared>> -> memref<10240x128xf32, #tpu.memory_space<vmem_shared>>
        tpu.enqueue_indirect_dma source(%arg10 : memref<128x128xf32, #tpu.memory_space<vmem>>) target(%dma_start3A_124 : memref<10240x128xf32, #tpu.memory_space<vmem_shared>>) offsets(%arg11 : memref<128xi32, #tpu.memory_space<vmem>>) semaphore(%run_scoped3A : memref<!tpu.dma_semaphore, #tpu.memory_space<semaphore_mem>>) {add = true}
        %dma_wait3A_125 = arith.constant 0 : i32
        %dma_wait3A_126 = arith.constant 0 : i32
        %dma_wait3A_127 = tpu.memref_slice %arg19[%dma_wait3A_125, %dma_wait3A_126] : memref<10240x128xf32, #tpu.memory_space<vmem_shared>> -> memref<10240x128xf32, #tpu.memory_space<vmem_shared>>
        tpu.wait_indirect_dma semaphore(%run_scoped3A : memref<!tpu.dma_semaphore, #tpu.memory_space<semaphore_mem>>) src(%arg10 : memref<128x128xf32, #tpu.memory_space<vmem>>) dst(%dma_wait3A_127 : memref<10240x128xf32, #tpu.memory_space<vmem_shared>>)
        tpu.yield
      }) : () -> ()
      %lt3A = arith.constant 39 : i32
      %lt3A_90 = arith.cmpi slt, %add3A_65, %lt3A : i32
      %convert_element_type3A = arith.extui %lt3A_90 : i1 to i32
      %cond3A = arith.constant 0 : i32
      %cond3A_91 = arith.cmpi ne, %convert_element_type3A, %cond3A : i32
      scf.if %cond3A_91 {
        %add3A_122 = arith.constant 2 : i32
        %add3A_123 = arith.addi %mul3A_67, %add3A_122 : i32
        %dma_start3A_124 = arith.constant 0 : i32
        %dma_start3A_125 = tpu.memref_slice %arg7[%add3A_123, %dma_start3A_124] : memref<80x128xi32, #tpu.memory_space<vmem>> -> memref<1x128xi32, #tpu.memory_space<vmem>>
        %dma_start3A_126 = tpu.memref_squeeze %dma_start3A_125 : memref<1x128xi32, #tpu.memory_space<vmem>> -> memref<128xi32, #tpu.memory_space<vmem>>
        %dma_start3A_127 = arith.constant 0 : i32
        %dma_start3A_128 = arith.constant 0 : i32
        %dma_start3A_129 = tpu.memref_slice %arg2[%dma_start3A_127, %dma_start3A_128] : memref<10240x64xf32, #tpu.memory_space<hbm>> -> memref<10240x64xf32, #tpu.memory_space<hbm>>
        tpu.enqueue_indirect_dma source(%dma_start3A_129 : memref<10240x64xf32, #tpu.memory_space<hbm>>) target(%arg8 : memref<128x64xf32, #tpu.memory_space<vmem>>) offsets(%dma_start3A_126 : memref<128xi32, #tpu.memory_space<vmem>>) semaphore(%arg15 : memref<!tpu.dma_semaphore, #tpu.memory_space<semaphore_mem>>)
        %dma_start3A_130 = arith.constant 0 : i32
        %dma_start3A_131 = tpu.memref_slice %arg4[%add3A, %add3A_123, %dma_start3A_130] : memref<32x80x128xi32, #tpu.memory_space<hbm>> -> memref<1x1x128xi32, #tpu.memory_space<hbm>>
        %dma_start3A_132 = tpu.memref_squeeze %dma_start3A_131 : memref<1x1x128xi32, #tpu.memory_space<hbm>> -> memref<128xi32, #tpu.memory_space<hbm>>
        %dma_start3A_133 = arith.constant 0 : i32
        %dma_start3A_134 = tpu.memref_slice %arg4[%add3A, %add3A_123, %dma_start3A_133] : memref<32x80x128xi32, #tpu.memory_space<hbm>> -> memref<1x1x128xi32, #tpu.memory_space<hbm>>
        %dma_start3A_135 = tpu.memref_squeeze %dma_start3A_134 : memref<1x1x128xi32, #tpu.memory_space<hbm>> -> memref<128xi32, #tpu.memory_space<hbm>>
        tpu.enqueue_dma source(%dma_start3A_135 : memref<128xi32, #tpu.memory_space<hbm>>) target(%arg11 : memref<128xi32, #tpu.memory_space<vmem>>) target_semaphore(%arg17 : memref<!tpu.dma_semaphore, #tpu.memory_space<semaphore_mem>>)
        %dma_start3A_136 = arith.constant 0 : i32
        %dma_start3A_137 = tpu.memref_slice %arg5[%add3A, %add3A_123, %dma_start3A_136] : memref<32x80x128xf32, #tpu.memory_space<hbm>> -> memref<1x1x128xf32, #tpu.memory_space<hbm>>
        %dma_start3A_138 = tpu.memref_squeeze %dma_start3A_137 : memref<1x1x128xf32, #tpu.memory_space<hbm>> -> memref<128xf32, #tpu.memory_space<hbm>>
        %dma_start3A_139 = arith.constant 0 : i32
        %dma_start3A_140 = tpu.memref_slice %arg5[%add3A, %add3A_123, %dma_start3A_139] : memref<32x80x128xf32, #tpu.memory_space<hbm>> -> memref<1x1x128xf32, #tpu.memory_space<hbm>>
        %dma_start3A_141 = tpu.memref_squeeze %dma_start3A_140 : memref<1x1x128xf32, #tpu.memory_space<hbm>> -> memref<128xf32, #tpu.memory_space<hbm>>
        tpu.enqueue_dma source(%dma_start3A_141 : memref<128xf32, #tpu.memory_space<hbm>>) target(%arg13 : memref<128xf32, #tpu.memory_space<vmem>>) target_semaphore(%arg17 : memref<!tpu.dma_semaphore, #tpu.memory_space<semaphore_mem>>)
      } else {
      }
      %add3A_92 = arith.constant 1 : i32
      %add3A_93 = arith.addi %mul3A_67, %add3A_92 : i32
      %dma_wait3A_94 = arith.constant 0 : i32
      %dma_wait3A_95 = tpu.memref_slice %arg7[%add3A_93, %dma_wait3A_94] : memref<80x128xi32, #tpu.memory_space<vmem>> -> memref<1x128xi32, #tpu.memory_space<vmem>>
      %dma_wait3A_96 = tpu.memref_squeeze %dma_wait3A_95 : memref<1x128xi32, #tpu.memory_space<vmem>> -> memref<128xi32, #tpu.memory_space<vmem>>
      %dma_wait3A_97 = arith.constant 0 : i32
      %dma_wait3A_98 = arith.constant 0 : i32
      %dma_wait3A_99 = tpu.memref_slice %arg2[%dma_wait3A_97, %dma_wait3A_98] : memref<10240x64xf32, #tpu.memory_space<hbm>> -> memref<10240x64xf32, #tpu.memory_space<hbm>>
      tpu.wait_indirect_dma semaphore(%arg16 : memref<!tpu.dma_semaphore, #tpu.memory_space<semaphore_mem>>) src(%dma_wait3A_99 : memref<10240x64xf32, #tpu.memory_space<hbm>>) dst(%arg9 : memref<128x64xf32, #tpu.memory_space<vmem>>)
      %dma_wait3A_100 = arith.constant 0 : i32
      %dma_wait3A_101 = tpu.memref_slice %arg4[%add3A, %add3A_93, %dma_wait3A_100] : memref<32x80x128xi32, #tpu.memory_space<hbm>> -> memref<1x1x128xi32, #tpu.memory_space<hbm>>
      %dma_wait3A_102 = tpu.memref_squeeze %dma_wait3A_101 : memref<1x1x128xi32, #tpu.memory_space<hbm>> -> memref<128xi32, #tpu.memory_space<hbm>>
      %dma_wait3A_103 = arith.constant 0 : i32
      %dma_wait3A_104 = tpu.memref_slice %arg4[%add3A, %add3A_93, %dma_wait3A_103] : memref<32x80x128xi32, #tpu.memory_space<hbm>> -> memref<1x1x128xi32, #tpu.memory_space<hbm>>
      %dma_wait3A_105 = tpu.memref_squeeze %dma_wait3A_104 : memref<1x1x128xi32, #tpu.memory_space<hbm>> -> memref<128xi32, #tpu.memory_space<hbm>>
      tpu.wait_dma2 semaphore(%arg18 : memref<!tpu.dma_semaphore, #tpu.memory_space<semaphore_mem>>) src(%dma_wait3A_105 : memref<128xi32, #tpu.memory_space<hbm>>) dst(%arg12 : memref<128xi32, #tpu.memory_space<vmem>>)
      %dma_wait3A_106 = arith.constant 0 : i32
      %dma_wait3A_107 = tpu.memref_slice %arg5[%add3A, %add3A_93, %dma_wait3A_106] : memref<32x80x128xf32, #tpu.memory_space<hbm>> -> memref<1x1x128xf32, #tpu.memory_space<hbm>>
      %dma_wait3A_108 = tpu.memref_squeeze %dma_wait3A_107 : memref<1x1x128xf32, #tpu.memory_space<hbm>> -> memref<128xf32, #tpu.memory_space<hbm>>
      %dma_wait3A_109 = arith.constant 0 : i32
      %dma_wait3A_110 = tpu.memref_slice %arg5[%add3A, %add3A_93, %dma_wait3A_109] : memref<32x80x128xf32, #tpu.memory_space<hbm>> -> memref<1x1x128xf32, #tpu.memory_space<hbm>>
      %dma_wait3A_111 = tpu.memref_squeeze %dma_wait3A_110 : memref<1x1x128xf32, #tpu.memory_space<hbm>> -> memref<128xf32, #tpu.memory_space<hbm>>
      tpu.wait_dma2 semaphore(%arg18 : memref<!tpu.dma_semaphore, #tpu.memory_space<semaphore_mem>>) src(%dma_wait3A_111 : memref<128xf32, #tpu.memory_space<hbm>>) dst(%arg14 : memref<128xf32, #tpu.memory_space<vmem>>)
      %scan3A_112 = arith.constant 0 : i32
      %scan3A_113 = arith.constant 128 : i32
      %scan3A_114 = arith.addi %scan3A_112, %scan3A_113 : i32
      %scan3A_115 = arith.constant 1 : i32
      scf.for %scan3A_122 = %scan3A_112 to %scan3A_114 step %scan3A_115  : i32 {
        %mul3A_123 = arith.constant 1 : i32
        %mul3A_124 = arith.muli %scan3A_122, %mul3A_123 : i32
        %add3A_125 = arith.constant 0 : i32
        %add3A_126 = arith.addi %add3A_125, %mul3A_124 : i32
        %broadcast_in_dim3A = vector.broadcast %add3A_126 : i32 to vector<16xi32>
        %gather3A = tpu.vector_load_idx %arg14[%broadcast_in_dim3A] : memref<128xf32, #tpu.memory_space<vmem>>[vector<16xi32>], vector<16xf32>,
        %get3A = arith.index_cast %add3A_126 : i32 to index
        %get3A_127 = arith.constant 0 : index
        %get3A_128 = tpu.vector_load %arg9[%get3A, %get3A_127] {strides = array<i32>} : memref<128x64xf32, #tpu.memory_space<vmem>>, vector<16xf32>,
        %bitcast3A = vector.bitcast %get3A_128 : vector<16xf32> to vector<32xbf16>
        %unpack3A = tpu.unpack_subelements %bitcast3A, 0 {pack_format = #tpu.pack_format<interleaved>} : vector<32xbf16> -> vector<16xf32>
        %unpack3A_129 = tpu.unpack_subelements %bitcast3A, 1 {pack_format = #tpu.pack_format<interleaved>} : vector<32xbf16> -> vector<16xf32>
        %mul3A_130 = arith.mulf %unpack3A, %gather3A : vector<16xf32>
        %swap3A = arith.index_cast %add3A_126 : i32 to index
        %swap3A_131 = arith.constant 0 : index
        %swap3A_132 = tpu.vector_load %arg10[%swap3A, %swap3A_131] {strides = array<i32>} : memref<128x128xf32, #tpu.memory_space<vmem>>, vector<16xf32>,
        tpu.vector_store %arg10[%swap3A, %swap3A_131], %mul3A_130 {strides = array<i32>} : memref<128x128xf32, #tpu.memory_space<vmem>>, vector<16xf32>,
        %mul3A_133 = arith.mulf %unpack3A_129, %gather3A : vector<16xf32>
        %swap3A_134 = arith.index_cast %add3A_126 : i32 to index
        %swap3A_135 = arith.constant 16 : index
        %swap3A_136 = tpu.vector_load %arg10[%swap3A_134, %swap3A_135] {strides = array<i32>} : memref<128x128xf32, #tpu.memory_space<vmem>>, vector<16xf32>,
        tpu.vector_store %arg10[%swap3A_134, %swap3A_135], %mul3A_133 {strides = array<i32>} : memref<128x128xf32, #tpu.memory_space<vmem>>, vector<16xf32>,
        %get3A_137 = arith.index_cast %add3A_126 : i32 to index
        %get3A_138 = arith.constant 16 : index
        %get3A_139 = tpu.vector_load %arg9[%get3A_137, %get3A_138] {strides = array<i32>} : memref<128x64xf32, #tpu.memory_space<vmem>>, vector<16xf32>,
        %bitcast3A_140 = vector.bitcast %get3A_139 : vector<16xf32> to vector<32xbf16>
        %unpack3A_141 = tpu.unpack_subelements %bitcast3A_140, 0 {pack_format = #tpu.pack_format<interleaved>} : vector<32xbf16> -> vector<16xf32>
        %unpack3A_142 = tpu.unpack_subelements %bitcast3A_140, 1 {pack_format = #tpu.pack_format<interleaved>} : vector<32xbf16> -> vector<16xf32>
        %mul3A_143 = arith.mulf %unpack3A_141, %gather3A : vector<16xf32>
        %swap3A_144 = arith.index_cast %add3A_126 : i32 to index
        %swap3A_145 = arith.constant 32 : index
        %swap3A_146 = tpu.vector_load %arg10[%swap3A_144, %swap3A_145] {strides = array<i32>} : memref<128x128xf32, #tpu.memory_space<vmem>>, vector<16xf32>,
        tpu.vector_store %arg10[%swap3A_144, %swap3A_145], %mul3A_143 {strides = array<i32>} : memref<128x128xf32, #tpu.memory_space<vmem>>, vector<16xf32>,
        %mul3A_147 = arith.mulf %unpack3A_142, %gather3A : vector<16xf32>
        %swap3A_148 = arith.index_cast %add3A_126 : i32 to index
        %swap3A_149 = arith.constant 48 : index
        %swap3A_150 = tpu.vector_load %arg10[%swap3A_148, %swap3A_149] {strides = array<i32>} : memref<128x128xf32, #tpu.memory_space<vmem>>, vector<16xf32>,
        tpu.vector_store %arg10[%swap3A_148, %swap3A_149], %mul3A_147 {strides = array<i32>} : memref<128x128xf32, #tpu.memory_space<vmem>>, vector<16xf32>,
        %get3A_151 = arith.index_cast %add3A_126 : i32 to index
        %get3A_152 = arith.constant 32 : index
        %get3A_153 = tpu.vector_load %arg9[%get3A_151, %get3A_152] {strides = array<i32>} : memref<128x64xf32, #tpu.memory_space<vmem>>, vector<16xf32>,
        %bitcast3A_154 = vector.bitcast %get3A_153 : vector<16xf32> to vector<32xbf16>
        %unpack3A_155 = tpu.unpack_subelements %bitcast3A_154, 0 {pack_format = #tpu.pack_format<interleaved>} : vector<32xbf16> -> vector<16xf32>
        %unpack3A_156 = tpu.unpack_subelements %bitcast3A_154, 1 {pack_format = #tpu.pack_format<interleaved>} : vector<32xbf16> -> vector<16xf32>
        %mul3A_157 = arith.mulf %unpack3A_155, %gather3A : vector<16xf32>
        %swap3A_158 = arith.index_cast %add3A_126 : i32 to index
        %swap3A_159 = arith.constant 64 : index
        %swap3A_160 = tpu.vector_load %arg10[%swap3A_158, %swap3A_159] {strides = array<i32>} : memref<128x128xf32, #tpu.memory_space<vmem>>, vector<16xf32>,
        tpu.vector_store %arg10[%swap3A_158, %swap3A_159], %mul3A_157 {strides = array<i32>} : memref<128x128xf32, #tpu.memory_space<vmem>>, vector<16xf32>,
        %mul3A_161 = arith.mulf %unpack3A_156, %gather3A : vector<16xf32>
        %swap3A_162 = arith.index_cast %add3A_126 : i32 to index
        %swap3A_163 = arith.constant 80 : index
        %swap3A_164 = tpu.vector_load %arg10[%swap3A_162, %swap3A_163] {strides = array<i32>} : memref<128x128xf32, #tpu.memory_space<vmem>>, vector<16xf32>,
        tpu.vector_store %arg10[%swap3A_162, %swap3A_163], %mul3A_161 {strides = array<i32>} : memref<128x128xf32, #tpu.memory_space<vmem>>, vector<16xf32>,
        %get3A_165 = arith.index_cast %add3A_126 : i32 to index
        %get3A_166 = arith.constant 48 : index
        %get3A_167 = tpu.vector_load %arg9[%get3A_165, %get3A_166] {strides = array<i32>} : memref<128x64xf32, #tpu.memory_space<vmem>>, vector<16xf32>,
        %bitcast3A_168 = vector.bitcast %get3A_167 : vector<16xf32> to vector<32xbf16>
        %unpack3A_169 = tpu.unpack_subelements %bitcast3A_168, 0 {pack_format = #tpu.pack_format<interleaved>} : vector<32xbf16> -> vector<16xf32>
        %unpack3A_170 = tpu.unpack_subelements %bitcast3A_168, 1 {pack_format = #tpu.pack_format<interleaved>} : vector<32xbf16> -> vector<16xf32>
        %mul3A_171 = arith.mulf %unpack3A_169, %gather3A : vector<16xf32>
        %swap3A_172 = arith.index_cast %add3A_126 : i32 to index
        %swap3A_173 = arith.constant 96 : index
        %swap3A_174 = tpu.vector_load %arg10[%swap3A_172, %swap3A_173] {strides = array<i32>} : memref<128x128xf32, #tpu.memory_space<vmem>>, vector<16xf32>,
        tpu.vector_store %arg10[%swap3A_172, %swap3A_173], %mul3A_171 {strides = array<i32>} : memref<128x128xf32, #tpu.memory_space<vmem>>, vector<16xf32>,
        %mul3A_175 = arith.mulf %unpack3A_170, %gather3A : vector<16xf32>
        %swap3A_176 = arith.index_cast %add3A_126 : i32 to index
        %swap3A_177 = arith.constant 112 : index
        %swap3A_178 = tpu.vector_load %arg10[%swap3A_176, %swap3A_177] {strides = array<i32>} : memref<128x128xf32, #tpu.memory_space<vmem>>, vector<16xf32>,
        tpu.vector_store %arg10[%swap3A_176, %swap3A_177], %mul3A_175 {strides = array<i32>} : memref<128x128xf32, #tpu.memory_space<vmem>>, vector<16xf32>,
      }
      %scan3A_116 = arith.constant 128 : i32
      "tpu.region"() ({
        %run_scoped3A = tpu.sem_alloc : memref<!tpu.dma_semaphore, #tpu.memory_space<semaphore_mem>>
        %dma_start3A_122 = arith.constant 0 : i32
        %dma_start3A_123 = arith.constant 0 : i32
        %dma_start3A_124 = tpu.memref_slice %arg19[%dma_start3A_122, %dma_start3A_123] : memref<10240x128xf32, #tpu.memory_space<vmem_shared>> -> memref<10240x128xf32, #tpu.memory_space<vmem_shared>>
        tpu.enqueue_indirect_dma source(%arg10 : memref<128x128xf32, #tpu.memory_space<vmem>>) target(%dma_start3A_124 : memref<10240x128xf32, #tpu.memory_space<vmem_shared>>) offsets(%arg12 : memref<128xi32, #tpu.memory_space<vmem>>) semaphore(%run_scoped3A : memref<!tpu.dma_semaphore, #tpu.memory_space<semaphore_mem>>) {add = true}
        %dma_wait3A_125 = arith.constant 0 : i32
        %dma_wait3A_126 = arith.constant 0 : i32
        %dma_wait3A_127 = tpu.memref_slice %arg19[%dma_wait3A_125, %dma_wait3A_126] : memref<10240x128xf32, #tpu.memory_space<vmem_shared>> -> memref<10240x128xf32, #tpu.memory_space<vmem_shared>>
        tpu.wait_indirect_dma semaphore(%run_scoped3A : memref<!tpu.dma_semaphore, #tpu.memory_space<semaphore_mem>>) src(%arg10 : memref<128x128xf32, #tpu.memory_space<vmem>>) dst(%dma_wait3A_127 : memref<10240x128xf32, #tpu.memory_space<vmem_shared>>)
        tpu.yield
      }) : () -> ()
      %lt3A_117 = arith.constant 39 : i32
      %lt3A_118 = arith.cmpi slt, %add3A_65, %lt3A_117 : i32
      %convert_element_type3A_119 = arith.extui %lt3A_118 : i1 to i32
      %cond3A_120 = arith.constant 0 : i32
      %cond3A_121 = arith.cmpi ne, %convert_element_type3A_119, %cond3A_120 : i32
      scf.if %cond3A_121 {
        %add3A_122 = arith.constant 3 : i32
        %add3A_123 = arith.addi %mul3A_67, %add3A_122 : i32
        %dma_start3A_124 = arith.constant 0 : i32
        %dma_start3A_125 = tpu.memref_slice %arg7[%add3A_123, %dma_start3A_124] : memref<80x128xi32, #tpu.memory_space<vmem>> -> memref<1x128xi32, #tpu.memory_space<vmem>>
        %dma_start3A_126 = tpu.memref_squeeze %dma_start3A_125 : memref<1x128xi32, #tpu.memory_space<vmem>> -> memref<128xi32, #tpu.memory_space<vmem>>
        %dma_start3A_127 = arith.constant 0 : i32
        %dma_start3A_128 = arith.constant 0 : i32
        %dma_start3A_129 = tpu.memref_slice %arg2[%dma_start3A_127, %dma_start3A_128] : memref<10240x64xf32, #tpu.memory_space<hbm>> -> memref<10240x64xf32, #tpu.memory_space<hbm>>
        tpu.enqueue_indirect_dma source(%dma_start3A_129 : memref<10240x64xf32, #tpu.memory_space<hbm>>) target(%arg9 : memref<128x64xf32, #tpu.memory_space<vmem>>) offsets(%dma_start3A_126 : memref<128xi32, #tpu.memory_space<vmem>>) semaphore(%arg16 : memref<!tpu.dma_semaphore, #tpu.memory_space<semaphore_mem>>)
        %dma_start3A_130 = arith.constant 0 : i32
        %dma_start3A_131 = tpu.memref_slice %arg4[%add3A, %add3A_123, %dma_start3A_130] : memref<32x80x128xi32, #tpu.memory_space<hbm>> -> memref<1x1x128xi32, #tpu.memory_space<hbm>>
        %dma_start3A_132 = tpu.memref_squeeze %dma_start3A_131 : memref<1x1x128xi32, #tpu.memory_space<hbm>> -> memref<128xi32, #tpu.memory_space<hbm>>
        %dma_start3A_133 = arith.constant 0 : i32
        %dma_start3A_134 = tpu.memref_slice %arg4[%add3A, %add3A_123, %dma_start3A_133] : memref<32x80x128xi32, #tpu.memory_space<hbm>> -> memref<1x1x128xi32, #tpu.memory_space<hbm>>
        %dma_start3A_135 = tpu.memref_squeeze %dma_start3A_134 : memref<1x1x128xi32, #tpu.memory_space<hbm>> -> memref<128xi32, #tpu.memory_space<hbm>>
        tpu.enqueue_dma source(%dma_start3A_135 : memref<128xi32, #tpu.memory_space<hbm>>) target(%arg12 : memref<128xi32, #tpu.memory_space<vmem>>) target_semaphore(%arg18 : memref<!tpu.dma_semaphore, #tpu.memory_space<semaphore_mem>>)
        %dma_start3A_136 = arith.constant 0 : i32
        %dma_start3A_137 = tpu.memref_slice %arg5[%add3A, %add3A_123, %dma_start3A_136] : memref<32x80x128xf32, #tpu.memory_space<hbm>> -> memref<1x1x128xf32, #tpu.memory_space<hbm>>
        %dma_start3A_138 = tpu.memref_squeeze %dma_start3A_137 : memref<1x1x128xf32, #tpu.memory_space<hbm>> -> memref<128xf32, #tpu.memory_space<hbm>>
        %dma_start3A_139 = arith.constant 0 : i32
        %dma_start3A_140 = tpu.memref_slice %arg5[%add3A, %add3A_123, %dma_start3A_139] : memref<32x80x128xf32, #tpu.memory_space<hbm>> -> memref<1x1x128xf32, #tpu.memory_space<hbm>>
        %dma_start3A_141 = tpu.memref_squeeze %dma_start3A_140 : memref<1x1x128xf32, #tpu.memory_space<hbm>> -> memref<128xf32, #tpu.memory_space<hbm>>
        tpu.enqueue_dma source(%dma_start3A_141 : memref<128xf32, #tpu.memory_space<hbm>>) target(%arg14 : memref<128xf32, #tpu.memory_space<vmem>>) target_semaphore(%arg18 : memref<!tpu.dma_semaphore, #tpu.memory_space<semaphore_mem>>)
      } else {
      }
    }
    %scan3A_55 = arith.constant 40 : i32
    %barrier3A_56 = arith.constant 0 : index
    tpu.barrier barrier_id(%barrier3A_56)
    %mul3A_57 = arith.constant 640 : i32
    %mul3A_58 = arith.muli %arg1, %mul3A_57 : i32
    %mul3A_59 = arith.constant 640 : i32
    %mul3A_60 = arith.muli %arg1, %mul3A_59 : i32
    "tpu.region"() ({
      %run_scoped3A = tpu.sem_alloc : memref<!tpu.dma_semaphore, #tpu.memory_space<semaphore_mem>>
      %dma_start3A_61 = arith.constant 0 : i32
      %dma_start3A_62 = tpu.memref_slice %arg6[%arg0, %mul3A_60, %dma_start3A_61] : memref<2x10240x128xf32, #tpu.memory_space<hbm>> -> memref<1x640x128xf32, #tpu.memory_space<hbm>>
      %dma_start3A_63 = tpu.memref_squeeze %dma_start3A_62 : memref<1x640x128xf32, #tpu.memory_space<hbm>> -> memref<640x128xf32, #tpu.memory_space<hbm>>
      %dma_start3A_64 = arith.constant 0 : i32
      %dma_start3A_65 = tpu.memref_slice %arg19[%mul3A_58, %dma_start3A_64] : memref<10240x128xf32, #tpu.memory_space<vmem_shared>> -> memref<640x128xf32, #tpu.memory_space<vmem_shared>>
      tpu.enqueue_dma source(%dma_start3A_65 : memref<640x128xf32, #tpu.memory_space<vmem_shared>>) target(%dma_start3A_63 : memref<640x128xf32, #tpu.memory_space<hbm>>) target_semaphore(%run_scoped3A : memref<!tpu.dma_semaphore, #tpu.memory_space<semaphore_mem>>)
      %dma_wait3A = arith.constant 0 : i32
      %dma_wait3A_66 = tpu.memref_slice %arg6[%arg0, %mul3A_60, %dma_wait3A] : memref<2x10240x128xf32, #tpu.memory_space<hbm>> -> memref<1x640x128xf32, #tpu.memory_space<hbm>>
      %dma_wait3A_67 = tpu.memref_squeeze %dma_wait3A_66 : memref<1x640x128xf32, #tpu.memory_space<hbm>> -> memref<640x128xf32, #tpu.memory_space<hbm>>
      %dma_wait3A_68 = arith.constant 0 : i32
      %dma_wait3A_69 = tpu.memref_slice %arg19[%mul3A_58, %dma_wait3A_68] : memref<10240x128xf32, #tpu.memory_space<vmem_shared>> -> memref<640x128xf32, #tpu.memory_space<vmem_shared>>
      tpu.wait_dma2 semaphore(%run_scoped3A : memref<!tpu.dma_semaphore, #tpu.memory_space<semaphore_mem>>) src(%dma_wait3A_69 : memref<640x128xf32, #tpu.memory_space<vmem_shared>>) dst(%dma_wait3A_67 : memref<640x128xf32, #tpu.memory_space<hbm>>)
      tpu.yield
    }) : () -> ()
    return
  }
}

module attributes {stable_mosaic.version = 14 : i64} {
  func.func @body(%arg0: i32, %arg1: memref<1x1x1024xf32, #tpu.memory_space<vmem>>, %arg2: memref<32x128xf32, #tpu.memory_space<vmem>>, %arg3: memref<1024x128xf32, #tpu.memory_space<vmem>>, %arg4: memref<128x128xf32, #tpu.memory_space<vmem>>, %arg5: memref<128x128xf32, #tpu.memory_space<vmem>>, %arg6: memref<1024x128xf32, #tpu.memory_space<vmem>>, %arg7: memref<1024x128xbf16, #tpu.memory_space<vmem>>) attributes {dimension_semantics = [#tpu.dimension_semantics<arbitrary>], iteration_bounds = array<i64: 10>, scalar_prefetch = 0 : i64, scratch_operands = 0 : i64, tpu.core_type = #tpu.core_type<tc>, window_params = [{transform_indices = @transform_0, window_bounds = array<i64: 1, 1, 1024>}, {pipeline_mode = #tpu.pipeline_mode<synchronous>, transform_indices = @transform_1, window_bounds = array<i64: 32, 128>}, {transform_indices = @transform_2, window_bounds = array<i64: 1024, 128>}, {pipeline_mode = #tpu.pipeline_mode<synchronous>, transform_indices = @transform_3, window_bounds = array<i64: 128, 128>}, {pipeline_mode = #tpu.pipeline_mode<synchronous>, transform_indices = @transform_4, window_bounds = array<i64: 128, 128>}, {transform_indices = @transform_5, window_bounds = array<i64: 1024, 128>}, {transform_indices = @transform_6, window_bounds = array<i64: 1024, 128>}]} {
    %get3A = arith.constant 0 : index
    %get3A_0 = arith.constant 0 : index
    %get3A_1 = arith.constant 0 : index
    %get3A_2 = vector.load %arg1[%get3A, %get3A_0, %get3A_1] : memref<1x1x1024xf32, #tpu.memory_space<vmem>>, vector<1x1x1024xf32>
    %get3A_3 = vector.shape_cast %get3A_2 : vector<1x1x1024xf32> to vector<1x1024xf32>
    %iota3A = tpu.iota {dimensions = array<i32: 0>} : vector<32x1024xi32>
    %convert_element_type3A = arith.sitofp %iota3A : vector<32x1024xi32> to vector<32x1024xf32>
    %eq3A = vector.broadcast %get3A_3 : vector<1x1024xf32> to vector<32x1024xf32>
    %eq3A_4 = arith.cmpf oeq, %convert_element_type3A, %eq3A : vector<32x1024xf32>
    %convert_element_type3A_5 = arith.extui %eq3A_4 : vector<32x1024xi1> to vector<32x1024xi32>
    %convert_element_type3A_6 = arith.sitofp %convert_element_type3A_5 : vector<32x1024xi32> to vector<32x1024xf32>
    %get3A_7 = arith.constant 0 : index
    %get3A_8 = arith.constant 0 : index
    %get3A_9 = vector.load %arg2[%get3A_7, %get3A_8] : memref<32x128xf32, #tpu.memory_space<vmem>>, vector<32x128xf32>
    %dot_general3A = arith.constant dense<0.000000e+00> : vector<1024x128xf32>
    %dot_general3A_10 = tpu.matmul %convert_element_type3A_6, %get3A_9, %dot_general3A {dimension_numbers = #tpu.dot_dimension_numbers<[0], [0], [1], [1], [0, 1, 1, 1], [], []>, transpose_lhs_hint = false} : vector<32x1024xf32>, vector<32x128xf32>, vector<1024x128xf32> -> vector<1024x128xf32>
    %get3A_11 = arith.constant 0 : index
    %get3A_12 = arith.constant 0 : index
    %get3A_13 = vector.load %arg3[%get3A_11, %get3A_12] : memref<1024x128xf32, #tpu.memory_space<vmem>>, vector<1024x128xf32>
    %add3A = arith.constant 1.000000e+00 : f32
    %add3A_14 = vector.broadcast %add3A : f32 to vector<1024x128xf32>
    %add3A_15 = arith.addf %get3A_13, %add3A_14 : vector<1024x128xf32>
    %rsqrt3A = math.rsqrt %add3A_15 : vector<1024x128xf32>
    %get3A_16 = arith.constant 0 : index
    %get3A_17 = arith.constant 0 : index
    %get3A_18 = vector.load %arg4[%get3A_16, %get3A_17] : memref<128x128xf32, #tpu.memory_space<vmem>>, vector<128x128xf32>
    %dot_general3A_19 = arith.constant dense<0.000000e+00> : vector<1024x128xf32>
    %dot_general3A_20 = tpu.matmul %dot_general3A_10, %get3A_18, %dot_general3A_19 {dimension_numbers = #tpu.dot_dimension_numbers<[1], [1], [0], [0], [0, 0, 1, 0], [], []>, transpose_lhs_hint = false} : vector<1024x128xf32>, vector<128x128xf32>, vector<1024x128xf32> -> vector<1024x128xf32>
    %mul3A = arith.mulf %dot_general3A_20, %rsqrt3A : vector<1024x128xf32>
    %swap3A = arith.constant 0 : index
    %swap3A_21 = arith.constant 0 : index
    %swap3A_22 = vector.load %arg6[%swap3A, %swap3A_21] : memref<1024x128xf32, #tpu.memory_space<vmem>>, vector<1024x128xf32>
    tpu.vector_store %arg6[%swap3A, %swap3A_21], %mul3A {strides = array<i32>} : memref<1024x128xf32, #tpu.memory_space<vmem>>, vector<1024x128xf32>,
    %get3A_23 = arith.constant 0 : index
    %get3A_24 = arith.constant 0 : index
    %get3A_25 = vector.load %arg5[%get3A_23, %get3A_24] : memref<128x128xf32, #tpu.memory_space<vmem>>, vector<128x128xf32>
    %dot_general3A_26 = arith.constant dense<0.000000e+00> : vector<1024x128xf32>
    %dot_general3A_27 = tpu.matmul %dot_general3A_10, %get3A_25, %dot_general3A_26 {dimension_numbers = #tpu.dot_dimension_numbers<[1], [1], [0], [0], [0, 0, 1, 0], [], []>, transpose_lhs_hint = false} : vector<1024x128xf32>, vector<128x128xf32>, vector<1024x128xf32> -> vector<1024x128xf32>
    %mul3A_28 = arith.mulf %dot_general3A_27, %rsqrt3A : vector<1024x128xf32>
    %convert_element_type3A_29 = arith.truncf %mul3A_28 : vector<1024x128xf32> to vector<1024x128xbf16>
    %swap3A_30 = arith.constant 0 : index
    %swap3A_31 = arith.constant 0 : index
    %swap3A_32 = vector.load %arg7[%swap3A_30, %swap3A_31] : memref<1024x128xbf16, #tpu.memory_space<vmem>>, vector<1024x128xbf16>
    tpu.vector_store %arg7[%swap3A_30, %swap3A_31], %convert_element_type3A_29 {strides = array<i32>} : memref<1024x128xbf16, #tpu.memory_space<vmem>>, vector<1024x128xbf16>,
    return
  }
  func.func @transform_0(%arg0: i32) -> (i32, i32, i32) {
    %c0_i32 = arith.constant 0 : i32
    %c0_i32_0 = arith.constant 0 : i32
    %c0_i32_1 = arith.constant 0 : i32
    return %arg0, %c0_i32, %c0_i32_0 : i32, i32, i32
  }
  func.func @transform_1(%arg0: i32) -> (i32, i32) {
    %c0_i32 = arith.constant 0 : i32
    %c0_i32_0 = arith.constant 0 : i32
    %c0_i32_1 = arith.constant 0 : i32
    return %c0_i32, %c0_i32_0 : i32, i32
  }
  func.func @transform_2(%arg0: i32) -> (i32, i32) {
    %c0_i32 = arith.constant 0 : i32
    %c0_i32_0 = arith.constant 0 : i32
    return %arg0, %c0_i32 : i32, i32
  }
  func.func @transform_3(%arg0: i32) -> (i32, i32) {
    %c0_i32 = arith.constant 0 : i32
    %c0_i32_0 = arith.constant 0 : i32
    %c0_i32_1 = arith.constant 0 : i32
    return %c0_i32, %c0_i32_0 : i32, i32
  }
  func.func @transform_4(%arg0: i32) -> (i32, i32) {
    %c0_i32 = arith.constant 0 : i32
    %c0_i32_0 = arith.constant 0 : i32
    %c0_i32_1 = arith.constant 0 : i32
    return %c0_i32, %c0_i32_0 : i32, i32
  }
  func.func @transform_5(%arg0: i32) -> (i32, i32) {
    %c0_i32 = arith.constant 0 : i32
    %c0_i32_0 = arith.constant 0 : i32
    return %arg0, %c0_i32 : i32, i32
  }
  func.func @transform_6(%arg0: i32) -> (i32, i32) {
    %c0_i32 = arith.constant 0 : i32
    %c0_i32_0 = arith.constant 0 : i32
    return %arg0, %c0_i32 : i32, i32
  }
}

module attributes {stable_mosaic.version = 14 : i64} {
  func.func @body(%arg0: i32, %arg1: memref<2x1024x128xf32, #tpu.memory_space<vmem>>, %arg2: memref<1024x128xf32, #tpu.memory_space<vmem>>, %arg3: memref<1024x128xf32, #tpu.memory_space<vmem>>, %arg4: memref<1x128xf32, #tpu.memory_space<vmem>>, %arg5: memref<128x128xf32, #tpu.memory_space<vmem>>, %arg6: memref<128x128xf32, #tpu.memory_space<vmem>>, %arg7: memref<1024x128xf32, #tpu.memory_space<vmem>>, %arg8: memref<1024x128xbf16, #tpu.memory_space<vmem>>) attributes {dimension_semantics = [#tpu.dimension_semantics<arbitrary>], iteration_bounds = array<i64: 10>, scalar_prefetch = 0 : i64, scratch_operands = 0 : i64, tpu.core_type = #tpu.core_type<tc>, window_params = [{transform_indices = @transform_0, window_bounds = array<i64: 2, 1024, 128>}, {transform_indices = @transform_1, window_bounds = array<i64: 1024, 128>}, {transform_indices = @transform_2, window_bounds = array<i64: 1024, 128>}, {pipeline_mode = #tpu.pipeline_mode<synchronous>, transform_indices = @transform_3, window_bounds = array<i64: 1, 128>}, {pipeline_mode = #tpu.pipeline_mode<synchronous>, transform_indices = @transform_4, window_bounds = array<i64: 128, 128>}, {pipeline_mode = #tpu.pipeline_mode<synchronous>, transform_indices = @transform_5, window_bounds = array<i64: 128, 128>}, {transform_indices = @transform_6, window_bounds = array<i64: 1024, 128>}, {transform_indices = @transform_7, window_bounds = array<i64: 1024, 128>}]} {
    %get3A = arith.constant 0 : index
    %get3A_0 = arith.constant 0 : index
    %get3A_1 = vector.load %arg3[%get3A, %get3A_0] : memref<1024x128xf32, #tpu.memory_space<vmem>>, vector<1024x128xf32>
    %add3A = arith.constant 1.000000e+00 : f32
    %add3A_2 = vector.broadcast %add3A : f32 to vector<1024x128xf32>
    %add3A_3 = arith.addf %get3A_1, %add3A_2 : vector<1024x128xf32>
    %rsqrt3A = math.rsqrt %add3A_3 : vector<1024x128xf32>
    %get3A_4 = arith.constant 0 : index
    %get3A_5 = arith.constant 0 : index
    %get3A_6 = arith.constant 0 : index
    %get3A_7 = vector.load %arg1[%get3A_4, %get3A_5, %get3A_6] : memref<2x1024x128xf32, #tpu.memory_space<vmem>>, vector<1x1024x128xf32>
    %get3A_8 = vector.shape_cast %get3A_7 : vector<1x1024x128xf32> to vector<1024x128xf32>
    %get3A_9 = arith.constant 1 : index
    %get3A_10 = arith.constant 0 : index
    %get3A_11 = arith.constant 0 : index
    %get3A_12 = vector.load %arg1[%get3A_9, %get3A_10, %get3A_11] : memref<2x1024x128xf32, #tpu.memory_space<vmem>>, vector<1x1024x128xf32>
    %get3A_13 = vector.shape_cast %get3A_12 : vector<1x1024x128xf32> to vector<1024x128xf32>
    %add3A_14 = arith.addf %get3A_8, %get3A_13 : vector<1024x128xf32>
    %get3A_15 = arith.constant 0 : index
    %get3A_16 = arith.constant 0 : index
    %get3A_17 = vector.load %arg2[%get3A_15, %get3A_16] : memref<1024x128xf32, #tpu.memory_space<vmem>>, vector<1024x128xf32>
    %add3A_18 = arith.addf %add3A_14, %get3A_17 : vector<1024x128xf32>
    %mul3A = arith.mulf %rsqrt3A, %add3A_18 : vector<1024x128xf32>
    %get3A_19 = arith.constant 0 : index
    %get3A_20 = arith.constant 0 : index
    %get3A_21 = vector.load %arg4[%get3A_19, %get3A_20] : memref<1x128xf32, #tpu.memory_space<vmem>>, vector<1x128xf32>
    %add3A_22 = vector.broadcast %get3A_21 : vector<1x128xf32> to vector<1024x128xf32>
    %add3A_23 = arith.addf %mul3A, %add3A_22 : vector<1024x128xf32>
    %max3A = arith.constant 0.000000e+00 : f32
    %max3A_24 = vector.broadcast %max3A : f32 to vector<1024x128xf32>
    %max3A_25 = arith.maximumf %add3A_23, %max3A_24 : vector<1024x128xf32>
    %get3A_26 = arith.constant 0 : index
    %get3A_27 = arith.constant 0 : index
    %get3A_28 = vector.load %arg5[%get3A_26, %get3A_27] : memref<128x128xf32, #tpu.memory_space<vmem>>, vector<128x128xf32>
    %dot_general3A = arith.constant dense<0.000000e+00> : vector<1024x128xf32>
    %dot_general3A_29 = tpu.matmul %max3A_25, %get3A_28, %dot_general3A {dimension_numbers = #tpu.dot_dimension_numbers<[1], [1], [0], [0], [0, 0, 1, 0], [], []>, transpose_lhs_hint = false} : vector<1024x128xf32>, vector<128x128xf32>, vector<1024x128xf32> -> vector<1024x128xf32>
    %mul3A_30 = arith.mulf %dot_general3A_29, %rsqrt3A : vector<1024x128xf32>
    %swap3A = arith.constant 0 : index
    %swap3A_31 = arith.constant 0 : index
    %swap3A_32 = vector.load %arg7[%swap3A, %swap3A_31] : memref<1024x128xf32, #tpu.memory_space<vmem>>, vector<1024x128xf32>
    tpu.vector_store %arg7[%swap3A, %swap3A_31], %mul3A_30 {strides = array<i32>} : memref<1024x128xf32, #tpu.memory_space<vmem>>, vector<1024x128xf32>,
    %get3A_33 = arith.constant 0 : index
    %get3A_34 = arith.constant 0 : index
    %get3A_35 = vector.load %arg6[%get3A_33, %get3A_34] : memref<128x128xf32, #tpu.memory_space<vmem>>, vector<128x128xf32>
    %dot_general3A_36 = arith.constant dense<0.000000e+00> : vector<1024x128xf32>
    %dot_general3A_37 = tpu.matmul %max3A_25, %get3A_35, %dot_general3A_36 {dimension_numbers = #tpu.dot_dimension_numbers<[1], [1], [0], [0], [0, 0, 1, 0], [], []>, transpose_lhs_hint = false} : vector<1024x128xf32>, vector<128x128xf32>, vector<1024x128xf32> -> vector<1024x128xf32>
    %mul3A_38 = arith.mulf %dot_general3A_37, %rsqrt3A : vector<1024x128xf32>
    %convert_element_type3A = arith.truncf %mul3A_38 : vector<1024x128xf32> to vector<1024x128xbf16>
    %swap3A_39 = arith.constant 0 : index
    %swap3A_40 = arith.constant 0 : index
    %swap3A_41 = vector.load %arg8[%swap3A_39, %swap3A_40] : memref<1024x128xbf16, #tpu.memory_space<vmem>>, vector<1024x128xbf16>
    tpu.vector_store %arg8[%swap3A_39, %swap3A_40], %convert_element_type3A {strides = array<i32>} : memref<1024x128xbf16, #tpu.memory_space<vmem>>, vector<1024x128xbf16>,
    return
  }
  func.func @transform_0(%arg0: i32) -> (i32, i32, i32) {
    %c0_i32 = arith.constant 0 : i32
    %c0_i32_0 = arith.constant 0 : i32
    %c0_i32_1 = arith.constant 0 : i32
    return %c0_i32, %arg0, %c0_i32_0 : i32, i32, i32
  }
  func.func @transform_1(%arg0: i32) -> (i32, i32) {
    %c0_i32 = arith.constant 0 : i32
    %c0_i32_0 = arith.constant 0 : i32
    return %arg0, %c0_i32 : i32, i32
  }
  func.func @transform_2(%arg0: i32) -> (i32, i32) {
    %c0_i32 = arith.constant 0 : i32
    %c0_i32_0 = arith.constant 0 : i32
    return %arg0, %c0_i32 : i32, i32
  }
  func.func @transform_3(%arg0: i32) -> (i32, i32) {
    %c0_i32 = arith.constant 0 : i32
    %c0_i32_0 = arith.constant 0 : i32
    %c0_i32_1 = arith.constant 0 : i32
    return %c0_i32, %c0_i32_0 : i32, i32
  }
  func.func @transform_4(%arg0: i32) -> (i32, i32) {
    %c0_i32 = arith.constant 0 : i32
    %c0_i32_0 = arith.constant 0 : i32
    %c0_i32_1 = arith.constant 0 : i32
    return %c0_i32, %c0_i32_0 : i32, i32
  }
  func.func @transform_5(%arg0: i32) -> (i32, i32) {
    %c0_i32 = arith.constant 0 : i32
    %c0_i32_0 = arith.constant 0 : i32
    %c0_i32_1 = arith.constant 0 : i32
    return %c0_i32, %c0_i32_0 : i32, i32
  }
  func.func @transform_6(%arg0: i32) -> (i32, i32) {
    %c0_i32 = arith.constant 0 : i32
    %c0_i32_0 = arith.constant 0 : i32
    return %arg0, %c0_i32 : i32, i32
  }
  func.func @transform_7(%arg0: i32) -> (i32, i32) {
    %c0_i32 = arith.constant 0 : i32
    %c0_i32_0 = arith.constant 0 : i32
    return %arg0, %c0_i32 : i32, i32
  }
}

module attributes {stable_mosaic.version = 14 : i64} {
  func.func @body(%arg0: i32, %arg1: memref<96x1024xf32, #tpu.memory_space<vmem>>, %arg2: memref<96x128xf32, #tpu.memory_space<vmem>>, %arg3: memref<96x128xf32, #tpu.memory_space<vmem>>) attributes {dimension_semantics = [#tpu.dimension_semantics<arbitrary>], iteration_bounds = array<i64: 49>, scalar_prefetch = 0 : i64, scratch_operands = 1 : i64, tpu.core_type = #tpu.core_type<tc>, window_params = [{transform_indices = @transform_0, window_bounds = array<i64: 96, 1024>}, {pipeline_mode = #tpu.pipeline_mode<synchronous>, transform_indices = @transform_1, window_bounds = array<i64: 96, 128>}]} {
    %eq3A = arith.constant 0 : i32
    %eq3A_0 = arith.cmpi eq, %arg0, %eq3A : i32
    %convert_element_type3A = arith.extui %eq3A_0 : i1 to i32
    %cond3A = arith.constant 0 : i32
    %cond3A_1 = arith.cmpi ne, %convert_element_type3A, %cond3A : i32
    scf.if %cond3A_1 {
      %broadcast_in_dim3A_30 = arith.constant 0.000000e+00 : f32
      %broadcast_in_dim3A_31 = vector.broadcast %broadcast_in_dim3A_30 : f32 to vector<96x128xf32>
      %swap3A_32 = arith.constant 0 : index
      %swap3A_33 = arith.constant 0 : index
      %swap3A_34 = vector.load %arg3[%swap3A_32, %swap3A_33] : memref<96x128xf32, #tpu.memory_space<vmem>>, vector<96x128xf32>
      tpu.vector_store %arg3[%swap3A_32, %swap3A_33], %broadcast_in_dim3A_31 {strides = array<i32>} : memref<96x128xf32, #tpu.memory_space<vmem>>, vector<96x128xf32>,
    } else {
    }
    %get3A = arith.constant 0 : index
    %get3A_2 = arith.constant 0 : index
    %get3A_3 = vector.load %arg1[%get3A, %get3A_2] : memref<96x1024xf32, #tpu.memory_space<vmem>>, vector<96x1024xf32>
    %broadcast_in_dim3A = arith.constant 0.000000e+00 : f32
    %broadcast_in_dim3A_4 = vector.broadcast %broadcast_in_dim3A : f32 to vector<96x128xf32>
    %slice3A = vector.extract_strided_slice %get3A_3 {offsets = [0, 0], sizes = [96, 128], strides = [1, 1]} : vector<96x1024xf32> to vector<96x128xf32>
    %add3A = arith.addf %broadcast_in_dim3A_4, %slice3A : vector<96x128xf32>
    %slice3A_5 = vector.extract_strided_slice %get3A_3 {offsets = [0, 128], sizes = [96, 128], strides = [1, 1]} : vector<96x1024xf32> to vector<96x128xf32>
    %add3A_6 = arith.addf %add3A, %slice3A_5 : vector<96x128xf32>
    %slice3A_7 = vector.extract_strided_slice %get3A_3 {offsets = [0, 256], sizes = [96, 128], strides = [1, 1]} : vector<96x1024xf32> to vector<96x128xf32>
    %add3A_8 = arith.addf %add3A_6, %slice3A_7 : vector<96x128xf32>
    %slice3A_9 = vector.extract_strided_slice %get3A_3 {offsets = [0, 384], sizes = [96, 128], strides = [1, 1]} : vector<96x1024xf32> to vector<96x128xf32>
    %add3A_10 = arith.addf %add3A_8, %slice3A_9 : vector<96x128xf32>
    %slice3A_11 = vector.extract_strided_slice %get3A_3 {offsets = [0, 512], sizes = [96, 128], strides = [1, 1]} : vector<96x1024xf32> to vector<96x128xf32>
    %add3A_12 = arith.addf %add3A_10, %slice3A_11 : vector<96x128xf32>
    %slice3A_13 = vector.extract_strided_slice %get3A_3 {offsets = [0, 640], sizes = [96, 128], strides = [1, 1]} : vector<96x1024xf32> to vector<96x128xf32>
    %add3A_14 = arith.addf %add3A_12, %slice3A_13 : vector<96x128xf32>
    %slice3A_15 = vector.extract_strided_slice %get3A_3 {offsets = [0, 768], sizes = [96, 128], strides = [1, 1]} : vector<96x1024xf32> to vector<96x128xf32>
    %add3A_16 = arith.addf %add3A_14, %slice3A_15 : vector<96x128xf32>
    %slice3A_17 = vector.extract_strided_slice %get3A_3 {offsets = [0, 896], sizes = [96, 128], strides = [1, 1]} : vector<96x1024xf32> to vector<96x128xf32>
    %add3A_18 = arith.addf %add3A_16, %slice3A_17 : vector<96x128xf32>
    %get3A_19 = arith.constant 0 : index
    %get3A_20 = arith.constant 0 : index
    %get3A_21 = vector.load %arg3[%get3A_19, %get3A_20] : memref<96x128xf32, #tpu.memory_space<vmem>>, vector<96x128xf32>
    %add3A_22 = arith.addf %get3A_21, %add3A_18 : vector<96x128xf32>
    %swap3A = arith.constant 0 : index
    %swap3A_23 = arith.constant 0 : index
    %swap3A_24 = vector.load %arg3[%swap3A, %swap3A_23] : memref<96x128xf32, #tpu.memory_space<vmem>>, vector<96x128xf32>
    tpu.vector_store %arg3[%swap3A, %swap3A_23], %add3A_22 {strides = array<i32>} : memref<96x128xf32, #tpu.memory_space<vmem>>, vector<96x128xf32>,
    %eq3A_25 = arith.constant 48 : i32
    %eq3A_26 = arith.cmpi eq, %arg0, %eq3A_25 : i32
    %convert_element_type3A_27 = arith.extui %eq3A_26 : i1 to i32
    %cond3A_28 = arith.constant 0 : i32
    %cond3A_29 = arith.cmpi ne, %convert_element_type3A_27, %cond3A_28 : i32
    scf.if %cond3A_29 {
      %get3A_30 = arith.constant 0 : index
      %get3A_31 = arith.constant 0 : index
      %get3A_32 = vector.load %arg3[%get3A_30, %get3A_31] : memref<96x128xf32, #tpu.memory_space<vmem>>, vector<96x128xf32>
      %swap3A_33 = arith.constant 0 : index
      %swap3A_34 = arith.constant 0 : index
      %swap3A_35 = vector.load %arg2[%swap3A_33, %swap3A_34] : memref<96x128xf32, #tpu.memory_space<vmem>>, vector<96x128xf32>
      tpu.vector_store %arg2[%swap3A_33, %swap3A_34], %get3A_32 {strides = array<i32>} : memref<96x128xf32, #tpu.memory_space<vmem>>, vector<96x128xf32>,
    } else {
    }
    return
  }
  func.func @transform_0(%arg0: i32) -> (i32, i32) {
    %c0_i32 = arith.constant 0 : i32
    %c0_i32_0 = arith.constant 0 : i32
    return %c0_i32, %arg0 : i32, i32
  }
  func.func @transform_1(%arg0: i32) -> (i32, i32) {
    %c0_i32 = arith.constant 0 : i32
    %c0_i32_0 = arith.constant 0 : i32
    %c0_i32_1 = arith.constant 0 : i32
    return %c0_i32, %c0_i32_0 : i32, i32
  }
}

module attributes {stable_mosaic.version = 14 : i64} {
  func.func @body(%arg0: i32, %arg1: memref<2x1024x128xf32, #tpu.memory_space<vmem>>, %arg2: memref<1024x128xf32, #tpu.memory_space<vmem>>, %arg3: memref<1024x128xf32, #tpu.memory_space<vmem>>, %arg4: memref<1x128xf32, #tpu.memory_space<vmem>>, %arg5: memref<1x1x1024xf32, #tpu.memory_space<vmem>>, %arg6: memref<96x128xf32, #tpu.memory_space<vmem>>, %arg7: memref<4096x96xf32, #tpu.memory_space<vmem>>, %arg8: memref<128x4096xf32, #tpu.memory_space<vmem>>, %arg9: memref<1x128xf32, #tpu.memory_space<vmem>>, %arg10: memref<128x4096xf32, #tpu.memory_space<vmem>>, %arg11: memref<128x128xf32, #tpu.memory_space<vmem>>, %arg12: memref<1x128xf32, #tpu.memory_space<vmem>>, %arg13: memref<1x4096xf32, #tpu.memory_space<vmem>>, %arg14: memref<32x128xf32, #tpu.memory_space<vmem>>, %arg15: memref<32x128xf32, #tpu.memory_space<vmem>>, %arg16: memref<32x128xf32, #tpu.memory_space<vmem>>, %arg17: memref<32x128xf32, #tpu.memory_space<vmem>>) attributes {dimension_semantics = [#tpu.dimension_semantics<arbitrary>], iteration_bounds = array<i64: 10>, scalar_prefetch = 0 : i64, scratch_operands = 2 : i64, tpu.core_type = #tpu.core_type<tc>, window_params = [{transform_indices = @transform_0, window_bounds = array<i64: 2, 1024, 128>}, {transform_indices = @transform_1, window_bounds = array<i64: 1024, 128>}, {transform_indices = @transform_2, window_bounds = array<i64: 1024, 128>}, {pipeline_mode = #tpu.pipeline_mode<synchronous>, transform_indices = @transform_3, window_bounds = array<i64: 1, 128>}, {transform_indices = @transform_4, window_bounds = array<i64: 1, 1, 1024>}, {pipeline_mode = #tpu.pipeline_mode<synchronous>, transform_indices = @transform_5, window_bounds = array<i64: 96, 128>}, {pipeline_mode = #tpu.pipeline_mode<synchronous>, transform_indices = @transform_6, window_bounds = array<i64: 4096, 96>}, {pipeline_mode = #tpu.pipeline_mode<synchronous>, transform_indices = @transform_7, window_bounds = array<i64: 128, 4096>}, {pipeline_mode = #tpu.pipeline_mode<synchronous>, transform_indices = @transform_8, window_bounds = array<i64: 1, 128>}, {pipeline_mode = #tpu.pipeline_mode<synchronous>, transform_indices = @transform_9, window_bounds = array<i64: 128, 4096>}, {pipeline_mode = #tpu.pipeline_mode<synchronous>, transform_indices = @transform_10, window_bounds = array<i64: 128, 128>}, {pipeline_mode = #tpu.pipeline_mode<synchronous>, transform_indices = @transform_11, window_bounds = array<i64: 1, 128>}, {pipeline_mode = #tpu.pipeline_mode<synchronous>, transform_indices = @transform_12, window_bounds = array<i64: 1, 4096>}, {pipeline_mode = #tpu.pipeline_mode<synchronous>, transform_indices = @transform_13, window_bounds = array<i64: 32, 128>}, {pipeline_mode = #tpu.pipeline_mode<synchronous>, transform_indices = @transform_14, window_bounds = array<i64: 32, 128>}]} {
    %eq3A = arith.constant 0 : i32
    %eq3A_0 = arith.cmpi eq, %arg0, %eq3A : i32
    %convert_element_type3A = arith.extui %eq3A_0 : i1 to i32
    %cond3A = arith.constant 0 : i32
    %cond3A_1 = arith.cmpi ne, %convert_element_type3A, %cond3A : i32
    scf.if %cond3A_1 {
      %broadcast_in_dim3A_58 = arith.constant 0.000000e+00 : f32
      %broadcast_in_dim3A_59 = vector.broadcast %broadcast_in_dim3A_58 : f32 to vector<32x128xf32>
      %swap3A_60 = arith.constant 0 : index
      %swap3A_61 = arith.constant 0 : index
      %swap3A_62 = vector.load %arg16[%swap3A_60, %swap3A_61] : memref<32x128xf32, #tpu.memory_space<vmem>>, vector<32x128xf32>
      tpu.vector_store %arg16[%swap3A_60, %swap3A_61], %broadcast_in_dim3A_59 {strides = array<i32>} : memref<32x128xf32, #tpu.memory_space<vmem>>, vector<32x128xf32>,
      %broadcast_in_dim3A_63 = arith.constant 0.000000e+00 : f32
      %broadcast_in_dim3A_64 = vector.broadcast %broadcast_in_dim3A_63 : f32 to vector<32x128xf32>
      %swap3A_65 = arith.constant 0 : index
      %swap3A_66 = arith.constant 0 : index
      %swap3A_67 = vector.load %arg17[%swap3A_65, %swap3A_66] : memref<32x128xf32, #tpu.memory_space<vmem>>, vector<32x128xf32>
      tpu.vector_store %arg17[%swap3A_65, %swap3A_66], %broadcast_in_dim3A_64 {strides = array<i32>} : memref<32x128xf32, #tpu.memory_space<vmem>>, vector<32x128xf32>,
    } else {
    }
    %get3A = arith.constant 0 : index
    %get3A_2 = arith.constant 0 : index
    %get3A_3 = vector.load %arg3[%get3A, %get3A_2] : memref<1024x128xf32, #tpu.memory_space<vmem>>, vector<1024x128xf32>
    %add3A = arith.constant 1.000000e+00 : f32
    %add3A_4 = vector.broadcast %add3A : f32 to vector<1024x128xf32>
    %add3A_5 = arith.addf %get3A_3, %add3A_4 : vector<1024x128xf32>
    %rsqrt3A = math.rsqrt %add3A_5 : vector<1024x128xf32>
    %get3A_6 = arith.constant 0 : index
    %get3A_7 = arith.constant 0 : index
    %get3A_8 = arith.constant 0 : index
    %get3A_9 = vector.load %arg1[%get3A_6, %get3A_7, %get3A_8] : memref<2x1024x128xf32, #tpu.memory_space<vmem>>, vector<1x1024x128xf32>
    %get3A_10 = vector.shape_cast %get3A_9 : vector<1x1024x128xf32> to vector<1024x128xf32>
    %get3A_11 = arith.constant 1 : index
    %get3A_12 = arith.constant 0 : index
    %get3A_13 = arith.constant 0 : index
    %get3A_14 = vector.load %arg1[%get3A_11, %get3A_12, %get3A_13] : memref<2x1024x128xf32, #tpu.memory_space<vmem>>, vector<1x1024x128xf32>
    %get3A_15 = vector.shape_cast %get3A_14 : vector<1x1024x128xf32> to vector<1024x128xf32>
    %add3A_16 = arith.addf %get3A_10, %get3A_15 : vector<1024x128xf32>
    %get3A_17 = arith.constant 0 : index
    %get3A_18 = arith.constant 0 : index
    %get3A_19 = vector.load %arg2[%get3A_17, %get3A_18] : memref<1024x128xf32, #tpu.memory_space<vmem>>, vector<1024x128xf32>
    %add3A_20 = arith.addf %add3A_16, %get3A_19 : vector<1024x128xf32>
    %mul3A = arith.mulf %rsqrt3A, %add3A_20 : vector<1024x128xf32>
    %get3A_21 = arith.constant 0 : index
    %get3A_22 = arith.constant 0 : index
    %get3A_23 = vector.load %arg4[%get3A_21, %get3A_22] : memref<1x128xf32, #tpu.memory_space<vmem>>, vector<1x128xf32>
    %add3A_24 = vector.broadcast %get3A_23 : vector<1x128xf32> to vector<1024x128xf32>
    %add3A_25 = arith.addf %mul3A, %add3A_24 : vector<1024x128xf32>
    %iota3A = tpu.iota {dimensions = array<i32: 0>} : vector<32x1024xi32>
    %convert_element_type3A_26 = arith.sitofp %iota3A : vector<32x1024xi32> to vector<32x1024xf32>
    %get3A_27 = arith.constant 0 : index
    %get3A_28 = arith.constant 0 : index
    %get3A_29 = arith.constant 0 : index
    %get3A_30 = vector.load %arg5[%get3A_27, %get3A_28, %get3A_29] : memref<1x1x1024xf32, #tpu.memory_space<vmem>>, vector<1x1x1024xf32>
    %get3A_31 = vector.shape_cast %get3A_30 : vector<1x1x1024xf32> to vector<1x1024xf32>
    %eq3A_32 = vector.broadcast %get3A_31 : vector<1x1024xf32> to vector<32x1024xf32>
    %eq3A_33 = arith.cmpf oeq, %convert_element_type3A_26, %eq3A_32 : vector<32x1024xf32>
    %convert_element_type3A_34 = arith.extui %eq3A_33 : vector<32x1024xi1> to vector<32x1024xi32>
    %convert_element_type3A_35 = arith.sitofp %convert_element_type3A_34 : vector<32x1024xi32> to vector<32x1024xf32>
    %get3A_36 = arith.constant 0 : index
    %get3A_37 = arith.constant 0 : index
    %get3A_38 = vector.load %arg16[%get3A_36, %get3A_37] : memref<32x128xf32, #tpu.memory_space<vmem>>, vector<32x128xf32>
    %dot_general3A = arith.constant dense<0.000000e+00> : vector<32x128xf32>
    %dot_general3A_39 = tpu.matmul %convert_element_type3A_35, %add3A_25, %dot_general3A {dimension_numbers = #tpu.dot_dimension_numbers<[1], [0], [0], [1], [0, 0, 1, 1], [], []>, transpose_lhs_hint = false} : vector<32x1024xf32>, vector<1024x128xf32>, vector<32x128xf32> -> vector<32x128xf32>
    %add3A_40 = arith.addf %get3A_38, %dot_general3A_39 : vector<32x128xf32>
    %swap3A = arith.constant 0 : index
    %swap3A_41 = arith.constant 0 : index
    %swap3A_42 = vector.load %arg16[%swap3A, %swap3A_41] : memref<32x128xf32, #tpu.memory_space<vmem>>, vector<32x128xf32>
    tpu.vector_store %arg16[%swap3A, %swap3A_41], %add3A_40 {strides = array<i32>} : memref<32x128xf32, #tpu.memory_space<vmem>>, vector<32x128xf32>,
    %get3A_43 = arith.constant 0 : index
    %get3A_44 = arith.constant 0 : index
    %get3A_45 = vector.load %arg17[%get3A_43, %get3A_44] : memref<32x128xf32, #tpu.memory_space<vmem>>, vector<32x128xf32>
    %broadcast_in_dim3A = arith.constant 1.000000e+00 : f32
    %broadcast_in_dim3A_46 = vector.broadcast %broadcast_in_dim3A : f32 to vector<1024x128xf32>
    %dot_general3A_47 = arith.constant dense<0.000000e+00> : vector<32x128xf32>
    %dot_general3A_48 = tpu.matmul %convert_element_type3A_35, %broadcast_in_dim3A_46, %dot_general3A_47 {dimension_numbers = #tpu.dot_dimension_numbers<[1], [0], [0], [1], [0, 0, 1, 1], [], []>, transpose_lhs_hint = false} : vector<32x1024xf32>, vector<1024x128xf32>, vector<32x128xf32> -> vector<32x128xf32>
    %add3A_49 = arith.addf %get3A_45, %dot_general3A_48 : vector<32x128xf32>
    %swap3A_50 = arith.constant 0 : index
    %swap3A_51 = arith.constant 0 : index
    %swap3A_52 = vector.load %arg17[%swap3A_50, %swap3A_51] : memref<32x128xf32, #tpu.memory_space<vmem>>, vector<32x128xf32>
    tpu.vector_store %arg17[%swap3A_50, %swap3A_51], %add3A_49 {strides = array<i32>} : memref<32x128xf32, #tpu.memory_space<vmem>>, vector<32x128xf32>,
    %eq3A_53 = arith.constant 9 : i32
    %eq3A_54 = arith.cmpi eq, %arg0, %eq3A_53 : i32
    %convert_element_type3A_55 = arith.extui %eq3A_54 : i1 to i32
    %cond3A_56 = arith.constant 0 : i32
    %cond3A_57 = arith.cmpi ne, %convert_element_type3A_55, %cond3A_56 : i32
    scf.if %cond3A_57 {
      %get3A_58 = arith.constant 0 : index
      %get3A_59 = arith.constant 0 : index
      %get3A_60 = vector.load %arg16[%get3A_58, %get3A_59] : memref<32x128xf32, #tpu.memory_space<vmem>>, vector<32x128xf32>
      %get3A_61 = arith.constant 0 : index
      %get3A_62 = arith.constant 0 : index
      %get3A_63 = vector.load %arg17[%get3A_61, %get3A_62] : memref<32x128xf32, #tpu.memory_space<vmem>>, vector<32x128xf32>
      %max3A = arith.constant 1.000000e+00 : f32
      %max3A_64 = vector.broadcast %max3A : f32 to vector<32x128xf32>
      %max3A_65 = arith.maximumf %get3A_63, %max3A_64 : vector<32x128xf32>
      %div3A = arith.divf %get3A_60, %max3A_65 : vector<32x128xf32>
      %broadcast_in_dim3A_66 = arith.constant 1.000000e+00 : f32
      %broadcast_in_dim3A_67 = vector.broadcast %broadcast_in_dim3A_66 : f32 to vector<1x128xf32>
      %get3A_68 = arith.constant 0 : index
      %get3A_69 = arith.constant 0 : index
      %get3A_70 = vector.load %arg6[%get3A_68, %get3A_69] : memref<96x128xf32, #tpu.memory_space<vmem>>, vector<96x128xf32>
      %dot_general3A_71 = arith.constant dense<0.000000e+00> : vector<1x96xf32>
      %dot_general3A_72 = tpu.matmul %broadcast_in_dim3A_67, %get3A_70, %dot_general3A_71 {dimension_numbers = #tpu.dot_dimension_numbers<[1], [1], [0], [0], [0, 0, 1, 0], [], []>, transpose_lhs_hint = false} : vector<1x128xf32>, vector<96x128xf32>, vector<1x96xf32> -> vector<1x96xf32>
      %mul3A_73 = arith.constant 1.99298465E-5 : f32
      %mul3A_74 = vector.broadcast %mul3A_73 : f32 to vector<1x96xf32>
      %mul3A_75 = arith.mulf %dot_general3A_72, %mul3A_74 : vector<1x96xf32>
      %iota3A_76 = tpu.iota {dimensions = array<i32: 0>} : vector<32x96xi32>
      %iota3A_77 = tpu.iota {dimensions = array<i32: 1>} : vector<32x96xi32>
      %jit3A = arith.constant 3 : i32
      %div3A_78 = vector.broadcast %jit3A : i32 to vector<32x96xi32>
      %div3A_79 = arith.divsi %iota3A_77, %div3A_78 : vector<32x96xi32>
      %sign3A = arith.constant 0 : i32
      %sign3A_80 = vector.broadcast %sign3A : i32 to vector<32x96xi32>
      %sign3A_81 = arith.cmpi sgt, %iota3A_77, %sign3A_80 : vector<32x96xi32>
      %sign3A_82 = arith.extui %sign3A_81 : vector<32x96xi1> to vector<32x96xi32>
      %sign3A_83 = arith.constant 0 : i32
      %sign3A_84 = vector.broadcast %sign3A_83 : i32 to vector<32x96xi32>
      %sign3A_85 = arith.cmpi slt, %iota3A_77, %sign3A_84 : vector<32x96xi32>
      %sign3A_86 = arith.extui %sign3A_85 : vector<32x96xi1> to vector<32x96xi32>
      %sign3A_87 = arith.subi %sign3A_82, %sign3A_86 : vector<32x96xi32>
      %sign3A_88 = arith.constant 0 : i32
      %sign3A_89 = arith.cmpi sgt, %jit3A, %sign3A_88 : i32
      %sign3A_90 = arith.extui %sign3A_89 : i1 to i32
      %sign3A_91 = arith.constant 0 : i32
      %sign3A_92 = arith.cmpi slt, %jit3A, %sign3A_91 : i32
      %sign3A_93 = arith.extui %sign3A_92 : i1 to i32
      %sign3A_94 = arith.subi %sign3A_90, %sign3A_93 : i32
      %ne3A = vector.broadcast %sign3A_94 : i32 to vector<32x96xi32>
      %ne3A_95 = arith.cmpi ne, %sign3A_87, %ne3A : vector<32x96xi32>
      %rem3A = vector.broadcast %jit3A : i32 to vector<32x96xi32>
      %rem3A_96 = arith.remsi %iota3A_77, %rem3A : vector<32x96xi32>
      %ne3A_97 = arith.constant 0 : i32
      %ne3A_98 = vector.broadcast %ne3A_97 : i32 to vector<32x96xi32>
      %ne3A_99 = arith.cmpi ne, %rem3A_96, %ne3A_98 : vector<32x96xi32>
      %and3A = arith.andi %ne3A_95, %ne3A_99 : vector<32x96xi1>
      %sub3A = arith.constant 1 : i32
      %sub3A_100 = vector.broadcast %sub3A : i32 to vector<32x96xi32>
      %sub3A_101 = arith.subi %div3A_79, %sub3A_100 : vector<32x96xi32>
      %select_n3A = arith.select %and3A, %sub3A_101, %div3A_79 : vector<32x96xi1>, vector<32x96xi32>
      %eq3A_102 = arith.cmpi eq, %select_n3A, %iota3A_76 : vector<32x96xi32>
      %convert_element_type3A_103 = arith.extui %eq3A_102 : vector<32x96xi1> to vector<32x96xi32>
      %convert_element_type3A_104 = arith.sitofp %convert_element_type3A_103 : vector<32x96xi32> to vector<32x96xf32>
      %mul3A_105 = vector.broadcast %mul3A_75 : vector<1x96xf32> to vector<32x96xf32>
      %mul3A_106 = arith.mulf %convert_element_type3A_104, %mul3A_105 : vector<32x96xf32>
      %get3A_107 = arith.constant 0 : index
      %get3A_108 = arith.constant 0 : index
      %get3A_109 = vector.load %arg8[%get3A_107, %get3A_108] : memref<128x4096xf32, #tpu.memory_space<vmem>>, vector<128x4096xf32>
      %get3A_110 = arith.constant 0 : index
      %get3A_111 = arith.constant 0 : index
      %get3A_112 = vector.load %arg7[%get3A_110, %get3A_111] : memref<4096x96xf32, #tpu.memory_space<vmem>>, vector<4096x96xf32>
      %dot_general3A_113 = arith.constant dense<0.000000e+00> : vector<128x96xf32>
      %dot_general3A_114 = tpu.matmul %get3A_109, %get3A_112, %dot_general3A_113 {dimension_numbers = #tpu.dot_dimension_numbers<[1], [0], [0], [1], [0, 0, 1, 1], [], []>, transpose_lhs_hint = false} : vector<128x4096xf32>, vector<4096x96xf32>, vector<128x96xf32> -> vector<128x96xf32>
      %get3A_115 = arith.constant 0 : index
      %get3A_116 = arith.constant 0 : index
      %get3A_117 = vector.load %arg10[%get3A_115, %get3A_116] : memref<128x4096xf32, #tpu.memory_space<vmem>>, vector<128x4096xf32>
      %get3A_118 = arith.constant 0 : index
      %get3A_119 = arith.constant 0 : index
      %get3A_120 = vector.load %arg7[%get3A_118, %get3A_119] : memref<4096x96xf32, #tpu.memory_space<vmem>>, vector<4096x96xf32>
      %dot_general3A_121 = arith.constant dense<0.000000e+00> : vector<128x96xf32>
      %dot_general3A_122 = tpu.matmul %get3A_117, %get3A_120, %dot_general3A_121 {dimension_numbers = #tpu.dot_dimension_numbers<[1], [0], [0], [1], [0, 0, 1, 1], [], []>, transpose_lhs_hint = false} : vector<128x4096xf32>, vector<4096x96xf32>, vector<128x96xf32> -> vector<128x96xf32>
      %get3A_123 = arith.constant 0 : index
      %get3A_124 = arith.constant 0 : index
      %get3A_125 = vector.load %arg13[%get3A_123, %get3A_124] : memref<1x4096xf32, #tpu.memory_space<vmem>>, vector<1x4096xf32>
      %get3A_126 = arith.constant 0 : index
      %get3A_127 = arith.constant 0 : index
      %get3A_128 = vector.load %arg8[%get3A_126, %get3A_127] : memref<128x4096xf32, #tpu.memory_space<vmem>>, vector<128x4096xf32>
      %dot_general3A_129 = arith.constant dense<0.000000e+00> : vector<1x128xf32>
      %dot_general3A_130 = tpu.matmul %get3A_125, %get3A_128, %dot_general3A_129 {dimension_numbers = #tpu.dot_dimension_numbers<[1], [1], [0], [0], [0, 0, 1, 0], [], []>, transpose_lhs_hint = false} : vector<1x4096xf32>, vector<128x4096xf32>, vector<1x128xf32> -> vector<1x128xf32>
      %get3A_131 = arith.constant 0 : index
      %get3A_132 = arith.constant 0 : index
      %get3A_133 = vector.load %arg13[%get3A_131, %get3A_132] : memref<1x4096xf32, #tpu.memory_space<vmem>>, vector<1x4096xf32>
      %get3A_134 = arith.constant 0 : index
      %get3A_135 = arith.constant 0 : index
      %get3A_136 = vector.load %arg10[%get3A_134, %get3A_135] : memref<128x4096xf32, #tpu.memory_space<vmem>>, vector<128x4096xf32>
      %dot_general3A_137 = arith.constant dense<0.000000e+00> : vector<1x128xf32>
      %dot_general3A_138 = tpu.matmul %get3A_133, %get3A_136, %dot_general3A_137 {dimension_numbers = #tpu.dot_dimension_numbers<[1], [1], [0], [0], [0, 0, 1, 0], [], []>, transpose_lhs_hint = false} : vector<1x4096xf32>, vector<128x4096xf32>, vector<1x128xf32> -> vector<1x128xf32>
      %dot_general3A_139 = arith.constant dense<0.000000e+00> : vector<32x128xf32>
      %dot_general3A_140 = tpu.matmul %mul3A_106, %dot_general3A_114, %dot_general3A_139 {dimension_numbers = #tpu.dot_dimension_numbers<[1], [1], [0], [0], [0, 0, 1, 0], [], []>, transpose_lhs_hint = false} : vector<32x96xf32>, vector<128x96xf32>, vector<32x128xf32> -> vector<32x128xf32>
      %get3A_141 = arith.constant 0 : index
      %get3A_142 = arith.constant 0 : index
      %get3A_143 = vector.load %arg9[%get3A_141, %get3A_142] : memref<1x128xf32, #tpu.memory_space<vmem>>, vector<1x128xf32>
      %add3A_144 = vector.broadcast %get3A_143 : vector<1x128xf32> to vector<32x128xf32>
      %add3A_145 = arith.addf %dot_general3A_140, %add3A_144 : vector<32x128xf32>
      %add3A_146 = vector.broadcast %dot_general3A_130 : vector<1x128xf32> to vector<32x128xf32>
      %add3A_147 = arith.addf %add3A_145, %add3A_146 : vector<32x128xf32>
      %mul3A_148 = arith.mulf %add3A_147, %add3A_147 : vector<32x128xf32>
      %reduce_sum3A = arith.constant dense<0.000000e+00> : vector<32xf32>
      %reduce_sum3A_149 = vector.multi_reduction <add>, %mul3A_148, %reduce_sum3A [1] : vector<32x128xf32> to vector<32xf32>
      %broadcast_in_dim3A_150 = vector.shape_cast %reduce_sum3A_149 : vector<32xf32> to vector<32x1xf32>
      %rsqrt3A_151 = math.rsqrt %broadcast_in_dim3A_150 : vector<32x1xf32>
      %mul3A_152 = vector.broadcast %rsqrt3A_151 : vector<32x1xf32> to vector<32x128xf32>
      %mul3A_153 = arith.mulf %add3A_147, %mul3A_152 : vector<32x128xf32>
      %swap3A_154 = arith.constant 0 : index
      %swap3A_155 = arith.constant 0 : index
      %swap3A_156 = vector.load %arg14[%swap3A_154, %swap3A_155] : memref<32x128xf32, #tpu.memory_space<vmem>>, vector<32x128xf32>
      tpu.vector_store %arg14[%swap3A_154, %swap3A_155], %mul3A_153 {strides = array<i32>} : memref<32x128xf32, #tpu.memory_space<vmem>>, vector<32x128xf32>,
      %dot_general3A_157 = arith.constant dense<0.000000e+00> : vector<32x128xf32>
      %dot_general3A_158 = tpu.matmul %mul3A_106, %dot_general3A_122, %dot_general3A_157 {dimension_numbers = #tpu.dot_dimension_numbers<[1], [1], [0], [0], [0, 0, 1, 0], [], []>, transpose_lhs_hint = false} : vector<32x96xf32>, vector<128x96xf32>, vector<32x128xf32> -> vector<32x128xf32>
      %get3A_159 = arith.constant 0 : index
      %get3A_160 = arith.constant 0 : index
      %get3A_161 = vector.load %arg11[%get3A_159, %get3A_160] : memref<128x128xf32, #tpu.memory_space<vmem>>, vector<128x128xf32>
      %dot_general3A_162 = arith.constant dense<0.000000e+00> : vector<32x128xf32>
      %dot_general3A_163 = tpu.matmul %div3A, %get3A_161, %dot_general3A_162 {dimension_numbers = #tpu.dot_dimension_numbers<[1], [1], [0], [0], [0, 0, 1, 0], [], []>, transpose_lhs_hint = false} : vector<32x128xf32>, vector<128x128xf32>, vector<32x128xf32> -> vector<32x128xf32>
      %add3A_164 = arith.addf %dot_general3A_158, %dot_general3A_163 : vector<32x128xf32>
      %get3A_165 = arith.constant 0 : index
      %get3A_166 = arith.constant 0 : index
      %get3A_167 = vector.load %arg12[%get3A_165, %get3A_166] : memref<1x128xf32, #tpu.memory_space<vmem>>, vector<1x128xf32>
      %add3A_168 = vector.broadcast %get3A_167 : vector<1x128xf32> to vector<32x128xf32>
      %add3A_169 = arith.addf %add3A_164, %add3A_168 : vector<32x128xf32>
      %add3A_170 = vector.broadcast %dot_general3A_138 : vector<1x128xf32> to vector<32x128xf32>
      %add3A_171 = arith.addf %add3A_169, %add3A_170 : vector<32x128xf32>
      %mul3A_172 = arith.mulf %add3A_171, %add3A_171 : vector<32x128xf32>
      %reduce_sum3A_173 = arith.constant dense<0.000000e+00> : vector<32xf32>
      %reduce_sum3A_174 = vector.multi_reduction <add>, %mul3A_172, %reduce_sum3A_173 [1] : vector<32x128xf32> to vector<32xf32>
      %broadcast_in_dim3A_175 = vector.shape_cast %reduce_sum3A_174 : vector<32xf32> to vector<32x1xf32>
      %rsqrt3A_176 = math.rsqrt %broadcast_in_dim3A_175 : vector<32x1xf32>
      %mul3A_177 = vector.broadcast %rsqrt3A_176 : vector<32x1xf32> to vector<32x128xf32>
      %mul3A_178 = arith.mulf %add3A_171, %mul3A_177 : vector<32x128xf32>
      %swap3A_179 = arith.constant 0 : index
      %swap3A_180 = arith.constant 0 : index
      %swap3A_181 = vector.load %arg15[%swap3A_179, %swap3A_180] : memref<32x128xf32, #tpu.memory_space<vmem>>, vector<32x128xf32>
      tpu.vector_store %arg15[%swap3A_179, %swap3A_180], %mul3A_178 {strides = array<i32>} : memref<32x128xf32, #tpu.memory_space<vmem>>, vector<32x128xf32>,
    } else {
    }
    return
  }
  func.func @transform_0(%arg0: i32) -> (i32, i32, i32) {
    %c0_i32 = arith.constant 0 : i32
    %c0_i32_0 = arith.constant 0 : i32
    %c0_i32_1 = arith.constant 0 : i32
    return %c0_i32, %arg0, %c0_i32_0 : i32, i32, i32
  }
  func.func @transform_1(%arg0: i32) -> (i32, i32) {
    %c0_i32 = arith.constant 0 : i32
    %c0_i32_0 = arith.constant 0 : i32
    return %arg0, %c0_i32 : i32, i32
  }
  func.func @transform_2(%arg0: i32) -> (i32, i32) {
    %c0_i32 = arith.constant 0 : i32
    %c0_i32_0 = arith.constant 0 : i32
    return %arg0, %c0_i32 : i32, i32
  }
  func.func @transform_3(%arg0: i32) -> (i32, i32) {
    %c0_i32 = arith.constant 0 : i32
    %c0_i32_0 = arith.constant 0 : i32
    %c0_i32_1 = arith.constant 0 : i32
    return %c0_i32, %c0_i32_0 : i32, i32
  }
  func.func @transform_4(%arg0: i32) -> (i32, i32, i32) {
    %c0_i32 = arith.constant 0 : i32
    %c0_i32_0 = arith.constant 0 : i32
    %c0_i32_1 = arith.constant 0 : i32
    return %arg0, %c0_i32, %c0_i32_0 : i32, i32, i32
  }
  func.func @transform_5(%arg0: i32) -> (i32, i32) {
    %c0_i32 = arith.constant 0 : i32
    %c0_i32_0 = arith.constant 0 : i32
    %c0_i32_1 = arith.constant 0 : i32
    return %c0_i32, %c0_i32_0 : i32, i32
  }
  func.func @transform_6(%arg0: i32) -> (i32, i32) {
    %c0_i32 = arith.constant 0 : i32
    %c0_i32_0 = arith.constant 0 : i32
    %c0_i32_1 = arith.constant 0 : i32
    return %c0_i32, %c0_i32_0 : i32, i32
  }
  func.func @transform_7(%arg0: i32) -> (i32, i32) {
    %c0_i32 = arith.constant 0 : i32
    %c0_i32_0 = arith.constant 0 : i32
    %c0_i32_1 = arith.constant 0 : i32
    return %c0_i32, %c0_i32_0 : i32, i32
  }
  func.func @transform_8(%arg0: i32) -> (i32, i32) {
    %c0_i32 = arith.constant 0 : i32
    %c0_i32_0 = arith.constant 0 : i32
    %c0_i32_1 = arith.constant 0 : i32
    return %c0_i32, %c0_i32_0 : i32, i32
  }
  func.func @transform_9(%arg0: i32) -> (i32, i32) {
    %c0_i32 = arith.constant 0 : i32
    %c0_i32_0 = arith.constant 0 : i32
    %c0_i32_1 = arith.constant 0 : i32
    return %c0_i32, %c0_i32_0 : i32, i32
  }
  func.func @transform_10(%arg0: i32) -> (i32, i32) {
    %c0_i32 = arith.constant 0 : i32
    %c0_i32_0 = arith.constant 0 : i32
    %c0_i32_1 = arith.constant 0 : i32
    return %c0_i32, %c0_i32_0 : i32, i32
  }
  func.func @transform_11(%arg0: i32) -> (i32, i32) {
    %c0_i32 = arith.constant 0 : i32
    %c0_i32_0 = arith.constant 0 : i32
    %c0_i32_1 = arith.constant 0 : i32
    return %c0_i32, %c0_i32_0 : i32, i32
  }
  func.func @transform_12(%arg0: i32) -> (i32, i32) {
    %c0_i32 = arith.constant 0 : i32
    %c0_i32_0 = arith.constant 0 : i32
    %c0_i32_1 = arith.constant 0 : i32
    return %c0_i32, %c0_i32_0 : i32, i32
  }
  func.func @transform_13(%arg0: i32) -> (i32, i32) {
    %c0_i32 = arith.constant 0 : i32
    %c0_i32_0 = arith.constant 0 : i32
    %c0_i32_1 = arith.constant 0 : i32
    return %c0_i32, %c0_i32_0 : i32, i32
  }
  func.func @transform_14(%arg0: i32) -> (i32, i32) {
    %c0_i32 = arith.constant 0 : i32
    %c0_i32_0 = arith.constant 0 : i32
    %c0_i32_1 = arith.constant 0 : i32
    return %c0_i32, %c0_i32_0 : i32, i32
  }
}

</mosaic_0001>

<sc_bundles>
// kernel: kernel.11.cloned.1.call-start
scs
__scs_entry_jumppad:
0x0: {  	(pc) =	sbr.rel $0x88, $3  }
0x1: {  	(tag) =	ssettag $0x0;
	lr =	simm.s32 $0x1  }
0x2: {  	[smem:$0x3F8F] =	sst lr;
	_ =	strace $0xD0000000  }
0x3: {  	_ = 	snop  }
0x4: {  	_ = 	snop  }
0x5: {  	_ = 	snop  }
0x6: {  	_ = 	snop  }
0x7: {  	_ = 	snop  }
__scs_overlays_trampoline_lowered:
0x8: {  	[smem:$0x3F9E] =	sst s0  }
0x9: {  	[smem:$0x3F9F] =	sst s1  }
0xa: {  	[smem:$0x3FA0] =	sst s2  }
0xb: {  	[smem:$0x3FA1] =	sst s3  }
0xc: {  	[smem:$0x3FA2] =	sst s4  }
0xd: {  	[smem:$0x3FA3] =	sst s5  }
0xe: {  	[smem:$0x3FA4] =	sst s6  }
0xf: {  	[smem:$0x3FA5] =	sst s7  }
0x10: {  	[smem:$0x3FA6] =	sst s8  }
0x11: {  	[smem:$0x3FA7] =	sst s9;
	s0 =	simm.s32 @!p0 $0x0  }
0x12: {  	s1 =	sld [smem:$0x3F8D];
	s0 =	simm.s32 @p0 $0x1  }
0x13: {  	[smem:$0x3FA8] =	sst s0;
	s0 =	simm.s32 @!p1 $0x0  }
0x14: {  	s2 =	sld [smem:$0x3F8C];
	s0 =	simm.s32 @p1 $0x1  }
0x15: {  	[smem:$0x3FA9] =	sst s0;
	s0 =	simm.s32 @!p2 $0x0  }
0x16: {  	s3 =	sld [smem:$0x3FDB];
	s0 =	simm.s32 @p2 $0x1  }
0x17: {  	s4 =	simm.s32 $0x1BF5;
	[smem:$0x3FAB] =	sst s0  }
0x18: {  	s0 =	sld [smem:$0x3F8E];
	_ =	swait.ge [sflag:s4], $0x0  }
0x19: {  	s7 =	sld [smem:$0x3F8F]  }
0x1a: {  	s8 =	sadd.s32 $0xFFFFE003, lr  }
0x1b: {  	s9 =	sadd.s32 $0xFFFFFEF7, lr;
	s5 =	simm.s32 $0xFFFFFFFF;
	p2 =	slt.u32 s8, $0xFFFFF086  }
0x1c: {  	p1 =	slt.u32 s9, $0xF7A;
	s5 =	simm.s32 @!p2 $0x0  }
0x1d: {  	s5 =	simm.s32 @p1 $0x1;
	p0 =	seq.s32 s7, s2  }
0x1e: {  	s7 =	smul.u32 @!p0 $0xF7A, s2;
	p2 =	seq.s32 @!p0 s5, $0x0  }
0x1f: {  	s9 =	smul.u32 $0xF7A, s1;
	s8 =	simm.s32 @!p0 $0x1BF5;
	p2 =	por !p2, p0  }
0x20: {  	[sflag:s8] =	ssyncset.s32 @!p0 $0xFFFFF086;
	s6 =	sadd.s32 @!p0 s3, s7;
	s7 =	simm.s32 @!p0 $0x108  }
0x21: {  	s3 =	sadd.s32 s3, s9;
	s6 =	sadd.s32 @!p0 $0x88, s6;
	s7 =	simm.s32 @p2 $0x1082  }
0x22: {  	[simem:s7], [sflag:s8] =	dma.local @!p0 [hbm:s6], $0xF7A  }
0x23: {  	s9 =	sor.u32 $0xD0000000, s2;
	s6 =	simm.s32 $0x108;
	_ =	swait.ge @!p0 [sflag:s8], $0x0  }
0x24: {  	s3 =	sadd.s32 $0x88, s3;
	s6 =	simm.s32 @!p1 $0x1082;
	[sflag:s4] =	ssyncset.s32 $0xFFFFF086  }
0x25: {  	[simem:s6], [sflag:s4] =	dma.local [hbm:s3], $0xF7A  }
0x26: {  	[smem:$0x3F8F] =	sst s1;
	(tag) =	ssettag s2;
	_ =	strace s9  }
0x27: {  	s1 =	sld [smem:$0x3F9F]  }
0x28: {  	s2 =	sld [smem:$0x3FA0]  }
0x29: {  	s4 =	sld [smem:$0x3FA2]  }
0x2a: {  	p0 =	seq.s32 s5, $0x0;
	s5 =	sld [smem:$0x3FA3]  }
0x2b: {  	s6 =	sld [smem:$0x3FA4]  }
0x2c: {  	s7 =	sld [smem:$0x3FA5]  }
0x2d: {  	s3 =	simm.s32 $0x108;
	s8 =	sld [smem:$0x3FA6]  }
0x2e: {  	s3 =	simm.s32 @!p0 $0x1082;
	s9 =	sld [smem:$0x3FA7]  }
0x2f: {  	lr =	sadd.s32 s0, s3;
	s0 =	sld [smem:$0x3F9E]  }
0x30: {  	s3 =	sld [smem:$0x3FA1]  }
0x31: {  	[smem:$0x3FAA] =	sst s10  }
0x32: {  	s10 =	sld [smem:$0x3FA8];
	_ =	sdelay $0x3  }
0x33: {  	p0 =	seq.s32 s10, $0x1;
	s10 =	sld [smem:$0x3FAA];
	_ =	sdelay $0x3  }
0x34: {  	[smem:$0x3FAA] =	sst s10  }
0x35: {  	s10 =	sld [smem:$0x3FA9];
	_ =	sdelay $0x3  }
0x36: {  	p1 =	seq.s32 s10, $0x1;
	s10 =	sld [smem:$0x3FAA];
	_ =	sdelay $0x3  }
0x37: {  	[smem:$0x3FAA] =	sst s10  }
0x38: {  	s10 =	sld [smem:$0x3FAB]  }
0x39: {  	_ = 	snop;
	(pc) =	sbr.ind lr, $3  }
0x3a: {  	_ = 	snop  }
0x3b: {  	_ = 	snop  }
0x3c: {  	p2 =	seq.s32 s10, $0x1;
	s10 =	sld [smem:$0x3FAA]  }
0x3d: {  	_ =	shalt  }
0x3e: {  	_ =	shalt  }
0x3f: {  	_ =	shalt  }
0x40: {  	_ =	shalt  }
0x41: {  	_ =	shalt  }
0x42: {  	_ =	shalt  }
0x43: {  	_ =	shalt  }
0x44: {  	_ =	shalt  }
0x45: {  	_ =	shalt  }
0x46: {  	_ =	shalt  }
0x47: {  	_ =	shalt  }
0x48: {  	_ =	shalt  }
0x49: {  	_ =	shalt  }
0x4a: {  	_ =	shalt  }
0x4b: {  	_ =	shalt  }
0x4c: {  	_ =	shalt  }
0x4d: {  	_ =	shalt  }
0x4e: {  	_ =	shalt  }
0x4f: {  	_ =	shalt  }
0x50: {  	_ =	shalt  }
0x51: {  	_ =	shalt  }
0x52: {  	_ =	shalt  }
0x53: {  	_ =	shalt  }
0x54: {  	_ =	shalt  }
0x55: {  	_ =	shalt  }
0x56: {  	_ =	shalt  }
0x57: {  	_ =	shalt  }
0x58: {  	_ =	shalt  }
0x59: {  	_ =	shalt  }
0x5a: {  	_ =	shalt  }
0x5b: {  	_ =	shalt  }
0x5c: {  	_ =	shalt  }
0x5d: {  	_ =	shalt  }
0x5e: {  	_ =	shalt  }
0x5f: {  	_ =	shalt  }
0x60: {  	_ =	shalt  }
0x61: {  	_ =	shalt  }
0x62: {  	_ =	shalt  }
0x63: {  	_ =	shalt  }
0x64: {  	_ =	shalt  }
0x65: {  	_ =	shalt  }
0x66: {  	_ =	shalt  }
0x67: {  	_ =	shalt  }
0x68: {  	_ =	shalt  }
0x69: {  	_ =	shalt  }
0x6a: {  	_ =	shalt  }
0x6b: {  	_ =	shalt  }
0x6c: {  	_ =	shalt  }
0x6d: {  	_ =	shalt  }
0x6e: {  	_ =	shalt  }
0x6f: {  	_ =	shalt  }
0x70: {  	_ =	shalt  }
0x71: {  	_ =	shalt  }
0x72: {  	_ =	shalt  }
0x73: {  	_ =	shalt  }
0x74: {  	_ =	shalt  }
0x75: {  	_ =	shalt  }
0x76: {  	_ =	shalt  }
0x77: {  	_ =	shalt  }
0x78: {  	_ =	shalt  }
0x79: {  	_ =	shalt  }
0x7a: {  	_ =	shalt  }
0x7b: {  	_ =	shalt  }
0x7c: {  	_ =	shalt  }
0x7d: {  	_ =	shalt  }
0x7e: {  	_ =	shalt  }
0x7f: {  	_ =	shalt  }
0x80: {  	_ =	shalt  }
0x81: {  	_ =	shalt  }
0x82: {  	_ =	shalt  }
0x83: {  	_ =	shalt  }
0x84: {  	_ =	shalt  }
0x85: {  	_ =	shalt  }
0x86: {  	_ =	shalt  }
0x87: {  	_ =	shalt  }
.Lfunc_end0:
.L_simem_size_0:
called_computation_lowered:
.L_overlay_start_0:
0x88: {  	s2 =	sld [smem:$0x3FD9]  }
0x89: {  	s3 =	sld [smem:$0x3FFE];
	_ =	sdelay $0x1  }
0x8a: {  	s1 =	srdreg.scid  }
0x8b: {  	s0 =	sand.u32 $0x1, s1  }
0x8c: {  	s16 =	sshll.u32 s0, $0xA;
	s2 =	sadd.s32 s3, s2  }
0x8d: {  	s2 =	sadd.s32 s2, s16  }
0x8e: {  	[smem:$0x3FB6] =	sst s2  }
0x8f: {  	_ = 	snop  }
0x90: {  	(tm) =	ssettm $0x1  }
0x91: {  	s17 =	sld [smem:$0x3FFB];
	_ =	sdelay $0x3  }
0x92: {  	_ =	strace s17  }
0x93: {  	s2 =	sld [smem:$0x3FFC];
	_ =	sdelay $0x3  }
0x94: {  	_ =	strace s2  }
0x95: {  	s2 =	sld [smem:$0x3FFD];
	_ =	sdelay $0x3  }
0x96: {  	_ =	strace s2  }
0x97: {  	_ =	strace $0x8FFFFFFF  }
0x98: {  	s18 =	sld [smem:$0x3FDB];
	_ =	sdelay $0x1  }
0x99: {  	s19 =	simm.s32 $_scs_section_size  }
0x9a: {  	s4 =	simm.s32 $_size__tile_overlayer_lowered;
	s5 =	simm.s32 $_tile_overlayer_lowered  }
0x9b: {  	s22 =	simm.s32 $0x1BFF;
	s21 =	sshll.u32 s5, $0x1;
	s2 =	sadd.s32 s19, s18  }
0x9c: {  	s6 =	simm.s32 $0x0;
	s20 =	sshll.u32 s4, $0x1;
	s4 =	sadd.s32 s21, s2  }
0x9d: {  	[timem:s6], [sflag:s22] =	dma.local [hbm:s4], s20  }
0x9e: {  	_ =	swait.ge [sflag:s22], s20  }
0x9f: {  	s3 =	ssub.s32 $0x0, s20;
	[sflag:s22] =	ssyncset.done $0x0  }
0xa0: {  	[sflag:s22] =	ssyncadd.s32 s3;
	_ =	sdelay $0x1  }
0xa1: {  	s23 =	simm.s32 $0x1B8B  }
0xa2: {  	_ =	swait.ge [sflag:s23], $0x1  }
0xa3: {  	[sflag:s23] =	ssyncset.done $0x0  }
0xa4: {  	s25 =	simm.s32 $0x1B8E;
	s24 =	sld [smem:$0x3FFE];
	[sflag:s23] =	ssyncadd.s32 $0xFFFFFFFF  }
0xa5: {  	s26 =	simm.s32 $execute0_lowered;
	[smem:$0x3FD2] =	sst s25  }
0xa6: {  	s4 =	sshll.u32 s26, $0x1;
	_ =	strace $0x80000046;
	[dreg:$0x1] =	wrdreg $0xFFFFFFFF  }
0xa7: {  	s28 =	simm.s32 $_size_execute0_lowered;
	s2 =	sadd.s32 s2, s4;
	[dreg:$0x0] =	wrdreg $0x0  }
0xa8: {  	s4 =	sshll.u32 s28, $0x1;
	[dreg:$0x2] =	wrdreg s2  }
0xa9: {  	[dreg:$0x3] =	wrdreg s4  }
0xaa: {  	[dreg:$0x4] =	wrdreg $0xC0  }
0xab: {  	_ =	task [dreg:s6], $0x5FFFF  }
0xac: {  	[dreg:$0x1] =	wrdreg $0xFFFFFFFF  }
0xad: {  	[dreg:$0x0] =	wrdreg $0x60  }
0xae: {  	[dreg:$0x2] =	wrdreg s24  }
0xaf: {  	[dreg:$0x3] =	wrdreg $0x50800  }
0xb0: {  	[dreg:$0x4] =	wrdreg $0x9  }
0xb1: {  	_ =	task.clear_ibuf [dreg:s6], $0x5FFFF;
	_ =	strace $0x90000046  }
0xb2: {  	s29 =	simm.s32 $0x9;
	_ =	strace $0x80000048  }
0xb3: {  	_ =	swait.ge [sflag:s29], $0x1  }
0xb4: {  	[sflag:s29] =	ssyncadd.s32 $0xFFFFFFFF  }
0xb5: {  	_ =	strace $0x90000048  }
0xb6: {  	_ =	sfence  }
0xb7: {  	s30 =	sld [smem:$0x0];
	_ =	sdelay $0x2  }
0xb8: {  	s31 =	sshll.u32 s1, $0xD;
	s1 =	sshrl.u32 s1, $0x2  }
0xb9: {  	s3 =	sand.u32 $0x4000, s31;
	s1 =	sadd.s32 s1, s30  }
0xba: {  	s0 =	sor.u32 s3, s0;
	s1 =	sshll.u32 s1, $0x11  }
0xbb: {  	s0 =	sor.u32 s1, s0  }
0xbc: {  	s0 =	sadd.s32 $0x8F2B, s0  }
0xbd: {  	[sflag:s0] =	ssyncadd.remote.s32 $0x1  }
0xbe: {  	_ =	sfence.sel $0xFFFF  }
0xbf: {  	[dreg:$0x0] =	wrdreg $0xFFFFFFFF;
	(pc) =	sbr.abs _section_cstart, $3  }
0xc0: {  	[dreg:$0x1] =	wrdreg $0xFFFFFFFF  }
0xc1: {  	_ =	task.clear_ibuf [dreg:s6], $0x2FFFF;
	_ =	strace $0x9FFFFFFF  }
0xc2: {  	(tm) =	ssettm $0x7FFFFFFF  }
0xc3: {  	_ =	shalt  }
tec
execute0_lowered:
.L_overlay_start_1:
0x0: {  	(tag) =	ssettag $0x1  }
0x1: {  	s4 =	rddreg [dreg:$0x0]  }
0x2: {  	s2 =	rddreg [dreg:$0x1]  }
0x3: {  	s0 =	rddreg [dreg:$0x2]  }
0x4: {  	s3 =	simm.s32 $0x0;
	s5 =	srdreg.scid;
	s1 =	stileid.u32  }
0x5: {  	s13 =	simm.s32 $0x1;
	s14 =	simm.s32 $0x2800;
	s15 =	simm.s32 $0x5000  }
0x6: {  	s16 =	simm.s32 $0x80;
	s19 =	simm.s32 $0x20;
	s20 =	simm.s32 $0x10  }
0x7: {  	s21 =	simm.s32 $0x0;
	s5 =	sand.u32 $0x1, s5;
	s7 =	smul.u32 $0x500, s1  }
0x8: {  	s6 =	sshll.u32 s1, $0x1;
	[smem:$0x7FF] =	sst s3;
	s30 =	smul.u32 $0xA00, s1  }
0x9: {  	s17 =	sshll.u32 s1, $0x6;
	s6 =	sor.u32 s5, s6;
	s8 =	sshll.u32 s5, $0x7  }
0xa: {  	_ =	strace $0x80000047;
	s5 =	ssub.s32 $0x2, s5;
	s6 =	smul.u32 $0x500, s6  }
0xb: {  	s17 =	sor.u32 $0x1C01, s17;
	s7 =	sor.u32 s8, s7;
	s31 =	sshrl.u32 s5, $0x1  }
0xc: {  	s8 =	sshrl.u32 s30, $0x2;
	s7 =	sshrl.u32 s7, $0x3;
	s6 =	sadd.s32 s6, s4  }
0xd: {  	s9 =	ssub.s32 s5, s31;
	s7 =	sadd.s32 s7, s4;
	s4 =	sadd.s32 $0x1E00, s6  }
0xe: {  	s5 =	sadd.s32 $0xBE00, s6;
	s6 =	sadd.s32 $0x15E00, s7;
	s7 =	sadd.s32 s8, s2  }
0xf: {  	s8 =	smax.u32 s9, $0x1;
	s9 =	sadd.s32 $0x80, s7;
	s10 =	sadd.s32 $0x100, s7  }
0x10: {  	v0 =	vimm.f32 $0.0e+00;
	s11 =	sadd.s32 $0x180, s7;
	s12 =	sadd.s32 $0x200, s7;
	s18 =	sshrl.u32 s7, $0x3  }
.LBB2_1:
0x11: {  	[tilespmem:s3], [sflag:$0x1] =	stream.linear.gather [hbm4b:s4+s3], $0x2800, $0x38;
	[tilespmem:$0x5300] =	vst v63  }
0x12: {  	_ =	swait.ge [sflag:s13], $0x2800  }
0x13: {  	[sflag:s13] =	ssyncset.done $0x0  }
0x14: {  	[sflag:s13] =	ssyncadd.s32 $0xFFFFD800  }
0x15: {  	[tilespmem:s14], [sflag:$0x1] =	stream.linear.gather [hbm4b:s5+s3], $0x2800, $0x38;
	[tilespmem:$0x5300] =	vst v63  }
0x16: {  	_ =	swait.ge [sflag:s13], $0x2800  }
0x17: {  	[sflag:s13] =	ssyncset.done $0x0  }
0x18: {  	[sflag:s13] =	ssyncadd.s32 $0xFFFFD800  }
0x19: {  	[tilespmem:$0x5000] =	vst v0  }
0x1a: {  	[tilespmem:$0x5010] =	vst v0  }
0x1b: {  	[tilespmem:$0x5020] =	vst v0  }
0x1c: {  	[tilespmem:$0x5030] =	vst v0  }
0x1d: {  	[tilespmem:$0x5040] =	vst v0  }
0x1e: {  	[tilespmem:$0x5050] =	vst v0  }
0x1f: {  	[tilespmem:$0x5060] =	vst v0  }
0x20: {  	[tilespmem:$0x5070] =	vst v0  }
0x21: {  	[spmem:s7] =	stream.linear.scatter [tilespmem:s15], [sflag:$0x1], $0x80, $0x38;
	[tilespmem:$0x5300] =	vst v63  }
0x22: {  	_ =	swait.ge [sflag:s13], $0x80  }
0x23: {  	[sflag:s13] =	ssyncset.done $0x0  }
0x24: {  	[sflag:s13] =	ssyncadd.s32 $0xFFFFFF80  }
0x25: {  	[spmem:s9] =	stream.linear.scatter [tilespmem:s15], [sflag:$0x1], $0x80, $0x38;
	[tilespmem:$0x5300] =	vst v63  }
0x26: {  	_ =	swait.ge [sflag:s13], $0x80  }
0x27: {  	[sflag:s13] =	ssyncset.done $0x0  }
0x28: {  	[sflag:s13] =	ssyncadd.s32 $0xFFFFFF80  }
0x29: {  	[spmem:s10] =	stream.linear.scatter [tilespmem:s15], [sflag:$0x1], $0x80, $0x38;
	[tilespmem:$0x5300] =	vst v63  }
0x2a: {  	_ =	swait.ge [sflag:s13], $0x80  }
0x2b: {  	[sflag:s13] =	ssyncset.done $0x0  }
0x2c: {  	[sflag:s13] =	ssyncadd.s32 $0xFFFFFF80  }
0x2d: {  	[spmem:s11] =	stream.linear.scatter [tilespmem:s15], [sflag:$0x1], $0x80, $0x38;
	[tilespmem:$0x5300] =	vst v63  }
0x2e: {  	_ =	swait.ge [sflag:s13], $0x80  }
0x2f: {  	[sflag:s13] =	ssyncset.done $0x0  }
0x30: {  	[sflag:s13] =	ssyncadd.s32 $0xFFFFFF80  }
0x31: {  	[spmem:s12] =	stream.linear.scatter [tilespmem:s15], [sflag:$0x1], $0x80, $0x38;
	[tilespmem:$0x5300] =	vst v63  }
0x32: {  	_ =	swait.ge [sflag:s13], $0x80  }
0x33: {  	[sflag:s13] =	ssyncset.done $0x0  }
0x34: {  	[sflag:s13] =	ssyncadd.s32 $0xFFFFFF80  }
0x35: {  	s22 =	simm.s32 $0x0;
	s23 =	simm.s32 $0x2800;
	[bflag:$0x0] =	sbarrier.arrive $0xFFFF  }
0x36: {  	[spmem:s2] =	stream.indirect.scatter.add.f32 [tilespmem:s23], [sflag:$0x1], $0x1, s22, s16, $0xb8;
	[tilespmem:$0x5300] =	vst v63  }
0x37: {  	s22 =	simm.s32 $0x200;
	_ =	swait.ge [sflag:s13], $0x80  }
.LBB2_2:
0x38: {  	s23 =	sshra.s32 s22, $0x2;
	[sflag:s13] =	ssyncset.done $0x0;
	p0 =	sne.s32 s22, $0x9E00  }
.Ltmp0:
0x39: {  	s24 =	sadd.s32 $0x2800, s23;
	[sflag:s13] =	ssyncadd.s32 $0xFFFFFF80;
	(pc) =	sbr.rel @p0 .LBB2_2-.Ltmp0, $3  }
0x3a: {  	[spmem:s2] =	stream.indirect.scatter.add.f32 [tilespmem:s24], [sflag:$0x1], $0x1, s23, s16, $0xb8;
	[tilespmem:$0x5300] =	vst v63  }
0x3b: {  	s22 =	sadd.s32 $0x200, s22;
	_ =	sdelay $0x1  }
0x3c: {  	_ =	swait.ge [sflag:s13], $0x80  }
0x3d: {  	[sflag:s13] =	ssyncset.done $0x0;
	s21 =	sadd.s32 $0x1, s21  }
0x3e: {  	[sflag:s13] =	ssyncadd.s32 $0xFFFFFF80;
	p0 =	sne.s32 s21, s8  }
.Ltmp1:
0x3f: {  	[bflag:$0x0] =	sbarrier.arrive $0xFFFF;
	(pc) =	sbr.rel @p0 .LBB2_1-.Ltmp1, $4  }
0x40: {  	[hbm:s6@s19], [sflag:s17] =	dma.strided [spmem:s18@s20], $0x50, s13, $0x10   }
0x41: {  	_ =	swait.ge [sflag:s13], $0x50  }
0x42: {  	[sflag:s13] =	ssyncset.done $0x0  }
0x43: {  	[sflag:s13] =	ssyncadd.s32 $0xFFFFFFB0  }
0x44: {  	_ =	sfence.sel $0x180000  }
0x45: {  	[bflag:$0x0] =	sbarrier.arrive $0xFFFF  }
0x46: {  	p0 =	sne.s32 s1, $0x0;
	_ =	strace $0x90000047  }
0x47: {  	s0 =	sadd.s32 @!p0 $0x100000, s0;
	[bflag:$0x2] =	sbarrier.arrive $0xFFFF  }
0x48: {  	[sflag:s0] =	ssyncadd.tile.s32 @!p0 $0x1;
	_ =	shalt  }
.Lfunc_end2:
_tile_overlayer_lowered:
.L_overlay_start_2:
0x49: {  	(tag) =	ssettag $0x2  }
0x4a: {  	s0 =	rddreg [dreg:$0x0];
	s2 =	stileid.u32  }
0x4b: {  	s1 =	rddreg [dreg:$0x1];
	p0 =	sne.s32 s2, $0x0  }
0x4c: {  	s3 =	rddreg [dreg:$0x2];
	[bflag:$0x3] =	sbarrier.arrive $0xFFFF;
	s2 =	simm.s32 @!p0 $0x1C01  }
0x4d: {  	[timem:s3], [sflag:s2] =	dma.local @!p0 [hbm:s0], s1  }
0x4e: {  	s0 =	simm.s32 @!p0 $0x1  }
0x4f: {  	_ =	swait.ge @!p0 [sflag:s0], s1  }
0x50: {  	s1 =	ssub.s32 @!p0 $0x0, s1;
	[sflag:s0] =	ssyncset.done @!p0 $0x0  }
0x51: {  	[sflag:s0] =	ssyncadd.s32 @!p0 s1  }
0x52: {  	[bflag:$0x3] =	sbarrier.arrive $0xFFFF  }
0x53: {  	_ =	shalt  }

// kernel: kernel.14.cloned.1.call-start
scs
__scs_entry_jumppad:
0x0: {  	(pc) =	sbr.rel $0x88, $3  }
0x1: {  	(tag) =	ssettag $0x0;
	lr =	simm.s32 $0x1  }
0x2: {  	[smem:$0x3F8F] =	sst lr;
	_ =	strace $0xD0000000  }
0x3: {  	_ = 	snop  }
0x4: {  	_ = 	snop  }
0x5: {  	_ = 	snop  }
0x6: {  	_ = 	snop  }
0x7: {  	_ = 	snop  }
__scs_overlays_trampoline_lowered:
0x8: {  	[smem:$0x3F9E] =	sst s0  }
0x9: {  	[smem:$0x3F9F] =	sst s1  }
0xa: {  	[smem:$0x3FA0] =	sst s2  }
0xb: {  	[smem:$0x3FA1] =	sst s3  }
0xc: {  	[smem:$0x3FA2] =	sst s4  }
0xd: {  	[smem:$0x3FA3] =	sst s5  }
0xe: {  	[smem:$0x3FA4] =	sst s6  }
0xf: {  	[smem:$0x3FA5] =	sst s7  }
0x10: {  	[smem:$0x3FA6] =	sst s8  }
0x11: {  	[smem:$0x3FA7] =	sst s9;
	s0 =	simm.s32 @!p0 $0x0  }
0x12: {  	s1 =	sld [smem:$0x3F8D];
	s0 =	simm.s32 @p0 $0x1  }
0x13: {  	[smem:$0x3FA8] =	sst s0;
	s0 =	simm.s32 @!p1 $0x0  }
0x14: {  	s2 =	sld [smem:$0x3F8C];
	s0 =	simm.s32 @p1 $0x1  }
0x15: {  	[smem:$0x3FA9] =	sst s0;
	s0 =	simm.s32 @!p2 $0x0  }
0x16: {  	s3 =	sld [smem:$0x3FDB];
	s0 =	simm.s32 @p2 $0x1  }
0x17: {  	s4 =	simm.s32 $0x1BF5;
	[smem:$0x3FAB] =	sst s0  }
0x18: {  	s0 =	sld [smem:$0x3F8E];
	_ =	swait.ge [sflag:s4], $0x0  }
0x19: {  	s7 =	sld [smem:$0x3F8F]  }
0x1a: {  	s8 =	sadd.s32 $0xFFFFE003, lr  }
0x1b: {  	s9 =	sadd.s32 $0xFFFFFEF7, lr;
	s5 =	simm.s32 $0xFFFFFFFF;
	p2 =	slt.u32 s8, $0xFFFFF086  }
0x1c: {  	p1 =	slt.u32 s9, $0xF7A;
	s5 =	simm.s32 @!p2 $0x0  }
0x1d: {  	s5 =	simm.s32 @p1 $0x1;
	p0 =	seq.s32 s7, s2  }
0x1e: {  	s7 =	smul.u32 @!p0 $0xF7A, s2;
	p2 =	seq.s32 @!p0 s5, $0x0  }
0x1f: {  	s9 =	smul.u32 $0xF7A, s1;
	s8 =	simm.s32 @!p0 $0x1BF5;
	p2 =	por !p2, p0  }
0x20: {  	[sflag:s8] =	ssyncset.s32 @!p0 $0xFFFFF086;
	s6 =	sadd.s32 @!p0 s3, s7;
	s7 =	simm.s32 @!p0 $0x108  }
0x21: {  	s3 =	sadd.s32 s3, s9;
	s6 =	sadd.s32 @!p0 $0x88, s6;
	s7 =	simm.s32 @p2 $0x1082  }
0x22: {  	[simem:s7], [sflag:s8] =	dma.local @!p0 [hbm:s6], $0xF7A  }
0x23: {  	s9 =	sor.u32 $0xD0000000, s2;
	s6 =	simm.s32 $0x108;
	_ =	swait.ge @!p0 [sflag:s8], $0x0  }
0x24: {  	s3 =	sadd.s32 $0x88, s3;
	s6 =	simm.s32 @!p1 $0x1082;
	[sflag:s4] =	ssyncset.s32 $0xFFFFF086  }
0x25: {  	[simem:s6], [sflag:s4] =	dma.local [hbm:s3], $0xF7A  }
0x26: {  	[smem:$0x3F8F] =	sst s1;
	(tag) =	ssettag s2;
	_ =	strace s9  }
0x27: {  	s1 =	sld [smem:$0x3F9F]  }
0x28: {  	s2 =	sld [smem:$0x3FA0]  }
0x29: {  	s4 =	sld [smem:$0x3FA2]  }
0x2a: {  	p0 =	seq.s32 s5, $0x0;
	s5 =	sld [smem:$0x3FA3]  }
0x2b: {  	s6 =	sld [smem:$0x3FA4]  }
0x2c: {  	s7 =	sld [smem:$0x3FA5]  }
0x2d: {  	s3 =	simm.s32 $0x108;
	s8 =	sld [smem:$0x3FA6]  }
0x2e: {  	s3 =	simm.s32 @!p0 $0x1082;
	s9 =	sld [smem:$0x3FA7]  }
0x2f: {  	lr =	sadd.s32 s0, s3;
	s0 =	sld [smem:$0x3F9E]  }
0x30: {  	s3 =	sld [smem:$0x3FA1]  }
0x31: {  	[smem:$0x3FAA] =	sst s10  }
0x32: {  	s10 =	sld [smem:$0x3FA8];
	_ =	sdelay $0x3  }
0x33: {  	p0 =	seq.s32 s10, $0x1;
	s10 =	sld [smem:$0x3FAA];
	_ =	sdelay $0x3  }
0x34: {  	[smem:$0x3FAA] =	sst s10  }
0x35: {  	s10 =	sld [smem:$0x3FA9];
	_ =	sdelay $0x3  }
0x36: {  	p1 =	seq.s32 s10, $0x1;
	s10 =	sld [smem:$0x3FAA];
	_ =	sdelay $0x3  }
0x37: {  	[smem:$0x3FAA] =	sst s10  }
0x38: {  	s10 =	sld [smem:$0x3FAB]  }
0x39: {  	_ = 	snop;
	(pc) =	sbr.ind lr, $3  }
0x3a: {  	_ = 	snop  }
0x3b: {  	_ = 	snop  }
0x3c: {  	p2 =	seq.s32 s10, $0x1;
	s10 =	sld [smem:$0x3FAA]  }
0x3d: {  	_ =	shalt  }
0x3e: {  	_ =	shalt  }
0x3f: {  	_ =	shalt  }
0x40: {  	_ =	shalt  }
0x41: {  	_ =	shalt  }
0x42: {  	_ =	shalt  }
0x43: {  	_ =	shalt  }
0x44: {  	_ =	shalt  }
0x45: {  	_ =	shalt  }
0x46: {  	_ =	shalt  }
0x47: {  	_ =	shalt  }
0x48: {  	_ =	shalt  }
0x49: {  	_ =	shalt  }
0x4a: {  	_ =	shalt  }
0x4b: {  	_ =	shalt  }
0x4c: {  	_ =	shalt  }
0x4d: {  	_ =	shalt  }
0x4e: {  	_ =	shalt  }
0x4f: {  	_ =	shalt  }
0x50: {  	_ =	shalt  }
0x51: {  	_ =	shalt  }
0x52: {  	_ =	shalt  }
0x53: {  	_ =	shalt  }
0x54: {  	_ =	shalt  }
0x55: {  	_ =	shalt  }
0x56: {  	_ =	shalt  }
0x57: {  	_ =	shalt  }
0x58: {  	_ =	shalt  }
0x59: {  	_ =	shalt  }
0x5a: {  	_ =	shalt  }
0x5b: {  	_ =	shalt  }
0x5c: {  	_ =	shalt  }
0x5d: {  	_ =	shalt  }
0x5e: {  	_ =	shalt  }
0x5f: {  	_ =	shalt  }
0x60: {  	_ =	shalt  }
0x61: {  	_ =	shalt  }
0x62: {  	_ =	shalt  }
0x63: {  	_ =	shalt  }
0x64: {  	_ =	shalt  }
0x65: {  	_ =	shalt  }
0x66: {  	_ =	shalt  }
0x67: {  	_ =	shalt  }
0x68: {  	_ =	shalt  }
0x69: {  	_ =	shalt  }
0x6a: {  	_ =	shalt  }
0x6b: {  	_ =	shalt  }
0x6c: {  	_ =	shalt  }
0x6d: {  	_ =	shalt  }
0x6e: {  	_ =	shalt  }
0x6f: {  	_ =	shalt  }
0x70: {  	_ =	shalt  }
0x71: {  	_ =	shalt  }
0x72: {  	_ =	shalt  }
0x73: {  	_ =	shalt  }
0x74: {  	_ =	shalt  }
0x75: {  	_ =	shalt  }
0x76: {  	_ =	shalt  }
0x77: {  	_ =	shalt  }
0x78: {  	_ =	shalt  }
0x79: {  	_ =	shalt  }
0x7a: {  	_ =	shalt  }
0x7b: {  	_ =	shalt  }
0x7c: {  	_ =	shalt  }
0x7d: {  	_ =	shalt  }
0x7e: {  	_ =	shalt  }
0x7f: {  	_ =	shalt  }
0x80: {  	_ =	shalt  }
0x81: {  	_ =	shalt  }
0x82: {  	_ =	shalt  }
0x83: {  	_ =	shalt  }
0x84: {  	_ =	shalt  }
0x85: {  	_ =	shalt  }
0x86: {  	_ =	shalt  }
0x87: {  	_ =	shalt  }
.Lfunc_end0:
.L_simem_size_0:
called_computation.1_lowered:
.L_overlay_start_0:
0x88: {  	s2 =	sld [smem:$0x3FD9]  }
0x89: {  	s3 =	sld [smem:$0x3FFE];
	_ =	sdelay $0x1  }
0x8a: {  	s1 =	srdreg.scid  }
0x8b: {  	s0 =	sand.u32 $0x1, s1  }
0x8c: {  	s16 =	sshll.u32 s0, $0xA;
	s2 =	sadd.s32 s3, s2  }
0x8d: {  	s2 =	sadd.s32 s2, s16  }
0x8e: {  	[smem:$0x3FB6] =	sst s2  }
0x8f: {  	_ = 	snop  }
0x90: {  	(tm) =	ssettm $0x1  }
0x91: {  	s17 =	sld [smem:$0x3FFB];
	_ =	sdelay $0x3  }
0x92: {  	_ =	strace s17  }
0x93: {  	s2 =	sld [smem:$0x3FFC];
	_ =	sdelay $0x3  }
0x94: {  	_ =	strace s2  }
0x95: {  	s2 =	sld [smem:$0x3FFD];
	_ =	sdelay $0x3  }
0x96: {  	_ =	strace s2  }
0x97: {  	_ =	strace $0x8FFFFFFF  }
0x98: {  	s18 =	sld [smem:$0x3FDB];
	_ =	sdelay $0x1  }
0x99: {  	s19 =	simm.s32 $_scs_section_size  }
0x9a: {  	s4 =	simm.s32 $_size__tile_overlayer_lowered;
	s5 =	simm.s32 $_tile_overlayer_lowered  }
0x9b: {  	s22 =	simm.s32 $0x1BFF;
	s21 =	sshll.u32 s5, $0x1;
	s2 =	sadd.s32 s19, s18  }
0x9c: {  	s6 =	simm.s32 $0x0;
	s20 =	sshll.u32 s4, $0x1;
	s4 =	sadd.s32 s21, s2  }
0x9d: {  	[timem:s6], [sflag:s22] =	dma.local [hbm:s4], s20  }
0x9e: {  	_ =	swait.ge [sflag:s22], s20  }
0x9f: {  	s3 =	ssub.s32 $0x0, s20;
	[sflag:s22] =	ssyncset.done $0x0  }
0xa0: {  	[sflag:s22] =	ssyncadd.s32 s3;
	_ =	sdelay $0x1  }
0xa1: {  	s23 =	simm.s32 $0x1B8B  }
0xa2: {  	_ =	swait.ge [sflag:s23], $0x1  }
0xa3: {  	[sflag:s23] =	ssyncset.done $0x0  }
0xa4: {  	s25 =	simm.s32 $0x1B8E;
	s24 =	sld [smem:$0x3FFE];
	[sflag:s23] =	ssyncadd.s32 $0xFFFFFFFF  }
0xa5: {  	s26 =	simm.s32 $execute0_lowered;
	[smem:$0x3FD2] =	sst s25  }
0xa6: {  	s4 =	sshll.u32 s26, $0x1;
	_ =	strace $0x80000049;
	[dreg:$0x1] =	wrdreg $0xFFFFFFFF  }
0xa7: {  	s28 =	simm.s32 $_size_execute0_lowered;
	s2 =	sadd.s32 s2, s4;
	[dreg:$0x0] =	wrdreg $0x0  }
0xa8: {  	s4 =	sshll.u32 s28, $0x1;
	[dreg:$0x2] =	wrdreg s2  }
0xa9: {  	[dreg:$0x3] =	wrdreg s4  }
0xaa: {  	[dreg:$0x4] =	wrdreg $0xC0  }
0xab: {  	_ =	task [dreg:s6], $0x5FFFF  }
0xac: {  	[dreg:$0x1] =	wrdreg $0xFFFFFFFF  }
0xad: {  	[dreg:$0x0] =	wrdreg $0x60  }
0xae: {  	[dreg:$0x2] =	wrdreg s24  }
0xaf: {  	[dreg:$0x3] =	wrdreg $0xAA000  }
0xb0: {  	[dreg:$0x4] =	wrdreg $0x9  }
0xb1: {  	_ =	task.clear_ibuf [dreg:s6], $0x5FFFF;
	_ =	strace $0x90000049  }
0xb2: {  	s29 =	simm.s32 $0x9;
	_ =	strace $0x8000004B  }
0xb3: {  	_ =	swait.ge [sflag:s29], $0x1  }
0xb4: {  	[sflag:s29] =	ssyncadd.s32 $0xFFFFFFFF  }
0xb5: {  	_ =	strace $0x9000004B  }
0xb6: {  	_ =	sfence  }
0xb7: {  	s30 =	sld [smem:$0x0];
	_ =	sdelay $0x2  }
0xb8: {  	s31 =	sshll.u32 s1, $0xD;
	s1 =	sshrl.u32 s1, $0x2  }
0xb9: {  	s3 =	sand.u32 $0x4000, s31;
	s1 =	sadd.s32 s1, s30  }
0xba: {  	s0 =	sor.u32 s3, s0;
	s1 =	sshll.u32 s1, $0x11  }
0xbb: {  	s0 =	sor.u32 s1, s0  }
0xbc: {  	s0 =	sadd.s32 $0x8F2B, s0  }
0xbd: {  	[sflag:s0] =	ssyncadd.remote.s32 $0x1  }
0xbe: {  	_ =	sfence.sel $0xFFFF  }
0xbf: {  	[dreg:$0x0] =	wrdreg $0xFFFFFFFF;
	(pc) =	sbr.abs _section_cstart, $3  }
0xc0: {  	[dreg:$0x1] =	wrdreg $0xFFFFFFFF  }
0xc1: {  	_ =	task.clear_ibuf [dreg:s6], $0x2FFFF;
	_ =	strace $0x9FFFFFFF  }
0xc2: {  	(tm) =	ssettm $0x7FFFFFFF  }
0xc3: {  	_ =	shalt  }
tec
execute0_lowered:
.L_overlay_start_1:
0x0: {  	(tag) =	ssettag $0x1  }
0x1: {  	s0 =	srdreg.scid  }
0x2: {  	s7 =	stileid.u32;
	s8 =	rddreg [dreg:$0x0]  }
0x3: {  	s2 =	rddreg [dreg:$0x1];
	s4 =	simm.s32 $0x0;
	s28 =	simm.s32 $0x4800  }
0x4: {  	s29 =	simm.s32 $0xA880;
	s30 =	simm.s32 $0xA980;
	s31 =	simm.s32 $0x1  }
0x5: {  	s0 =	sand.u32 $0x1, s0;
	s1 =	sshll.u32 s7, $0x1;
	[smem:$0x7FF] =	sst s4  }
0x6: {  	s11 =	smul.u32 $0x14000, s7;
	s5 =	sadd.s32 $0x20800, s8;
	s6 =	sadd.s32 $0x1E00, s8  }
0x7: {  	s12 =	smul.u32 $0x50000, s7;
	s7 =	sadd.s32 $0xBE00, s8;
	s1 =	sor.u32 s0, s1  }
0x8: {  	s19 =	smul.u32 $0x140000, s0;
	_ =	strace $0x8000004A;
	s0 =	ssub.s32 $0x2, s0  }
0x9: {  	s3 =	smul.u32 $0x2800, s1;
	s20 =	sshrl.u32 s0, $0x1;
	s12 =	sshrl.u32 s12, $0x2  }
0xa: {  	s25 =	sadd.s32 s11, s2;
	s1 =	sadd.s32 s11, s19;
	s0 =	ssub.s32 s0, s20  }
0xb: {  	s20 =	simm.s32 $0x5;
	s25 =	sshrl.u32 s25, $0x3;
	s10 =	sshrl.u32 s3, $0x3  }
0xc: {  	s1 =	sshrl.u32 s1, $0x3;
	s0 =	smax.u32 s0, $0x1;
	s9 =	sadd.s32 s10, s8  }
0xd: {  	s1 =	sadd.s32 s1, s8;
	s22 =	sadd.s32 s6, s10;
	[dreg:$0x9] =	wrdreg s0  }
0xe: {  	s23 =	sadd.s32 s7, s10;
	s24 =	sor.u32 $0x10, s10;
	[dreg:$0x4] =	wrdreg s22  }
0xf: {  	s0 =	simm.s32 $0x4;
	s21 =	sadd.s32 $0x16800, s9;
	[dreg:$0x5] =	wrdreg s23  }
0x10: {  	s9 =	sadd.s32 s12, s2;
	s10 =	sadd.s32 s6, s24;
	[dreg:$0x3] =	wrdreg s21  }
0x11: {  	s8 =	sadd.s32 s7, s24;
	s1 =	sadd.s32 $0x34800, s1;
	[dreg:$0x6] =	wrdreg s10  }
.Ltmp0:
0x12: {  	s22 =	simm.s32 $0x80;
	[dreg:$0x7] =	wrdreg s8;
	(pc) =	sbr.rel .LBB2_1-.Ltmp0, $4  }
0x13: {  	s24 =	simm.s32 $0xA800;
	s23 =	simm.s32 $0x2;
	[dreg:$0x8] =	wrdreg s1  }
0x14: {  	s26 =	sadd.s32 $0x4000, s9;
	s17 =	sadd.s32 $0x8000, s9;
	s18 =	sadd.s32 $0xC000, s9  }
0x15: {  	s19 =	sadd.s32 $0x10000, s9;
	s21 =	simm.s32 $0x6800;
	s1 =	simm.s32 $0x3  }
0x16: {  	v0 =	vimm.f32 $0.0e+00;
	s8 =	simm.s32 $0x0;
	[dreg:$0xa] =	wrdreg s26;
	s26 =	simm.s32 $0xA900  }
.LBB2_10:
0x17: {  	s10 =	stileid.u32  }
0x18: {  	[bflag:$0x0] =	sbarrier.arrive $0xFFFF;
	s10 =	sshll.u32 s10, $0x6  }
0x19: {  	s11 =	rddreg [dreg:$0x8];
	s10 =	sor.u32 $0x1C05, s10  }
0x1a: {  	[hbm:s11], [sflag:s10] =	dma.local [spmem:s25], $0x2800  }
0x1b: {  	_ =	swait.ge [sflag:s20], $0x2800  }
0x1c: {  	s8 =	sadd.s32 $0x1, s8;
	s16 =	rddreg [dreg:$0x9]  }
0x1d: {  	p0 =	sne.s32 s8, s16  }
.Ltmp1:
0x1e: {  	_ = 	snop;
	(pc) =	sbr.rel @!p0 .LBB2_11-.Ltmp1, $3  }
0x1f: {  	_ =	sdelay $0x1  }
0x20: {  	[sflag:s20] =	ssyncset.done $0x0  }
0x21: {  	[sflag:s20] =	ssyncadd.s32 $0xFFFFD800  }
.LBB2_1:
0x22: {  	s10 =	rddreg [dreg:$0x3]  }
0x23: {  	[tilespmem:s4], [sflag:$0x5] =	stream.linear.gather [hbm4b:s10+s4], $0x2800, $0x38;
	[tilespmem:$0x1EA00] =	vst v63  }
0x24: {  	_ =	swait.ge [sflag:s20], $0x2800  }
0x25: {  	[sflag:s20] =	ssyncset.done $0x0  }
0x26: {  	s11 =	simm.s32 $0x200;
	s10 =	simm.s32 $0x0;
	[sflag:s20] =	ssyncadd.s32 $0xFFFFD800  }
.LBB2_2:
0x27: {  	p0 =	sne.s32 s11, $0xFE00;
	[tilespmem:s10+$0x6870] =	vst v0  }
0x28: {  	[tilespmem:s10+$0x6800] =	vst v0  }
0x29: {  	[tilespmem:s10+$0x6810] =	vst v0  }
.Ltmp2:
0x2a: {  	[tilespmem:s10+$0x6820] =	vst v0;
	(pc) =	sbr.rel @p0 .LBB2_2-.Ltmp2, $4  }
0x2b: {  	[tilespmem:s10+$0x6830] =	vst v0  }
0x2c: {  	[tilespmem:s10+$0x6840] =	vst v0  }
0x2d: {  	[tilespmem:s10+$0x6850] =	vst v0  }
0x2e: {  	[tilespmem:s10+$0x6860] =	vst v0;
	s10 =	sshra.s32 s11, $0x2;
	s11 =	sadd.s32 $0x200, s11  }
0x2f: {  	[tilespmem:s10+$0x6870] =	vst v0  }
0x30: {  	[tilespmem:s10+$0x6800] =	vst v0  }
0x31: {  	[tilespmem:s10+$0x6810] =	vst v0  }
0x32: {  	[tilespmem:s10+$0x6820] =	vst v0  }
0x33: {  	[tilespmem:s10+$0x6830] =	vst v0  }
0x34: {  	[tilespmem:s10+$0x6840] =	vst v0  }
0x35: {  	[tilespmem:s10+$0x6850] =	vst v0  }
0x36: {  	[tilespmem:s10+$0x6860] =	vst v0  }
0x37: {  	[spmem:s9] =	stream.linear.scatter [tilespmem:s21], [sflag:$0x5], $0x4000, $0x38;
	[tilespmem:$0x1EA00] =	vst v63  }
0x38: {  	_ =	swait.ge [sflag:s20], $0x4000  }
0x39: {  	[sflag:s20] =	ssyncset.done $0x0  }
0x3a: {  	s12 =	rddreg [dreg:$0xa];
	[sflag:s20] =	ssyncadd.s32 $0xFFFFC000  }
0x3b: {  	[spmem:s12] =	stream.linear.scatter [tilespmem:s21], [sflag:$0x5], $0x4000, $0x38;
	[tilespmem:$0x1EA00] =	vst v63  }
0x3c: {  	_ =	swait.ge [sflag:s20], $0x4000  }
0x3d: {  	[sflag:s20] =	ssyncset.done $0x0  }
0x3e: {  	[sflag:s20] =	ssyncadd.s32 $0xFFFFC000  }
0x3f: {  	[spmem:s17] =	stream.linear.scatter [tilespmem:s21], [sflag:$0x5], $0x4000, $0x38;
	[tilespmem:$0x1EA00] =	vst v63  }
0x40: {  	_ =	swait.ge [sflag:s20], $0x4000  }
0x41: {  	[sflag:s20] =	ssyncset.done $0x0  }
0x42: {  	[sflag:s20] =	ssyncadd.s32 $0xFFFFC000  }
0x43: {  	[spmem:s18] =	stream.linear.scatter [tilespmem:s21], [sflag:$0x5], $0x4000, $0x38;
	[tilespmem:$0x1EA00] =	vst v63  }
0x44: {  	_ =	swait.ge [sflag:s20], $0x4000  }
0x45: {  	[sflag:s20] =	ssyncset.done $0x0  }
0x46: {  	[sflag:s20] =	ssyncadd.s32 $0xFFFFC000  }
0x47: {  	[spmem:s19] =	stream.linear.scatter [tilespmem:s21], [sflag:$0x5], $0x4000, $0x38;
	[tilespmem:$0x1EA00] =	vst v63  }
0x48: {  	_ =	swait.ge [sflag:s20], $0x4000  }
0x49: {  	[sflag:s20] =	ssyncset.done $0x0  }
0x4a: {  	[sflag:s20] =	ssyncadd.s32 $0xFFFFC000  }
0x4b: {  	s10 =	simm.s32 $0x0;
	s11 =	simm.s32 $0x2800;
	[bflag:$0x0] =	sbarrier.arrive $0xFFFF  }
0x4c: {  	[tilespmem:s11], [sflag:$0x1] =	stream.indirect.gather [hbm4b:s5+s22], $0x40, s10, s22, $0xb8;
	[tilespmem:$0x1EA00] =	vst v63  }
0x4d: {  	s13 =	rddreg [dreg:$0x4]  }
0x4e: {  	[tilespmem:s24], [sflag:$0x3] =	stream.linear.gather [hbm4b:s13+s10], $0x80, $0x38;
	[tilespmem:$0x1EA00] =	vst v63  }
0x4f: {  	s14 =	rddreg [dreg:$0x5]  }
0x50: {  	[tilespmem:s26], [sflag:$0x3] =	stream.linear.gather [hbm4b:s14+s10], $0x80, $0x38;
	[tilespmem:$0x1EA00] =	vst v63  }
0x51: {  	_ = 	snop  }
0x52: {  	[tilespmem:s28], [sflag:$0x2] =	stream.indirect.gather [hbm4b:s5+s22], $0x40, s22, s22, $0xb8;
	[tilespmem:$0x1EA00] =	vst v63  }
0x53: {  	s15 =	rddreg [dreg:$0x6]  }
0x54: {  	[tilespmem:s29], [sflag:$0x4] =	stream.linear.gather [hbm4b:s15+s10], $0x80, $0x38;
	[tilespmem:$0x1EA00] =	vst v63  }
0x55: {  	s16 =	rddreg [dreg:$0x7];
	s11 =	simm.s32 $0x0  }
0x56: {  	[tilespmem:s30], [sflag:$0x4] =	stream.linear.gather [hbm4b:s16+s10], $0x80, $0x38;
	[tilespmem:$0x1EA00] =	vst v63  }
.LBB2_4:
0x57: {  	_ =	swait.ge [sflag:s31], $0x2000  }
0x58: {  	[sflag:s31] =	ssyncset.done $0x0  }
0x59: {  	[sflag:s31] =	ssyncadd.s32 $0xFFFFE000  }
0x5a: {  	_ =	swait.ge [sflag:s1], $0x80  }
0x5b: {  	[sflag:s1] =	ssyncset.done $0x0  }
0x5c: {  	v1 =	vmov s10;
	[sflag:s1] =	ssyncadd.s32 $0xFFFFFF80  }
0x5d: {  	_ =	swait.ge [sflag:s1], $0x80  }
0x5e: {  	[sflag:s1] =	ssyncset.done $0x0  }
0x5f: {  	s12 =	simm.s32 $0x2820;
	[sflag:s1] =	ssyncadd.s32 $0xFFFFFF80  }
0x60: {  	v2 =	vld [tilespmem:s12+$0xFFFFFFE0]  }
0x61: {  	v1 =	vld.idx.msk [tilespmem:v1+s26+$0x0], $0xffff;
	_ =	sdelay $0x3  }
0x62: {  	v3 =	vunpack.i.l.bf16.f32 v2  }
0x63: {  	v2 =	vunpack.i.u.bf16.f32 v2;
	v3 =	vmul.f32 v3, v1  }
0x64: {  	s13 =	simm.s32 $0x6840;
	v2 =	vmul.f32 v2, v1  }
0x65: {  	[tilespmem:s13+$0xFFFFFFC0] =	vst v3  }
0x66: {  	[tilespmem:s13+$0xFFFFFFD0] =	vst v2  }
0x67: {  	v2 =	vld [tilespmem:s12+$0xFFFFFFF0];
	_ =	sdelay $0x4  }
0x68: {  	v3 =	vunpack.i.l.bf16.f32 v2  }
0x69: {  	v2 =	vunpack.i.u.bf16.f32 v2;
	v3 =	vmul.f32 v3, v1  }
0x6a: {  	v2 =	vmul.f32 v2, v1  }
0x6b: {  	[tilespmem:s13+$0xFFFFFFE0] =	vst v3  }
0x6c: {  	[tilespmem:s13+$0xFFFFFFF0] =	vst v2  }
0x6d: {  	v2 =	vld [tilespmem:s12+$0x0];
	_ =	sdelay $0x4  }
0x6e: {  	v3 =	vunpack.i.l.bf16.f32 v2  }
0x6f: {  	v2 =	vunpack.i.u.bf16.f32 v2;
	v3 =	vmul.f32 v3, v1  }
0x70: {  	v2 =	vmul.f32 v2, v1  }
0x71: {  	[tilespmem:s13+$0x0] =	vst v3  }
0x72: {  	[tilespmem:s13+$0x10] =	vst v2  }
0x73: {  	s15 =	simm.s32 $0x1;
	s14 =	simm.s32 $0x6840;
	v2 =	vld [tilespmem:s12+$0x10]  }
.LBB2_5:
0x74: {  	_ =	sdelay $0x3  }
0x75: {  	p0 =	sne.s32 s15, $0x7F;
	s13 =	sadd.s32 $0x80, s13;
	s12 =	sadd.s32 $0x40, s12;
	v3 =	vunpack.i.u.bf16.f32 v2;
	v2 =	vunpack.i.l.bf16.f32 v2  }
0x76: {  	v4 =	vmov s15;
	s15 =	sadd.s32 $0x1, s15;
	v2 =	vmul.f32 v2, v1;
	v1 =	vmul.f32 v3, v1;
	_ =	sdelay $0x1  }
0x77: {  	[tilespmem:s14+$0x20] =	vst v2  }
0x78: {  	[tilespmem:s14+$0x30] =	vst v1;
	s14 =	smov.u32 s13  }
0x79: {  	v2 =	vld [tilespmem:s12+$0xFFFFFFE0]  }
0x7a: {  	v1 =	vld.idx.msk [tilespmem:v4+s26+$0x0], $0xffff;
	_ =	sdelay $0x4  }
0x7b: {  	v3 =	vunpack.i.u.bf16.f32 v2;
	v2 =	vunpack.i.l.bf16.f32 v2  }
0x7c: {  	v2 =	vmul.f32 v2, v1;
	v3 =	vmul.f32 v3, v1;
	_ =	sdelay $0x1  }
0x7d: {  	[tilespmem:s13+$0xFFFFFFC0] =	vst v2  }
0x7e: {  	[tilespmem:s13+$0xFFFFFFD0] =	vst v3  }
0x7f: {  	v2 =	vld [tilespmem:s12+$0xFFFFFFF0];
	_ =	sdelay $0x4  }
0x80: {  	v3 =	vunpack.i.u.bf16.f32 v2;
	v2 =	vunpack.i.l.bf16.f32 v2  }
0x81: {  	v2 =	vmul.f32 v2, v1;
	v3 =	vmul.f32 v3, v1;
	_ =	sdelay $0x1  }
0x82: {  	[tilespmem:s13+$0xFFFFFFE0] =	vst v2  }
0x83: {  	[tilespmem:s13+$0xFFFFFFF0] =	vst v3  }
0x84: {  	v2 =	vld [tilespmem:s12+$0x0];
	_ =	sdelay $0x4  }
0x85: {  	v3 =	vunpack.i.u.bf16.f32 v2;
	v2 =	vunpack.i.l.bf16.f32 v2  }
.Ltmp3:
0x86: {  	v2 =	vmul.f32 v2, v1;
	v3 =	vmul.f32 v3, v1;
	(pc) =	sbr.rel @p0 .LBB2_5-.Ltmp3, $4  }
0x87: {  	_ = 	snop  }
0x88: {  	[tilespmem:s13+$0x0] =	vst v2  }
0x89: {  	[tilespmem:s13+$0x10] =	vst v3  }
0x8a: {  	v2 =	vld [tilespmem:s12+$0x10]  }
0x8b: {  	_ =	sdelay $0x3  }
0x8c: {  	v3 =	vunpack.i.l.bf16.f32 v2  }
0x8d: {  	v2 =	vunpack.i.u.bf16.f32 v2;
	v3 =	vmul.f32 v3, v1  }
0x8e: {  	v1 =	vmul.f32 v2, v1  }
0x8f: {  	[tilespmem:s14+$0x20] =	vst v3  }
0x90: {  	[tilespmem:s14+$0x30] =	vst v1  }
0x91: {  	[spmem:s2] =	stream.indirect.scatter.add.f32 [tilespmem:s21], [sflag:$0x5], $0x80, s24, s22, $0xb8;
	[tilespmem:$0x1EA00] =	vst v63  }
0x92: {  	s12 =	sshll.u32 s11, $0x8;
	p0 =	seq.s32 s11, $0x27;
	_ =	swait.ge [sflag:s20], $0x4000  }
0x93: {  	s13 =	sadd.s32 @!p0 $0x100, s12;
	[sflag:s20] =	ssyncset.done $0x0  }
0x94: {  	s15 =	simm.s32 @!p0 $0x2800;
	s14 =	simm.s32 @!p0 $0x80;
	[sflag:s20] =	ssyncadd.s32 $0xFFFFC000  }
0x95: {  	[tilespmem:s15], [sflag:$0x1] =	stream.indirect.gather @!p0 [hbm4b:s5+s14], $0x40, s13, s14, $0xb8;
	[tilespmem:$0x1EA00] =	vst v63  }
0x96: {  	s13 =	sadd.s32 @!p0 s3, s13  }
0x97: {  	s13 =	sshrl.u32 @!p0 s13, $0x3  }
0x98: {  	s16 =	simm.s32 @!p0 $0xA800;
	s15 =	simm.s32 @!p0 $0x0;
	s14 =	sadd.s32 @!p0 s6, s13  }
0x99: {  	[tilespmem:s16], [sflag:$0x3] =	stream.linear.gather @!p0 [hbm4b:s14+s15], $0x80, $0x38;
	[tilespmem:$0x1EA00] =	vst v63  }
0x9a: {  	s13 =	sadd.s32 @!p0 s7, s13;
	s14 =	simm.s32 @!p0 $0xA900  }
0x9b: {  	[tilespmem:s14], [sflag:$0x3] =	stream.linear.gather @!p0 [hbm4b:s13+s15], $0x80, $0x38;
	[tilespmem:$0x1EA00] =	vst v63  }
0x9c: {  	_ =	swait.ge [sflag:s23], $0x2000  }
0x9d: {  	[sflag:s23] =	ssyncset.done $0x0  }
0x9e: {  	[sflag:s23] =	ssyncadd.s32 $0xFFFFE000  }
0x9f: {  	_ =	swait.ge [sflag:s0], $0x80  }
0xa0: {  	s16 =	simm.s32 $0x0;
	[sflag:s0] =	ssyncset.done $0x0  }
0xa1: {  	v1 =	vmov s16;
	[sflag:s0] =	ssyncadd.s32 $0xFFFFFF80  }
0xa2: {  	_ =	swait.ge [sflag:s0], $0x80  }
0xa3: {  	[sflag:s0] =	ssyncset.done $0x0  }
0xa4: {  	s13 =	simm.s32 $0x4820;
	[sflag:s0] =	ssyncadd.s32 $0xFFFFFF80  }
0xa5: {  	v2 =	vld [tilespmem:s13+$0xFFFFFFE0]  }
0xa6: {  	v1 =	vld.idx.msk [tilespmem:v1+s30+$0x0], $0xffff;
	_ =	sdelay $0x3  }
0xa7: {  	v3 =	vunpack.i.l.bf16.f32 v2  }
0xa8: {  	v2 =	vunpack.i.u.bf16.f32 v2;
	v3 =	vmul.f32 v3, v1  }
0xa9: {  	s14 =	simm.s32 $0x6840;
	v2 =	vmul.f32 v2, v1  }
0xaa: {  	[tilespmem:s14+$0xFFFFFFC0] =	vst v3  }
0xab: {  	[tilespmem:s14+$0xFFFFFFD0] =	vst v2  }
0xac: {  	v2 =	vld [tilespmem:s13+$0xFFFFFFF0];
	_ =	sdelay $0x4  }
0xad: {  	v3 =	vunpack.i.l.bf16.f32 v2  }
0xae: {  	v2 =	vunpack.i.u.bf16.f32 v2;
	v3 =	vmul.f32 v3, v1  }
0xaf: {  	v2 =	vmul.f32 v2, v1  }
0xb0: {  	[tilespmem:s14+$0xFFFFFFE0] =	vst v3  }
0xb1: {  	[tilespmem:s14+$0xFFFFFFF0] =	vst v2  }
0xb2: {  	v2 =	vld [tilespmem:s13+$0x0];
	_ =	sdelay $0x4  }
0xb3: {  	v3 =	vunpack.i.l.bf16.f32 v2  }
0xb4: {  	v2 =	vunpack.i.u.bf16.f32 v2;
	v3 =	vmul.f32 v3, v1  }
0xb5: {  	v2 =	vmul.f32 v2, v1  }
0xb6: {  	[tilespmem:s14+$0x0] =	vst v3  }
0xb7: {  	[tilespmem:s14+$0x10] =	vst v2  }
0xb8: {  	s16 =	simm.s32 $0x1;
	s15 =	simm.s32 $0x6840;
	v2 =	vld [tilespmem:s13+$0x10]  }
.LBB2_7:
0xb9: {  	_ =	sdelay $0x3  }
0xba: {  	p1 =	sne.s32 s16, $0x7F;
	s14 =	sadd.s32 $0x80, s14;
	s13 =	sadd.s32 $0x40, s13;
	v3 =	vunpack.i.u.bf16.f32 v2;
	v2 =	vunpack.i.l.bf16.f32 v2  }
0xbb: {  	v4 =	vmov s16;
	s16 =	sadd.s32 $0x1, s16;
	v2 =	vmul.f32 v2, v1;
	v1 =	vmul.f32 v3, v1;
	_ =	sdelay $0x1  }
0xbc: {  	[tilespmem:s15+$0x20] =	vst v2  }
0xbd: {  	[tilespmem:s15+$0x30] =	vst v1;
	s15 =	smov.u32 s14  }
0xbe: {  	v2 =	vld [tilespmem:s13+$0xFFFFFFE0]  }
0xbf: {  	v1 =	vld.idx.msk [tilespmem:v4+s30+$0x0], $0xffff;
	_ =	sdelay $0x4  }
0xc0: {  	v3 =	vunpack.i.u.bf16.f32 v2;
	v2 =	vunpack.i.l.bf16.f32 v2  }
0xc1: {  	v2 =	vmul.f32 v2, v1;
	v3 =	vmul.f32 v3, v1;
	_ =	sdelay $0x1  }
0xc2: {  	[tilespmem:s14+$0xFFFFFFC0] =	vst v2  }
0xc3: {  	[tilespmem:s14+$0xFFFFFFD0] =	vst v3  }
0xc4: {  	v2 =	vld [tilespmem:s13+$0xFFFFFFF0];
	_ =	sdelay $0x4  }
0xc5: {  	v3 =	vunpack.i.u.bf16.f32 v2;
	v2 =	vunpack.i.l.bf16.f32 v2  }
0xc6: {  	v2 =	vmul.f32 v2, v1;
	v3 =	vmul.f32 v3, v1;
	_ =	sdelay $0x1  }
0xc7: {  	[tilespmem:s14+$0xFFFFFFE0] =	vst v2  }
0xc8: {  	[tilespmem:s14+$0xFFFFFFF0] =	vst v3  }
0xc9: {  	v2 =	vld [tilespmem:s13+$0x0];
	_ =	sdelay $0x4  }
0xca: {  	v3 =	vunpack.i.u.bf16.f32 v2;
	v2 =	vunpack.i.l.bf16.f32 v2  }
.Ltmp4:
0xcb: {  	v2 =	vmul.f32 v2, v1;
	v3 =	vmul.f32 v3, v1;
	(pc) =	sbr.rel @p1 .LBB2_7-.Ltmp4, $4  }
0xcc: {  	_ = 	snop  }
0xcd: {  	[tilespmem:s14+$0x0] =	vst v2  }
0xce: {  	[tilespmem:s14+$0x10] =	vst v3  }
0xcf: {  	v2 =	vld [tilespmem:s13+$0x10]  }
0xd0: {  	_ =	sdelay $0x3  }
0xd1: {  	v3 =	vunpack.i.l.bf16.f32 v2  }
0xd2: {  	v2 =	vunpack.i.u.bf16.f32 v2;
	v3 =	vmul.f32 v3, v1  }
0xd3: {  	v1 =	vmul.f32 v2, v1  }
0xd4: {  	[tilespmem:s15+$0x20] =	vst v3  }
.Ltmp5:
0xd5: {  	[tilespmem:s15+$0x30] =	vst v1;
	(pc) =	sbr.rel @p0 .LBB2_10-.Ltmp5, $4  }
0xd6: {  	[spmem:s2] =	stream.indirect.scatter.add.f32 [tilespmem:s21], [sflag:$0x5], $0x80, s29, s22, $0xb8;
	[tilespmem:$0x1EA00] =	vst v63  }
0xd7: {  	_ =	swait.ge [sflag:s20], $0x4000  }
0xd8: {  	[sflag:s20] =	ssyncset.done $0x0  }
0xd9: {  	[sflag:s20] =	ssyncadd.s32 $0xFFFFC000  }
0xda: {  	s12 =	sadd.s32 $0x180, s12  }
0xdb: {  	[tilespmem:s28], [sflag:$0x2] =	stream.indirect.gather [hbm4b:s5+s22], $0x40, s12, s22, $0xb8;
	[tilespmem:$0x1EA00] =	vst v63  }
0xdc: {  	s12 =	sadd.s32 s3, s12  }
.Ltmp6:
0xdd: {  	s12 =	sshrl.u32 s12, $0x3;
	(pc) =	sbr.rel .LBB2_4-.Ltmp6, $4  }
0xde: {  	s13 =	sadd.s32 s6, s12  }
0xdf: {  	[tilespmem:s29], [sflag:$0x4] =	stream.linear.gather [hbm4b:s13+s4], $0x80, $0x38;
	[tilespmem:$0x1EA00] =	vst v63  }
0xe0: {  	s11 =	sadd.s32 $0x1, s11;
	s12 =	sadd.s32 s7, s12  }
0xe1: {  	[tilespmem:s30], [sflag:$0x4] =	stream.linear.gather [hbm4b:s12+s4], $0x80, $0x38;
	[tilespmem:$0x1EA00] =	vst v63  }
.LBB2_11:
0xe2: {  	_ =	sfence.sel $0x180000  }
0xe3: {  	[bflag:$0x0] =	sbarrier.arrive $0xFFFF  }
0xe4: {  	_ =	strace $0x9000004A  }
0xe5: {  	s0 =	stileid.u32;
	[bflag:$0x2] =	sbarrier.arrive $0xFFFF  }
0xe6: {  	p0 =	sne.s32 s0, $0x0;
	s0 =	rddreg [dreg:$0x2]  }
0xe7: {  	s0 =	sadd.s32 @!p0 $0x100000, s0  }
0xe8: {  	[sflag:s0] =	ssyncadd.tile.s32 @!p0 $0x1;
	_ =	shalt  }
.Lfunc_end2:
_tile_overlayer_lowered:
.L_overlay_start_2:
0xe9: {  	(tag) =	ssettag $0x2  }
0xea: {  	s0 =	rddreg [dreg:$0x0];
	s2 =	stileid.u32  }
0xeb: {  	s1 =	rddreg [dreg:$0x1];
	p0 =	sne.s32 s2, $0x0  }
0xec: {  	s3 =	rddreg [dreg:$0x2];
	[bflag:$0x3] =	sbarrier.arrive $0xFFFF;
	s2 =	simm.s32 @!p0 $0x1C05  }
0xed: {  	[timem:s3], [sflag:s2] =	dma.local @!p0 [hbm:s0], s1  }
0xee: {  	s0 =	simm.s32 @!p0 $0x5  }
0xef: {  	_ =	swait.ge @!p0 [sflag:s0], s1  }
0xf0: {  	s1 =	ssub.s32 @!p0 $0x0, s1;
	[sflag:s0] =	ssyncset.done @!p0 $0x0  }
0xf1: {  	[sflag:s0] =	ssyncadd.s32 @!p0 s1  }
0xf2: {  	[bflag:$0x3] =	sbarrier.arrive $0xFFFF  }
0xf3: {  	_ =	shalt  }

// kernel: kernel.17.cloned.1.call-start
scs
__scs_entry_jumppad:
0x0: {  	(pc) =	sbr.rel $0x88, $3  }
0x1: {  	(tag) =	ssettag $0x0;
	lr =	simm.s32 $0x1  }
0x2: {  	[smem:$0x3F8F] =	sst lr;
	_ =	strace $0xD0000000  }
0x3: {  	_ = 	snop  }
0x4: {  	_ = 	snop  }
0x5: {  	_ = 	snop  }
0x6: {  	_ = 	snop  }
0x7: {  	_ = 	snop  }
__scs_overlays_trampoline_lowered:
0x8: {  	[smem:$0x3F9E] =	sst s0  }
0x9: {  	[smem:$0x3F9F] =	sst s1  }
0xa: {  	[smem:$0x3FA0] =	sst s2  }
0xb: {  	[smem:$0x3FA1] =	sst s3  }
0xc: {  	[smem:$0x3FA2] =	sst s4  }
0xd: {  	[smem:$0x3FA3] =	sst s5  }
0xe: {  	[smem:$0x3FA4] =	sst s6  }
0xf: {  	[smem:$0x3FA5] =	sst s7  }
0x10: {  	[smem:$0x3FA6] =	sst s8  }
0x11: {  	[smem:$0x3FA7] =	sst s9;
	s0 =	simm.s32 @!p0 $0x0  }
0x12: {  	s1 =	sld [smem:$0x3F8D];
	s0 =	simm.s32 @p0 $0x1  }
0x13: {  	[smem:$0x3FA8] =	sst s0;
	s0 =	simm.s32 @!p1 $0x0  }
0x14: {  	s2 =	sld [smem:$0x3F8C];
	s0 =	simm.s32 @p1 $0x1  }
0x15: {  	[smem:$0x3FA9] =	sst s0;
	s0 =	simm.s32 @!p2 $0x0  }
0x16: {  	s3 =	sld [smem:$0x3FDB];
	s0 =	simm.s32 @p2 $0x1  }
0x17: {  	s4 =	simm.s32 $0x1BF5;
	[smem:$0x3FAB] =	sst s0  }
0x18: {  	s0 =	sld [smem:$0x3F8E];
	_ =	swait.ge [sflag:s4], $0x0  }
0x19: {  	s7 =	sld [smem:$0x3F8F]  }
0x1a: {  	s8 =	sadd.s32 $0xFFFFE003, lr  }
0x1b: {  	s9 =	sadd.s32 $0xFFFFFEF7, lr;
	s5 =	simm.s32 $0xFFFFFFFF;
	p2 =	slt.u32 s8, $0xFFFFF086  }
0x1c: {  	p1 =	slt.u32 s9, $0xF7A;
	s5 =	simm.s32 @!p2 $0x0  }
0x1d: {  	s5 =	simm.s32 @p1 $0x1;
	p0 =	seq.s32 s7, s2  }
0x1e: {  	s7 =	smul.u32 @!p0 $0xF7A, s2;
	p2 =	seq.s32 @!p0 s5, $0x0  }
0x1f: {  	s9 =	smul.u32 $0xF7A, s1;
	s8 =	simm.s32 @!p0 $0x1BF5;
	p2 =	por !p2, p0  }
0x20: {  	[sflag:s8] =	ssyncset.s32 @!p0 $0xFFFFF086;
	s6 =	sadd.s32 @!p0 s3, s7;
	s7 =	simm.s32 @!p0 $0x108  }
0x21: {  	s3 =	sadd.s32 s3, s9;
	s6 =	sadd.s32 @!p0 $0x88, s6;
	s7 =	simm.s32 @p2 $0x1082  }
0x22: {  	[simem:s7], [sflag:s8] =	dma.local @!p0 [hbm:s6], $0xF7A  }
0x23: {  	s9 =	sor.u32 $0xD0000000, s2;
	s6 =	simm.s32 $0x108;
	_ =	swait.ge @!p0 [sflag:s8], $0x0  }
0x24: {  	s3 =	sadd.s32 $0x88, s3;
	s6 =	simm.s32 @!p1 $0x1082;
	[sflag:s4] =	ssyncset.s32 $0xFFFFF086  }
0x25: {  	[simem:s6], [sflag:s4] =	dma.local [hbm:s3], $0xF7A  }
0x26: {  	[smem:$0x3F8F] =	sst s1;
	(tag) =	ssettag s2;
	_ =	strace s9  }
0x27: {  	s1 =	sld [smem:$0x3F9F]  }
0x28: {  	s2 =	sld [smem:$0x3FA0]  }
0x29: {  	s4 =	sld [smem:$0x3FA2]  }
0x2a: {  	p0 =	seq.s32 s5, $0x0;
	s5 =	sld [smem:$0x3FA3]  }
0x2b: {  	s6 =	sld [smem:$0x3FA4]  }
0x2c: {  	s7 =	sld [smem:$0x3FA5]  }
0x2d: {  	s3 =	simm.s32 $0x108;
	s8 =	sld [smem:$0x3FA6]  }
0x2e: {  	s3 =	simm.s32 @!p0 $0x1082;
	s9 =	sld [smem:$0x3FA7]  }
0x2f: {  	lr =	sadd.s32 s0, s3;
	s0 =	sld [smem:$0x3F9E]  }
0x30: {  	s3 =	sld [smem:$0x3FA1]  }
0x31: {  	[smem:$0x3FAA] =	sst s10  }
0x32: {  	s10 =	sld [smem:$0x3FA8];
	_ =	sdelay $0x3  }
0x33: {  	p0 =	seq.s32 s10, $0x1;
	s10 =	sld [smem:$0x3FAA];
	_ =	sdelay $0x3  }
0x34: {  	[smem:$0x3FAA] =	sst s10  }
0x35: {  	s10 =	sld [smem:$0x3FA9];
	_ =	sdelay $0x3  }
0x36: {  	p1 =	seq.s32 s10, $0x1;
	s10 =	sld [smem:$0x3FAA];
	_ =	sdelay $0x3  }
0x37: {  	[smem:$0x3FAA] =	sst s10  }
0x38: {  	s10 =	sld [smem:$0x3FAB]  }
0x39: {  	_ = 	snop;
	(pc) =	sbr.ind lr, $3  }
0x3a: {  	_ = 	snop  }
0x3b: {  	_ = 	snop  }
0x3c: {  	p2 =	seq.s32 s10, $0x1;
	s10 =	sld [smem:$0x3FAA]  }
0x3d: {  	_ =	shalt  }
0x3e: {  	_ =	shalt  }
0x3f: {  	_ =	shalt  }
0x40: {  	_ =	shalt  }
0x41: {  	_ =	shalt  }
0x42: {  	_ =	shalt  }
0x43: {  	_ =	shalt  }
0x44: {  	_ =	shalt  }
0x45: {  	_ =	shalt  }
0x46: {  	_ =	shalt  }
0x47: {  	_ =	shalt  }
0x48: {  	_ =	shalt  }
0x49: {  	_ =	shalt  }
0x4a: {  	_ =	shalt  }
0x4b: {  	_ =	shalt  }
0x4c: {  	_ =	shalt  }
0x4d: {  	_ =	shalt  }
0x4e: {  	_ =	shalt  }
0x4f: {  	_ =	shalt  }
0x50: {  	_ =	shalt  }
0x51: {  	_ =	shalt  }
0x52: {  	_ =	shalt  }
0x53: {  	_ =	shalt  }
0x54: {  	_ =	shalt  }
0x55: {  	_ =	shalt  }
0x56: {  	_ =	shalt  }
0x57: {  	_ =	shalt  }
0x58: {  	_ =	shalt  }
0x59: {  	_ =	shalt  }
0x5a: {  	_ =	shalt  }
0x5b: {  	_ =	shalt  }
0x5c: {  	_ =	shalt  }
0x5d: {  	_ =	shalt  }
0x5e: {  	_ =	shalt  }
0x5f: {  	_ =	shalt  }
0x60: {  	_ =	shalt  }
0x61: {  	_ =	shalt  }
0x62: {  	_ =	shalt  }
0x63: {  	_ =	shalt  }
0x64: {  	_ =	shalt  }
0x65: {  	_ =	shalt  }
0x66: {  	_ =	shalt  }
0x67: {  	_ =	shalt  }
0x68: {  	_ =	shalt  }
0x69: {  	_ =	shalt  }
0x6a: {  	_ =	shalt  }
0x6b: {  	_ =	shalt  }
0x6c: {  	_ =	shalt  }
0x6d: {  	_ =	shalt  }
0x6e: {  	_ =	shalt  }
0x6f: {  	_ =	shalt  }
0x70: {  	_ =	shalt  }
0x71: {  	_ =	shalt  }
0x72: {  	_ =	shalt  }
0x73: {  	_ =	shalt  }
0x74: {  	_ =	shalt  }
0x75: {  	_ =	shalt  }
0x76: {  	_ =	shalt  }
0x77: {  	_ =	shalt  }
0x78: {  	_ =	shalt  }
0x79: {  	_ =	shalt  }
0x7a: {  	_ =	shalt  }
0x7b: {  	_ =	shalt  }
0x7c: {  	_ =	shalt  }
0x7d: {  	_ =	shalt  }
0x7e: {  	_ =	shalt  }
0x7f: {  	_ =	shalt  }
0x80: {  	_ =	shalt  }
0x81: {  	_ =	shalt  }
0x82: {  	_ =	shalt  }
0x83: {  	_ =	shalt  }
0x84: {  	_ =	shalt  }
0x85: {  	_ =	shalt  }
0x86: {  	_ =	shalt  }
0x87: {  	_ =	shalt  }
.Lfunc_end0:
.L_simem_size_0:
called_computation.2_lowered:
.L_overlay_start_0:
0x88: {  	s2 =	sld [smem:$0x3FD9]  }
0x89: {  	s3 =	sld [smem:$0x3FFE];
	_ =	sdelay $0x1  }
0x8a: {  	s1 =	srdreg.scid  }
0x8b: {  	s0 =	sand.u32 $0x1, s1  }
0x8c: {  	s16 =	sshll.u32 s0, $0xA;
	s2 =	sadd.s32 s3, s2  }
0x8d: {  	s2 =	sadd.s32 s2, s16  }
0x8e: {  	[smem:$0x3FB6] =	sst s2  }
0x8f: {  	_ = 	snop  }
0x90: {  	(tm) =	ssettm $0x1  }
0x91: {  	s17 =	sld [smem:$0x3FFB];
	_ =	sdelay $0x3  }
0x92: {  	_ =	strace s17  }
0x93: {  	s2 =	sld [smem:$0x3FFC];
	_ =	sdelay $0x3  }
0x94: {  	_ =	strace s2  }
0x95: {  	s2 =	sld [smem:$0x3FFD];
	_ =	sdelay $0x3  }
0x96: {  	_ =	strace s2  }
0x97: {  	_ =	strace $0x8FFFFFFF  }
0x98: {  	s18 =	sld [smem:$0x3FDB];
	_ =	sdelay $0x1  }
0x99: {  	s19 =	simm.s32 $_scs_section_size  }
0x9a: {  	s4 =	simm.s32 $_size__tile_overlayer_lowered;
	s5 =	simm.s32 $_tile_overlayer_lowered  }
0x9b: {  	s22 =	simm.s32 $0x1BFF;
	s21 =	sshll.u32 s5, $0x1;
	s2 =	sadd.s32 s19, s18  }
0x9c: {  	s6 =	simm.s32 $0x0;
	s20 =	sshll.u32 s4, $0x1;
	s4 =	sadd.s32 s21, s2  }
0x9d: {  	[timem:s6], [sflag:s22] =	dma.local [hbm:s4], s20  }
0x9e: {  	_ =	swait.ge [sflag:s22], s20  }
0x9f: {  	s3 =	ssub.s32 $0x0, s20;
	[sflag:s22] =	ssyncset.done $0x0  }
0xa0: {  	[sflag:s22] =	ssyncadd.s32 s3;
	_ =	sdelay $0x1  }
0xa1: {  	s23 =	simm.s32 $0x1B8B  }
0xa2: {  	_ =	swait.ge [sflag:s23], $0x1  }
0xa3: {  	[sflag:s23] =	ssyncset.done $0x0  }
0xa4: {  	s25 =	simm.s32 $0x1B8E;
	s24 =	sld [smem:$0x3FFE];
	[sflag:s23] =	ssyncadd.s32 $0xFFFFFFFF  }
0xa5: {  	s26 =	simm.s32 $execute0_lowered;
	[smem:$0x3FD2] =	sst s25  }
0xa6: {  	s4 =	sshll.u32 s26, $0x1;
	_ =	strace $0x8000004C;
	[dreg:$0x1] =	wrdreg $0xFFFFFFFF  }
0xa7: {  	s28 =	simm.s32 $_size_execute0_lowered;
	s2 =	sadd.s32 s2, s4;
	[dreg:$0x0] =	wrdreg $0x0  }
0xa8: {  	s4 =	sshll.u32 s28, $0x1;
	[dreg:$0x2] =	wrdreg s2  }
0xa9: {  	[dreg:$0x3] =	wrdreg s4  }
0xaa: {  	[dreg:$0x4] =	wrdreg $0xC0  }
0xab: {  	_ =	task [dreg:s6], $0x5FFFF  }
0xac: {  	[dreg:$0x1] =	wrdreg $0xFFFFFFFF  }
0xad: {  	[dreg:$0x0] =	wrdreg $0x60  }
0xae: {  	[dreg:$0x2] =	wrdreg s24  }
0xaf: {  	[dreg:$0x3] =	wrdreg $0xAA000  }
0xb0: {  	[dreg:$0x4] =	wrdreg $0x9  }
0xb1: {  	_ =	task.clear_ibuf [dreg:s6], $0x5FFFF;
	_ =	strace $0x9000004C  }
0xb2: {  	s29 =	simm.s32 $0x9;
	_ =	strace $0x8000004E  }
0xb3: {  	_ =	swait.ge [sflag:s29], $0x1  }
0xb4: {  	[sflag:s29] =	ssyncadd.s32 $0xFFFFFFFF  }
0xb5: {  	_ =	strace $0x9000004E  }
0xb6: {  	_ =	sfence  }
0xb7: {  	s30 =	sld [smem:$0x0];
	_ =	sdelay $0x2  }
0xb8: {  	s31 =	sshll.u32 s1, $0xD;
	s1 =	sshrl.u32 s1, $0x2  }
0xb9: {  	s3 =	sand.u32 $0x4000, s31;
	s1 =	sadd.s32 s1, s30  }
0xba: {  	s0 =	sor.u32 s3, s0;
	s1 =	sshll.u32 s1, $0x11  }
0xbb: {  	s0 =	sor.u32 s1, s0  }
0xbc: {  	s0 =	sadd.s32 $0x8F2B, s0  }
0xbd: {  	[sflag:s0] =	ssyncadd.remote.s32 $0x1  }
0xbe: {  	_ =	sfence.sel $0xFFFF  }
0xbf: {  	[dreg:$0x0] =	wrdreg $0xFFFFFFFF;
	(pc) =	sbr.abs _section_cstart, $3  }
0xc0: {  	[dreg:$0x1] =	wrdreg $0xFFFFFFFF  }
0xc1: {  	_ =	task.clear_ibuf [dreg:s6], $0x2FFFF;
	_ =	strace $0x9FFFFFFF  }
0xc2: {  	(tm) =	ssettm $0x7FFFFFFF  }
0xc3: {  	_ =	shalt  }
tec
execute0_lowered:
.L_overlay_start_1:
0x0: {  	(tag) =	ssettag $0x1  }
0x1: {  	s0 =	srdreg.scid  }
0x2: {  	s7 =	stileid.u32;
	s8 =	rddreg [dreg:$0x0]  }
0x3: {  	s2 =	rddreg [dreg:$0x1];
	s4 =	simm.s32 $0x0;
	s28 =	simm.s32 $0x4800  }
0x4: {  	s29 =	simm.s32 $0xA880;
	s30 =	simm.s32 $0xA980;
	s31 =	simm.s32 $0x1  }
0x5: {  	s0 =	sand.u32 $0x1, s0;
	s1 =	sshll.u32 s7, $0x1;
	[smem:$0x7FF] =	sst s4  }
0x6: {  	s11 =	smul.u32 $0x14000, s7;
	s5 =	sadd.s32 $0x20800, s8;
	s6 =	sadd.s32 $0x1E00, s8  }
0x7: {  	s12 =	smul.u32 $0x50000, s7;
	s7 =	sadd.s32 $0xBE00, s8;
	s1 =	sor.u32 s0, s1  }
0x8: {  	s19 =	smul.u32 $0x140000, s0;
	_ =	strace $0x8000004D;
	s0 =	ssub.s32 $0x2, s0  }
0x9: {  	s3 =	smul.u32 $0x2800, s1;
	s20 =	sshrl.u32 s0, $0x1;
	s12 =	sshrl.u32 s12, $0x2  }
0xa: {  	s25 =	sadd.s32 s11, s2;
	s1 =	sadd.s32 s11, s19;
	s0 =	ssub.s32 s0, s20  }
0xb: {  	s20 =	simm.s32 $0x5;
	s25 =	sshrl.u32 s25, $0x3;
	s10 =	sshrl.u32 s3, $0x3  }
0xc: {  	s1 =	sshrl.u32 s1, $0x3;
	s0 =	smax.u32 s0, $0x1;
	s9 =	sadd.s32 s10, s8  }
0xd: {  	s1 =	sadd.s32 s1, s8;
	s22 =	sadd.s32 s6, s10;
	[dreg:$0x9] =	wrdreg s0  }
0xe: {  	s23 =	sadd.s32 s7, s10;
	s24 =	sor.u32 $0x10, s10;
	[dreg:$0x4] =	wrdreg s22  }
0xf: {  	s0 =	simm.s32 $0x4;
	s21 =	sadd.s32 $0x16800, s9;
	[dreg:$0x5] =	wrdreg s23  }
0x10: {  	s9 =	sadd.s32 s12, s2;
	s10 =	sadd.s32 s6, s24;
	[dreg:$0x3] =	wrdreg s21  }
0x11: {  	s8 =	sadd.s32 s7, s24;
	s1 =	sadd.s32 $0x34800, s1;
	[dreg:$0x6] =	wrdreg s10  }
.Ltmp0:
0x12: {  	s22 =	simm.s32 $0x80;
	[dreg:$0x7] =	wrdreg s8;
	(pc) =	sbr.rel .LBB2_1-.Ltmp0, $4  }
0x13: {  	s24 =	simm.s32 $0xA800;
	s23 =	simm.s32 $0x2;
	[dreg:$0x8] =	wrdreg s1  }
0x14: {  	s26 =	sadd.s32 $0x4000, s9;
	s17 =	sadd.s32 $0x8000, s9;
	s18 =	sadd.s32 $0xC000, s9  }
0x15: {  	s19 =	sadd.s32 $0x10000, s9;
	s21 =	simm.s32 $0x6800;
	s1 =	simm.s32 $0x3  }
0x16: {  	v0 =	vimm.f32 $0.0e+00;
	s8 =	simm.s32 $0x0;
	[dreg:$0xa] =	wrdreg s26;
	s26 =	simm.s32 $0xA900  }
.LBB2_10:
0x17: {  	s10 =	stileid.u32  }
0x18: {  	[bflag:$0x0] =	sbarrier.arrive $0xFFFF;
	s10 =	sshll.u32 s10, $0x6  }
0x19: {  	s11 =	rddreg [dreg:$0x8];
	s10 =	sor.u32 $0x1C05, s10  }
0x1a: {  	[hbm:s11], [sflag:s10] =	dma.local [spmem:s25], $0x2800  }
0x1b: {  	_ =	swait.ge [sflag:s20], $0x2800  }
0x1c: {  	s8 =	sadd.s32 $0x1, s8;
	s16 =	rddreg [dreg:$0x9]  }
0x1d: {  	p0 =	sne.s32 s8, s16  }
.Ltmp1:
0x1e: {  	_ = 	snop;
	(pc) =	sbr.rel @!p0 .LBB2_11-.Ltmp1, $3  }
0x1f: {  	_ =	sdelay $0x1  }
0x20: {  	[sflag:s20] =	ssyncset.done $0x0  }
0x21: {  	[sflag:s20] =	ssyncadd.s32 $0xFFFFD800  }
.LBB2_1:
0x22: {  	s10 =	rddreg [dreg:$0x3]  }
0x23: {  	[tilespmem:s4], [sflag:$0x5] =	stream.linear.gather [hbm4b:s10+s4], $0x2800, $0x38;
	[tilespmem:$0x1EA00] =	vst v63  }
0x24: {  	_ =	swait.ge [sflag:s20], $0x2800  }
0x25: {  	[sflag:s20] =	ssyncset.done $0x0  }
0x26: {  	s11 =	simm.s32 $0x200;
	s10 =	simm.s32 $0x0;
	[sflag:s20] =	ssyncadd.s32 $0xFFFFD800  }
.LBB2_2:
0x27: {  	p0 =	sne.s32 s11, $0xFE00;
	[tilespmem:s10+$0x6870] =	vst v0  }
0x28: {  	[tilespmem:s10+$0x6800] =	vst v0  }
0x29: {  	[tilespmem:s10+$0x6810] =	vst v0  }
.Ltmp2:
0x2a: {  	[tilespmem:s10+$0x6820] =	vst v0;
	(pc) =	sbr.rel @p0 .LBB2_2-.Ltmp2, $4  }
0x2b: {  	[tilespmem:s10+$0x6830] =	vst v0  }
0x2c: {  	[tilespmem:s10+$0x6840] =	vst v0  }
0x2d: {  	[tilespmem:s10+$0x6850] =	vst v0  }
0x2e: {  	[tilespmem:s10+$0x6860] =	vst v0;
	s10 =	sshra.s32 s11, $0x2;
	s11 =	sadd.s32 $0x200, s11  }
0x2f: {  	[tilespmem:s10+$0x6870] =	vst v0  }
0x30: {  	[tilespmem:s10+$0x6800] =	vst v0  }
0x31: {  	[tilespmem:s10+$0x6810] =	vst v0  }
0x32: {  	[tilespmem:s10+$0x6820] =	vst v0  }
0x33: {  	[tilespmem:s10+$0x6830] =	vst v0  }
0x34: {  	[tilespmem:s10+$0x6840] =	vst v0  }
0x35: {  	[tilespmem:s10+$0x6850] =	vst v0  }
0x36: {  	[tilespmem:s10+$0x6860] =	vst v0  }
0x37: {  	[spmem:s9] =	stream.linear.scatter [tilespmem:s21], [sflag:$0x5], $0x4000, $0x38;
	[tilespmem:$0x1EA00] =	vst v63  }
0x38: {  	_ =	swait.ge [sflag:s20], $0x4000  }
0x39: {  	[sflag:s20] =	ssyncset.done $0x0  }
0x3a: {  	s12 =	rddreg [dreg:$0xa];
	[sflag:s20] =	ssyncadd.s32 $0xFFFFC000  }
0x3b: {  	[spmem:s12] =	stream.linear.scatter [tilespmem:s21], [sflag:$0x5], $0x4000, $0x38;
	[tilespmem:$0x1EA00] =	vst v63  }
0x3c: {  	_ =	swait.ge [sflag:s20], $0x4000  }
0x3d: {  	[sflag:s20] =	ssyncset.done $0x0  }
0x3e: {  	[sflag:s20] =	ssyncadd.s32 $0xFFFFC000  }
0x3f: {  	[spmem:s17] =	stream.linear.scatter [tilespmem:s21], [sflag:$0x5], $0x4000, $0x38;
	[tilespmem:$0x1EA00] =	vst v63  }
0x40: {  	_ =	swait.ge [sflag:s20], $0x4000  }
0x41: {  	[sflag:s20] =	ssyncset.done $0x0  }
0x42: {  	[sflag:s20] =	ssyncadd.s32 $0xFFFFC000  }
0x43: {  	[spmem:s18] =	stream.linear.scatter [tilespmem:s21], [sflag:$0x5], $0x4000, $0x38;
	[tilespmem:$0x1EA00] =	vst v63  }
0x44: {  	_ =	swait.ge [sflag:s20], $0x4000  }
0x45: {  	[sflag:s20] =	ssyncset.done $0x0  }
0x46: {  	[sflag:s20] =	ssyncadd.s32 $0xFFFFC000  }
0x47: {  	[spmem:s19] =	stream.linear.scatter [tilespmem:s21], [sflag:$0x5], $0x4000, $0x38;
	[tilespmem:$0x1EA00] =	vst v63  }
0x48: {  	_ =	swait.ge [sflag:s20], $0x4000  }
0x49: {  	[sflag:s20] =	ssyncset.done $0x0  }
0x4a: {  	[sflag:s20] =	ssyncadd.s32 $0xFFFFC000  }
0x4b: {  	s10 =	simm.s32 $0x0;
	s11 =	simm.s32 $0x2800;
	[bflag:$0x0] =	sbarrier.arrive $0xFFFF  }
0x4c: {  	[tilespmem:s11], [sflag:$0x1] =	stream.indirect.gather [hbm4b:s5+s22], $0x40, s10, s22, $0xb8;
	[tilespmem:$0x1EA00] =	vst v63  }
0x4d: {  	s13 =	rddreg [dreg:$0x4]  }
0x4e: {  	[tilespmem:s24], [sflag:$0x3] =	stream.linear.gather [hbm4b:s13+s10], $0x80, $0x38;
	[tilespmem:$0x1EA00] =	vst v63  }
0x4f: {  	s14 =	rddreg [dreg:$0x5]  }
0x50: {  	[tilespmem:s26], [sflag:$0x3] =	stream.linear.gather [hbm4b:s14+s10], $0x80, $0x38;
	[tilespmem:$0x1EA00] =	vst v63  }
0x51: {  	_ = 	snop  }
0x52: {  	[tilespmem:s28], [sflag:$0x2] =	stream.indirect.gather [hbm4b:s5+s22], $0x40, s22, s22, $0xb8;
	[tilespmem:$0x1EA00] =	vst v63  }
0x53: {  	s15 =	rddreg [dreg:$0x6]  }
0x54: {  	[tilespmem:s29], [sflag:$0x4] =	stream.linear.gather [hbm4b:s15+s10], $0x80, $0x38;
	[tilespmem:$0x1EA00] =	vst v63  }
0x55: {  	s16 =	rddreg [dreg:$0x7];
	s11 =	simm.s32 $0x0  }
0x56: {  	[tilespmem:s30], [sflag:$0x4] =	stream.linear.gather [hbm4b:s16+s10], $0x80, $0x38;
	[tilespmem:$0x1EA00] =	vst v63  }
.LBB2_4:
0x57: {  	_ =	swait.ge [sflag:s31], $0x2000  }
0x58: {  	[sflag:s31] =	ssyncset.done $0x0  }
0x59: {  	[sflag:s31] =	ssyncadd.s32 $0xFFFFE000  }
0x5a: {  	_ =	swait.ge [sflag:s1], $0x80  }
0x5b: {  	[sflag:s1] =	ssyncset.done $0x0  }
0x5c: {  	v1 =	vmov s10;
	[sflag:s1] =	ssyncadd.s32 $0xFFFFFF80  }
0x5d: {  	_ =	swait.ge [sflag:s1], $0x80  }
0x5e: {  	[sflag:s1] =	ssyncset.done $0x0  }
0x5f: {  	s12 =	simm.s32 $0x2820;
	[sflag:s1] =	ssyncadd.s32 $0xFFFFFF80  }
0x60: {  	v2 =	vld [tilespmem:s12+$0xFFFFFFE0]  }
0x61: {  	v1 =	vld.idx.msk [tilespmem:v1+s26+$0x0], $0xffff;
	_ =	sdelay $0x3  }
0x62: {  	v3 =	vunpack.i.l.bf16.f32 v2  }
0x63: {  	v2 =	vunpack.i.u.bf16.f32 v2;
	v3 =	vmul.f32 v3, v1  }
0x64: {  	s13 =	simm.s32 $0x6840;
	v2 =	vmul.f32 v2, v1  }
0x65: {  	[tilespmem:s13+$0xFFFFFFC0] =	vst v3  }
0x66: {  	[tilespmem:s13+$0xFFFFFFD0] =	vst v2  }
0x67: {  	v2 =	vld [tilespmem:s12+$0xFFFFFFF0];
	_ =	sdelay $0x4  }
0x68: {  	v3 =	vunpack.i.l.bf16.f32 v2  }
0x69: {  	v2 =	vunpack.i.u.bf16.f32 v2;
	v3 =	vmul.f32 v3, v1  }
0x6a: {  	v2 =	vmul.f32 v2, v1  }
0x6b: {  	[tilespmem:s13+$0xFFFFFFE0] =	vst v3  }
0x6c: {  	[tilespmem:s13+$0xFFFFFFF0] =	vst v2  }
0x6d: {  	v2 =	vld [tilespmem:s12+$0x0];
	_ =	sdelay $0x4  }
0x6e: {  	v3 =	vunpack.i.l.bf16.f32 v2  }
0x6f: {  	v2 =	vunpack.i.u.bf16.f32 v2;
	v3 =	vmul.f32 v3, v1  }
0x70: {  	v2 =	vmul.f32 v2, v1  }
0x71: {  	[tilespmem:s13+$0x0] =	vst v3  }
0x72: {  	[tilespmem:s13+$0x10] =	vst v2  }
0x73: {  	s15 =	simm.s32 $0x1;
	s14 =	simm.s32 $0x6840;
	v2 =	vld [tilespmem:s12+$0x10]  }
.LBB2_5:
0x74: {  	_ =	sdelay $0x3  }
0x75: {  	p0 =	sne.s32 s15, $0x7F;
	s13 =	sadd.s32 $0x80, s13;
	s12 =	sadd.s32 $0x40, s12;
	v3 =	vunpack.i.u.bf16.f32 v2;
	v2 =	vunpack.i.l.bf16.f32 v2  }
0x76: {  	v4 =	vmov s15;
	s15 =	sadd.s32 $0x1, s15;
	v2 =	vmul.f32 v2, v1;
	v1 =	vmul.f32 v3, v1;
	_ =	sdelay $0x1  }
0x77: {  	[tilespmem:s14+$0x20] =	vst v2  }
0x78: {  	[tilespmem:s14+$0x30] =	vst v1;
	s14 =	smov.u32 s13  }
0x79: {  	v2 =	vld [tilespmem:s12+$0xFFFFFFE0]  }
0x7a: {  	v1 =	vld.idx.msk [tilespmem:v4+s26+$0x0], $0xffff;
	_ =	sdelay $0x4  }
0x7b: {  	v3 =	vunpack.i.u.bf16.f32 v2;
	v2 =	vunpack.i.l.bf16.f32 v2  }
0x7c: {  	v2 =	vmul.f32 v2, v1;
	v3 =	vmul.f32 v3, v1;
	_ =	sdelay $0x1  }
0x7d: {  	[tilespmem:s13+$0xFFFFFFC0] =	vst v2  }
0x7e: {  	[tilespmem:s13+$0xFFFFFFD0] =	vst v3  }
0x7f: {  	v2 =	vld [tilespmem:s12+$0xFFFFFFF0];
	_ =	sdelay $0x4  }
0x80: {  	v3 =	vunpack.i.u.bf16.f32 v2;
	v2 =	vunpack.i.l.bf16.f32 v2  }
0x81: {  	v2 =	vmul.f32 v2, v1;
	v3 =	vmul.f32 v3, v1;
	_ =	sdelay $0x1  }
0x82: {  	[tilespmem:s13+$0xFFFFFFE0] =	vst v2  }
0x83: {  	[tilespmem:s13+$0xFFFFFFF0] =	vst v3  }
0x84: {  	v2 =	vld [tilespmem:s12+$0x0];
	_ =	sdelay $0x4  }
0x85: {  	v3 =	vunpack.i.u.bf16.f32 v2;
	v2 =	vunpack.i.l.bf16.f32 v2  }
.Ltmp3:
0x86: {  	v2 =	vmul.f32 v2, v1;
	v3 =	vmul.f32 v3, v1;
	(pc) =	sbr.rel @p0 .LBB2_5-.Ltmp3, $4  }
0x87: {  	_ = 	snop  }
0x88: {  	[tilespmem:s13+$0x0] =	vst v2  }
0x89: {  	[tilespmem:s13+$0x10] =	vst v3  }
0x8a: {  	v2 =	vld [tilespmem:s12+$0x10]  }
0x8b: {  	_ =	sdelay $0x3  }
0x8c: {  	v3 =	vunpack.i.l.bf16.f32 v2  }
0x8d: {  	v2 =	vunpack.i.u.bf16.f32 v2;
	v3 =	vmul.f32 v3, v1  }
0x8e: {  	v1 =	vmul.f32 v2, v1  }
0x8f: {  	[tilespmem:s14+$0x20] =	vst v3  }
0x90: {  	[tilespmem:s14+$0x30] =	vst v1  }
0x91: {  	[spmem:s2] =	stream.indirect.scatter.add.f32 [tilespmem:s21], [sflag:$0x5], $0x80, s24, s22, $0xb8;
	[tilespmem:$0x1EA00] =	vst v63  }
0x92: {  	s12 =	sshll.u32 s11, $0x8;
	p0 =	seq.s32 s11, $0x27;
	_ =	swait.ge [sflag:s20], $0x4000  }
0x93: {  	s13 =	sadd.s32 @!p0 $0x100, s12;
	[sflag:s20] =	ssyncset.done $0x0  }
0x94: {  	s15 =	simm.s32 @!p0 $0x2800;
	s14 =	simm.s32 @!p0 $0x80;
	[sflag:s20] =	ssyncadd.s32 $0xFFFFC000  }
0x95: {  	[tilespmem:s15], [sflag:$0x1] =	stream.indirect.gather @!p0 [hbm4b:s5+s14], $0x40, s13, s14, $0xb8;
	[tilespmem:$0x1EA00] =	vst v63  }
0x96: {  	s13 =	sadd.s32 @!p0 s3, s13  }
0x97: {  	s13 =	sshrl.u32 @!p0 s13, $0x3  }
0x98: {  	s16 =	simm.s32 @!p0 $0xA800;
	s15 =	simm.s32 @!p0 $0x0;
	s14 =	sadd.s32 @!p0 s6, s13  }
0x99: {  	[tilespmem:s16], [sflag:$0x3] =	stream.linear.gather @!p0 [hbm4b:s14+s15], $0x80, $0x38;
	[tilespmem:$0x1EA00] =	vst v63  }
0x9a: {  	s13 =	sadd.s32 @!p0 s7, s13;
	s14 =	simm.s32 @!p0 $0xA900  }
0x9b: {  	[tilespmem:s14], [sflag:$0x3] =	stream.linear.gather @!p0 [hbm4b:s13+s15], $0x80, $0x38;
	[tilespmem:$0x1EA00] =	vst v63  }
0x9c: {  	_ =	swait.ge [sflag:s23], $0x2000  }
0x9d: {  	[sflag:s23] =	ssyncset.done $0x0  }
0x9e: {  	[sflag:s23] =	ssyncadd.s32 $0xFFFFE000  }
0x9f: {  	_ =	swait.ge [sflag:s0], $0x80  }
0xa0: {  	s16 =	simm.s32 $0x0;
	[sflag:s0] =	ssyncset.done $0x0  }
0xa1: {  	v1 =	vmov s16;
	[sflag:s0] =	ssyncadd.s32 $0xFFFFFF80  }
0xa2: {  	_ =	swait.ge [sflag:s0], $0x80  }
0xa3: {  	[sflag:s0] =	ssyncset.done $0x0  }
0xa4: {  	s13 =	simm.s32 $0x4820;
	[sflag:s0] =	ssyncadd.s32 $0xFFFFFF80  }
0xa5: {  	v2 =	vld [tilespmem:s13+$0xFFFFFFE0]  }
0xa6: {  	v1 =	vld.idx.msk [tilespmem:v1+s30+$0x0], $0xffff;
	_ =	sdelay $0x3  }
0xa7: {  	v3 =	vunpack.i.l.bf16.f32 v2  }
0xa8: {  	v2 =	vunpack.i.u.bf16.f32 v2;
	v3 =	vmul.f32 v3, v1  }
0xa9: {  	s14 =	simm.s32 $0x6840;
	v2 =	vmul.f32 v2, v1  }
0xaa: {  	[tilespmem:s14+$0xFFFFFFC0] =	vst v3  }
0xab: {  	[tilespmem:s14+$0xFFFFFFD0] =	vst v2  }
0xac: {  	v2 =	vld [tilespmem:s13+$0xFFFFFFF0];
	_ =	sdelay $0x4  }
0xad: {  	v3 =	vunpack.i.l.bf16.f32 v2  }
0xae: {  	v2 =	vunpack.i.u.bf16.f32 v2;
	v3 =	vmul.f32 v3, v1  }
0xaf: {  	v2 =	vmul.f32 v2, v1  }
0xb0: {  	[tilespmem:s14+$0xFFFFFFE0] =	vst v3  }
0xb1: {  	[tilespmem:s14+$0xFFFFFFF0] =	vst v2  }
0xb2: {  	v2 =	vld [tilespmem:s13+$0x0];
	_ =	sdelay $0x4  }
0xb3: {  	v3 =	vunpack.i.l.bf16.f32 v2  }
0xb4: {  	v2 =	vunpack.i.u.bf16.f32 v2;
	v3 =	vmul.f32 v3, v1  }
0xb5: {  	v2 =	vmul.f32 v2, v1  }
0xb6: {  	[tilespmem:s14+$0x0] =	vst v3  }
0xb7: {  	[tilespmem:s14+$0x10] =	vst v2  }
0xb8: {  	s16 =	simm.s32 $0x1;
	s15 =	simm.s32 $0x6840;
	v2 =	vld [tilespmem:s13+$0x10]  }
.LBB2_7:
0xb9: {  	_ =	sdelay $0x3  }
0xba: {  	p1 =	sne.s32 s16, $0x7F;
	s14 =	sadd.s32 $0x80, s14;
	s13 =	sadd.s32 $0x40, s13;
	v3 =	vunpack.i.u.bf16.f32 v2;
	v2 =	vunpack.i.l.bf16.f32 v2  }
0xbb: {  	v4 =	vmov s16;
	s16 =	sadd.s32 $0x1, s16;
	v2 =	vmul.f32 v2, v1;
	v1 =	vmul.f32 v3, v1;
	_ =	sdelay $0x1  }
0xbc: {  	[tilespmem:s15+$0x20] =	vst v2  }
0xbd: {  	[tilespmem:s15+$0x30] =	vst v1;
	s15 =	smov.u32 s14  }
0xbe: {  	v2 =	vld [tilespmem:s13+$0xFFFFFFE0]  }
0xbf: {  	v1 =	vld.idx.msk [tilespmem:v4+s30+$0x0], $0xffff;
	_ =	sdelay $0x4  }
0xc0: {  	v3 =	vunpack.i.u.bf16.f32 v2;
	v2 =	vunpack.i.l.bf16.f32 v2  }
0xc1: {  	v2 =	vmul.f32 v2, v1;
	v3 =	vmul.f32 v3, v1;
	_ =	sdelay $0x1  }
0xc2: {  	[tilespmem:s14+$0xFFFFFFC0] =	vst v2  }
0xc3: {  	[tilespmem:s14+$0xFFFFFFD0] =	vst v3  }
0xc4: {  	v2 =	vld [tilespmem:s13+$0xFFFFFFF0];
	_ =	sdelay $0x4  }
0xc5: {  	v3 =	vunpack.i.u.bf16.f32 v2;
	v2 =	vunpack.i.l.bf16.f32 v2  }
0xc6: {  	v2 =	vmul.f32 v2, v1;
	v3 =	vmul.f32 v3, v1;
	_ =	sdelay $0x1  }
0xc7: {  	[tilespmem:s14+$0xFFFFFFE0] =	vst v2  }
0xc8: {  	[tilespmem:s14+$0xFFFFFFF0] =	vst v3  }
0xc9: {  	v2 =	vld [tilespmem:s13+$0x0];
	_ =	sdelay $0x4  }
0xca: {  	v3 =	vunpack.i.u.bf16.f32 v2;
	v2 =	vunpack.i.l.bf16.f32 v2  }
.Ltmp4:
0xcb: {  	v2 =	vmul.f32 v2, v1;
	v3 =	vmul.f32 v3, v1;
	(pc) =	sbr.rel @p1 .LBB2_7-.Ltmp4, $4  }
0xcc: {  	_ = 	snop  }
0xcd: {  	[tilespmem:s14+$0x0] =	vst v2  }
0xce: {  	[tilespmem:s14+$0x10] =	vst v3  }
0xcf: {  	v2 =	vld [tilespmem:s13+$0x10]  }
0xd0: {  	_ =	sdelay $0x3  }
0xd1: {  	v3 =	vunpack.i.l.bf16.f32 v2  }
0xd2: {  	v2 =	vunpack.i.u.bf16.f32 v2;
	v3 =	vmul.f32 v3, v1  }
0xd3: {  	v1 =	vmul.f32 v2, v1  }
0xd4: {  	[tilespmem:s15+$0x20] =	vst v3  }
.Ltmp5:
0xd5: {  	[tilespmem:s15+$0x30] =	vst v1;
	(pc) =	sbr.rel @p0 .LBB2_10-.Ltmp5, $4  }
0xd6: {  	[spmem:s2] =	stream.indirect.scatter.add.f32 [tilespmem:s21], [sflag:$0x5], $0x80, s29, s22, $0xb8;
	[tilespmem:$0x1EA00] =	vst v63  }
0xd7: {  	_ =	swait.ge [sflag:s20], $0x4000  }
0xd8: {  	[sflag:s20] =	ssyncset.done $0x0  }
0xd9: {  	[sflag:s20] =	ssyncadd.s32 $0xFFFFC000  }
0xda: {  	s12 =	sadd.s32 $0x180, s12  }
0xdb: {  	[tilespmem:s28], [sflag:$0x2] =	stream.indirect.gather [hbm4b:s5+s22], $0x40, s12, s22, $0xb8;
	[tilespmem:$0x1EA00] =	vst v63  }
0xdc: {  	s12 =	sadd.s32 s3, s12  }
.Ltmp6:
0xdd: {  	s12 =	sshrl.u32 s12, $0x3;
	(pc) =	sbr.rel .LBB2_4-.Ltmp6, $4  }
0xde: {  	s13 =	sadd.s32 s6, s12  }
0xdf: {  	[tilespmem:s29], [sflag:$0x4] =	stream.linear.gather [hbm4b:s13+s4], $0x80, $0x38;
	[tilespmem:$0x1EA00] =	vst v63  }
0xe0: {  	s11 =	sadd.s32 $0x1, s11;
	s12 =	sadd.s32 s7, s12  }
0xe1: {  	[tilespmem:s30], [sflag:$0x4] =	stream.linear.gather [hbm4b:s12+s4], $0x80, $0x38;
	[tilespmem:$0x1EA00] =	vst v63  }
.LBB2_11:
0xe2: {  	_ =	sfence.sel $0x180000  }
0xe3: {  	[bflag:$0x0] =	sbarrier.arrive $0xFFFF  }
0xe4: {  	_ =	strace $0x9000004D  }
0xe5: {  	s0 =	stileid.u32;
	[bflag:$0x2] =	sbarrier.arrive $0xFFFF  }
0xe6: {  	p0 =	sne.s32 s0, $0x0;
	s0 =	rddreg [dreg:$0x2]  }
0xe7: {  	s0 =	sadd.s32 @!p0 $0x100000, s0  }
0xe8: {  	[sflag:s0] =	ssyncadd.tile.s32 @!p0 $0x1;
	_ =	shalt  }
.Lfunc_end2:
_tile_overlayer_lowered:
.L_overlay_start_2:
0xe9: {  	(tag) =	ssettag $0x2  }
0xea: {  	s0 =	rddreg [dreg:$0x0];
	s2 =	stileid.u32  }
0xeb: {  	s1 =	rddreg [dreg:$0x1];
	p0 =	sne.s32 s2, $0x0  }
0xec: {  	s3 =	rddreg [dreg:$0x2];
	[bflag:$0x3] =	sbarrier.arrive $0xFFFF;
	s2 =	simm.s32 @!p0 $0x1C05  }
0xed: {  	[timem:s3], [sflag:s2] =	dma.local @!p0 [hbm:s0], s1  }
0xee: {  	s0 =	simm.s32 @!p0 $0x5  }
0xef: {  	_ =	swait.ge @!p0 [sflag:s0], s1  }
0xf0: {  	s1 =	ssub.s32 @!p0 $0x0, s1;
	[sflag:s0] =	ssyncset.done @!p0 $0x0  }
0xf1: {  	[sflag:s0] =	ssyncadd.s32 @!p0 s1  }
0xf2: {  	[bflag:$0x3] =	sbarrier.arrive $0xFFFF  }
0xf3: {  	_ =	shalt  }

// kernel: kernel.20.cloned.1.call-start
scs
__scs_entry_jumppad:
0x0: {  	(pc) =	sbr.rel $0x88, $3  }
0x1: {  	(tag) =	ssettag $0x0;
	lr =	simm.s32 $0x1  }
0x2: {  	[smem:$0x3F8F] =	sst lr;
	_ =	strace $0xD0000000  }
0x3: {  	_ = 	snop  }
0x4: {  	_ = 	snop  }
0x5: {  	_ = 	snop  }
0x6: {  	_ = 	snop  }
0x7: {  	_ = 	snop  }
__scs_overlays_trampoline_lowered:
0x8: {  	[smem:$0x3F9E] =	sst s0  }
0x9: {  	[smem:$0x3F9F] =	sst s1  }
0xa: {  	[smem:$0x3FA0] =	sst s2  }
0xb: {  	[smem:$0x3FA1] =	sst s3  }
0xc: {  	[smem:$0x3FA2] =	sst s4  }
0xd: {  	[smem:$0x3FA3] =	sst s5  }
0xe: {  	[smem:$0x3FA4] =	sst s6  }
0xf: {  	[smem:$0x3FA5] =	sst s7  }
0x10: {  	[smem:$0x3FA6] =	sst s8  }
0x11: {  	[smem:$0x3FA7] =	sst s9;
	s0 =	simm.s32 @!p0 $0x0  }
0x12: {  	s1 =	sld [smem:$0x3F8D];
	s0 =	simm.s32 @p0 $0x1  }
0x13: {  	[smem:$0x3FA8] =	sst s0;
	s0 =	simm.s32 @!p1 $0x0  }
0x14: {  	s2 =	sld [smem:$0x3F8C];
	s0 =	simm.s32 @p1 $0x1  }
0x15: {  	[smem:$0x3FA9] =	sst s0;
	s0 =	simm.s32 @!p2 $0x0  }
0x16: {  	s3 =	sld [smem:$0x3FDB];
	s0 =	simm.s32 @p2 $0x1  }
0x17: {  	s4 =	simm.s32 $0x1BF5;
	[smem:$0x3FAB] =	sst s0  }
0x18: {  	s0 =	sld [smem:$0x3F8E];
	_ =	swait.ge [sflag:s4], $0x0  }
0x19: {  	s7 =	sld [smem:$0x3F8F]  }
0x1a: {  	s8 =	sadd.s32 $0xFFFFE003, lr  }
0x1b: {  	s9 =	sadd.s32 $0xFFFFFEF7, lr;
	s5 =	simm.s32 $0xFFFFFFFF;
	p2 =	slt.u32 s8, $0xFFFFF086  }
0x1c: {  	p1 =	slt.u32 s9, $0xF7A;
	s5 =	simm.s32 @!p2 $0x0  }
0x1d: {  	s5 =	simm.s32 @p1 $0x1;
	p0 =	seq.s32 s7, s2  }
0x1e: {  	s7 =	smul.u32 @!p0 $0xF7A, s2;
	p2 =	seq.s32 @!p0 s5, $0x0  }
0x1f: {  	s9 =	smul.u32 $0xF7A, s1;
	s8 =	simm.s32 @!p0 $0x1BF5;
	p2 =	por !p2, p0  }
0x20: {  	[sflag:s8] =	ssyncset.s32 @!p0 $0xFFFFF086;
	s6 =	sadd.s32 @!p0 s3, s7;
	s7 =	simm.s32 @!p0 $0x108  }
0x21: {  	s3 =	sadd.s32 s3, s9;
	s6 =	sadd.s32 @!p0 $0x88, s6;
	s7 =	simm.s32 @p2 $0x1082  }
0x22: {  	[simem:s7], [sflag:s8] =	dma.local @!p0 [hbm:s6], $0xF7A  }
0x23: {  	s9 =	sor.u32 $0xD0000000, s2;
	s6 =	simm.s32 $0x108;
	_ =	swait.ge @!p0 [sflag:s8], $0x0  }
0x24: {  	s3 =	sadd.s32 $0x88, s3;
	s6 =	simm.s32 @!p1 $0x1082;
	[sflag:s4] =	ssyncset.s32 $0xFFFFF086  }
0x25: {  	[simem:s6], [sflag:s4] =	dma.local [hbm:s3], $0xF7A  }
0x26: {  	[smem:$0x3F8F] =	sst s1;
	(tag) =	ssettag s2;
	_ =	strace s9  }
0x27: {  	s1 =	sld [smem:$0x3F9F]  }
0x28: {  	s2 =	sld [smem:$0x3FA0]  }
0x29: {  	s4 =	sld [smem:$0x3FA2]  }
0x2a: {  	p0 =	seq.s32 s5, $0x0;
	s5 =	sld [smem:$0x3FA3]  }
0x2b: {  	s6 =	sld [smem:$0x3FA4]  }
0x2c: {  	s7 =	sld [smem:$0x3FA5]  }
0x2d: {  	s3 =	simm.s32 $0x108;
	s8 =	sld [smem:$0x3FA6]  }
0x2e: {  	s3 =	simm.s32 @!p0 $0x1082;
	s9 =	sld [smem:$0x3FA7]  }
0x2f: {  	lr =	sadd.s32 s0, s3;
	s0 =	sld [smem:$0x3F9E]  }
0x30: {  	s3 =	sld [smem:$0x3FA1]  }
0x31: {  	[smem:$0x3FAA] =	sst s10  }
0x32: {  	s10 =	sld [smem:$0x3FA8];
	_ =	sdelay $0x3  }
0x33: {  	p0 =	seq.s32 s10, $0x1;
	s10 =	sld [smem:$0x3FAA];
	_ =	sdelay $0x3  }
0x34: {  	[smem:$0x3FAA] =	sst s10  }
0x35: {  	s10 =	sld [smem:$0x3FA9];
	_ =	sdelay $0x3  }
0x36: {  	p1 =	seq.s32 s10, $0x1;
	s10 =	sld [smem:$0x3FAA];
	_ =	sdelay $0x3  }
0x37: {  	[smem:$0x3FAA] =	sst s10  }
0x38: {  	s10 =	sld [smem:$0x3FAB]  }
0x39: {  	_ = 	snop;
	(pc) =	sbr.ind lr, $3  }
0x3a: {  	_ = 	snop  }
0x3b: {  	_ = 	snop  }
0x3c: {  	p2 =	seq.s32 s10, $0x1;
	s10 =	sld [smem:$0x3FAA]  }
0x3d: {  	_ =	shalt  }
0x3e: {  	_ =	shalt  }
0x3f: {  	_ =	shalt  }
0x40: {  	_ =	shalt  }
0x41: {  	_ =	shalt  }
0x42: {  	_ =	shalt  }
0x43: {  	_ =	shalt  }
0x44: {  	_ =	shalt  }
0x45: {  	_ =	shalt  }
0x46: {  	_ =	shalt  }
0x47: {  	_ =	shalt  }
0x48: {  	_ =	shalt  }
0x49: {  	_ =	shalt  }
0x4a: {  	_ =	shalt  }
0x4b: {  	_ =	shalt  }
0x4c: {  	_ =	shalt  }
0x4d: {  	_ =	shalt  }
0x4e: {  	_ =	shalt  }
0x4f: {  	_ =	shalt  }
0x50: {  	_ =	shalt  }
0x51: {  	_ =	shalt  }
0x52: {  	_ =	shalt  }
0x53: {  	_ =	shalt  }
0x54: {  	_ =	shalt  }
0x55: {  	_ =	shalt  }
0x56: {  	_ =	shalt  }
0x57: {  	_ =	shalt  }
0x58: {  	_ =	shalt  }
0x59: {  	_ =	shalt  }
0x5a: {  	_ =	shalt  }
0x5b: {  	_ =	shalt  }
0x5c: {  	_ =	shalt  }
0x5d: {  	_ =	shalt  }
0x5e: {  	_ =	shalt  }
0x5f: {  	_ =	shalt  }
0x60: {  	_ =	shalt  }
0x61: {  	_ =	shalt  }
0x62: {  	_ =	shalt  }
0x63: {  	_ =	shalt  }
0x64: {  	_ =	shalt  }
0x65: {  	_ =	shalt  }
0x66: {  	_ =	shalt  }
0x67: {  	_ =	shalt  }
0x68: {  	_ =	shalt  }
0x69: {  	_ =	shalt  }
0x6a: {  	_ =	shalt  }
0x6b: {  	_ =	shalt  }
0x6c: {  	_ =	shalt  }
0x6d: {  	_ =	shalt  }
0x6e: {  	_ =	shalt  }
0x6f: {  	_ =	shalt  }
0x70: {  	_ =	shalt  }
0x71: {  	_ =	shalt  }
0x72: {  	_ =	shalt  }
0x73: {  	_ =	shalt  }
0x74: {  	_ =	shalt  }
0x75: {  	_ =	shalt  }
0x76: {  	_ =	shalt  }
0x77: {  	_ =	shalt  }
0x78: {  	_ =	shalt  }
0x79: {  	_ =	shalt  }
0x7a: {  	_ =	shalt  }
0x7b: {  	_ =	shalt  }
0x7c: {  	_ =	shalt  }
0x7d: {  	_ =	shalt  }
0x7e: {  	_ =	shalt  }
0x7f: {  	_ =	shalt  }
0x80: {  	_ =	shalt  }
0x81: {  	_ =	shalt  }
0x82: {  	_ =	shalt  }
0x83: {  	_ =	shalt  }
0x84: {  	_ =	shalt  }
0x85: {  	_ =	shalt  }
0x86: {  	_ =	shalt  }
0x87: {  	_ =	shalt  }
.Lfunc_end0:
.L_simem_size_0:
called_computation.3_lowered:
.L_overlay_start_0:
0x88: {  	s2 =	sld [smem:$0x3FD9]  }
0x89: {  	s3 =	sld [smem:$0x3FFE];
	_ =	sdelay $0x1  }
0x8a: {  	s1 =	srdreg.scid  }
0x8b: {  	s0 =	sand.u32 $0x1, s1  }
0x8c: {  	s16 =	sshll.u32 s0, $0xA;
	s2 =	sadd.s32 s3, s2  }
0x8d: {  	s2 =	sadd.s32 s2, s16  }
0x8e: {  	[smem:$0x3FB6] =	sst s2  }
0x8f: {  	_ = 	snop  }
0x90: {  	(tm) =	ssettm $0x1  }
0x91: {  	s17 =	sld [smem:$0x3FFB];
	_ =	sdelay $0x3  }
0x92: {  	_ =	strace s17  }
0x93: {  	s2 =	sld [smem:$0x3FFC];
	_ =	sdelay $0x3  }
0x94: {  	_ =	strace s2  }
0x95: {  	s2 =	sld [smem:$0x3FFD];
	_ =	sdelay $0x3  }
0x96: {  	_ =	strace s2  }
0x97: {  	_ =	strace $0x8FFFFFFF  }
0x98: {  	s18 =	sld [smem:$0x3FDB];
	_ =	sdelay $0x1  }
0x99: {  	s19 =	simm.s32 $_scs_section_size  }
0x9a: {  	s4 =	simm.s32 $_size__tile_overlayer_lowered;
	s5 =	simm.s32 $_tile_overlayer_lowered  }
0x9b: {  	s22 =	simm.s32 $0x1BFF;
	s21 =	sshll.u32 s5, $0x1;
	s2 =	sadd.s32 s19, s18  }
0x9c: {  	s6 =	simm.s32 $0x0;
	s20 =	sshll.u32 s4, $0x1;
	s4 =	sadd.s32 s21, s2  }
0x9d: {  	[timem:s6], [sflag:s22] =	dma.local [hbm:s4], s20  }
0x9e: {  	_ =	swait.ge [sflag:s22], s20  }
0x9f: {  	s3 =	ssub.s32 $0x0, s20;
	[sflag:s22] =	ssyncset.done $0x0  }
0xa0: {  	[sflag:s22] =	ssyncadd.s32 s3;
	_ =	sdelay $0x1  }
0xa1: {  	s23 =	simm.s32 $0x1B8B  }
0xa2: {  	_ =	swait.ge [sflag:s23], $0x1  }
0xa3: {  	[sflag:s23] =	ssyncset.done $0x0  }
0xa4: {  	s25 =	simm.s32 $0x1B8E;
	s24 =	sld [smem:$0x3FFE];
	[sflag:s23] =	ssyncadd.s32 $0xFFFFFFFF  }
0xa5: {  	s26 =	simm.s32 $execute0_lowered;
	[smem:$0x3FD2] =	sst s25  }
0xa6: {  	s4 =	sshll.u32 s26, $0x1;
	_ =	strace $0x8000004F;
	[dreg:$0x1] =	wrdreg $0xFFFFFFFF  }
0xa7: {  	s28 =	simm.s32 $_size_execute0_lowered;
	s2 =	sadd.s32 s2, s4;
	[dreg:$0x0] =	wrdreg $0x0  }
0xa8: {  	s4 =	sshll.u32 s28, $0x1;
	[dreg:$0x2] =	wrdreg s2  }
0xa9: {  	[dreg:$0x3] =	wrdreg s4  }
0xaa: {  	[dreg:$0x4] =	wrdreg $0xC0  }
0xab: {  	_ =	task [dreg:s6], $0x5FFFF  }
0xac: {  	[dreg:$0x1] =	wrdreg $0xFFFFFFFF  }
0xad: {  	[dreg:$0x0] =	wrdreg $0x60  }
0xae: {  	[dreg:$0x2] =	wrdreg s24  }
0xaf: {  	[dreg:$0x3] =	wrdreg $0xAA000  }
0xb0: {  	[dreg:$0x4] =	wrdreg $0x9  }
0xb1: {  	_ =	task.clear_ibuf [dreg:s6], $0x5FFFF;
	_ =	strace $0x9000004F  }
0xb2: {  	s29 =	simm.s32 $0x9;
	_ =	strace $0x80000051  }
0xb3: {  	_ =	swait.ge [sflag:s29], $0x1  }
0xb4: {  	[sflag:s29] =	ssyncadd.s32 $0xFFFFFFFF  }
0xb5: {  	_ =	strace $0x90000051  }
0xb6: {  	_ =	sfence  }
0xb7: {  	s30 =	sld [smem:$0x0];
	_ =	sdelay $0x2  }
0xb8: {  	s31 =	sshll.u32 s1, $0xD;
	s1 =	sshrl.u32 s1, $0x2  }
0xb9: {  	s3 =	sand.u32 $0x4000, s31;
	s1 =	sadd.s32 s1, s30  }
0xba: {  	s0 =	sor.u32 s3, s0;
	s1 =	sshll.u32 s1, $0x11  }
0xbb: {  	s0 =	sor.u32 s1, s0  }
0xbc: {  	s0 =	sadd.s32 $0x8F2B, s0  }
0xbd: {  	[sflag:s0] =	ssyncadd.remote.s32 $0x1  }
0xbe: {  	_ =	sfence.sel $0xFFFF  }
0xbf: {  	[dreg:$0x0] =	wrdreg $0xFFFFFFFF;
	(pc) =	sbr.abs _section_cstart, $3  }
0xc0: {  	[dreg:$0x1] =	wrdreg $0xFFFFFFFF  }
0xc1: {  	_ =	task.clear_ibuf [dreg:s6], $0x2FFFF;
	_ =	strace $0x9FFFFFFF  }
0xc2: {  	(tm) =	ssettm $0x7FFFFFFF  }
0xc3: {  	_ =	shalt  }
tec
execute0_lowered:
.L_overlay_start_1:
0x0: {  	(tag) =	ssettag $0x1  }
0x1: {  	s0 =	srdreg.scid  }
0x2: {  	s7 =	stileid.u32;
	s8 =	rddreg [dreg:$0x0]  }
0x3: {  	s2 =	rddreg [dreg:$0x1];
	s4 =	simm.s32 $0x0;
	s28 =	simm.s32 $0x4800  }
0x4: {  	s29 =	simm.s32 $0xA880;
	s30 =	simm.s32 $0xA980;
	s31 =	simm.s32 $0x1  }
0x5: {  	s0 =	sand.u32 $0x1, s0;
	s1 =	sshll.u32 s7, $0x1;
	[smem:$0x7FF] =	sst s4  }
0x6: {  	s11 =	smul.u32 $0x14000, s7;
	s5 =	sadd.s32 $0x20800, s8;
	s6 =	sadd.s32 $0x1E00, s8  }
0x7: {  	s12 =	smul.u32 $0x50000, s7;
	s7 =	sadd.s32 $0xBE00, s8;
	s1 =	sor.u32 s0, s1  }
0x8: {  	s19 =	smul.u32 $0x140000, s0;
	_ =	strace $0x80000050;
	s0 =	ssub.s32 $0x2, s0  }
0x9: {  	s3 =	smul.u32 $0x2800, s1;
	s20 =	sshrl.u32 s0, $0x1;
	s12 =	sshrl.u32 s12, $0x2  }
0xa: {  	s25 =	sadd.s32 s11, s2;
	s1 =	sadd.s32 s11, s19;
	s0 =	ssub.s32 s0, s20  }
0xb: {  	s20 =	simm.s32 $0x5;
	s25 =	sshrl.u32 s25, $0x3;
	s10 =	sshrl.u32 s3, $0x3  }
0xc: {  	s1 =	sshrl.u32 s1, $0x3;
	s0 =	smax.u32 s0, $0x1;
	s9 =	sadd.s32 s10, s8  }
0xd: {  	s1 =	sadd.s32 s1, s8;
	s22 =	sadd.s32 s6, s10;
	[dreg:$0x9] =	wrdreg s0  }
0xe: {  	s23 =	sadd.s32 s7, s10;
	s24 =	sor.u32 $0x10, s10;
	[dreg:$0x4] =	wrdreg s22  }
0xf: {  	s0 =	simm.s32 $0x4;
	s21 =	sadd.s32 $0x16800, s9;
	[dreg:$0x5] =	wrdreg s23  }
0x10: {  	s9 =	sadd.s32 s12, s2;
	s10 =	sadd.s32 s6, s24;
	[dreg:$0x3] =	wrdreg s21  }
0x11: {  	s8 =	sadd.s32 s7, s24;
	s1 =	sadd.s32 $0x34800, s1;
	[dreg:$0x6] =	wrdreg s10  }
.Ltmp0:
0x12: {  	s22 =	simm.s32 $0x80;
	[dreg:$0x7] =	wrdreg s8;
	(pc) =	sbr.rel .LBB2_1-.Ltmp0, $4  }
0x13: {  	s24 =	simm.s32 $0xA800;
	s23 =	simm.s32 $0x2;
	[dreg:$0x8] =	wrdreg s1  }
0x14: {  	s26 =	sadd.s32 $0x4000, s9;
	s17 =	sadd.s32 $0x8000, s9;
	s18 =	sadd.s32 $0xC000, s9  }
0x15: {  	s19 =	sadd.s32 $0x10000, s9;
	s21 =	simm.s32 $0x6800;
	s1 =	simm.s32 $0x3  }
0x16: {  	v0 =	vimm.f32 $0.0e+00;
	s8 =	simm.s32 $0x0;
	[dreg:$0xa] =	wrdreg s26;
	s26 =	simm.s32 $0xA900  }
.LBB2_10:
0x17: {  	s10 =	stileid.u32  }
0x18: {  	[bflag:$0x0] =	sbarrier.arrive $0xFFFF;
	s10 =	sshll.u32 s10, $0x6  }
0x19: {  	s11 =	rddreg [dreg:$0x8];
	s10 =	sor.u32 $0x1C05, s10  }
0x1a: {  	[hbm:s11], [sflag:s10] =	dma.local [spmem:s25], $0x2800  }
0x1b: {  	_ =	swait.ge [sflag:s20], $0x2800  }
0x1c: {  	s8 =	sadd.s32 $0x1, s8;
	s16 =	rddreg [dreg:$0x9]  }
0x1d: {  	p0 =	sne.s32 s8, s16  }
.Ltmp1:
0x1e: {  	_ = 	snop;
	(pc) =	sbr.rel @!p0 .LBB2_11-.Ltmp1, $3  }
0x1f: {  	_ =	sdelay $0x1  }
0x20: {  	[sflag:s20] =	ssyncset.done $0x0  }
0x21: {  	[sflag:s20] =	ssyncadd.s32 $0xFFFFD800  }
.LBB2_1:
0x22: {  	s10 =	rddreg [dreg:$0x3]  }
0x23: {  	[tilespmem:s4], [sflag:$0x5] =	stream.linear.gather [hbm4b:s10+s4], $0x2800, $0x38;
	[tilespmem:$0x1EA00] =	vst v63  }
0x24: {  	_ =	swait.ge [sflag:s20], $0x2800  }
0x25: {  	[sflag:s20] =	ssyncset.done $0x0  }
0x26: {  	s11 =	simm.s32 $0x200;
	s10 =	simm.s32 $0x0;
	[sflag:s20] =	ssyncadd.s32 $0xFFFFD800  }
.LBB2_2:
0x27: {  	p0 =	sne.s32 s11, $0xFE00;
	[tilespmem:s10+$0x6870] =	vst v0  }
0x28: {  	[tilespmem:s10+$0x6800] =	vst v0  }
0x29: {  	[tilespmem:s10+$0x6810] =	vst v0  }
.Ltmp2:
0x2a: {  	[tilespmem:s10+$0x6820] =	vst v0;
	(pc) =	sbr.rel @p0 .LBB2_2-.Ltmp2, $4  }
0x2b: {  	[tilespmem:s10+$0x6830] =	vst v0  }
0x2c: {  	[tilespmem:s10+$0x6840] =	vst v0  }
0x2d: {  	[tilespmem:s10+$0x6850] =	vst v0  }
0x2e: {  	[tilespmem:s10+$0x6860] =	vst v0;
	s10 =	sshra.s32 s11, $0x2;
	s11 =	sadd.s32 $0x200, s11  }
0x2f: {  	[tilespmem:s10+$0x6870] =	vst v0  }
0x30: {  	[tilespmem:s10+$0x6800] =	vst v0  }
0x31: {  	[tilespmem:s10+$0x6810] =	vst v0  }
0x32: {  	[tilespmem:s10+$0x6820] =	vst v0  }
0x33: {  	[tilespmem:s10+$0x6830] =	vst v0  }
0x34: {  	[tilespmem:s10+$0x6840] =	vst v0  }
0x35: {  	[tilespmem:s10+$0x6850] =	vst v0  }
0x36: {  	[tilespmem:s10+$0x6860] =	vst v0  }
0x37: {  	[spmem:s9] =	stream.linear.scatter [tilespmem:s21], [sflag:$0x5], $0x4000, $0x38;
	[tilespmem:$0x1EA00] =	vst v63  }
0x38: {  	_ =	swait.ge [sflag:s20], $0x4000  }
0x39: {  	[sflag:s20] =	ssyncset.done $0x0  }
0x3a: {  	s12 =	rddreg [dreg:$0xa];
	[sflag:s20] =	ssyncadd.s32 $0xFFFFC000  }
0x3b: {  	[spmem:s12] =	stream.linear.scatter [tilespmem:s21], [sflag:$0x5], $0x4000, $0x38;
	[tilespmem:$0x1EA00] =	vst v63  }
0x3c: {  	_ =	swait.ge [sflag:s20], $0x4000  }
0x3d: {  	[sflag:s20] =	ssyncset.done $0x0  }
0x3e: {  	[sflag:s20] =	ssyncadd.s32 $0xFFFFC000  }
0x3f: {  	[spmem:s17] =	stream.linear.scatter [tilespmem:s21], [sflag:$0x5], $0x4000, $0x38;
	[tilespmem:$0x1EA00] =	vst v63  }
0x40: {  	_ =	swait.ge [sflag:s20], $0x4000  }
0x41: {  	[sflag:s20] =	ssyncset.done $0x0  }
0x42: {  	[sflag:s20] =	ssyncadd.s32 $0xFFFFC000  }
0x43: {  	[spmem:s18] =	stream.linear.scatter [tilespmem:s21], [sflag:$0x5], $0x4000, $0x38;
	[tilespmem:$0x1EA00] =	vst v63  }
0x44: {  	_ =	swait.ge [sflag:s20], $0x4000  }
0x45: {  	[sflag:s20] =	ssyncset.done $0x0  }
0x46: {  	[sflag:s20] =	ssyncadd.s32 $0xFFFFC000  }
0x47: {  	[spmem:s19] =	stream.linear.scatter [tilespmem:s21], [sflag:$0x5], $0x4000, $0x38;
	[tilespmem:$0x1EA00] =	vst v63  }
0x48: {  	_ =	swait.ge [sflag:s20], $0x4000  }
0x49: {  	[sflag:s20] =	ssyncset.done $0x0  }
0x4a: {  	[sflag:s20] =	ssyncadd.s32 $0xFFFFC000  }
0x4b: {  	s10 =	simm.s32 $0x0;
	s11 =	simm.s32 $0x2800;
	[bflag:$0x0] =	sbarrier.arrive $0xFFFF  }
0x4c: {  	[tilespmem:s11], [sflag:$0x1] =	stream.indirect.gather [hbm4b:s5+s22], $0x40, s10, s22, $0xb8;
	[tilespmem:$0x1EA00] =	vst v63  }
0x4d: {  	s13 =	rddreg [dreg:$0x4]  }
0x4e: {  	[tilespmem:s24], [sflag:$0x3] =	stream.linear.gather [hbm4b:s13+s10], $0x80, $0x38;
	[tilespmem:$0x1EA00] =	vst v63  }
0x4f: {  	s14 =	rddreg [dreg:$0x5]  }
0x50: {  	[tilespmem:s26], [sflag:$0x3] =	stream.linear.gather [hbm4b:s14+s10], $0x80, $0x38;
	[tilespmem:$0x1EA00] =	vst v63  }
0x51: {  	_ = 	snop  }
0x52: {  	[tilespmem:s28], [sflag:$0x2] =	stream.indirect.gather [hbm4b:s5+s22], $0x40, s22, s22, $0xb8;
	[tilespmem:$0x1EA00] =	vst v63  }
0x53: {  	s15 =	rddreg [dreg:$0x6]  }
0x54: {  	[tilespmem:s29], [sflag:$0x4] =	stream.linear.gather [hbm4b:s15+s10], $0x80, $0x38;
	[tilespmem:$0x1EA00] =	vst v63  }
0x55: {  	s16 =	rddreg [dreg:$0x7];
	s11 =	simm.s32 $0x0  }
0x56: {  	[tilespmem:s30], [sflag:$0x4] =	stream.linear.gather [hbm4b:s16+s10], $0x80, $0x38;
	[tilespmem:$0x1EA00] =	vst v63  }
.LBB2_4:
0x57: {  	_ =	swait.ge [sflag:s31], $0x2000  }
0x58: {  	[sflag:s31] =	ssyncset.done $0x0  }
0x59: {  	[sflag:s31] =	ssyncadd.s32 $0xFFFFE000  }
0x5a: {  	_ =	swait.ge [sflag:s1], $0x80  }
0x5b: {  	[sflag:s1] =	ssyncset.done $0x0  }
0x5c: {  	v1 =	vmov s10;
	[sflag:s1] =	ssyncadd.s32 $0xFFFFFF80  }
0x5d: {  	_ =	swait.ge [sflag:s1], $0x80  }
0x5e: {  	[sflag:s1] =	ssyncset.done $0x0  }
0x5f: {  	s12 =	simm.s32 $0x2820;
	[sflag:s1] =	ssyncadd.s32 $0xFFFFFF80  }
0x60: {  	v2 =	vld [tilespmem:s12+$0xFFFFFFE0]  }
0x61: {  	v1 =	vld.idx.msk [tilespmem:v1+s26+$0x0], $0xffff;
	_ =	sdelay $0x3  }
0x62: {  	v3 =	vunpack.i.l.bf16.f32 v2  }
0x63: {  	v2 =	vunpack.i.u.bf16.f32 v2;
	v3 =	vmul.f32 v3, v1  }
0x64: {  	s13 =	simm.s32 $0x6840;
	v2 =	vmul.f32 v2, v1  }
0x65: {  	[tilespmem:s13+$0xFFFFFFC0] =	vst v3  }
0x66: {  	[tilespmem:s13+$0xFFFFFFD0] =	vst v2  }
0x67: {  	v2 =	vld [tilespmem:s12+$0xFFFFFFF0];
	_ =	sdelay $0x4  }
0x68: {  	v3 =	vunpack.i.l.bf16.f32 v2  }
0x69: {  	v2 =	vunpack.i.u.bf16.f32 v2;
	v3 =	vmul.f32 v3, v1  }
0x6a: {  	v2 =	vmul.f32 v2, v1  }
0x6b: {  	[tilespmem:s13+$0xFFFFFFE0] =	vst v3  }
0x6c: {  	[tilespmem:s13+$0xFFFFFFF0] =	vst v2  }
0x6d: {  	v2 =	vld [tilespmem:s12+$0x0];
	_ =	sdelay $0x4  }
0x6e: {  	v3 =	vunpack.i.l.bf16.f32 v2  }
0x6f: {  	v2 =	vunpack.i.u.bf16.f32 v2;
	v3 =	vmul.f32 v3, v1  }
0x70: {  	v2 =	vmul.f32 v2, v1  }
0x71: {  	[tilespmem:s13+$0x0] =	vst v3  }
0x72: {  	[tilespmem:s13+$0x10] =	vst v2  }
0x73: {  	s15 =	simm.s32 $0x1;
	s14 =	simm.s32 $0x6840;
	v2 =	vld [tilespmem:s12+$0x10]  }
.LBB2_5:
0x74: {  	_ =	sdelay $0x3  }
0x75: {  	p0 =	sne.s32 s15, $0x7F;
	s13 =	sadd.s32 $0x80, s13;
	s12 =	sadd.s32 $0x40, s12;
	v3 =	vunpack.i.u.bf16.f32 v2;
	v2 =	vunpack.i.l.bf16.f32 v2  }
0x76: {  	v4 =	vmov s15;
	s15 =	sadd.s32 $0x1, s15;
	v2 =	vmul.f32 v2, v1;
	v1 =	vmul.f32 v3, v1;
	_ =	sdelay $0x1  }
0x77: {  	[tilespmem:s14+$0x20] =	vst v2  }
0x78: {  	[tilespmem:s14+$0x30] =	vst v1;
	s14 =	smov.u32 s13  }
0x79: {  	v2 =	vld [tilespmem:s12+$0xFFFFFFE0]  }
0x7a: {  	v1 =	vld.idx.msk [tilespmem:v4+s26+$0x0], $0xffff;
	_ =	sdelay $0x4  }
0x7b: {  	v3 =	vunpack.i.u.bf16.f32 v2;
	v2 =	vunpack.i.l.bf16.f32 v2  }
0x7c: {  	v2 =	vmul.f32 v2, v1;
	v3 =	vmul.f32 v3, v1;
	_ =	sdelay $0x1  }
0x7d: {  	[tilespmem:s13+$0xFFFFFFC0] =	vst v2  }
0x7e: {  	[tilespmem:s13+$0xFFFFFFD0] =	vst v3  }
0x7f: {  	v2 =	vld [tilespmem:s12+$0xFFFFFFF0];
	_ =	sdelay $0x4  }
0x80: {  	v3 =	vunpack.i.u.bf16.f32 v2;
	v2 =	vunpack.i.l.bf16.f32 v2  }
0x81: {  	v2 =	vmul.f32 v2, v1;
	v3 =	vmul.f32 v3, v1;
	_ =	sdelay $0x1  }
0x82: {  	[tilespmem:s13+$0xFFFFFFE0] =	vst v2  }
0x83: {  	[tilespmem:s13+$0xFFFFFFF0] =	vst v3  }
0x84: {  	v2 =	vld [tilespmem:s12+$0x0];
	_ =	sdelay $0x4  }
0x85: {  	v3 =	vunpack.i.u.bf16.f32 v2;
	v2 =	vunpack.i.l.bf16.f32 v2  }
.Ltmp3:
0x86: {  	v2 =	vmul.f32 v2, v1;
	v3 =	vmul.f32 v3, v1;
	(pc) =	sbr.rel @p0 .LBB2_5-.Ltmp3, $4  }
0x87: {  	_ = 	snop  }
0x88: {  	[tilespmem:s13+$0x0] =	vst v2  }
0x89: {  	[tilespmem:s13+$0x10] =	vst v3  }
0x8a: {  	v2 =	vld [tilespmem:s12+$0x10]  }
0x8b: {  	_ =	sdelay $0x3  }
0x8c: {  	v3 =	vunpack.i.l.bf16.f32 v2  }
0x8d: {  	v2 =	vunpack.i.u.bf16.f32 v2;
	v3 =	vmul.f32 v3, v1  }
0x8e: {  	v1 =	vmul.f32 v2, v1  }
0x8f: {  	[tilespmem:s14+$0x20] =	vst v3  }
0x90: {  	[tilespmem:s14+$0x30] =	vst v1  }
0x91: {  	[spmem:s2] =	stream.indirect.scatter.add.f32 [tilespmem:s21], [sflag:$0x5], $0x80, s24, s22, $0xb8;
	[tilespmem:$0x1EA00] =	vst v63  }
0x92: {  	s12 =	sshll.u32 s11, $0x8;
	p0 =	seq.s32 s11, $0x27;
	_ =	swait.ge [sflag:s20], $0x4000  }
0x93: {  	s13 =	sadd.s32 @!p0 $0x100, s12;
	[sflag:s20] =	ssyncset.done $0x0  }
0x94: {  	s15 =	simm.s32 @!p0 $0x2800;
	s14 =	simm.s32 @!p0 $0x80;
	[sflag:s20] =	ssyncadd.s32 $0xFFFFC000  }
0x95: {  	[tilespmem:s15], [sflag:$0x1] =	stream.indirect.gather @!p0 [hbm4b:s5+s14], $0x40, s13, s14, $0xb8;
	[tilespmem:$0x1EA00] =	vst v63  }
0x96: {  	s13 =	sadd.s32 @!p0 s3, s13  }
0x97: {  	s13 =	sshrl.u32 @!p0 s13, $0x3  }
0x98: {  	s16 =	simm.s32 @!p0 $0xA800;
	s15 =	simm.s32 @!p0 $0x0;
	s14 =	sadd.s32 @!p0 s6, s13  }
0x99: {  	[tilespmem:s16], [sflag:$0x3] =	stream.linear.gather @!p0 [hbm4b:s14+s15], $0x80, $0x38;
	[tilespmem:$0x1EA00] =	vst v63  }
0x9a: {  	s13 =	sadd.s32 @!p0 s7, s13;
	s14 =	simm.s32 @!p0 $0xA900  }
0x9b: {  	[tilespmem:s14], [sflag:$0x3] =	stream.linear.gather @!p0 [hbm4b:s13+s15], $0x80, $0x38;
	[tilespmem:$0x1EA00] =	vst v63  }
0x9c: {  	_ =	swait.ge [sflag:s23], $0x2000  }
0x9d: {  	[sflag:s23] =	ssyncset.done $0x0  }
0x9e: {  	[sflag:s23] =	ssyncadd.s32 $0xFFFFE000  }
0x9f: {  	_ =	swait.ge [sflag:s0], $0x80  }
0xa0: {  	s16 =	simm.s32 $0x0;
	[sflag:s0] =	ssyncset.done $0x0  }
0xa1: {  	v1 =	vmov s16;
	[sflag:s0] =	ssyncadd.s32 $0xFFFFFF80  }
0xa2: {  	_ =	swait.ge [sflag:s0], $0x80  }
0xa3: {  	[sflag:s0] =	ssyncset.done $0x0  }
0xa4: {  	s13 =	simm.s32 $0x4820;
	[sflag:s0] =	ssyncadd.s32 $0xFFFFFF80  }
0xa5: {  	v2 =	vld [tilespmem:s13+$0xFFFFFFE0]  }
0xa6: {  	v1 =	vld.idx.msk [tilespmem:v1+s30+$0x0], $0xffff;
	_ =	sdelay $0x3  }
0xa7: {  	v3 =	vunpack.i.l.bf16.f32 v2  }
0xa8: {  	v2 =	vunpack.i.u.bf16.f32 v2;
	v3 =	vmul.f32 v3, v1  }
0xa9: {  	s14 =	simm.s32 $0x6840;
	v2 =	vmul.f32 v2, v1  }
0xaa: {  	[tilespmem:s14+$0xFFFFFFC0] =	vst v3  }
0xab: {  	[tilespmem:s14+$0xFFFFFFD0] =	vst v2  }
0xac: {  	v2 =	vld [tilespmem:s13+$0xFFFFFFF0];
	_ =	sdelay $0x4  }
0xad: {  	v3 =	vunpack.i.l.bf16.f32 v2  }
0xae: {  	v2 =	vunpack.i.u.bf16.f32 v2;
	v3 =	vmul.f32 v3, v1  }
0xaf: {  	v2 =	vmul.f32 v2, v1  }
0xb0: {  	[tilespmem:s14+$0xFFFFFFE0] =	vst v3  }
0xb1: {  	[tilespmem:s14+$0xFFFFFFF0] =	vst v2  }
0xb2: {  	v2 =	vld [tilespmem:s13+$0x0];
	_ =	sdelay $0x4  }
0xb3: {  	v3 =	vunpack.i.l.bf16.f32 v2  }
0xb4: {  	v2 =	vunpack.i.u.bf16.f32 v2;
	v3 =	vmul.f32 v3, v1  }
0xb5: {  	v2 =	vmul.f32 v2, v1  }
0xb6: {  	[tilespmem:s14+$0x0] =	vst v3  }
0xb7: {  	[tilespmem:s14+$0x10] =	vst v2  }
0xb8: {  	s16 =	simm.s32 $0x1;
	s15 =	simm.s32 $0x6840;
	v2 =	vld [tilespmem:s13+$0x10]  }
.LBB2_7:
0xb9: {  	_ =	sdelay $0x3  }
0xba: {  	p1 =	sne.s32 s16, $0x7F;
	s14 =	sadd.s32 $0x80, s14;
	s13 =	sadd.s32 $0x40, s13;
	v3 =	vunpack.i.u.bf16.f32 v2;
	v2 =	vunpack.i.l.bf16.f32 v2  }
0xbb: {  	v4 =	vmov s16;
	s16 =	sadd.s32 $0x1, s16;
	v2 =	vmul.f32 v2, v1;
	v1 =	vmul.f32 v3, v1;
	_ =	sdelay $0x1  }
0xbc: {  	[tilespmem:s15+$0x20] =	vst v2  }
0xbd: {  	[tilespmem:s15+$0x30] =	vst v1;
	s15 =	smov.u32 s14  }
0xbe: {  	v2 =	vld [tilespmem:s13+$0xFFFFFFE0]  }
0xbf: {  	v1 =	vld.idx.msk [tilespmem:v4+s30+$0x0], $0xffff;
	_ =	sdelay $0x4  }
0xc0: {  	v3 =	vunpack.i.u.bf16.f32 v2;
	v2 =	vunpack.i.l.bf16.f32 v2  }
0xc1: {  	v2 =	vmul.f32 v2, v1;
	v3 =	vmul.f32 v3, v1;
	_ =	sdelay $0x1  }
0xc2: {  	[tilespmem:s14+$0xFFFFFFC0] =	vst v2  }
0xc3: {  	[tilespmem:s14+$0xFFFFFFD0] =	vst v3  }
0xc4: {  	v2 =	vld [tilespmem:s13+$0xFFFFFFF0];
	_ =	sdelay $0x4  }
0xc5: {  	v3 =	vunpack.i.u.bf16.f32 v2;
	v2 =	vunpack.i.l.bf16.f32 v2  }
0xc6: {  	v2 =	vmul.f32 v2, v1;
	v3 =	vmul.f32 v3, v1;
	_ =	sdelay $0x1  }
0xc7: {  	[tilespmem:s14+$0xFFFFFFE0] =	vst v2  }
0xc8: {  	[tilespmem:s14+$0xFFFFFFF0] =	vst v3  }
0xc9: {  	v2 =	vld [tilespmem:s13+$0x0];
	_ =	sdelay $0x4  }
0xca: {  	v3 =	vunpack.i.u.bf16.f32 v2;
	v2 =	vunpack.i.l.bf16.f32 v2  }
.Ltmp4:
0xcb: {  	v2 =	vmul.f32 v2, v1;
	v3 =	vmul.f32 v3, v1;
	(pc) =	sbr.rel @p1 .LBB2_7-.Ltmp4, $4  }
0xcc: {  	_ = 	snop  }
0xcd: {  	[tilespmem:s14+$0x0] =	vst v2  }
0xce: {  	[tilespmem:s14+$0x10] =	vst v3  }
0xcf: {  	v2 =	vld [tilespmem:s13+$0x10]  }
0xd0: {  	_ =	sdelay $0x3  }
0xd1: {  	v3 =	vunpack.i.l.bf16.f32 v2  }
0xd2: {  	v2 =	vunpack.i.u.bf16.f32 v2;
	v3 =	vmul.f32 v3, v1  }
0xd3: {  	v1 =	vmul.f32 v2, v1  }
0xd4: {  	[tilespmem:s15+$0x20] =	vst v3  }
.Ltmp5:
0xd5: {  	[tilespmem:s15+$0x30] =	vst v1;
	(pc) =	sbr.rel @p0 .LBB2_10-.Ltmp5, $4  }
0xd6: {  	[spmem:s2] =	stream.indirect.scatter.add.f32 [tilespmem:s21], [sflag:$0x5], $0x80, s29, s22, $0xb8;
	[tilespmem:$0x1EA00] =	vst v63  }
0xd7: {  	_ =	swait.ge [sflag:s20], $0x4000  }
0xd8: {  	[sflag:s20] =	ssyncset.done $0x0  }
0xd9: {  	[sflag:s20] =	ssyncadd.s32 $0xFFFFC000  }
0xda: {  	s12 =	sadd.s32 $0x180, s12  }
0xdb: {  	[tilespmem:s28], [sflag:$0x2] =	stream.indirect.gather [hbm4b:s5+s22], $0x40, s12, s22, $0xb8;
	[tilespmem:$0x1EA00] =	vst v63  }
0xdc: {  	s12 =	sadd.s32 s3, s12  }
.Ltmp6:
0xdd: {  	s12 =	sshrl.u32 s12, $0x3;
	(pc) =	sbr.rel .LBB2_4-.Ltmp6, $4  }
0xde: {  	s13 =	sadd.s32 s6, s12  }
0xdf: {  	[tilespmem:s29], [sflag:$0x4] =	stream.linear.gather [hbm4b:s13+s4], $0x80, $0x38;
	[tilespmem:$0x1EA00] =	vst v63  }
0xe0: {  	s11 =	sadd.s32 $0x1, s11;
	s12 =	sadd.s32 s7, s12  }
0xe1: {  	[tilespmem:s30], [sflag:$0x4] =	stream.linear.gather [hbm4b:s12+s4], $0x80, $0x38;
	[tilespmem:$0x1EA00] =	vst v63  }
.LBB2_11:
0xe2: {  	_ =	sfence.sel $0x180000  }
0xe3: {  	[bflag:$0x0] =	sbarrier.arrive $0xFFFF  }
0xe4: {  	_ =	strace $0x90000050  }
0xe5: {  	s0 =	stileid.u32;
	[bflag:$0x2] =	sbarrier.arrive $0xFFFF  }
0xe6: {  	p0 =	sne.s32 s0, $0x0;
	s0 =	rddreg [dreg:$0x2]  }
0xe7: {  	s0 =	sadd.s32 @!p0 $0x100000, s0  }
0xe8: {  	[sflag:s0] =	ssyncadd.tile.s32 @!p0 $0x1;
	_ =	shalt  }
.Lfunc_end2:
_tile_overlayer_lowered:
.L_overlay_start_2:
0xe9: {  	(tag) =	ssettag $0x2  }
0xea: {  	s0 =	rddreg [dreg:$0x0];
	s2 =	stileid.u32  }
0xeb: {  	s1 =	rddreg [dreg:$0x1];
	p0 =	sne.s32 s2, $0x0  }
0xec: {  	s3 =	rddreg [dreg:$0x2];
	[bflag:$0x3] =	sbarrier.arrive $0xFFFF;
	s2 =	simm.s32 @!p0 $0x1C05  }
0xed: {  	[timem:s3], [sflag:s2] =	dma.local @!p0 [hbm:s0], s1  }
0xee: {  	s0 =	simm.s32 @!p0 $0x5  }
0xef: {  	_ =	swait.ge @!p0 [sflag:s0], s1  }
0xf0: {  	s1 =	ssub.s32 @!p0 $0x0, s1;
	[sflag:s0] =	ssyncset.done @!p0 $0x0  }
0xf1: {  	[sflag:s0] =	ssyncadd.s32 @!p0 s1  }
0xf2: {  	[bflag:$0x3] =	sbarrier.arrive $0xFFFF  }
0xf3: {  	_ =	shalt  }

</sc_bundles>
